<compile_context>
chip_gen: v7x
topology: tpu7x:2x2x1
jax: 0.10.2.dev20260603
libtpu: 0.0.44.dev20260713+nightly
codegen_flags: <defaults>
</compile_context>

<pallas_src>
import functools

import jax
import jax.numpy as jnp
import numpy as np
from jax import lax
from jax.experimental import pallas as pl
from jax.experimental.pallas import tpu as pltpu
from jax.experimental.pallas import tpu_sc as plsc


def _mm_body(x_ref, w_ref, o_ref):
    o_ref[...] = jnp.dot(x_ref[...], w_ref[...],
                         preferred_element_type=jnp.float32
                         ).astype(jnp.bfloat16)


def _matmul(x, w):
    n, d_in = x.shape
    d_out = w.shape[1]
    blk = 1000
    return pl.pallas_call(
        _mm_body,
        grid=(n // blk,),
        in_specs=[pl.BlockSpec((blk, d_in), lambda i: (i, 0)),
                  pl.BlockSpec((d_in, d_out), lambda i: (0, 0))],
        out_specs=pl.BlockSpec((blk, d_out), lambda i: (i, 0)),
        out_shape=jax.ShapeDtypeStruct((n, d_out), jnp.bfloat16),
    )(x, w)


def _comb_body(p_ref, b_ref, o_ref):
    o_ref[...] = p_ref[0] + p_ref[1] + b_ref[...]


def _combine(p, b2d):
    nc, n, d = p.shape
    blk = 1000
    return pl.pallas_call(
        _comb_body,
        grid=(n // blk,),
        in_specs=[pl.BlockSpec((nc, blk, d), lambda i: (0, i, 0)),
                  pl.BlockSpec((1, d), lambda i: (0, 0))],
        out_specs=pl.BlockSpec((blk, d), lambda i: (i, 0)),
        out_shape=jax.ShapeDtypeStruct((n, d), jnp.float32),
    )(p, b2d)


def _qperm(d):
    q = np.empty((d,), dtype=np.int32)
    for g in range(d // 32):
        for i in range(16):
            q[32 * g + 2 * i] = 32 * g + i
            q[32 * g + 2 * i + 1] = 32 * g + 16 + i
    return q


@functools.lru_cache(maxsize=None)
def _make_sc_spmm(n, d, e):
    info = plsc.get_sparse_core_info()
    nc, ns, nl = info.num_cores, info.num_subcores, info.num_lanes
    nw = nc * ns
    d2 = d // 2
    epw = e // nw
    chunk_e = 112
    blk_chunks = 10
    n_blocks = -(-epw // (chunk_e * blk_chunks))
    epw_pad = n_blocks * blk_chunks * chunk_e
    n_chunks = epw_pad // chunk_e
    sl_rows = 400
    n_slices = n // sl_rows
    sl_per_tile = -(-n_slices // ns)
    zrows = 80
    mesh = plsc.VectorSubcoreMesh(core_axis_name="c", subcore_axis_name="s")

    @functools.partial(
        pl.kernel,
        out_type=jax.ShapeDtypeStruct((nc, n, d), jnp.float32),
        mesh=mesh,
        compiler_params=pltpu.CompilerParams(needs_layout_passes=False, use_tc_tiling_on_sc=False),
        scratch_types=[
            pltpu.VMEM((blk_chunks, chunk_e), jnp.int32),
            pltpu.VMEM((blk_chunks, chunk_e), jnp.int32),
            pltpu.VMEM((blk_chunks, chunk_e), jnp.float32),
            pltpu.VMEM((chunk_e, d2), jnp.uint32),
            pltpu.VMEM((chunk_e, d2), jnp.uint32),
            pltpu.VMEM((chunk_e, d), jnp.float32),
            pltpu.VMEM_SHARED((n, d), jnp.float32),
            pltpu.SemaphoreType.DMA,
            pltpu.SemaphoreType.DMA,
        ],
    )
    def spmm(support_hbm, rows3_hbm, cols3_hbm, vals3_hbm, out_hbm,
             cidx_v, ridx_v, vals_v, gat_a, gat_b, sbuf, acc_sh,
             gsem_a, gsem_b):
        cid = lax.axis_index("c")
        sid = lax.axis_index("s")
        wid = sid * nc + cid

        zero16 = jnp.zeros((nl,), jnp.float32)

        def zrow(i, carry):
            for j in range(d // nl):
                sbuf[i, pl.ds(j * nl, nl)] = zero16
            return carry
        lax.fori_loop(0, zrows, zrow, 0)
        zsrc = sbuf.at[pl.ds(0, zrows)]
        for k in range(sl_per_tile):
            sl_id = sid + ns * k
            @pl.when(sl_id < n_slices)
            def _():
                off = pl.multiple_of(sl_id * sl_rows, 8)
                for z in range(sl_rows // zrows):
                    pltpu.sync_copy(zsrc,
                                    acc_sh.at[pl.ds(off + z * zrows, zrows)])
        plsc.subcore_barrier()

        def start_gather(c, buf, sem):
            pltpu.async_copy(support_hbm.at[cidx_v.at[c]], buf, sem)

        def wait_gather(c, buf, sem):
            pltpu.make_async_copy(support_hbm.at[cidx_v.at[c]], buf,
                                  sem).wait()

        hi_mask = jnp.full((nl,), 0xFFFF0000, jnp.uint32)
        shift16 = jnp.full((nl,), 16, jnp.uint32)

        def scale(c, buf):
            def grp(g, c2):
                vblock = vals_v[c, pl.ds(g * nl, nl)]
                base_e = g * nl
                for k in range(nl):
                    v = vblock[k]
                    ei = base_e + k
                    for j in range(d2 // nl):
                        u = buf[ei, pl.ds(nl * j, nl)]
                        lo = plsc.bitcast(u << shift16, jnp.float32)
                        hi = plsc.bitcast(u & hi_mask, jnp.float32)
                        sbuf[ei, pl.ds(2 * nl * j, nl)] = lo * v
                        sbuf[ei, pl.ds(2 * nl * j + nl, nl)] = hi * v
                return c2
            lax.fori_loop(0, chunk_e // nl, grp, 0)

        def scatter(c):
            pltpu.sync_copy(sbuf, acc_sh.at[ridx_v.at[c]], add=True)

        def block(b, carry):
            pltpu.sync_copy(cols3_hbm.at[wid, b], cidx_v)
            pltpu.sync_copy(rows3_hbm.at[wid, b], ridx_v)
            pltpu.sync_copy(vals3_hbm.at[wid, b], vals_v)

            start_gather(0, gat_a, gsem_a)
            start_gather(1, gat_b, gsem_b)

            def pair(i, c2):
                c0 = 2 * i
                wait_gather(c0, gat_a, gsem_a)
                scale(c0, gat_a)
                scatter(c0)
                @pl.when(c0 + 2 < blk_chunks)
                def _():
                    start_gather(c0 + 2, gat_a, gsem_a)
                wait_gather(c0 + 1, gat_b, gsem_b)
                scale(c0 + 1, gat_b)
                scatter(c0 + 1)
                @pl.when(c0 + 3 < blk_chunks)
                def _():
                    start_gather(c0 + 3, gat_b, gsem_b)
                return c2
            lax.fori_loop(0, blk_chunks // 2, pair, 0)
            return carry
        lax.fori_loop(0, n_blocks, block, 0)

        plsc.subcore_barrier()
        for k in range(sl_per_tile):
            sl_id = sid + ns * k
            @pl.when(sl_id < n_slices)
            def _():
                off = pl.multiple_of(sl_id * sl_rows, 8)
                pltpu.sync_copy(acc_sh.at[pl.ds(off, sl_rows)],
                                out_hbm.at[cid, pl.ds(off, sl_rows)])

    return spmm, nw, n_blocks, blk_chunks, chunk_e, epw, epw_pad


def kernel(node_features, adj_indices, adj_values, W, b):
    n, _ = node_features.shape
    d = W.shape[1]
    e = adj_values.shape[0]
    support = _matmul(node_features, W[:, _qperm(d)])
    support_u32 = lax.bitcast_convert_type(
        support.reshape(n, d // 2, 2), jnp.uint32)
    spmm, nw, n_blocks, blk_chunks, chunk_e, epw, epw_pad = _make_sc_spmm(
        n, d, e)
    pad = ((0, 0), (0, epw_pad - epw))
    shp = (nw, n_blocks, blk_chunks, chunk_e)
    rows3 = jnp.pad(adj_indices[0].reshape(nw, epw), pad).reshape(shp)
    cols3 = jnp.pad(adj_indices[1].reshape(nw, epw), pad).reshape(shp)
    vals3 = jnp.pad(adj_values.reshape(nw, epw), pad).reshape(shp)
    partials = spmm(support_u32, rows3, cols3, vals3)
    return _combine(partials, b.reshape(1, d))

# --- scband reference (transcript-rebuilt; emitter-appended) ---
"""Pipeline reference for scband-original-graph-convolution-22368189677639 (READ-ONLY COPY).

The authoritative reference and input builder live on the scoring server;
editing this copy changes nothing except your own understanding.
"""

import jax, jax.numpy as jnp
import numpy as np

N = 10000
E = 320000
D_IN = 128
D_OUT = 128


def setup_inputs(seed: int = 0) -> dict:
    key = jax.random.key(seed)
    k1, k2, k3, k4, k5 = jax.random.split(key, 5)
    node_features = jax.random.normal(k1, (N, D_IN), dtype=jnp.float32)
    adj_indices = jax.random.randint(k2, (2, E), 0, N, dtype=jnp.int32)
    adj_values = jax.random.uniform(k3, (E,), dtype=jnp.float32)
    stdv = 1.0 / np.sqrt(D_OUT)
    W = jax.random.uniform(k4, (D_IN, D_OUT), minval=-stdv, maxval=stdv, dtype=jnp.float32)
    b = jax.random.uniform(k5, (D_OUT,), minval=-stdv, maxval=stdv, dtype=jnp.float32)
    return {
        "node_features": node_features,
        "adj_indices": adj_indices,
        "adj_values": adj_values,
        "W": W,
        "b": b,
    }


def reference(node_features, adj_indices, adj_values, W, b):
    # support = node_features @ W  (dense mm)
    support = jnp.dot(node_features, W)
    # spmm(adj_indices, adj_values, N, N, support):
    # out[row] += val * support[col]  for each (row, col, val) in the sparse adj
    rows = adj_indices[0]
    cols = adj_indices[1]
    gathered = adj_values[:, None] * jnp.take(support, cols, axis=0)
    output = jax.ops.segment_sum(gathered, rows, num_segments=N)
    return output + b

if __name__ == "__main__":
    import jax
    _d = setup_inputs()
    print(jax.jit(kernel)(*tuple(_d.values())))

</pallas_src>

<mosaic_0001>
#map = affine_map<(d0, d1) -> (0, 0)>
#map1 = affine_map<(d0, d1) -> (0, 0, 0, 0)>
#map2 = affine_map<(d0, d1) -> (0, 0, 0)>
module attributes {stable_mosaic.version = 14 : i64} {
  func.func @spmm(%arg0: i32, %arg1: i32, %arg2: memref<10000x64xi32, #tpu.memory_space<hbm>>, %arg3: memref<32x9x10x112xi32, #tpu.memory_space<hbm>>, %arg4: memref<32x9x10x112xi32, #tpu.memory_space<hbm>>, %arg5: memref<32x9x10x112xf32, #tpu.memory_space<hbm>>, %arg6: memref<2x10000x128xf32, #tpu.memory_space<hbm>>, %arg7: memref<10x112xi32, #tpu.memory_space<vmem>>, %arg8: memref<10x112xi32, #tpu.memory_space<vmem>>, %arg9: memref<10x112xf32, #tpu.memory_space<vmem>>, %arg10: memref<112x64xi32, #tpu.memory_space<vmem>>, %arg11: memref<112x64xi32, #tpu.memory_space<vmem>>, %arg12: memref<112x128xf32, #tpu.memory_space<vmem>>, %arg13: memref<10000x128xf32, #tpu.memory_space<vmem_shared>>, %arg14: memref<!tpu.dma_semaphore, #tpu.memory_space<semaphore_mem>>, %arg15: memref<!tpu.dma_semaphore, #tpu.memory_space<semaphore_mem>>) attributes {dimension_semantics = [#tpu.dimension_semantics<core_parallel>, #tpu.dimension_semantics<subcore_parallel>], iteration_bounds = array<i64: 2, 16>, scalar_prefetch = 0 : i64, scratch_operands = 9 : i64, tpu.core_type = #tpu.core_type<sc_vector_subcore>, window_params = [{transform_indices = #map}, {transform_indices = #map1}, {transform_indices = #map1}, {transform_indices = #map1}, {transform_indices = #map2}]} {
    %mul3A = arith.constant 2 : i32
    %mul3A_0 = arith.muli %arg1, %mul3A : i32
    %add3A = arith.addi %mul3A_0, %arg0 : i32
    %broadcast_in_dim3A = arith.constant 0.000000e+00 : f32
    %broadcast_in_dim3A_1 = vector.broadcast %broadcast_in_dim3A : f32 to vector<16xf32>
    %scan3A = arith.constant 0 : i32
    %scan3A_2 = arith.constant 0 : i32
    %scan3A_3 = arith.constant 80 : i32
    %scan3A_4 = arith.addi %scan3A_2, %scan3A_3 : i32
    %scan3A_5 = arith.constant 1 : i32
    scf.for %scan3A_43 = %scan3A_2 to %scan3A_4 step %scan3A_5  : i32 {
      %swap3A = arith.index_cast %scan3A_43 : i32 to index
      %swap3A_44 = arith.constant 0 : index
      %swap3A_45 = tpu.vector_load %arg12[%swap3A, %swap3A_44] {strides = array<i32>} : memref<112x128xf32, #tpu.memory_space<vmem>>, vector<16xf32>,
      tpu.vector_store %arg12[%swap3A, %swap3A_44], %broadcast_in_dim3A_1 {strides = array<i32>} : memref<112x128xf32, #tpu.memory_space<vmem>>, vector<16xf32>,
      %swap3A_46 = arith.index_cast %scan3A_43 : i32 to index
      %swap3A_47 = arith.constant 16 : index
      %swap3A_48 = tpu.vector_load %arg12[%swap3A_46, %swap3A_47] {strides = array<i32>} : memref<112x128xf32, #tpu.memory_space<vmem>>, vector<16xf32>,
      tpu.vector_store %arg12[%swap3A_46, %swap3A_47], %broadcast_in_dim3A_1 {strides = array<i32>} : memref<112x128xf32, #tpu.memory_space<vmem>>, vector<16xf32>,
      %swap3A_49 = arith.index_cast %scan3A_43 : i32 to index
      %swap3A_50 = arith.constant 32 : index
      %swap3A_51 = tpu.vector_load %arg12[%swap3A_49, %swap3A_50] {strides = array<i32>} : memref<112x128xf32, #tpu.memory_space<vmem>>, vector<16xf32>,
      tpu.vector_store %arg12[%swap3A_49, %swap3A_50], %broadcast_in_dim3A_1 {strides = array<i32>} : memref<112x128xf32, #tpu.memory_space<vmem>>, vector<16xf32>,
      %swap3A_52 = arith.index_cast %scan3A_43 : i32 to index
      %swap3A_53 = arith.constant 48 : index
      %swap3A_54 = tpu.vector_load %arg12[%swap3A_52, %swap3A_53] {strides = array<i32>} : memref<112x128xf32, #tpu.memory_space<vmem>>, vector<16xf32>,
      tpu.vector_store %arg12[%swap3A_52, %swap3A_53], %broadcast_in_dim3A_1 {strides = array<i32>} : memref<112x128xf32, #tpu.memory_space<vmem>>, vector<16xf32>,
      %swap3A_55 = arith.index_cast %scan3A_43 : i32 to index
      %swap3A_56 = arith.constant 64 : index
      %swap3A_57 = tpu.vector_load %arg12[%swap3A_55, %swap3A_56] {strides = array<i32>} : memref<112x128xf32, #tpu.memory_space<vmem>>, vector<16xf32>,
      tpu.vector_store %arg12[%swap3A_55, %swap3A_56], %broadcast_in_dim3A_1 {strides = array<i32>} : memref<112x128xf32, #tpu.memory_space<vmem>>, vector<16xf32>,
      %swap3A_58 = arith.index_cast %scan3A_43 : i32 to index
      %swap3A_59 = arith.constant 80 : index
      %swap3A_60 = tpu.vector_load %arg12[%swap3A_58, %swap3A_59] {strides = array<i32>} : memref<112x128xf32, #tpu.memory_space<vmem>>, vector<16xf32>,
      tpu.vector_store %arg12[%swap3A_58, %swap3A_59], %broadcast_in_dim3A_1 {strides = array<i32>} : memref<112x128xf32, #tpu.memory_space<vmem>>, vector<16xf32>,
      %swap3A_61 = arith.index_cast %scan3A_43 : i32 to index
      %swap3A_62 = arith.constant 96 : index
      %swap3A_63 = tpu.vector_load %arg12[%swap3A_61, %swap3A_62] {strides = array<i32>} : memref<112x128xf32, #tpu.memory_space<vmem>>, vector<16xf32>,
      tpu.vector_store %arg12[%swap3A_61, %swap3A_62], %broadcast_in_dim3A_1 {strides = array<i32>} : memref<112x128xf32, #tpu.memory_space<vmem>>, vector<16xf32>,
      %swap3A_64 = arith.index_cast %scan3A_43 : i32 to index
      %swap3A_65 = arith.constant 112 : index
      %swap3A_66 = tpu.vector_load %arg12[%swap3A_64, %swap3A_65] {strides = array<i32>} : memref<112x128xf32, #tpu.memory_space<vmem>>, vector<16xf32>,
      tpu.vector_store %arg12[%swap3A_64, %swap3A_65], %broadcast_in_dim3A_1 {strides = array<i32>} : memref<112x128xf32, #tpu.memory_space<vmem>>, vector<16xf32>,
    }
    %scan3A_6 = arith.constant 80 : i32
    %add3A_7 = arith.constant 0 : i32
    %add3A_8 = arith.addi %arg1, %add3A_7 : i32
    %lt3A = arith.constant 25 : i32
    %lt3A_9 = arith.cmpi slt, %add3A_8, %lt3A : i32
    %convert_element_type3A = arith.extui %lt3A_9 : i1 to i32
    %cond3A = arith.constant 0 : i32
    %cond3A_10 = arith.cmpi ne, %convert_element_type3A, %cond3A : i32
    scf.if %cond3A_10 {
      %mul3A_43 = arith.constant 400 : i32
      %mul3A_44 = arith.muli %add3A_8, %mul3A_43 : i32
      %multiple_of3A = tpu.assume_multiple %mul3A_44, 8 : i32
      %add3A_45 = arith.constant 0 : i32
      %add3A_46 = arith.addi %multiple_of3A, %add3A_45 : i32
      "tpu.region"() ({
        %run_scoped3A = tpu.sem_alloc : memref<!tpu.dma_semaphore, #tpu.memory_space<semaphore_mem>>
        %dma_start3A = arith.constant 0 : i32
        %dma_start3A_55 = arith.constant 0 : i32
        %dma_start3A_56 = tpu.memref_slice %arg12[%dma_start3A, %dma_start3A_55] : memref<112x128xf32, #tpu.memory_space<vmem>> -> memref<80x128xf32, #tpu.memory_space<vmem>>
        %dma_start3A_57 = arith.constant 0 : i32
        %dma_start3A_58 = tpu.memref_slice %arg13[%add3A_46, %dma_start3A_57] : memref<10000x128xf32, #tpu.memory_space<vmem_shared>> -> memref<80x128xf32, #tpu.memory_space<vmem_shared>>
        %dma_start3A_59 = arith.constant 0 : i32
        %dma_start3A_60 = tpu.memref_slice %arg13[%add3A_46, %dma_start3A_59] : memref<10000x128xf32, #tpu.memory_space<vmem_shared>> -> memref<80x128xf32, #tpu.memory_space<vmem_shared>>
        %dma_start3A_61 = arith.constant 0 : i32
        %dma_start3A_62 = arith.constant 0 : i32
        %dma_start3A_63 = tpu.memref_slice %arg12[%dma_start3A_61, %dma_start3A_62] : memref<112x128xf32, #tpu.memory_space<vmem>> -> memref<80x128xf32, #tpu.memory_space<vmem>>
        tpu.enqueue_dma source(%dma_start3A_63 : memref<80x128xf32, #tpu.memory_space<vmem>>) target(%dma_start3A_60 : memref<80x128xf32, #tpu.memory_space<vmem_shared>>) target_semaphore(%run_scoped3A : memref<!tpu.dma_semaphore, #tpu.memory_space<semaphore_mem>>)
        %dma_wait3A = arith.constant 0 : i32
        %dma_wait3A_64 = arith.constant 0 : i32
        %dma_wait3A_65 = tpu.memref_slice %arg12[%dma_wait3A, %dma_wait3A_64] : memref<112x128xf32, #tpu.memory_space<vmem>> -> memref<80x128xf32, #tpu.memory_space<vmem>>
        %dma_wait3A_66 = arith.constant 0 : i32
        %dma_wait3A_67 = tpu.memref_slice %arg13[%add3A_46, %dma_wait3A_66] : memref<10000x128xf32, #tpu.memory_space<vmem_shared>> -> memref<80x128xf32, #tpu.memory_space<vmem_shared>>
        %dma_wait3A_68 = arith.constant 0 : i32
        %dma_wait3A_69 = tpu.memref_slice %arg13[%add3A_46, %dma_wait3A_68] : memref<10000x128xf32, #tpu.memory_space<vmem_shared>> -> memref<80x128xf32, #tpu.memory_space<vmem_shared>>
        %dma_wait3A_70 = arith.constant 0 : i32
        %dma_wait3A_71 = arith.constant 0 : i32
        %dma_wait3A_72 = tpu.memref_slice %arg12[%dma_wait3A_70, %dma_wait3A_71] : memref<112x128xf32, #tpu.memory_space<vmem>> -> memref<80x128xf32, #tpu.memory_space<vmem>>
        tpu.wait_dma2 semaphore(%run_scoped3A : memref<!tpu.dma_semaphore, #tpu.memory_space<semaphore_mem>>) src(%dma_wait3A_72 : memref<80x128xf32, #tpu.memory_space<vmem>>) dst(%dma_wait3A_69 : memref<80x128xf32, #tpu.memory_space<vmem_shared>>)
        tpu.yield
      }) : () -> ()
      %add3A_47 = arith.constant 80 : i32
      %add3A_48 = arith.addi %multiple_of3A, %add3A_47 : i32
      "tpu.region"() ({
        %run_scoped3A = tpu.sem_alloc : memref<!tpu.dma_semaphore, #tpu.memory_space<semaphore_mem>>
        %dma_start3A = arith.constant 0 : i32
        %dma_start3A_55 = arith.constant 0 : i32
        %dma_start3A_56 = tpu.memref_slice %arg12[%dma_start3A, %dma_start3A_55] : memref<112x128xf32, #tpu.memory_space<vmem>> -> memref<80x128xf32, #tpu.memory_space<vmem>>
        %dma_start3A_57 = arith.constant 0 : i32
        %dma_start3A_58 = tpu.memref_slice %arg13[%add3A_48, %dma_start3A_57] : memref<10000x128xf32, #tpu.memory_space<vmem_shared>> -> memref<80x128xf32, #tpu.memory_space<vmem_shared>>
        %dma_start3A_59 = arith.constant 0 : i32
        %dma_start3A_60 = tpu.memref_slice %arg13[%add3A_48, %dma_start3A_59] : memref<10000x128xf32, #tpu.memory_space<vmem_shared>> -> memref<80x128xf32, #tpu.memory_space<vmem_shared>>
        %dma_start3A_61 = arith.constant 0 : i32
        %dma_start3A_62 = arith.constant 0 : i32
        %dma_start3A_63 = tpu.memref_slice %arg12[%dma_start3A_61, %dma_start3A_62] : memref<112x128xf32, #tpu.memory_space<vmem>> -> memref<80x128xf32, #tpu.memory_space<vmem>>
        tpu.enqueue_dma source(%dma_start3A_63 : memref<80x128xf32, #tpu.memory_space<vmem>>) target(%dma_start3A_60 : memref<80x128xf32, #tpu.memory_space<vmem_shared>>) target_semaphore(%run_scoped3A : memref<!tpu.dma_semaphore, #tpu.memory_space<semaphore_mem>>)
        %dma_wait3A = arith.constant 0 : i32
        %dma_wait3A_64 = arith.constant 0 : i32
        %dma_wait3A_65 = tpu.memref_slice %arg12[%dma_wait3A, %dma_wait3A_64] : memref<112x128xf32, #tpu.memory_space<vmem>> -> memref<80x128xf32, #tpu.memory_space<vmem>>
        %dma_wait3A_66 = arith.constant 0 : i32
        %dma_wait3A_67 = tpu.memref_slice %arg13[%add3A_48, %dma_wait3A_66] : memref<10000x128xf32, #tpu.memory_space<vmem_shared>> -> memref<80x128xf32, #tpu.memory_space<vmem_shared>>
        %dma_wait3A_68 = arith.constant 0 : i32
        %dma_wait3A_69 = tpu.memref_slice %arg13[%add3A_48, %dma_wait3A_68] : memref<10000x128xf32, #tpu.memory_space<vmem_shared>> -> memref<80x128xf32, #tpu.memory_space<vmem_shared>>
        %dma_wait3A_70 = arith.constant 0 : i32
        %dma_wait3A_71 = arith.constant 0 : i32
        %dma_wait3A_72 = tpu.memref_slice %arg12[%dma_wait3A_70, %dma_wait3A_71] : memref<112x128xf32, #tpu.memory_space<vmem>> -> memref<80x128xf32, #tpu.memory_space<vmem>>
        tpu.wait_dma2 semaphore(%run_scoped3A : memref<!tpu.dma_semaphore, #tpu.memory_space<semaphore_mem>>) src(%dma_wait3A_72 : memref<80x128xf32, #tpu.memory_space<vmem>>) dst(%dma_wait3A_69 : memref<80x128xf32, #tpu.memory_space<vmem_shared>>)
        tpu.yield
      }) : () -> ()
      %add3A_49 = arith.constant 160 : i32
      %add3A_50 = arith.addi %multiple_of3A, %add3A_49 : i32
      "tpu.region"() ({
        %run_scoped3A = tpu.sem_alloc : memref<!tpu.dma_semaphore, #tpu.memory_space<semaphore_mem>>
        %dma_start3A = arith.constant 0 : i32
        %dma_start3A_55 = arith.constant 0 : i32
        %dma_start3A_56 = tpu.memref_slice %arg12[%dma_start3A, %dma_start3A_55] : memref<112x128xf32, #tpu.memory_space<vmem>> -> memref<80x128xf32, #tpu.memory_space<vmem>>
        %dma_start3A_57 = arith.constant 0 : i32
        %dma_start3A_58 = tpu.memref_slice %arg13[%add3A_50, %dma_start3A_57] : memref<10000x128xf32, #tpu.memory_space<vmem_shared>> -> memref<80x128xf32, #tpu.memory_space<vmem_shared>>
        %dma_start3A_59 = arith.constant 0 : i32
        %dma_start3A_60 = tpu.memref_slice %arg13[%add3A_50, %dma_start3A_59] : memref<10000x128xf32, #tpu.memory_space<vmem_shared>> -> memref<80x128xf32, #tpu.memory_space<vmem_shared>>
        %dma_start3A_61 = arith.constant 0 : i32
        %dma_start3A_62 = arith.constant 0 : i32
        %dma_start3A_63 = tpu.memref_slice %arg12[%dma_start3A_61, %dma_start3A_62] : memref<112x128xf32, #tpu.memory_space<vmem>> -> memref<80x128xf32, #tpu.memory_space<vmem>>
        tpu.enqueue_dma source(%dma_start3A_63 : memref<80x128xf32, #tpu.memory_space<vmem>>) target(%dma_start3A_60 : memref<80x128xf32, #tpu.memory_space<vmem_shared>>) target_semaphore(%run_scoped3A : memref<!tpu.dma_semaphore, #tpu.memory_space<semaphore_mem>>)
        %dma_wait3A = arith.constant 0 : i32
        %dma_wait3A_64 = arith.constant 0 : i32
        %dma_wait3A_65 = tpu.memref_slice %arg12[%dma_wait3A, %dma_wait3A_64] : memref<112x128xf32, #tpu.memory_space<vmem>> -> memref<80x128xf32, #tpu.memory_space<vmem>>
        %dma_wait3A_66 = arith.constant 0 : i32
        %dma_wait3A_67 = tpu.memref_slice %arg13[%add3A_50, %dma_wait3A_66] : memref<10000x128xf32, #tpu.memory_space<vmem_shared>> -> memref<80x128xf32, #tpu.memory_space<vmem_shared>>
        %dma_wait3A_68 = arith.constant 0 : i32
        %dma_wait3A_69 = tpu.memref_slice %arg13[%add3A_50, %dma_wait3A_68] : memref<10000x128xf32, #tpu.memory_space<vmem_shared>> -> memref<80x128xf32, #tpu.memory_space<vmem_shared>>
        %dma_wait3A_70 = arith.constant 0 : i32
        %dma_wait3A_71 = arith.constant 0 : i32
        %dma_wait3A_72 = tpu.memref_slice %arg12[%dma_wait3A_70, %dma_wait3A_71] : memref<112x128xf32, #tpu.memory_space<vmem>> -> memref<80x128xf32, #tpu.memory_space<vmem>>
        tpu.wait_dma2 semaphore(%run_scoped3A : memref<!tpu.dma_semaphore, #tpu.memory_space<semaphore_mem>>) src(%dma_wait3A_72 : memref<80x128xf32, #tpu.memory_space<vmem>>) dst(%dma_wait3A_69 : memref<80x128xf32, #tpu.memory_space<vmem_shared>>)
        tpu.yield
      }) : () -> ()
      %add3A_51 = arith.constant 240 : i32
      %add3A_52 = arith.addi %multiple_of3A, %add3A_51 : i32
      "tpu.region"() ({
        %run_scoped3A = tpu.sem_alloc : memref<!tpu.dma_semaphore, #tpu.memory_space<semaphore_mem>>
        %dma_start3A = arith.constant 0 : i32
        %dma_start3A_55 = arith.constant 0 : i32
        %dma_start3A_56 = tpu.memref_slice %arg12[%dma_start3A, %dma_start3A_55] : memref<112x128xf32, #tpu.memory_space<vmem>> -> memref<80x128xf32, #tpu.memory_space<vmem>>
        %dma_start3A_57 = arith.constant 0 : i32
        %dma_start3A_58 = tpu.memref_slice %arg13[%add3A_52, %dma_start3A_57] : memref<10000x128xf32, #tpu.memory_space<vmem_shared>> -> memref<80x128xf32, #tpu.memory_space<vmem_shared>>
        %dma_start3A_59 = arith.constant 0 : i32
        %dma_start3A_60 = tpu.memref_slice %arg13[%add3A_52, %dma_start3A_59] : memref<10000x128xf32, #tpu.memory_space<vmem_shared>> -> memref<80x128xf32, #tpu.memory_space<vmem_shared>>
        %dma_start3A_61 = arith.constant 0 : i32
        %dma_start3A_62 = arith.constant 0 : i32
        %dma_start3A_63 = tpu.memref_slice %arg12[%dma_start3A_61, %dma_start3A_62] : memref<112x128xf32, #tpu.memory_space<vmem>> -> memref<80x128xf32, #tpu.memory_space<vmem>>
        tpu.enqueue_dma source(%dma_start3A_63 : memref<80x128xf32, #tpu.memory_space<vmem>>) target(%dma_start3A_60 : memref<80x128xf32, #tpu.memory_space<vmem_shared>>) target_semaphore(%run_scoped3A : memref<!tpu.dma_semaphore, #tpu.memory_space<semaphore_mem>>)
        %dma_wait3A = arith.constant 0 : i32
        %dma_wait3A_64 = arith.constant 0 : i32
        %dma_wait3A_65 = tpu.memref_slice %arg12[%dma_wait3A, %dma_wait3A_64] : memref<112x128xf32, #tpu.memory_space<vmem>> -> memref<80x128xf32, #tpu.memory_space<vmem>>
        %dma_wait3A_66 = arith.constant 0 : i32
        %dma_wait3A_67 = tpu.memref_slice %arg13[%add3A_52, %dma_wait3A_66] : memref<10000x128xf32, #tpu.memory_space<vmem_shared>> -> memref<80x128xf32, #tpu.memory_space<vmem_shared>>
        %dma_wait3A_68 = arith.constant 0 : i32
        %dma_wait3A_69 = tpu.memref_slice %arg13[%add3A_52, %dma_wait3A_68] : memref<10000x128xf32, #tpu.memory_space<vmem_shared>> -> memref<80x128xf32, #tpu.memory_space<vmem_shared>>
        %dma_wait3A_70 = arith.constant 0 : i32
        %dma_wait3A_71 = arith.constant 0 : i32
        %dma_wait3A_72 = tpu.memref_slice %arg12[%dma_wait3A_70, %dma_wait3A_71] : memref<112x128xf32, #tpu.memory_space<vmem>> -> memref<80x128xf32, #tpu.memory_space<vmem>>
        tpu.wait_dma2 semaphore(%run_scoped3A : memref<!tpu.dma_semaphore, #tpu.memory_space<semaphore_mem>>) src(%dma_wait3A_72 : memref<80x128xf32, #tpu.memory_space<vmem>>) dst(%dma_wait3A_69 : memref<80x128xf32, #tpu.memory_space<vmem_shared>>)
        tpu.yield
      }) : () -> ()
      %add3A_53 = arith.constant 320 : i32
      %add3A_54 = arith.addi %multiple_of3A, %add3A_53 : i32
      "tpu.region"() ({
        %run_scoped3A = tpu.sem_alloc : memref<!tpu.dma_semaphore, #tpu.memory_space<semaphore_mem>>
        %dma_start3A = arith.constant 0 : i32
        %dma_start3A_55 = arith.constant 0 : i32
        %dma_start3A_56 = tpu.memref_slice %arg12[%dma_start3A, %dma_start3A_55] : memref<112x128xf32, #tpu.memory_space<vmem>> -> memref<80x128xf32, #tpu.memory_space<vmem>>
        %dma_start3A_57 = arith.constant 0 : i32
        %dma_start3A_58 = tpu.memref_slice %arg13[%add3A_54, %dma_start3A_57] : memref<10000x128xf32, #tpu.memory_space<vmem_shared>> -> memref<80x128xf32, #tpu.memory_space<vmem_shared>>
        %dma_start3A_59 = arith.constant 0 : i32
        %dma_start3A_60 = tpu.memref_slice %arg13[%add3A_54, %dma_start3A_59] : memref<10000x128xf32, #tpu.memory_space<vmem_shared>> -> memref<80x128xf32, #tpu.memory_space<vmem_shared>>
        %dma_start3A_61 = arith.constant 0 : i32
        %dma_start3A_62 = arith.constant 0 : i32
        %dma_start3A_63 = tpu.memref_slice %arg12[%dma_start3A_61, %dma_start3A_62] : memref<112x128xf32, #tpu.memory_space<vmem>> -> memref<80x128xf32, #tpu.memory_space<vmem>>
        tpu.enqueue_dma source(%dma_start3A_63 : memref<80x128xf32, #tpu.memory_space<vmem>>) target(%dma_start3A_60 : memref<80x128xf32, #tpu.memory_space<vmem_shared>>) target_semaphore(%run_scoped3A : memref<!tpu.dma_semaphore, #tpu.memory_space<semaphore_mem>>)
        %dma_wait3A = arith.constant 0 : i32
        %dma_wait3A_64 = arith.constant 0 : i32
        %dma_wait3A_65 = tpu.memref_slice %arg12[%dma_wait3A, %dma_wait3A_64] : memref<112x128xf32, #tpu.memory_space<vmem>> -> memref<80x128xf32, #tpu.memory_space<vmem>>
        %dma_wait3A_66 = arith.constant 0 : i32
        %dma_wait3A_67 = tpu.memref_slice %arg13[%add3A_54, %dma_wait3A_66] : memref<10000x128xf32, #tpu.memory_space<vmem_shared>> -> memref<80x128xf32, #tpu.memory_space<vmem_shared>>
        %dma_wait3A_68 = arith.constant 0 : i32
        %dma_wait3A_69 = tpu.memref_slice %arg13[%add3A_54, %dma_wait3A_68] : memref<10000x128xf32, #tpu.memory_space<vmem_shared>> -> memref<80x128xf32, #tpu.memory_space<vmem_shared>>
        %dma_wait3A_70 = arith.constant 0 : i32
        %dma_wait3A_71 = arith.constant 0 : i32
        %dma_wait3A_72 = tpu.memref_slice %arg12[%dma_wait3A_70, %dma_wait3A_71] : memref<112x128xf32, #tpu.memory_space<vmem>> -> memref<80x128xf32, #tpu.memory_space<vmem>>
        tpu.wait_dma2 semaphore(%run_scoped3A : memref<!tpu.dma_semaphore, #tpu.memory_space<semaphore_mem>>) src(%dma_wait3A_72 : memref<80x128xf32, #tpu.memory_space<vmem>>) dst(%dma_wait3A_69 : memref<80x128xf32, #tpu.memory_space<vmem_shared>>)
        tpu.yield
      }) : () -> ()
    } else {
    }
    %add3A_11 = arith.constant 16 : i32
    %add3A_12 = arith.addi %arg1, %add3A_11 : i32
    %lt3A_13 = arith.constant 25 : i32
    %lt3A_14 = arith.cmpi slt, %add3A_12, %lt3A_13 : i32
    %convert_element_type3A_15 = arith.extui %lt3A_14 : i1 to i32
    %cond3A_16 = arith.constant 0 : i32
    %cond3A_17 = arith.cmpi ne, %convert_element_type3A_15, %cond3A_16 : i32
    scf.if %cond3A_17 {
      %mul3A_43 = arith.constant 400 : i32
      %mul3A_44 = arith.muli %add3A_12, %mul3A_43 : i32
      %multiple_of3A = tpu.assume_multiple %mul3A_44, 8 : i32
      %add3A_45 = arith.constant 0 : i32
      %add3A_46 = arith.addi %multiple_of3A, %add3A_45 : i32
      "tpu.region"() ({
        %run_scoped3A = tpu.sem_alloc : memref<!tpu.dma_semaphore, #tpu.memory_space<semaphore_mem>>
        %dma_start3A = arith.constant 0 : i32
        %dma_start3A_55 = arith.constant 0 : i32
        %dma_start3A_56 = tpu.memref_slice %arg12[%dma_start3A, %dma_start3A_55] : memref<112x128xf32, #tpu.memory_space<vmem>> -> memref<80x128xf32, #tpu.memory_space<vmem>>
        %dma_start3A_57 = arith.constant 0 : i32
        %dma_start3A_58 = tpu.memref_slice %arg13[%add3A_46, %dma_start3A_57] : memref<10000x128xf32, #tpu.memory_space<vmem_shared>> -> memref<80x128xf32, #tpu.memory_space<vmem_shared>>
        %dma_start3A_59 = arith.constant 0 : i32
        %dma_start3A_60 = tpu.memref_slice %arg13[%add3A_46, %dma_start3A_59] : memref<10000x128xf32, #tpu.memory_space<vmem_shared>> -> memref<80x128xf32, #tpu.memory_space<vmem_shared>>
        %dma_start3A_61 = arith.constant 0 : i32
        %dma_start3A_62 = arith.constant 0 : i32
        %dma_start3A_63 = tpu.memref_slice %arg12[%dma_start3A_61, %dma_start3A_62] : memref<112x128xf32, #tpu.memory_space<vmem>> -> memref<80x128xf32, #tpu.memory_space<vmem>>
        tpu.enqueue_dma source(%dma_start3A_63 : memref<80x128xf32, #tpu.memory_space<vmem>>) target(%dma_start3A_60 : memref<80x128xf32, #tpu.memory_space<vmem_shared>>) target_semaphore(%run_scoped3A : memref<!tpu.dma_semaphore, #tpu.memory_space<semaphore_mem>>)
        %dma_wait3A = arith.constant 0 : i32
        %dma_wait3A_64 = arith.constant 0 : i32
        %dma_wait3A_65 = tpu.memref_slice %arg12[%dma_wait3A, %dma_wait3A_64] : memref<112x128xf32, #tpu.memory_space<vmem>> -> memref<80x128xf32, #tpu.memory_space<vmem>>
        %dma_wait3A_66 = arith.constant 0 : i32
        %dma_wait3A_67 = tpu.memref_slice %arg13[%add3A_46, %dma_wait3A_66] : memref<10000x128xf32, #tpu.memory_space<vmem_shared>> -> memref<80x128xf32, #tpu.memory_space<vmem_shared>>
        %dma_wait3A_68 = arith.constant 0 : i32
        %dma_wait3A_69 = tpu.memref_slice %arg13[%add3A_46, %dma_wait3A_68] : memref<10000x128xf32, #tpu.memory_space<vmem_shared>> -> memref<80x128xf32, #tpu.memory_space<vmem_shared>>
        %dma_wait3A_70 = arith.constant 0 : i32
        %dma_wait3A_71 = arith.constant 0 : i32
        %dma_wait3A_72 = tpu.memref_slice %arg12[%dma_wait3A_70, %dma_wait3A_71] : memref<112x128xf32, #tpu.memory_space<vmem>> -> memref<80x128xf32, #tpu.memory_space<vmem>>
        tpu.wait_dma2 semaphore(%run_scoped3A : memref<!tpu.dma_semaphore, #tpu.memory_space<semaphore_mem>>) src(%dma_wait3A_72 : memref<80x128xf32, #tpu.memory_space<vmem>>) dst(%dma_wait3A_69 : memref<80x128xf32, #tpu.memory_space<vmem_shared>>)
        tpu.yield
      }) : () -> ()
      %add3A_47 = arith.constant 80 : i32
      %add3A_48 = arith.addi %multiple_of3A, %add3A_47 : i32
      "tpu.region"() ({
        %run_scoped3A = tpu.sem_alloc : memref<!tpu.dma_semaphore, #tpu.memory_space<semaphore_mem>>
        %dma_start3A = arith.constant 0 : i32
        %dma_start3A_55 = arith.constant 0 : i32
        %dma_start3A_56 = tpu.memref_slice %arg12[%dma_start3A, %dma_start3A_55] : memref<112x128xf32, #tpu.memory_space<vmem>> -> memref<80x128xf32, #tpu.memory_space<vmem>>
        %dma_start3A_57 = arith.constant 0 : i32
        %dma_start3A_58 = tpu.memref_slice %arg13[%add3A_48, %dma_start3A_57] : memref<10000x128xf32, #tpu.memory_space<vmem_shared>> -> memref<80x128xf32, #tpu.memory_space<vmem_shared>>
        %dma_start3A_59 = arith.constant 0 : i32
        %dma_start3A_60 = tpu.memref_slice %arg13[%add3A_48, %dma_start3A_59] : memref<10000x128xf32, #tpu.memory_space<vmem_shared>> -> memref<80x128xf32, #tpu.memory_space<vmem_shared>>
        %dma_start3A_61 = arith.constant 0 : i32
        %dma_start3A_62 = arith.constant 0 : i32
        %dma_start3A_63 = tpu.memref_slice %arg12[%dma_start3A_61, %dma_start3A_62] : memref<112x128xf32, #tpu.memory_space<vmem>> -> memref<80x128xf32, #tpu.memory_space<vmem>>
        tpu.enqueue_dma source(%dma_start3A_63 : memref<80x128xf32, #tpu.memory_space<vmem>>) target(%dma_start3A_60 : memref<80x128xf32, #tpu.memory_space<vmem_shared>>) target_semaphore(%run_scoped3A : memref<!tpu.dma_semaphore, #tpu.memory_space<semaphore_mem>>)
        %dma_wait3A = arith.constant 0 : i32
        %dma_wait3A_64 = arith.constant 0 : i32
        %dma_wait3A_65 = tpu.memref_slice %arg12[%dma_wait3A, %dma_wait3A_64] : memref<112x128xf32, #tpu.memory_space<vmem>> -> memref<80x128xf32, #tpu.memory_space<vmem>>
        %dma_wait3A_66 = arith.constant 0 : i32
        %dma_wait3A_67 = tpu.memref_slice %arg13[%add3A_48, %dma_wait3A_66] : memref<10000x128xf32, #tpu.memory_space<vmem_shared>> -> memref<80x128xf32, #tpu.memory_space<vmem_shared>>
        %dma_wait3A_68 = arith.constant 0 : i32
        %dma_wait3A_69 = tpu.memref_slice %arg13[%add3A_48, %dma_wait3A_68] : memref<10000x128xf32, #tpu.memory_space<vmem_shared>> -> memref<80x128xf32, #tpu.memory_space<vmem_shared>>
        %dma_wait3A_70 = arith.constant 0 : i32
        %dma_wait3A_71 = arith.constant 0 : i32
        %dma_wait3A_72 = tpu.memref_slice %arg12[%dma_wait3A_70, %dma_wait3A_71] : memref<112x128xf32, #tpu.memory_space<vmem>> -> memref<80x128xf32, #tpu.memory_space<vmem>>
        tpu.wait_dma2 semaphore(%run_scoped3A : memref<!tpu.dma_semaphore, #tpu.memory_space<semaphore_mem>>) src(%dma_wait3A_72 : memref<80x128xf32, #tpu.memory_space<vmem>>) dst(%dma_wait3A_69 : memref<80x128xf32, #tpu.memory_space<vmem_shared>>)
        tpu.yield
      }) : () -> ()
      %add3A_49 = arith.constant 160 : i32
      %add3A_50 = arith.addi %multiple_of3A, %add3A_49 : i32
      "tpu.region"() ({
        %run_scoped3A = tpu.sem_alloc : memref<!tpu.dma_semaphore, #tpu.memory_space<semaphore_mem>>
        %dma_start3A = arith.constant 0 : i32
        %dma_start3A_55 = arith.constant 0 : i32
        %dma_start3A_56 = tpu.memref_slice %arg12[%dma_start3A, %dma_start3A_55] : memref<112x128xf32, #tpu.memory_space<vmem>> -> memref<80x128xf32, #tpu.memory_space<vmem>>
        %dma_start3A_57 = arith.constant 0 : i32
        %dma_start3A_58 = tpu.memref_slice %arg13[%add3A_50, %dma_start3A_57] : memref<10000x128xf32, #tpu.memory_space<vmem_shared>> -> memref<80x128xf32, #tpu.memory_space<vmem_shared>>
        %dma_start3A_59 = arith.constant 0 : i32
        %dma_start3A_60 = tpu.memref_slice %arg13[%add3A_50, %dma_start3A_59] : memref<10000x128xf32, #tpu.memory_space<vmem_shared>> -> memref<80x128xf32, #tpu.memory_space<vmem_shared>>
        %dma_start3A_61 = arith.constant 0 : i32
        %dma_start3A_62 = arith.constant 0 : i32
        %dma_start3A_63 = tpu.memref_slice %arg12[%dma_start3A_61, %dma_start3A_62] : memref<112x128xf32, #tpu.memory_space<vmem>> -> memref<80x128xf32, #tpu.memory_space<vmem>>
        tpu.enqueue_dma source(%dma_start3A_63 : memref<80x128xf32, #tpu.memory_space<vmem>>) target(%dma_start3A_60 : memref<80x128xf32, #tpu.memory_space<vmem_shared>>) target_semaphore(%run_scoped3A : memref<!tpu.dma_semaphore, #tpu.memory_space<semaphore_mem>>)
        %dma_wait3A = arith.constant 0 : i32
        %dma_wait3A_64 = arith.constant 0 : i32
        %dma_wait3A_65 = tpu.memref_slice %arg12[%dma_wait3A, %dma_wait3A_64] : memref<112x128xf32, #tpu.memory_space<vmem>> -> memref<80x128xf32, #tpu.memory_space<vmem>>
        %dma_wait3A_66 = arith.constant 0 : i32
        %dma_wait3A_67 = tpu.memref_slice %arg13[%add3A_50, %dma_wait3A_66] : memref<10000x128xf32, #tpu.memory_space<vmem_shared>> -> memref<80x128xf32, #tpu.memory_space<vmem_shared>>
        %dma_wait3A_68 = arith.constant 0 : i32
        %dma_wait3A_69 = tpu.memref_slice %arg13[%add3A_50, %dma_wait3A_68] : memref<10000x128xf32, #tpu.memory_space<vmem_shared>> -> memref<80x128xf32, #tpu.memory_space<vmem_shared>>
        %dma_wait3A_70 = arith.constant 0 : i32
        %dma_wait3A_71 = arith.constant 0 : i32
        %dma_wait3A_72 = tpu.memref_slice %arg12[%dma_wait3A_70, %dma_wait3A_71] : memref<112x128xf32, #tpu.memory_space<vmem>> -> memref<80x128xf32, #tpu.memory_space<vmem>>
        tpu.wait_dma2 semaphore(%run_scoped3A : memref<!tpu.dma_semaphore, #tpu.memory_space<semaphore_mem>>) src(%dma_wait3A_72 : memref<80x128xf32, #tpu.memory_space<vmem>>) dst(%dma_wait3A_69 : memref<80x128xf32, #tpu.memory_space<vmem_shared>>)
        tpu.yield
      }) : () -> ()
      %add3A_51 = arith.constant 240 : i32
      %add3A_52 = arith.addi %multiple_of3A, %add3A_51 : i32
      "tpu.region"() ({
        %run_scoped3A = tpu.sem_alloc : memref<!tpu.dma_semaphore, #tpu.memory_space<semaphore_mem>>
        %dma_start3A = arith.constant 0 : i32
        %dma_start3A_55 = arith.constant 0 : i32
        %dma_start3A_56 = tpu.memref_slice %arg12[%dma_start3A, %dma_start3A_55] : memref<112x128xf32, #tpu.memory_space<vmem>> -> memref<80x128xf32, #tpu.memory_space<vmem>>
        %dma_start3A_57 = arith.constant 0 : i32
        %dma_start3A_58 = tpu.memref_slice %arg13[%add3A_52, %dma_start3A_57] : memref<10000x128xf32, #tpu.memory_space<vmem_shared>> -> memref<80x128xf32, #tpu.memory_space<vmem_shared>>
        %dma_start3A_59 = arith.constant 0 : i32
        %dma_start3A_60 = tpu.memref_slice %arg13[%add3A_52, %dma_start3A_59] : memref<10000x128xf32, #tpu.memory_space<vmem_shared>> -> memref<80x128xf32, #tpu.memory_space<vmem_shared>>
        %dma_start3A_61 = arith.constant 0 : i32
        %dma_start3A_62 = arith.constant 0 : i32
        %dma_start3A_63 = tpu.memref_slice %arg12[%dma_start3A_61, %dma_start3A_62] : memref<112x128xf32, #tpu.memory_space<vmem>> -> memref<80x128xf32, #tpu.memory_space<vmem>>
        tpu.enqueue_dma source(%dma_start3A_63 : memref<80x128xf32, #tpu.memory_space<vmem>>) target(%dma_start3A_60 : memref<80x128xf32, #tpu.memory_space<vmem_shared>>) target_semaphore(%run_scoped3A : memref<!tpu.dma_semaphore, #tpu.memory_space<semaphore_mem>>)
        %dma_wait3A = arith.constant 0 : i32
        %dma_wait3A_64 = arith.constant 0 : i32
        %dma_wait3A_65 = tpu.memref_slice %arg12[%dma_wait3A, %dma_wait3A_64] : memref<112x128xf32, #tpu.memory_space<vmem>> -> memref<80x128xf32, #tpu.memory_space<vmem>>
        %dma_wait3A_66 = arith.constant 0 : i32
        %dma_wait3A_67 = tpu.memref_slice %arg13[%add3A_52, %dma_wait3A_66] : memref<10000x128xf32, #tpu.memory_space<vmem_shared>> -> memref<80x128xf32, #tpu.memory_space<vmem_shared>>
        %dma_wait3A_68 = arith.constant 0 : i32
        %dma_wait3A_69 = tpu.memref_slice %arg13[%add3A_52, %dma_wait3A_68] : memref<10000x128xf32, #tpu.memory_space<vmem_shared>> -> memref<80x128xf32, #tpu.memory_space<vmem_shared>>
        %dma_wait3A_70 = arith.constant 0 : i32
        %dma_wait3A_71 = arith.constant 0 : i32
        %dma_wait3A_72 = tpu.memref_slice %arg12[%dma_wait3A_70, %dma_wait3A_71] : memref<112x128xf32, #tpu.memory_space<vmem>> -> memref<80x128xf32, #tpu.memory_space<vmem>>
        tpu.wait_dma2 semaphore(%run_scoped3A : memref<!tpu.dma_semaphore, #tpu.memory_space<semaphore_mem>>) src(%dma_wait3A_72 : memref<80x128xf32, #tpu.memory_space<vmem>>) dst(%dma_wait3A_69 : memref<80x128xf32, #tpu.memory_space<vmem_shared>>)
        tpu.yield
      }) : () -> ()
      %add3A_53 = arith.constant 320 : i32
      %add3A_54 = arith.addi %multiple_of3A, %add3A_53 : i32
      "tpu.region"() ({
        %run_scoped3A = tpu.sem_alloc : memref<!tpu.dma_semaphore, #tpu.memory_space<semaphore_mem>>
        %dma_start3A = arith.constant 0 : i32
        %dma_start3A_55 = arith.constant 0 : i32
        %dma_start3A_56 = tpu.memref_slice %arg12[%dma_start3A, %dma_start3A_55] : memref<112x128xf32, #tpu.memory_space<vmem>> -> memref<80x128xf32, #tpu.memory_space<vmem>>
        %dma_start3A_57 = arith.constant 0 : i32
        %dma_start3A_58 = tpu.memref_slice %arg13[%add3A_54, %dma_start3A_57] : memref<10000x128xf32, #tpu.memory_space<vmem_shared>> -> memref<80x128xf32, #tpu.memory_space<vmem_shared>>
        %dma_start3A_59 = arith.constant 0 : i32
        %dma_start3A_60 = tpu.memref_slice %arg13[%add3A_54, %dma_start3A_59] : memref<10000x128xf32, #tpu.memory_space<vmem_shared>> -> memref<80x128xf32, #tpu.memory_space<vmem_shared>>
        %dma_start3A_61 = arith.constant 0 : i32
        %dma_start3A_62 = arith.constant 0 : i32
        %dma_start3A_63 = tpu.memref_slice %arg12[%dma_start3A_61, %dma_start3A_62] : memref<112x128xf32, #tpu.memory_space<vmem>> -> memref<80x128xf32, #tpu.memory_space<vmem>>
        tpu.enqueue_dma source(%dma_start3A_63 : memref<80x128xf32, #tpu.memory_space<vmem>>) target(%dma_start3A_60 : memref<80x128xf32, #tpu.memory_space<vmem_shared>>) target_semaphore(%run_scoped3A : memref<!tpu.dma_semaphore, #tpu.memory_space<semaphore_mem>>)
        %dma_wait3A = arith.constant 0 : i32
        %dma_wait3A_64 = arith.constant 0 : i32
        %dma_wait3A_65 = tpu.memref_slice %arg12[%dma_wait3A, %dma_wait3A_64] : memref<112x128xf32, #tpu.memory_space<vmem>> -> memref<80x128xf32, #tpu.memory_space<vmem>>
        %dma_wait3A_66 = arith.constant 0 : i32
        %dma_wait3A_67 = tpu.memref_slice %arg13[%add3A_54, %dma_wait3A_66] : memref<10000x128xf32, #tpu.memory_space<vmem_shared>> -> memref<80x128xf32, #tpu.memory_space<vmem_shared>>
        %dma_wait3A_68 = arith.constant 0 : i32
        %dma_wait3A_69 = tpu.memref_slice %arg13[%add3A_54, %dma_wait3A_68] : memref<10000x128xf32, #tpu.memory_space<vmem_shared>> -> memref<80x128xf32, #tpu.memory_space<vmem_shared>>
        %dma_wait3A_70 = arith.constant 0 : i32
        %dma_wait3A_71 = arith.constant 0 : i32
        %dma_wait3A_72 = tpu.memref_slice %arg12[%dma_wait3A_70, %dma_wait3A_71] : memref<112x128xf32, #tpu.memory_space<vmem>> -> memref<80x128xf32, #tpu.memory_space<vmem>>
        tpu.wait_dma2 semaphore(%run_scoped3A : memref<!tpu.dma_semaphore, #tpu.memory_space<semaphore_mem>>) src(%dma_wait3A_72 : memref<80x128xf32, #tpu.memory_space<vmem>>) dst(%dma_wait3A_69 : memref<80x128xf32, #tpu.memory_space<vmem_shared>>)
        tpu.yield
      }) : () -> ()
    } else {
    }
    %barrier3A = arith.constant 0 : index
    tpu.barrier barrier_id(%barrier3A)
    %broadcast_in_dim3A_18 = arith.constant -65536 : i32
    %broadcast_in_dim3A_19 = vector.broadcast %broadcast_in_dim3A_18 : i32 to vector<16xi32>
    %broadcast_in_dim3A_20 = arith.constant 16 : i32
    %broadcast_in_dim3A_21 = vector.broadcast %broadcast_in_dim3A_20 : i32 to vector<16xi32>
    %scan3A_22 = arith.constant 0 : i32
    %scan3A_23 = arith.constant 0 : i32
    %scan3A_24 = arith.constant 9 : i32
    %scan3A_25 = arith.addi %scan3A_23, %scan3A_24 : i32
    %scan3A_26 = arith.constant 1 : i32
    scf.for %scan3A_43 = %scan3A_23 to %scan3A_25 step %scan3A_26  : i32 {
      "tpu.region"() ({
        %run_scoped3A = tpu.sem_alloc : memref<!tpu.dma_semaphore, #tpu.memory_space<semaphore_mem>>
        %dma_start3A_63 = arith.constant 0 : i32
        %dma_start3A_64 = arith.constant 0 : i32
        %dma_start3A_65 = tpu.memref_slice %arg4[%add3A, %scan3A_43, %dma_start3A_63, %dma_start3A_64] : memref<32x9x10x112xi32, #tpu.memory_space<hbm>> -> memref<1x1x10x112xi32, #tpu.memory_space<hbm>>
        %dma_start3A_66 = tpu.memref_squeeze %dma_start3A_65 : memref<1x1x10x112xi32, #tpu.memory_space<hbm>> -> memref<10x112xi32, #tpu.memory_space<hbm>>
        %dma_start3A_67 = arith.constant 0 : i32
        %dma_start3A_68 = arith.constant 0 : i32
        %dma_start3A_69 = tpu.memref_slice %arg4[%add3A, %scan3A_43, %dma_start3A_67, %dma_start3A_68] : memref<32x9x10x112xi32, #tpu.memory_space<hbm>> -> memref<1x1x10x112xi32, #tpu.memory_space<hbm>>
        %dma_start3A_70 = tpu.memref_squeeze %dma_start3A_69 : memref<1x1x10x112xi32, #tpu.memory_space<hbm>> -> memref<10x112xi32, #tpu.memory_space<hbm>>
        tpu.enqueue_dma source(%dma_start3A_70 : memref<10x112xi32, #tpu.memory_space<hbm>>) target(%arg7 : memref<10x112xi32, #tpu.memory_space<vmem>>) target_semaphore(%run_scoped3A : memref<!tpu.dma_semaphore, #tpu.memory_space<semaphore_mem>>)
        %dma_wait3A = arith.constant 0 : i32
        %dma_wait3A_71 = arith.constant 0 : i32
        %dma_wait3A_72 = tpu.memref_slice %arg4[%add3A, %scan3A_43, %dma_wait3A, %dma_wait3A_71] : memref<32x9x10x112xi32, #tpu.memory_space<hbm>> -> memref<1x1x10x112xi32, #tpu.memory_space<hbm>>
        %dma_wait3A_73 = tpu.memref_squeeze %dma_wait3A_72 : memref<1x1x10x112xi32, #tpu.memory_space<hbm>> -> memref<10x112xi32, #tpu.memory_space<hbm>>
        %dma_wait3A_74 = arith.constant 0 : i32
        %dma_wait3A_75 = arith.constant 0 : i32
        %dma_wait3A_76 = tpu.memref_slice %arg4[%add3A, %scan3A_43, %dma_wait3A_74, %dma_wait3A_75] : memref<32x9x10x112xi32, #tpu.memory_space<hbm>> -> memref<1x1x10x112xi32, #tpu.memory_space<hbm>>
        %dma_wait3A_77 = tpu.memref_squeeze %dma_wait3A_76 : memref<1x1x10x112xi32, #tpu.memory_space<hbm>> -> memref<10x112xi32, #tpu.memory_space<hbm>>
        tpu.wait_dma2 semaphore(%run_scoped3A : memref<!tpu.dma_semaphore, #tpu.memory_space<semaphore_mem>>) src(%dma_wait3A_77 : memref<10x112xi32, #tpu.memory_space<hbm>>) dst(%arg7 : memref<10x112xi32, #tpu.memory_space<vmem>>)
        tpu.yield
      }) : () -> ()
      "tpu.region"() ({
        %run_scoped3A = tpu.sem_alloc : memref<!tpu.dma_semaphore, #tpu.memory_space<semaphore_mem>>
        %dma_start3A_63 = arith.constant 0 : i32
        %dma_start3A_64 = arith.constant 0 : i32
        %dma_start3A_65 = tpu.memref_slice %arg3[%add3A, %scan3A_43, %dma_start3A_63, %dma_start3A_64] : memref<32x9x10x112xi32, #tpu.memory_space<hbm>> -> memref<1x1x10x112xi32, #tpu.memory_space<hbm>>
        %dma_start3A_66 = tpu.memref_squeeze %dma_start3A_65 : memref<1x1x10x112xi32, #tpu.memory_space<hbm>> -> memref<10x112xi32, #tpu.memory_space<hbm>>
        %dma_start3A_67 = arith.constant 0 : i32
        %dma_start3A_68 = arith.constant 0 : i32
        %dma_start3A_69 = tpu.memref_slice %arg3[%add3A, %scan3A_43, %dma_start3A_67, %dma_start3A_68] : memref<32x9x10x112xi32, #tpu.memory_space<hbm>> -> memref<1x1x10x112xi32, #tpu.memory_space<hbm>>
        %dma_start3A_70 = tpu.memref_squeeze %dma_start3A_69 : memref<1x1x10x112xi32, #tpu.memory_space<hbm>> -> memref<10x112xi32, #tpu.memory_space<hbm>>
        tpu.enqueue_dma source(%dma_start3A_70 : memref<10x112xi32, #tpu.memory_space<hbm>>) target(%arg8 : memref<10x112xi32, #tpu.memory_space<vmem>>) target_semaphore(%run_scoped3A : memref<!tpu.dma_semaphore, #tpu.memory_space<semaphore_mem>>)
        %dma_wait3A = arith.constant 0 : i32
        %dma_wait3A_71 = arith.constant 0 : i32
        %dma_wait3A_72 = tpu.memref_slice %arg3[%add3A, %scan3A_43, %dma_wait3A, %dma_wait3A_71] : memref<32x9x10x112xi32, #tpu.memory_space<hbm>> -> memref<1x1x10x112xi32, #tpu.memory_space<hbm>>
        %dma_wait3A_73 = tpu.memref_squeeze %dma_wait3A_72 : memref<1x1x10x112xi32, #tpu.memory_space<hbm>> -> memref<10x112xi32, #tpu.memory_space<hbm>>
        %dma_wait3A_74 = arith.constant 0 : i32
        %dma_wait3A_75 = arith.constant 0 : i32
        %dma_wait3A_76 = tpu.memref_slice %arg3[%add3A, %scan3A_43, %dma_wait3A_74, %dma_wait3A_75] : memref<32x9x10x112xi32, #tpu.memory_space<hbm>> -> memref<1x1x10x112xi32, #tpu.memory_space<hbm>>
        %dma_wait3A_77 = tpu.memref_squeeze %dma_wait3A_76 : memref<1x1x10x112xi32, #tpu.memory_space<hbm>> -> memref<10x112xi32, #tpu.memory_space<hbm>>
        tpu.wait_dma2 semaphore(%run_scoped3A : memref<!tpu.dma_semaphore, #tpu.memory_space<semaphore_mem>>) src(%dma_wait3A_77 : memref<10x112xi32, #tpu.memory_space<hbm>>) dst(%arg8 : memref<10x112xi32, #tpu.memory_space<vmem>>)
        tpu.yield
      }) : () -> ()
      "tpu.region"() ({
        %run_scoped3A = tpu.sem_alloc : memref<!tpu.dma_semaphore, #tpu.memory_space<semaphore_mem>>
        %dma_start3A_63 = arith.constant 0 : i32
        %dma_start3A_64 = arith.constant 0 : i32
        %dma_start3A_65 = tpu.memref_slice %arg5[%add3A, %scan3A_43, %dma_start3A_63, %dma_start3A_64] : memref<32x9x10x112xf32, #tpu.memory_space<hbm>> -> memref<1x1x10x112xf32, #tpu.memory_space<hbm>>
        %dma_start3A_66 = tpu.memref_squeeze %dma_start3A_65 : memref<1x1x10x112xf32, #tpu.memory_space<hbm>> -> memref<10x112xf32, #tpu.memory_space<hbm>>
        %dma_start3A_67 = arith.constant 0 : i32
        %dma_start3A_68 = arith.constant 0 : i32
        %dma_start3A_69 = tpu.memref_slice %arg5[%add3A, %scan3A_43, %dma_start3A_67, %dma_start3A_68] : memref<32x9x10x112xf32, #tpu.memory_space<hbm>> -> memref<1x1x10x112xf32, #tpu.memory_space<hbm>>
        %dma_start3A_70 = tpu.memref_squeeze %dma_start3A_69 : memref<1x1x10x112xf32, #tpu.memory_space<hbm>> -> memref<10x112xf32, #tpu.memory_space<hbm>>
        tpu.enqueue_dma source(%dma_start3A_70 : memref<10x112xf32, #tpu.memory_space<hbm>>) target(%arg9 : memref<10x112xf32, #tpu.memory_space<vmem>>) target_semaphore(%run_scoped3A : memref<!tpu.dma_semaphore, #tpu.memory_space<semaphore_mem>>)
        %dma_wait3A = arith.constant 0 : i32
        %dma_wait3A_71 = arith.constant 0 : i32
        %dma_wait3A_72 = tpu.memref_slice %arg5[%add3A, %scan3A_43, %dma_wait3A, %dma_wait3A_71] : memref<32x9x10x112xf32, #tpu.memory_space<hbm>> -> memref<1x1x10x112xf32, #tpu.memory_space<hbm>>
        %dma_wait3A_73 = tpu.memref_squeeze %dma_wait3A_72 : memref<1x1x10x112xf32, #tpu.memory_space<hbm>> -> memref<10x112xf32, #tpu.memory_space<hbm>>
        %dma_wait3A_74 = arith.constant 0 : i32
        %dma_wait3A_75 = arith.constant 0 : i32
        %dma_wait3A_76 = tpu.memref_slice %arg5[%add3A, %scan3A_43, %dma_wait3A_74, %dma_wait3A_75] : memref<32x9x10x112xf32, #tpu.memory_space<hbm>> -> memref<1x1x10x112xf32, #tpu.memory_space<hbm>>
        %dma_wait3A_77 = tpu.memref_squeeze %dma_wait3A_76 : memref<1x1x10x112xf32, #tpu.memory_space<hbm>> -> memref<10x112xf32, #tpu.memory_space<hbm>>
        tpu.wait_dma2 semaphore(%run_scoped3A : memref<!tpu.dma_semaphore, #tpu.memory_space<semaphore_mem>>) src(%dma_wait3A_77 : memref<10x112xf32, #tpu.memory_space<hbm>>) dst(%arg9 : memref<10x112xf32, #tpu.memory_space<vmem>>)
        tpu.yield
      }) : () -> ()
      %dma_start3A = arith.constant 0 : i32
      %dma_start3A_44 = arith.constant 0 : i32
      %dma_start3A_45 = tpu.memref_slice %arg7[%dma_start3A, %dma_start3A_44] : memref<10x112xi32, #tpu.memory_space<vmem>> -> memref<1x112xi32, #tpu.memory_space<vmem>>
      %dma_start3A_46 = tpu.memref_squeeze %dma_start3A_45 : memref<1x112xi32, #tpu.memory_space<vmem>> -> memref<112xi32, #tpu.memory_space<vmem>>
      %dma_start3A_47 = arith.constant 0 : i32
      %dma_start3A_48 = arith.constant 0 : i32
      %dma_start3A_49 = tpu.memref_slice %arg2[%dma_start3A_47, %dma_start3A_48] : memref<10000x64xi32, #tpu.memory_space<hbm>> -> memref<10000x64xi32, #tpu.memory_space<hbm>>
      tpu.enqueue_indirect_dma source(%dma_start3A_49 : memref<10000x64xi32, #tpu.memory_space<hbm>>) target(%arg10 : memref<112x64xi32, #tpu.memory_space<vmem>>) offsets(%dma_start3A_46 : memref<112xi32, #tpu.memory_space<vmem>>) semaphore(%arg14 : memref<!tpu.dma_semaphore, #tpu.memory_space<semaphore_mem>>)
      %dma_start3A_50 = arith.constant 1 : i32
      %dma_start3A_51 = arith.constant 0 : i32
      %dma_start3A_52 = tpu.memref_slice %arg7[%dma_start3A_50, %dma_start3A_51] : memref<10x112xi32, #tpu.memory_space<vmem>> -> memref<1x112xi32, #tpu.memory_space<vmem>>
      %dma_start3A_53 = tpu.memref_squeeze %dma_start3A_52 : memref<1x112xi32, #tpu.memory_space<vmem>> -> memref<112xi32, #tpu.memory_space<vmem>>
      %dma_start3A_54 = arith.constant 0 : i32
      %dma_start3A_55 = arith.constant 0 : i32
      %dma_start3A_56 = tpu.memref_slice %arg2[%dma_start3A_54, %dma_start3A_55] : memref<10000x64xi32, #tpu.memory_space<hbm>> -> memref<10000x64xi32, #tpu.memory_space<hbm>>
      tpu.enqueue_indirect_dma source(%dma_start3A_56 : memref<10000x64xi32, #tpu.memory_space<hbm>>) target(%arg11 : memref<112x64xi32, #tpu.memory_space<vmem>>) offsets(%dma_start3A_53 : memref<112xi32, #tpu.memory_space<vmem>>) semaphore(%arg15 : memref<!tpu.dma_semaphore, #tpu.memory_space<semaphore_mem>>)
      %scan3A_57 = arith.constant 0 : i32
      %scan3A_58 = arith.constant 0 : i32
      %scan3A_59 = arith.constant 5 : i32
      %scan3A_60 = arith.addi %scan3A_58, %scan3A_59 : i32
      %scan3A_61 = arith.constant 1 : i32
      scf.for %scan3A_63 = %scan3A_58 to %scan3A_60 step %scan3A_61  : i32 {
        %mul3A_64 = arith.constant 2 : i32
        %mul3A_65 = arith.muli %mul3A_64, %scan3A_63 : i32
        %dma_wait3A = arith.constant 0 : i32
        %dma_wait3A_66 = tpu.memref_slice %arg7[%mul3A_65, %dma_wait3A] : memref<10x112xi32, #tpu.memory_space<vmem>> -> memref<1x112xi32, #tpu.memory_space<vmem>>
        %dma_wait3A_67 = tpu.memref_squeeze %dma_wait3A_66 : memref<1x112xi32, #tpu.memory_space<vmem>> -> memref<112xi32, #tpu.memory_space<vmem>>
        %dma_wait3A_68 = arith.constant 0 : i32
        %dma_wait3A_69 = arith.constant 0 : i32
        %dma_wait3A_70 = tpu.memref_slice %arg2[%dma_wait3A_68, %dma_wait3A_69] : memref<10000x64xi32, #tpu.memory_space<hbm>> -> memref<10000x64xi32, #tpu.memory_space<hbm>>
        tpu.wait_indirect_dma semaphore(%arg14 : memref<!tpu.dma_semaphore, #tpu.memory_space<semaphore_mem>>) src(%dma_wait3A_70 : memref<10000x64xi32, #tpu.memory_space<hbm>>) dst(%arg10 : memref<112x64xi32, #tpu.memory_space<vmem>>)
        %scan3A_71 = arith.constant 0 : i32
        %scan3A_72 = arith.constant 0 : i32
        %scan3A_73 = arith.constant 7 : i32
        %scan3A_74 = arith.addi %scan3A_72, %scan3A_73 : i32
        %scan3A_75 = arith.constant 1 : i32
        scf.for %scan3A_109 = %scan3A_72 to %scan3A_74 step %scan3A_75  : i32 {
          %mul3A_110 = arith.constant 16 : i32
          %mul3A_111 = arith.muli %scan3A_109, %mul3A_110 : i32
          %get3A = arith.index_cast %mul3A_65 : i32 to index
          %get3A_112 = arith.index_cast %mul3A_111 : i32 to index
          %get3A_113 = tpu.vector_load %arg9[%get3A, %get3A_112] {strides = array<i32>} : memref<10x112xf32, #tpu.memory_space<vmem>>, vector<16xf32>,
          %mul3A_114 = arith.constant 16 : i32
          %mul3A_115 = arith.muli %scan3A_109, %mul3A_114 : i32
          %slice3A = vector.extract_strided_slice %get3A_113 {offsets = [0], sizes = [1], strides = [1]} : vector<16xf32> to vector<1xf32>
          %squeeze3A = vector.extract %slice3A[0] : f32 from vector<1xf32>
          %add3A_116 = arith.constant 0 : i32
          %add3A_117 = arith.addi %mul3A_115, %add3A_116 : i32
          %get3A_118 = arith.index_cast %add3A_117 : i32 to index
          %get3A_119 = arith.constant 0 : index
          %get3A_120 = tpu.vector_load %arg10[%get3A_118, %get3A_119] {strides = array<i32>} : memref<112x64xi32, #tpu.memory_space<vmem>>, vector<16xi32>,
          %shift_left3A = arith.shli %get3A_120, %broadcast_in_dim3A_21 : vector<16xi32>
          %bitcast3A = vector.bitcast %shift_left3A : vector<16xi32> to vector<16xf32>
          %and3A = arith.andi %get3A_120, %broadcast_in_dim3A_19 : vector<16xi32>
          %bitcast3A_121 = vector.bitcast %and3A : vector<16xi32> to vector<16xf32>
          %mul3A_122 = vector.broadcast %squeeze3A : f32 to vector<16xf32>
          %mul3A_123 = arith.mulf %bitcast3A, %mul3A_122 : vector<16xf32>
          %swap3A = arith.index_cast %add3A_117 : i32 to index
          %swap3A_124 = arith.constant 0 : index
          %swap3A_125 = tpu.vector_load %arg12[%swap3A, %swap3A_124] {strides = array<i32>} : memref<112x128xf32, #tpu.memory_space<vmem>>, vector<16xf32>,
          tpu.vector_store %arg12[%swap3A, %swap3A_124], %mul3A_123 {strides = array<i32>} : memref<112x128xf32, #tpu.memory_space<vmem>>, vector<16xf32>,
          %mul3A_126 = vector.broadcast %squeeze3A : f32 to vector<16xf32>
          %mul3A_127 = arith.mulf %bitcast3A_121, %mul3A_126 : vector<16xf32>
          %swap3A_128 = arith.index_cast %add3A_117 : i32 to index
          %swap3A_129 = arith.constant 16 : index
          %swap3A_130 = tpu.vector_load %arg12[%swap3A_128, %swap3A_129] {strides = array<i32>} : memref<112x128xf32, #tpu.memory_space<vmem>>, vector<16xf32>,
          tpu.vector_store %arg12[%swap3A_128, %swap3A_129], %mul3A_127 {strides = array<i32>} : memref<112x128xf32, #tpu.memory_space<vmem>>, vector<16xf32>,
          %get3A_131 = arith.index_cast %add3A_117 : i32 to index
          %get3A_132 = arith.constant 16 : index
          %get3A_133 = tpu.vector_load %arg10[%get3A_131, %get3A_132] {strides = array<i32>} : memref<112x64xi32, #tpu.memory_space<vmem>>, vector<16xi32>,
          %shift_left3A_134 = arith.shli %get3A_133, %broadcast_in_dim3A_21 : vector<16xi32>
          %bitcast3A_135 = vector.bitcast %shift_left3A_134 : vector<16xi32> to vector<16xf32>
          %and3A_136 = arith.andi %get3A_133, %broadcast_in_dim3A_19 : vector<16xi32>
          %bitcast3A_137 = vector.bitcast %and3A_136 : vector<16xi32> to vector<16xf32>
          %mul3A_138 = vector.broadcast %squeeze3A : f32 to vector<16xf32>
          %mul3A_139 = arith.mulf %bitcast3A_135, %mul3A_138 : vector<16xf32>
          %swap3A_140 = arith.index_cast %add3A_117 : i32 to index
          %swap3A_141 = arith.constant 32 : index
          %swap3A_142 = tpu.vector_load %arg12[%swap3A_140, %swap3A_141] {strides = array<i32>} : memref<112x128xf32, #tpu.memory_space<vmem>>, vector<16xf32>,
          tpu.vector_store %arg12[%swap3A_140, %swap3A_141], %mul3A_139 {strides = array<i32>} : memref<112x128xf32, #tpu.memory_space<vmem>>, vector<16xf32>,
          %mul3A_143 = vector.broadcast %squeeze3A : f32 to vector<16xf32>
          %mul3A_144 = arith.mulf %bitcast3A_137, %mul3A_143 : vector<16xf32>
          %swap3A_145 = arith.index_cast %add3A_117 : i32 to index
          %swap3A_146 = arith.constant 48 : index
          %swap3A_147 = tpu.vector_load %arg12[%swap3A_145, %swap3A_146] {strides = array<i32>} : memref<112x128xf32, #tpu.memory_space<vmem>>, vector<16xf32>,
          tpu.vector_store %arg12[%swap3A_145, %swap3A_146], %mul3A_144 {strides = array<i32>} : memref<112x128xf32, #tpu.memory_space<vmem>>, vector<16xf32>,
          %get3A_148 = arith.index_cast %add3A_117 : i32 to index
          %get3A_149 = arith.constant 32 : index
          %get3A_150 = tpu.vector_load %arg10[%get3A_148, %get3A_149] {strides = array<i32>} : memref<112x64xi32, #tpu.memory_space<vmem>>, vector<16xi32>,
          %shift_left3A_151 = arith.shli %get3A_150, %broadcast_in_dim3A_21 : vector<16xi32>
          %bitcast3A_152 = vector.bitcast %shift_left3A_151 : vector<16xi32> to vector<16xf32>
          %and3A_153 = arith.andi %get3A_150, %broadcast_in_dim3A_19 : vector<16xi32>
          %bitcast3A_154 = vector.bitcast %and3A_153 : vector<16xi32> to vector<16xf32>
          %mul3A_155 = vector.broadcast %squeeze3A : f32 to vector<16xf32>
          %mul3A_156 = arith.mulf %bitcast3A_152, %mul3A_155 : vector<16xf32>
          %swap3A_157 = arith.index_cast %add3A_117 : i32 to index
          %swap3A_158 = arith.constant 64 : index
          %swap3A_159 = tpu.vector_load %arg12[%swap3A_157, %swap3A_158] {strides = array<i32>} : memref<112x128xf32, #tpu.memory_space<vmem>>, vector<16xf32>,
          tpu.vector_store %arg12[%swap3A_157, %swap3A_158], %mul3A_156 {strides = array<i32>} : memref<112x128xf32, #tpu.memory_space<vmem>>, vector<16xf32>,
          %mul3A_160 = vector.broadcast %squeeze3A : f32 to vector<16xf32>
          %mul3A_161 = arith.mulf %bitcast3A_154, %mul3A_160 : vector<16xf32>
          %swap3A_162 = arith.index_cast %add3A_117 : i32 to index
          %swap3A_163 = arith.constant 80 : index
          %swap3A_164 = tpu.vector_load %arg12[%swap3A_162, %swap3A_163] {strides = array<i32>} : memref<112x128xf32, #tpu.memory_space<vmem>>, vector<16xf32>,
          tpu.vector_store %arg12[%swap3A_162, %swap3A_163], %mul3A_161 {strides = array<i32>} : memref<112x128xf32, #tpu.memory_space<vmem>>, vector<16xf32>,
          %get3A_165 = arith.index_cast %add3A_117 : i32 to index
          %get3A_166 = arith.constant 48 : index
          %get3A_167 = tpu.vector_load %arg10[%get3A_165, %get3A_166] {strides = array<i32>} : memref<112x64xi32, #tpu.memory_space<vmem>>, vector<16xi32>,
          %shift_left3A_168 = arith.shli %get3A_167, %broadcast_in_dim3A_21 : vector<16xi32>
          %bitcast3A_169 = vector.bitcast %shift_left3A_168 : vector<16xi32> to vector<16xf32>
          %and3A_170 = arith.andi %get3A_167, %broadcast_in_dim3A_19 : vector<16xi32>
          %bitcast3A_171 = vector.bitcast %and3A_170 : vector<16xi32> to vector<16xf32>
          %mul3A_172 = vector.broadcast %squeeze3A : f32 to vector<16xf32>
          %mul3A_173 = arith.mulf %bitcast3A_169, %mul3A_172 : vector<16xf32>
          %swap3A_174 = arith.index_cast %add3A_117 : i32 to index
          %swap3A_175 = arith.constant 96 : index
          %swap3A_176 = tpu.vector_load %arg12[%swap3A_174, %swap3A_175] {strides = array<i32>} : memref<112x128xf32, #tpu.memory_space<vmem>>, vector<16xf32>,
          tpu.vector_store %arg12[%swap3A_174, %swap3A_175], %mul3A_173 {strides = array<i32>} : memref<112x128xf32, #tpu.memory_space<vmem>>, vector<16xf32>,
          %mul3A_177 = vector.broadcast %squeeze3A : f32 to vector<16xf32>
          %mul3A_178 = arith.mulf %bitcast3A_171, %mul3A_177 : vector<16xf32>
          %swap3A_179 = arith.index_cast %add3A_117 : i32 to index
          %swap3A_180 = arith.constant 112 : index
          %swap3A_181 = tpu.vector_load %arg12[%swap3A_179, %swap3A_180] {strides = array<i32>} : memref<112x128xf32, #tpu.memory_space<vmem>>, vector<16xf32>,
          tpu.vector_store %arg12[%swap3A_179, %swap3A_180], %mul3A_178 {strides = array<i32>} : memref<112x128xf32, #tpu.memory_space<vmem>>, vector<16xf32>,
          %slice3A_182 = vector.extract_strided_slice %get3A_113 {offsets = [1], sizes = [1], strides = [1]} : vector<16xf32> to vector<1xf32>
          %squeeze3A_183 = vector.extract %slice3A_182[0] : f32 from vector<1xf32>
          %add3A_184 = arith.constant 1 : i32
          %add3A_185 = arith.addi %mul3A_115, %add3A_184 : i32
          %get3A_186 = arith.index_cast %add3A_185 : i32 to index
          %get3A_187 = arith.constant 0 : index
          %get3A_188 = tpu.vector_load %arg10[%get3A_186, %get3A_187] {strides = array<i32>} : memref<112x64xi32, #tpu.memory_space<vmem>>, vector<16xi32>,
          %shift_left3A_189 = arith.shli %get3A_188, %broadcast_in_dim3A_21 : vector<16xi32>
          %bitcast3A_190 = vector.bitcast %shift_left3A_189 : vector<16xi32> to vector<16xf32>
          %and3A_191 = arith.andi %get3A_188, %broadcast_in_dim3A_19 : vector<16xi32>
          %bitcast3A_192 = vector.bitcast %and3A_191 : vector<16xi32> to vector<16xf32>
          %mul3A_193 = vector.broadcast %squeeze3A_183 : f32 to vector<16xf32>
          %mul3A_194 = arith.mulf %bitcast3A_190, %mul3A_193 : vector<16xf32>
          %swap3A_195 = arith.index_cast %add3A_185 : i32 to index
          %swap3A_196 = arith.constant 0 : index
          %swap3A_197 = tpu.vector_load %arg12[%swap3A_195, %swap3A_196] {strides = array<i32>} : memref<112x128xf32, #tpu.memory_space<vmem>>, vector<16xf32>,
          tpu.vector_store %arg12[%swap3A_195, %swap3A_196], %mul3A_194 {strides = array<i32>} : memref<112x128xf32, #tpu.memory_space<vmem>>, vector<16xf32>,
          %mul3A_198 = vector.broadcast %squeeze3A_183 : f32 to vector<16xf32>
          %mul3A_199 = arith.mulf %bitcast3A_192, %mul3A_198 : vector<16xf32>
          %swap3A_200 = arith.index_cast %add3A_185 : i32 to index
          %swap3A_201 = arith.constant 16 : index
          %swap3A_202 = tpu.vector_load %arg12[%swap3A_200, %swap3A_201] {strides = array<i32>} : memref<112x128xf32, #tpu.memory_space<vmem>>, vector<16xf32>,
          tpu.vector_store %arg12[%swap3A_200, %swap3A_201], %mul3A_199 {strides = array<i32>} : memref<112x128xf32, #tpu.memory_space<vmem>>, vector<16xf32>,
          %get3A_203 = arith.index_cast %add3A_185 : i32 to index
          %get3A_204 = arith.constant 16 : index
          %get3A_205 = tpu.vector_load %arg10[%get3A_203, %get3A_204] {strides = array<i32>} : memref<112x64xi32, #tpu.memory_space<vmem>>, vector<16xi32>,
          %shift_left3A_206 = arith.shli %get3A_205, %broadcast_in_dim3A_21 : vector<16xi32>
          %bitcast3A_207 = vector.bitcast %shift_left3A_206 : vector<16xi32> to vector<16xf32>
          %and3A_208 = arith.andi %get3A_205, %broadcast_in_dim3A_19 : vector<16xi32>
          %bitcast3A_209 = vector.bitcast %and3A_208 : vector<16xi32> to vector<16xf32>
          %mul3A_210 = vector.broadcast %squeeze3A_183 : f32 to vector<16xf32>
          %mul3A_211 = arith.mulf %bitcast3A_207, %mul3A_210 : vector<16xf32>
          %swap3A_212 = arith.index_cast %add3A_185 : i32 to index
          %swap3A_213 = arith.constant 32 : index
          %swap3A_214 = tpu.vector_load %arg12[%swap3A_212, %swap3A_213] {strides = array<i32>} : memref<112x128xf32, #tpu.memory_space<vmem>>, vector<16xf32>,
          tpu.vector_store %arg12[%swap3A_212, %swap3A_213], %mul3A_211 {strides = array<i32>} : memref<112x128xf32, #tpu.memory_space<vmem>>, vector<16xf32>,
          %mul3A_215 = vector.broadcast %squeeze3A_183 : f32 to vector<16xf32>
          %mul3A_216 = arith.mulf %bitcast3A_209, %mul3A_215 : vector<16xf32>
          %swap3A_217 = arith.index_cast %add3A_185 : i32 to index
          %swap3A_218 = arith.constant 48 : index
          %swap3A_219 = tpu.vector_load %arg12[%swap3A_217, %swap3A_218] {strides = array<i32>} : memref<112x128xf32, #tpu.memory_space<vmem>>, vector<16xf32>,
          tpu.vector_store %arg12[%swap3A_217, %swap3A_218], %mul3A_216 {strides = array<i32>} : memref<112x128xf32, #tpu.memory_space<vmem>>, vector<16xf32>,
          %get3A_220 = arith.index_cast %add3A_185 : i32 to index
          %get3A_221 = arith.constant 32 : index
          %get3A_222 = tpu.vector_load %arg10[%get3A_220, %get3A_221] {strides = array<i32>} : memref<112x64xi32, #tpu.memory_space<vmem>>, vector<16xi32>,
          %shift_left3A_223 = arith.shli %get3A_222, %broadcast_in_dim3A_21 : vector<16xi32>
          %bitcast3A_224 = vector.bitcast %shift_left3A_223 : vector<16xi32> to vector<16xf32>
          %and3A_225 = arith.andi %get3A_222, %broadcast_in_dim3A_19 : vector<16xi32>
          %bitcast3A_226 = vector.bitcast %and3A_225 : vector<16xi32> to vector<16xf32>
          %mul3A_227 = vector.broadcast %squeeze3A_183 : f32 to vector<16xf32>
          %mul3A_228 = arith.mulf %bitcast3A_224, %mul3A_227 : vector<16xf32>
          %swap3A_229 = arith.index_cast %add3A_185 : i32 to index
          %swap3A_230 = arith.constant 64 : index
          %swap3A_231 = tpu.vector_load %arg12[%swap3A_229, %swap3A_230] {strides = array<i32>} : memref<112x128xf32, #tpu.memory_space<vmem>>, vector<16xf32>,
          tpu.vector_store %arg12[%swap3A_229, %swap3A_230], %mul3A_228 {strides = array<i32>} : memref<112x128xf32, #tpu.memory_space<vmem>>, vector<16xf32>,
          %mul3A_232 = vector.broadcast %squeeze3A_183 : f32 to vector<16xf32>
          %mul3A_233 = arith.mulf %bitcast3A_226, %mul3A_232 : vector<16xf32>
          %swap3A_234 = arith.index_cast %add3A_185 : i32 to index
          %swap3A_235 = arith.constant 80 : index
          %swap3A_236 = tpu.vector_load %arg12[%swap3A_234, %swap3A_235] {strides = array<i32>} : memref<112x128xf32, #tpu.memory_space<vmem>>, vector<16xf32>,
          tpu.vector_store %arg12[%swap3A_234, %swap3A_235], %mul3A_233 {strides = array<i32>} : memref<112x128xf32, #tpu.memory_space<vmem>>, vector<16xf32>,
          %get3A_237 = arith.index_cast %add3A_185 : i32 to index
          %get3A_238 = arith.constant 48 : index
          %get3A_239 = tpu.vector_load %arg10[%get3A_237, %get3A_238] {strides = array<i32>} : memref<112x64xi32, #tpu.memory_space<vmem>>, vector<16xi32>,
          %shift_left3A_240 = arith.shli %get3A_239, %broadcast_in_dim3A_21 : vector<16xi32>
          %bitcast3A_241 = vector.bitcast %shift_left3A_240 : vector<16xi32> to vector<16xf32>
          %and3A_242 = arith.andi %get3A_239, %broadcast_in_dim3A_19 : vector<16xi32>
          %bitcast3A_243 = vector.bitcast %and3A_242 : vector<16xi32> to vector<16xf32>
          %mul3A_244 = vector.broadcast %squeeze3A_183 : f32 to vector<16xf32>
          %mul3A_245 = arith.mulf %bitcast3A_241, %mul3A_244 : vector<16xf32>
          %swap3A_246 = arith.index_cast %add3A_185 : i32 to index
          %swap3A_247 = arith.constant 96 : index
          %swap3A_248 = tpu.vector_load %arg12[%swap3A_246, %swap3A_247] {strides = array<i32>} : memref<112x128xf32, #tpu.memory_space<vmem>>, vector<16xf32>,
          tpu.vector_store %arg12[%swap3A_246, %swap3A_247], %mul3A_245 {strides = array<i32>} : memref<112x128xf32, #tpu.memory_space<vmem>>, vector<16xf32>,
          %mul3A_249 = vector.broadcast %squeeze3A_183 : f32 to vector<16xf32>
          %mul3A_250 = arith.mulf %bitcast3A_243, %mul3A_249 : vector<16xf32>
          %swap3A_251 = arith.index_cast %add3A_185 : i32 to index
          %swap3A_252 = arith.constant 112 : index
          %swap3A_253 = tpu.vector_load %arg12[%swap3A_251, %swap3A_252] {strides = array<i32>} : memref<112x128xf32, #tpu.memory_space<vmem>>, vector<16xf32>,
          tpu.vector_store %arg12[%swap3A_251, %swap3A_252], %mul3A_250 {strides = array<i32>} : memref<112x128xf32, #tpu.memory_space<vmem>>, vector<16xf32>,
          %slice3A_254 = vector.extract_strided_slice %get3A_113 {offsets = [2], sizes = [1], strides = [1]} : vector<16xf32> to vector<1xf32>
          %squeeze3A_255 = vector.extract %slice3A_254[0] : f32 from vector<1xf32>
          %add3A_256 = arith.constant 2 : i32
          %add3A_257 = arith.addi %mul3A_115, %add3A_256 : i32
          %get3A_258 = arith.index_cast %add3A_257 : i32 to index
          %get3A_259 = arith.constant 0 : index
          %get3A_260 = tpu.vector_load %arg10[%get3A_258, %get3A_259] {strides = array<i32>} : memref<112x64xi32, #tpu.memory_space<vmem>>, vector<16xi32>,
          %shift_left3A_261 = arith.shli %get3A_260, %broadcast_in_dim3A_21 : vector<16xi32>
          %bitcast3A_262 = vector.bitcast %shift_left3A_261 : vector<16xi32> to vector<16xf32>
          %and3A_263 = arith.andi %get3A_260, %broadcast_in_dim3A_19 : vector<16xi32>
          %bitcast3A_264 = vector.bitcast %and3A_263 : vector<16xi32> to vector<16xf32>
          %mul3A_265 = vector.broadcast %squeeze3A_255 : f32 to vector<16xf32>
          %mul3A_266 = arith.mulf %bitcast3A_262, %mul3A_265 : vector<16xf32>
          %swap3A_267 = arith.index_cast %add3A_257 : i32 to index
          %swap3A_268 = arith.constant 0 : index
          %swap3A_269 = tpu.vector_load %arg12[%swap3A_267, %swap3A_268] {strides = array<i32>} : memref<112x128xf32, #tpu.memory_space<vmem>>, vector<16xf32>,
          tpu.vector_store %arg12[%swap3A_267, %swap3A_268], %mul3A_266 {strides = array<i32>} : memref<112x128xf32, #tpu.memory_space<vmem>>, vector<16xf32>,
          %mul3A_270 = vector.broadcast %squeeze3A_255 : f32 to vector<16xf32>
          %mul3A_271 = arith.mulf %bitcast3A_264, %mul3A_270 : vector<16xf32>
          %swap3A_272 = arith.index_cast %add3A_257 : i32 to index
          %swap3A_273 = arith.constant 16 : index
          %swap3A_274 = tpu.vector_load %arg12[%swap3A_272, %swap3A_273] {strides = array<i32>} : memref<112x128xf32, #tpu.memory_space<vmem>>, vector<16xf32>,
          tpu.vector_store %arg12[%swap3A_272, %swap3A_273], %mul3A_271 {strides = array<i32>} : memref<112x128xf32, #tpu.memory_space<vmem>>, vector<16xf32>,
          %get3A_275 = arith.index_cast %add3A_257 : i32 to index
          %get3A_276 = arith.constant 16 : index
          %get3A_277 = tpu.vector_load %arg10[%get3A_275, %get3A_276] {strides = array<i32>} : memref<112x64xi32, #tpu.memory_space<vmem>>, vector<16xi32>,
          %shift_left3A_278 = arith.shli %get3A_277, %broadcast_in_dim3A_21 : vector<16xi32>
          %bitcast3A_279 = vector.bitcast %shift_left3A_278 : vector<16xi32> to vector<16xf32>
          %and3A_280 = arith.andi %get3A_277, %broadcast_in_dim3A_19 : vector<16xi32>
          %bitcast3A_281 = vector.bitcast %and3A_280 : vector<16xi32> to vector<16xf32>
          %mul3A_282 = vector.broadcast %squeeze3A_255 : f32 to vector<16xf32>
          %mul3A_283 = arith.mulf %bitcast3A_279, %mul3A_282 : vector<16xf32>
          %swap3A_284 = arith.index_cast %add3A_257 : i32 to index
          %swap3A_285 = arith.constant 32 : index
          %swap3A_286 = tpu.vector_load %arg12[%swap3A_284, %swap3A_285] {strides = array<i32>} : memref<112x128xf32, #tpu.memory_space<vmem>>, vector<16xf32>,
          tpu.vector_store %arg12[%swap3A_284, %swap3A_285], %mul3A_283 {strides = array<i32>} : memref<112x128xf32, #tpu.memory_space<vmem>>, vector<16xf32>,
          %mul3A_287 = vector.broadcast %squeeze3A_255 : f32 to vector<16xf32>
          %mul3A_288 = arith.mulf %bitcast3A_281, %mul3A_287 : vector<16xf32>
          %swap3A_289 = arith.index_cast %add3A_257 : i32 to index
          %swap3A_290 = arith.constant 48 : index
          %swap3A_291 = tpu.vector_load %arg12[%swap3A_289, %swap3A_290] {strides = array<i32>} : memref<112x128xf32, #tpu.memory_space<vmem>>, vector<16xf32>,
          tpu.vector_store %arg12[%swap3A_289, %swap3A_290], %mul3A_288 {strides = array<i32>} : memref<112x128xf32, #tpu.memory_space<vmem>>, vector<16xf32>,
          %get3A_292 = arith.index_cast %add3A_257 : i32 to index
          %get3A_293 = arith.constant 32 : index
          %get3A_294 = tpu.vector_load %arg10[%get3A_292, %get3A_293] {strides = array<i32>} : memref<112x64xi32, #tpu.memory_space<vmem>>, vector<16xi32>,
          %shift_left3A_295 = arith.shli %get3A_294, %broadcast_in_dim3A_21 : vector<16xi32>
          %bitcast3A_296 = vector.bitcast %shift_left3A_295 : vector<16xi32> to vector<16xf32>
          %and3A_297 = arith.andi %get3A_294, %broadcast_in_dim3A_19 : vector<16xi32>
          %bitcast3A_298 = vector.bitcast %and3A_297 : vector<16xi32> to vector<16xf32>
          %mul3A_299 = vector.broadcast %squeeze3A_255 : f32 to vector<16xf32>
          %mul3A_300 = arith.mulf %bitcast3A_296, %mul3A_299 : vector<16xf32>
          %swap3A_301 = arith.index_cast %add3A_257 : i32 to index
          %swap3A_302 = arith.constant 64 : index
          %swap3A_303 = tpu.vector_load %arg12[%swap3A_301, %swap3A_302] {strides = array<i32>} : memref<112x128xf32, #tpu.memory_space<vmem>>, vector<16xf32>,
          tpu.vector_store %arg12[%swap3A_301, %swap3A_302], %mul3A_300 {strides = array<i32>} : memref<112x128xf32, #tpu.memory_space<vmem>>, vector<16xf32>,
          %mul3A_304 = vector.broadcast %squeeze3A_255 : f32 to vector<16xf32>
          %mul3A_305 = arith.mulf %bitcast3A_298, %mul3A_304 : vector<16xf32>
          %swap3A_306 = arith.index_cast %add3A_257 : i32 to index
          %swap3A_307 = arith.constant 80 : index
          %swap3A_308 = tpu.vector_load %arg12[%swap3A_306, %swap3A_307] {strides = array<i32>} : memref<112x128xf32, #tpu.memory_space<vmem>>, vector<16xf32>,
          tpu.vector_store %arg12[%swap3A_306, %swap3A_307], %mul3A_305 {strides = array<i32>} : memref<112x128xf32, #tpu.memory_space<vmem>>, vector<16xf32>,
          %get3A_309 = arith.index_cast %add3A_257 : i32 to index
          %get3A_310 = arith.constant 48 : index
          %get3A_311 = tpu.vector_load %arg10[%get3A_309, %get3A_310] {strides = array<i32>} : memref<112x64xi32, #tpu.memory_space<vmem>>, vector<16xi32>,
          %shift_left3A_312 = arith.shli %get3A_311, %broadcast_in_dim3A_21 : vector<16xi32>
          %bitcast3A_313 = vector.bitcast %shift_left3A_312 : vector<16xi32> to vector<16xf32>
          %and3A_314 = arith.andi %get3A_311, %broadcast_in_dim3A_19 : vector<16xi32>
          %bitcast3A_315 = vector.bitcast %and3A_314 : vector<16xi32> to vector<16xf32>
          %mul3A_316 = vector.broadcast %squeeze3A_255 : f32 to vector<16xf32>
          %mul3A_317 = arith.mulf %bitcast3A_313, %mul3A_316 : vector<16xf32>
          %swap3A_318 = arith.index_cast %add3A_257 : i32 to index
          %swap3A_319 = arith.constant 96 : index
          %swap3A_320 = tpu.vector_load %arg12[%swap3A_318, %swap3A_319] {strides = array<i32>} : memref<112x128xf32, #tpu.memory_space<vmem>>, vector<16xf32>,
          tpu.vector_store %arg12[%swap3A_318, %swap3A_319], %mul3A_317 {strides = array<i32>} : memref<112x128xf32, #tpu.memory_space<vmem>>, vector<16xf32>,
          %mul3A_321 = vector.broadcast %squeeze3A_255 : f32 to vector<16xf32>
          %mul3A_322 = arith.mulf %bitcast3A_315, %mul3A_321 : vector<16xf32>
          %swap3A_323 = arith.index_cast %add3A_257 : i32 to index
          %swap3A_324 = arith.constant 112 : index
          %swap3A_325 = tpu.vector_load %arg12[%swap3A_323, %swap3A_324] {strides = array<i32>} : memref<112x128xf32, #tpu.memory_space<vmem>>, vector<16xf32>,
          tpu.vector_store %arg12[%swap3A_323, %swap3A_324], %mul3A_322 {strides = array<i32>} : memref<112x128xf32, #tpu.memory_space<vmem>>, vector<16xf32>,
          %slice3A_326 = vector.extract_strided_slice %get3A_113 {offsets = [3], sizes = [1], strides = [1]} : vector<16xf32> to vector<1xf32>
          %squeeze3A_327 = vector.extract %slice3A_326[0] : f32 from vector<1xf32>
          %add3A_328 = arith.constant 3 : i32
          %add3A_329 = arith.addi %mul3A_115, %add3A_328 : i32
          %get3A_330 = arith.index_cast %add3A_329 : i32 to index
          %get3A_331 = arith.constant 0 : index
          %get3A_332 = tpu.vector_load %arg10[%get3A_330, %get3A_331] {strides = array<i32>} : memref<112x64xi32, #tpu.memory_space<vmem>>, vector<16xi32>,
          %shift_left3A_333 = arith.shli %get3A_332, %broadcast_in_dim3A_21 : vector<16xi32>
          %bitcast3A_334 = vector.bitcast %shift_left3A_333 : vector<16xi32> to vector<16xf32>
          %and3A_335 = arith.andi %get3A_332, %broadcast_in_dim3A_19 : vector<16xi32>
          %bitcast3A_336 = vector.bitcast %and3A_335 : vector<16xi32> to vector<16xf32>
          %mul3A_337 = vector.broadcast %squeeze3A_327 : f32 to vector<16xf32>
          %mul3A_338 = arith.mulf %bitcast3A_334, %mul3A_337 : vector<16xf32>
          %swap3A_339 = arith.index_cast %add3A_329 : i32 to index
          %swap3A_340 = arith.constant 0 : index
          %swap3A_341 = tpu.vector_load %arg12[%swap3A_339, %swap3A_340] {strides = array<i32>} : memref<112x128xf32, #tpu.memory_space<vmem>>, vector<16xf32>,
          tpu.vector_store %arg12[%swap3A_339, %swap3A_340], %mul3A_338 {strides = array<i32>} : memref<112x128xf32, #tpu.memory_space<vmem>>, vector<16xf32>,
          %mul3A_342 = vector.broadcast %squeeze3A_327 : f32 to vector<16xf32>
          %mul3A_343 = arith.mulf %bitcast3A_336, %mul3A_342 : vector<16xf32>
          %swap3A_344 = arith.index_cast %add3A_329 : i32 to index
          %swap3A_345 = arith.constant 16 : index
          %swap3A_346 = tpu.vector_load %arg12[%swap3A_344, %swap3A_345] {strides = array<i32>} : memref<112x128xf32, #tpu.memory_space<vmem>>, vector<16xf32>,
          tpu.vector_store %arg12[%swap3A_344, %swap3A_345], %mul3A_343 {strides = array<i32>} : memref<112x128xf32, #tpu.memory_space<vmem>>, vector<16xf32>,
          %get3A_347 = arith.index_cast %add3A_329 : i32 to index
          %get3A_348 = arith.constant 16 : index
          %get3A_349 = tpu.vector_load %arg10[%get3A_347, %get3A_348] {strides = array<i32>} : memref<112x64xi32, #tpu.memory_space<vmem>>, vector<16xi32>,
          %shift_left3A_350 = arith.shli %get3A_349, %broadcast_in_dim3A_21 : vector<16xi32>
          %bitcast3A_351 = vector.bitcast %shift_left3A_350 : vector<16xi32> to vector<16xf32>
          %and3A_352 = arith.andi %get3A_349, %broadcast_in_dim3A_19 : vector<16xi32>
          %bitcast3A_353 = vector.bitcast %and3A_352 : vector<16xi32> to vector<16xf32>
          %mul3A_354 = vector.broadcast %squeeze3A_327 : f32 to vector<16xf32>
          %mul3A_355 = arith.mulf %bitcast3A_351, %mul3A_354 : vector<16xf32>
          %swap3A_356 = arith.index_cast %add3A_329 : i32 to index
          %swap3A_357 = arith.constant 32 : index
          %swap3A_358 = tpu.vector_load %arg12[%swap3A_356, %swap3A_357] {strides = array<i32>} : memref<112x128xf32, #tpu.memory_space<vmem>>, vector<16xf32>,
          tpu.vector_store %arg12[%swap3A_356, %swap3A_357], %mul3A_355 {strides = array<i32>} : memref<112x128xf32, #tpu.memory_space<vmem>>, vector<16xf32>,
          %mul3A_359 = vector.broadcast %squeeze3A_327 : f32 to vector<16xf32>
          %mul3A_360 = arith.mulf %bitcast3A_353, %mul3A_359 : vector<16xf32>
          %swap3A_361 = arith.index_cast %add3A_329 : i32 to index
          %swap3A_362 = arith.constant 48 : index
          %swap3A_363 = tpu.vector_load %arg12[%swap3A_361, %swap3A_362] {strides = array<i32>} : memref<112x128xf32, #tpu.memory_space<vmem>>, vector<16xf32>,
          tpu.vector_store %arg12[%swap3A_361, %swap3A_362], %mul3A_360 {strides = array<i32>} : memref<112x128xf32, #tpu.memory_space<vmem>>, vector<16xf32>,
          %get3A_364 = arith.index_cast %add3A_329 : i32 to index
          %get3A_365 = arith.constant 32 : index
          %get3A_366 = tpu.vector_load %arg10[%get3A_364, %get3A_365] {strides = array<i32>} : memref<112x64xi32, #tpu.memory_space<vmem>>, vector<16xi32>,
          %shift_left3A_367 = arith.shli %get3A_366, %broadcast_in_dim3A_21 : vector<16xi32>
          %bitcast3A_368 = vector.bitcast %shift_left3A_367 : vector<16xi32> to vector<16xf32>
          %and3A_369 = arith.andi %get3A_366, %broadcast_in_dim3A_19 : vector<16xi32>
          %bitcast3A_370 = vector.bitcast %and3A_369 : vector<16xi32> to vector<16xf32>
          %mul3A_371 = vector.broadcast %squeeze3A_327 : f32 to vector<16xf32>
          %mul3A_372 = arith.mulf %bitcast3A_368, %mul3A_371 : vector<16xf32>
          %swap3A_373 = arith.index_cast %add3A_329 : i32 to index
          %swap3A_374 = arith.constant 64 : index
          %swap3A_375 = tpu.vector_load %arg12[%swap3A_373, %swap3A_374] {strides = array<i32>} : memref<112x128xf32, #tpu.memory_space<vmem>>, vector<16xf32>,
          tpu.vector_store %arg12[%swap3A_373, %swap3A_374], %mul3A_372 {strides = array<i32>} : memref<112x128xf32, #tpu.memory_space<vmem>>, vector<16xf32>,
          %mul3A_376 = vector.broadcast %squeeze3A_327 : f32 to vector<16xf32>
          %mul3A_377 = arith.mulf %bitcast3A_370, %mul3A_376 : vector<16xf32>
          %swap3A_378 = arith.index_cast %add3A_329 : i32 to index
          %swap3A_379 = arith.constant 80 : index
          %swap3A_380 = tpu.vector_load %arg12[%swap3A_378, %swap3A_379] {strides = array<i32>} : memref<112x128xf32, #tpu.memory_space<vmem>>, vector<16xf32>,
          tpu.vector_store %arg12[%swap3A_378, %swap3A_379], %mul3A_377 {strides = array<i32>} : memref<112x128xf32, #tpu.memory_space<vmem>>, vector<16xf32>,
          %get3A_381 = arith.index_cast %add3A_329 : i32 to index
          %get3A_382 = arith.constant 48 : index
          %get3A_383 = tpu.vector_load %arg10[%get3A_381, %get3A_382] {strides = array<i32>} : memref<112x64xi32, #tpu.memory_space<vmem>>, vector<16xi32>,
          %shift_left3A_384 = arith.shli %get3A_383, %broadcast_in_dim3A_21 : vector<16xi32>
          %bitcast3A_385 = vector.bitcast %shift_left3A_384 : vector<16xi32> to vector<16xf32>
          %and3A_386 = arith.andi %get3A_383, %broadcast_in_dim3A_19 : vector<16xi32>
          %bitcast3A_387 = vector.bitcast %and3A_386 : vector<16xi32> to vector<16xf32>
          %mul3A_388 = vector.broadcast %squeeze3A_327 : f32 to vector<16xf32>
          %mul3A_389 = arith.mulf %bitcast3A_385, %mul3A_388 : vector<16xf32>
          %swap3A_390 = arith.index_cast %add3A_329 : i32 to index
          %swap3A_391 = arith.constant 96 : index
          %swap3A_392 = tpu.vector_load %arg12[%swap3A_390, %swap3A_391] {strides = array<i32>} : memref<112x128xf32, #tpu.memory_space<vmem>>, vector<16xf32>,
          tpu.vector_store %arg12[%swap3A_390, %swap3A_391], %mul3A_389 {strides = array<i32>} : memref<112x128xf32, #tpu.memory_space<vmem>>, vector<16xf32>,
          %mul3A_393 = vector.broadcast %squeeze3A_327 : f32 to vector<16xf32>
          %mul3A_394 = arith.mulf %bitcast3A_387, %mul3A_393 : vector<16xf32>
          %swap3A_395 = arith.index_cast %add3A_329 : i32 to index
          %swap3A_396 = arith.constant 112 : index
          %swap3A_397 = tpu.vector_load %arg12[%swap3A_395, %swap3A_396] {strides = array<i32>} : memref<112x128xf32, #tpu.memory_space<vmem>>, vector<16xf32>,
          tpu.vector_store %arg12[%swap3A_395, %swap3A_396], %mul3A_394 {strides = array<i32>} : memref<112x128xf32, #tpu.memory_space<vmem>>, vector<16xf32>,
          %slice3A_398 = vector.extract_strided_slice %get3A_113 {offsets = [4], sizes = [1], strides = [1]} : vector<16xf32> to vector<1xf32>
          %squeeze3A_399 = vector.extract %slice3A_398[0] : f32 from vector<1xf32>
          %add3A_400 = arith.constant 4 : i32
          %add3A_401 = arith.addi %mul3A_115, %add3A_400 : i32
          %get3A_402 = arith.index_cast %add3A_401 : i32 to index
          %get3A_403 = arith.constant 0 : index
          %get3A_404 = tpu.vector_load %arg10[%get3A_402, %get3A_403] {strides = array<i32>} : memref<112x64xi32, #tpu.memory_space<vmem>>, vector<16xi32>,
          %shift_left3A_405 = arith.shli %get3A_404, %broadcast_in_dim3A_21 : vector<16xi32>
          %bitcast3A_406 = vector.bitcast %shift_left3A_405 : vector<16xi32> to vector<16xf32>
          %and3A_407 = arith.andi %get3A_404, %broadcast_in_dim3A_19 : vector<16xi32>
          %bitcast3A_408 = vector.bitcast %and3A_407 : vector<16xi32> to vector<16xf32>
          %mul3A_409 = vector.broadcast %squeeze3A_399 : f32 to vector<16xf32>
          %mul3A_410 = arith.mulf %bitcast3A_406, %mul3A_409 : vector<16xf32>
          %swap3A_411 = arith.index_cast %add3A_401 : i32 to index
          %swap3A_412 = arith.constant 0 : index
          %swap3A_413 = tpu.vector_load %arg12[%swap3A_411, %swap3A_412] {strides = array<i32>} : memref<112x128xf32, #tpu.memory_space<vmem>>, vector<16xf32>,
          tpu.vector_store %arg12[%swap3A_411, %swap3A_412], %mul3A_410 {strides = array<i32>} : memref<112x128xf32, #tpu.memory_space<vmem>>, vector<16xf32>,
          %mul3A_414 = vector.broadcast %squeeze3A_399 : f32 to vector<16xf32>
          %mul3A_415 = arith.mulf %bitcast3A_408, %mul3A_414 : vector<16xf32>
          %swap3A_416 = arith.index_cast %add3A_401 : i32 to index
          %swap3A_417 = arith.constant 16 : index
          %swap3A_418 = tpu.vector_load %arg12[%swap3A_416, %swap3A_417] {strides = array<i32>} : memref<112x128xf32, #tpu.memory_space<vmem>>, vector<16xf32>,
          tpu.vector_store %arg12[%swap3A_416, %swap3A_417], %mul3A_415 {strides = array<i32>} : memref<112x128xf32, #tpu.memory_space<vmem>>, vector<16xf32>,
          %get3A_419 = arith.index_cast %add3A_401 : i32 to index
          %get3A_420 = arith.constant 16 : index
          %get3A_421 = tpu.vector_load %arg10[%get3A_419, %get3A_420] {strides = array<i32>} : memref<112x64xi32, #tpu.memory_space<vmem>>, vector<16xi32>,
          %shift_left3A_422 = arith.shli %get3A_421, %broadcast_in_dim3A_21 : vector<16xi32>
          %bitcast3A_423 = vector.bitcast %shift_left3A_422 : vector<16xi32> to vector<16xf32>
          %and3A_424 = arith.andi %get3A_421, %broadcast_in_dim3A_19 : vector<16xi32>
          %bitcast3A_425 = vector.bitcast %and3A_424 : vector<16xi32> to vector<16xf32>
          %mul3A_426 = vector.broadcast %squeeze3A_399 : f32 to vector<16xf32>
          %mul3A_427 = arith.mulf %bitcast3A_423, %mul3A_426 : vector<16xf32>
          %swap3A_428 = arith.index_cast %add3A_401 : i32 to index
          %swap3A_429 = arith.constant 32 : index
          %swap3A_430 = tpu.vector_load %arg12[%swap3A_428, %swap3A_429] {strides = array<i32>} : memref<112x128xf32, #tpu.memory_space<vmem>>, vector<16xf32>,
          tpu.vector_store %arg12[%swap3A_428, %swap3A_429], %mul3A_427 {strides = array<i32>} : memref<112x128xf32, #tpu.memory_space<vmem>>, vector<16xf32>,
          %mul3A_431 = vector.broadcast %squeeze3A_399 : f32 to vector<16xf32>
          %mul3A_432 = arith.mulf %bitcast3A_425, %mul3A_431 : vector<16xf32>
          %swap3A_433 = arith.index_cast %add3A_401 : i32 to index
          %swap3A_434 = arith.constant 48 : index
          %swap3A_435 = tpu.vector_load %arg12[%swap3A_433, %swap3A_434] {strides = array<i32>} : memref<112x128xf32, #tpu.memory_space<vmem>>, vector<16xf32>,
          tpu.vector_store %arg12[%swap3A_433, %swap3A_434], %mul3A_432 {strides = array<i32>} : memref<112x128xf32, #tpu.memory_space<vmem>>, vector<16xf32>,
          %get3A_436 = arith.index_cast %add3A_401 : i32 to index
          %get3A_437 = arith.constant 32 : index
          %get3A_438 = tpu.vector_load %arg10[%get3A_436, %get3A_437] {strides = array<i32>} : memref<112x64xi32, #tpu.memory_space<vmem>>, vector<16xi32>,
          %shift_left3A_439 = arith.shli %get3A_438, %broadcast_in_dim3A_21 : vector<16xi32>
          %bitcast3A_440 = vector.bitcast %shift_left3A_439 : vector<16xi32> to vector<16xf32>
          %and3A_441 = arith.andi %get3A_438, %broadcast_in_dim3A_19 : vector<16xi32>
          %bitcast3A_442 = vector.bitcast %and3A_441 : vector<16xi32> to vector<16xf32>
          %mul3A_443 = vector.broadcast %squeeze3A_399 : f32 to vector<16xf32>
          %mul3A_444 = arith.mulf %bitcast3A_440, %mul3A_443 : vector<16xf32>
          %swap3A_445 = arith.index_cast %add3A_401 : i32 to index
          %swap3A_446 = arith.constant 64 : index
          %swap3A_447 = tpu.vector_load %arg12[%swap3A_445, %swap3A_446] {strides = array<i32>} : memref<112x128xf32, #tpu.memory_space<vmem>>, vector<16xf32>,
          tpu.vector_store %arg12[%swap3A_445, %swap3A_446], %mul3A_444 {strides = array<i32>} : memref<112x128xf32, #tpu.memory_space<vmem>>, vector<16xf32>,
          %mul3A_448 = vector.broadcast %squeeze3A_399 : f32 to vector<16xf32>
          %mul3A_449 = arith.mulf %bitcast3A_442, %mul3A_448 : vector<16xf32>
          %swap3A_450 = arith.index_cast %add3A_401 : i32 to index
          %swap3A_451 = arith.constant 80 : index
          %swap3A_452 = tpu.vector_load %arg12[%swap3A_450, %swap3A_451] {strides = array<i32>} : memref<112x128xf32, #tpu.memory_space<vmem>>, vector<16xf32>,
          tpu.vector_store %arg12[%swap3A_450, %swap3A_451], %mul3A_449 {strides = array<i32>} : memref<112x128xf32, #tpu.memory_space<vmem>>, vector<16xf32>,
          %get3A_453 = arith.index_cast %add3A_401 : i32 to index
          %get3A_454 = arith.constant 48 : index
          %get3A_455 = tpu.vector_load %arg10[%get3A_453, %get3A_454] {strides = array<i32>} : memref<112x64xi32, #tpu.memory_space<vmem>>, vector<16xi32>,
          %shift_left3A_456 = arith.shli %get3A_455, %broadcast_in_dim3A_21 : vector<16xi32>
          %bitcast3A_457 = vector.bitcast %shift_left3A_456 : vector<16xi32> to vector<16xf32>
          %and3A_458 = arith.andi %get3A_455, %broadcast_in_dim3A_19 : vector<16xi32>
          %bitcast3A_459 = vector.bitcast %and3A_458 : vector<16xi32> to vector<16xf32>
          %mul3A_460 = vector.broadcast %squeeze3A_399 : f32 to vector<16xf32>
          %mul3A_461 = arith.mulf %bitcast3A_457, %mul3A_460 : vector<16xf32>
          %swap3A_462 = arith.index_cast %add3A_401 : i32 to index
          %swap3A_463 = arith.constant 96 : index
          %swap3A_464 = tpu.vector_load %arg12[%swap3A_462, %swap3A_463] {strides = array<i32>} : memref<112x128xf32, #tpu.memory_space<vmem>>, vector<16xf32>,
          tpu.vector_store %arg12[%swap3A_462, %swap3A_463], %mul3A_461 {strides = array<i32>} : memref<112x128xf32, #tpu.memory_space<vmem>>, vector<16xf32>,
          %mul3A_465 = vector.broadcast %squeeze3A_399 : f32 to vector<16xf32>
          %mul3A_466 = arith.mulf %bitcast3A_459, %mul3A_465 : vector<16xf32>
          %swap3A_467 = arith.index_cast %add3A_401 : i32 to index
          %swap3A_468 = arith.constant 112 : index
          %swap3A_469 = tpu.vector_load %arg12[%swap3A_467, %swap3A_468] {strides = array<i32>} : memref<112x128xf32, #tpu.memory_space<vmem>>, vector<16xf32>,
          tpu.vector_store %arg12[%swap3A_467, %swap3A_468], %mul3A_466 {strides = array<i32>} : memref<112x128xf32, #tpu.memory_space<vmem>>, vector<16xf32>,
          %slice3A_470 = vector.extract_strided_slice %get3A_113 {offsets = [5], sizes = [1], strides = [1]} : vector<16xf32> to vector<1xf32>
          %squeeze3A_471 = vector.extract %slice3A_470[0] : f32 from vector<1xf32>
          %add3A_472 = arith.constant 5 : i32
          %add3A_473 = arith.addi %mul3A_115, %add3A_472 : i32
          %get3A_474 = arith.index_cast %add3A_473 : i32 to index
          %get3A_475 = arith.constant 0 : index
          %get3A_476 = tpu.vector_load %arg10[%get3A_474, %get3A_475] {strides = array<i32>} : memref<112x64xi32, #tpu.memory_space<vmem>>, vector<16xi32>,
          %shift_left3A_477 = arith.shli %get3A_476, %broadcast_in_dim3A_21 : vector<16xi32>
          %bitcast3A_478 = vector.bitcast %shift_left3A_477 : vector<16xi32> to vector<16xf32>
          %and3A_479 = arith.andi %get3A_476, %broadcast_in_dim3A_19 : vector<16xi32>
          %bitcast3A_480 = vector.bitcast %and3A_479 : vector<16xi32> to vector<16xf32>
          %mul3A_481 = vector.broadcast %squeeze3A_471 : f32 to vector<16xf32>
          %mul3A_482 = arith.mulf %bitcast3A_478, %mul3A_481 : vector<16xf32>
          %swap3A_483 = arith.index_cast %add3A_473 : i32 to index
          %swap3A_484 = arith.constant 0 : index
          %swap3A_485 = tpu.vector_load %arg12[%swap3A_483, %swap3A_484] {strides = array<i32>} : memref<112x128xf32, #tpu.memory_space<vmem>>, vector<16xf32>,
          tpu.vector_store %arg12[%swap3A_483, %swap3A_484], %mul3A_482 {strides = array<i32>} : memref<112x128xf32, #tpu.memory_space<vmem>>, vector<16xf32>,
          %mul3A_486 = vector.broadcast %squeeze3A_471 : f32 to vector<16xf32>
          %mul3A_487 = arith.mulf %bitcast3A_480, %mul3A_486 : vector<16xf32>
          %swap3A_488 = arith.index_cast %add3A_473 : i32 to index
          %swap3A_489 = arith.constant 16 : index
          %swap3A_490 = tpu.vector_load %arg12[%swap3A_488, %swap3A_489] {strides = array<i32>} : memref<112x128xf32, #tpu.memory_space<vmem>>, vector<16xf32>,
          tpu.vector_store %arg12[%swap3A_488, %swap3A_489], %mul3A_487 {strides = array<i32>} : memref<112x128xf32, #tpu.memory_space<vmem>>, vector<16xf32>,
          %get3A_491 = arith.index_cast %add3A_473 : i32 to index
          %get3A_492 = arith.constant 16 : index
          %get3A_493 = tpu.vector_load %arg10[%get3A_491, %get3A_492] {strides = array<i32>} : memref<112x64xi32, #tpu.memory_space<vmem>>, vector<16xi32>,
          %shift_left3A_494 = arith.shli %get3A_493, %broadcast_in_dim3A_21 : vector<16xi32>
          %bitcast3A_495 = vector.bitcast %shift_left3A_494 : vector<16xi32> to vector<16xf32>
          %and3A_496 = arith.andi %get3A_493, %broadcast_in_dim3A_19 : vector<16xi32>
          %bitcast3A_497 = vector.bitcast %and3A_496 : vector<16xi32> to vector<16xf32>
          %mul3A_498 = vector.broadcast %squeeze3A_471 : f32 to vector<16xf32>
          %mul3A_499 = arith.mulf %bitcast3A_495, %mul3A_498 : vector<16xf32>
          %swap3A_500 = arith.index_cast %add3A_473 : i32 to index
          %swap3A_501 = arith.constant 32 : index
          %swap3A_502 = tpu.vector_load %arg12[%swap3A_500, %swap3A_501] {strides = array<i32>} : memref<112x128xf32, #tpu.memory_space<vmem>>, vector<16xf32>,
          tpu.vector_store %arg12[%swap3A_500, %swap3A_501], %mul3A_499 {strides = array<i32>} : memref<112x128xf32, #tpu.memory_space<vmem>>, vector<16xf32>,
          %mul3A_503 = vector.broadcast %squeeze3A_471 : f32 to vector<16xf32>
          %mul3A_504 = arith.mulf %bitcast3A_497, %mul3A_503 : vector<16xf32>
          %swap3A_505 = arith.index_cast %add3A_473 : i32 to index
          %swap3A_506 = arith.constant 48 : index
          %swap3A_507 = tpu.vector_load %arg12[%swap3A_505, %swap3A_506] {strides = array<i32>} : memref<112x128xf32, #tpu.memory_space<vmem>>, vector<16xf32>,
          tpu.vector_store %arg12[%swap3A_505, %swap3A_506], %mul3A_504 {strides = array<i32>} : memref<112x128xf32, #tpu.memory_space<vmem>>, vector<16xf32>,
          %get3A_508 = arith.index_cast %add3A_473 : i32 to index
          %get3A_509 = arith.constant 32 : index
          %get3A_510 = tpu.vector_load %arg10[%get3A_508, %get3A_509] {strides = array<i32>} : memref<112x64xi32, #tpu.memory_space<vmem>>, vector<16xi32>,
          %shift_left3A_511 = arith.shli %get3A_510, %broadcast_in_dim3A_21 : vector<16xi32>
          %bitcast3A_512 = vector.bitcast %shift_left3A_511 : vector<16xi32> to vector<16xf32>
          %and3A_513 = arith.andi %get3A_510, %broadcast_in_dim3A_19 : vector<16xi32>
          %bitcast3A_514 = vector.bitcast %and3A_513 : vector<16xi32> to vector<16xf32>
          %mul3A_515 = vector.broadcast %squeeze3A_471 : f32 to vector<16xf32>
          %mul3A_516 = arith.mulf %bitcast3A_512, %mul3A_515 : vector<16xf32>
          %swap3A_517 = arith.index_cast %add3A_473 : i32 to index
          %swap3A_518 = arith.constant 64 : index
          %swap3A_519 = tpu.vector_load %arg12[%swap3A_517, %swap3A_518] {strides = array<i32>} : memref<112x128xf32, #tpu.memory_space<vmem>>, vector<16xf32>,
          tpu.vector_store %arg12[%swap3A_517, %swap3A_518], %mul3A_516 {strides = array<i32>} : memref<112x128xf32, #tpu.memory_space<vmem>>, vector<16xf32>,
          %mul3A_520 = vector.broadcast %squeeze3A_471 : f32 to vector<16xf32>
          %mul3A_521 = arith.mulf %bitcast3A_514, %mul3A_520 : vector<16xf32>
          %swap3A_522 = arith.index_cast %add3A_473 : i32 to index
          %swap3A_523 = arith.constant 80 : index
          %swap3A_524 = tpu.vector_load %arg12[%swap3A_522, %swap3A_523] {strides = array<i32>} : memref<112x128xf32, #tpu.memory_space<vmem>>, vector<16xf32>,
          tpu.vector_store %arg12[%swap3A_522, %swap3A_523], %mul3A_521 {strides = array<i32>} : memref<112x128xf32, #tpu.memory_space<vmem>>, vector<16xf32>,
          %get3A_525 = arith.index_cast %add3A_473 : i32 to index
          %get3A_526 = arith.constant 48 : index
          %get3A_527 = tpu.vector_load %arg10[%get3A_525, %get3A_526] {strides = array<i32>} : memref<112x64xi32, #tpu.memory_space<vmem>>, vector<16xi32>,
          %shift_left3A_528 = arith.shli %get3A_527, %broadcast_in_dim3A_21 : vector<16xi32>
          %bitcast3A_529 = vector.bitcast %shift_left3A_528 : vector<16xi32> to vector<16xf32>
          %and3A_530 = arith.andi %get3A_527, %broadcast_in_dim3A_19 : vector<16xi32>
          %bitcast3A_531 = vector.bitcast %and3A_530 : vector<16xi32> to vector<16xf32>
          %mul3A_532 = vector.broadcast %squeeze3A_471 : f32 to vector<16xf32>
          %mul3A_533 = arith.mulf %bitcast3A_529, %mul3A_532 : vector<16xf32>
          %swap3A_534 = arith.index_cast %add3A_473 : i32 to index
          %swap3A_535 = arith.constant 96 : index
          %swap3A_536 = tpu.vector_load %arg12[%swap3A_534, %swap3A_535] {strides = array<i32>} : memref<112x128xf32, #tpu.memory_space<vmem>>, vector<16xf32>,
          tpu.vector_store %arg12[%swap3A_534, %swap3A_535], %mul3A_533 {strides = array<i32>} : memref<112x128xf32, #tpu.memory_space<vmem>>, vector<16xf32>,
          %mul3A_537 = vector.broadcast %squeeze3A_471 : f32 to vector<16xf32>
          %mul3A_538 = arith.mulf %bitcast3A_531, %mul3A_537 : vector<16xf32>
          %swap3A_539 = arith.index_cast %add3A_473 : i32 to index
          %swap3A_540 = arith.constant 112 : index
          %swap3A_541 = tpu.vector_load %arg12[%swap3A_539, %swap3A_540] {strides = array<i32>} : memref<112x128xf32, #tpu.memory_space<vmem>>, vector<16xf32>,
          tpu.vector_store %arg12[%swap3A_539, %swap3A_540], %mul3A_538 {strides = array<i32>} : memref<112x128xf32, #tpu.memory_space<vmem>>, vector<16xf32>,
          %slice3A_542 = vector.extract_strided_slice %get3A_113 {offsets = [6], sizes = [1], strides = [1]} : vector<16xf32> to vector<1xf32>
          %squeeze3A_543 = vector.extract %slice3A_542[0] : f32 from vector<1xf32>
          %add3A_544 = arith.constant 6 : i32
          %add3A_545 = arith.addi %mul3A_115, %add3A_544 : i32
          %get3A_546 = arith.index_cast %add3A_545 : i32 to index
          %get3A_547 = arith.constant 0 : index
          %get3A_548 = tpu.vector_load %arg10[%get3A_546, %get3A_547] {strides = array<i32>} : memref<112x64xi32, #tpu.memory_space<vmem>>, vector<16xi32>,
          %shift_left3A_549 = arith.shli %get3A_548, %broadcast_in_dim3A_21 : vector<16xi32>
          %bitcast3A_550 = vector.bitcast %shift_left3A_549 : vector<16xi32> to vector<16xf32>
          %and3A_551 = arith.andi %get3A_548, %broadcast_in_dim3A_19 : vector<16xi32>
          %bitcast3A_552 = vector.bitcast %and3A_551 : vector<16xi32> to vector<16xf32>
          %mul3A_553 = vector.broadcast %squeeze3A_543 : f32 to vector<16xf32>
          %mul3A_554 = arith.mulf %bitcast3A_550, %mul3A_553 : vector<16xf32>
          %swap3A_555 = arith.index_cast %add3A_545 : i32 to index
          %swap3A_556 = arith.constant 0 : index
          %swap3A_557 = tpu.vector_load %arg12[%swap3A_555, %swap3A_556] {strides = array<i32>} : memref<112x128xf32, #tpu.memory_space<vmem>>, vector<16xf32>,
          tpu.vector_store %arg12[%swap3A_555, %swap3A_556], %mul3A_554 {strides = array<i32>} : memref<112x128xf32, #tpu.memory_space<vmem>>, vector<16xf32>,
          %mul3A_558 = vector.broadcast %squeeze3A_543 : f32 to vector<16xf32>
          %mul3A_559 = arith.mulf %bitcast3A_552, %mul3A_558 : vector<16xf32>
          %swap3A_560 = arith.index_cast %add3A_545 : i32 to index
          %swap3A_561 = arith.constant 16 : index
          %swap3A_562 = tpu.vector_load %arg12[%swap3A_560, %swap3A_561] {strides = array<i32>} : memref<112x128xf32, #tpu.memory_space<vmem>>, vector<16xf32>,
          tpu.vector_store %arg12[%swap3A_560, %swap3A_561], %mul3A_559 {strides = array<i32>} : memref<112x128xf32, #tpu.memory_space<vmem>>, vector<16xf32>,
          %get3A_563 = arith.index_cast %add3A_545 : i32 to index
          %get3A_564 = arith.constant 16 : index
          %get3A_565 = tpu.vector_load %arg10[%get3A_563, %get3A_564] {strides = array<i32>} : memref<112x64xi32, #tpu.memory_space<vmem>>, vector<16xi32>,
          %shift_left3A_566 = arith.shli %get3A_565, %broadcast_in_dim3A_21 : vector<16xi32>
          %bitcast3A_567 = vector.bitcast %shift_left3A_566 : vector<16xi32> to vector<16xf32>
          %and3A_568 = arith.andi %get3A_565, %broadcast_in_dim3A_19 : vector<16xi32>
          %bitcast3A_569 = vector.bitcast %and3A_568 : vector<16xi32> to vector<16xf32>
          %mul3A_570 = vector.broadcast %squeeze3A_543 : f32 to vector<16xf32>
          %mul3A_571 = arith.mulf %bitcast3A_567, %mul3A_570 : vector<16xf32>
          %swap3A_572 = arith.index_cast %add3A_545 : i32 to index
          %swap3A_573 = arith.constant 32 : index
          %swap3A_574 = tpu.vector_load %arg12[%swap3A_572, %swap3A_573] {strides = array<i32>} : memref<112x128xf32, #tpu.memory_space<vmem>>, vector<16xf32>,
          tpu.vector_store %arg12[%swap3A_572, %swap3A_573], %mul3A_571 {strides = array<i32>} : memref<112x128xf32, #tpu.memory_space<vmem>>, vector<16xf32>,
          %mul3A_575 = vector.broadcast %squeeze3A_543 : f32 to vector<16xf32>
          %mul3A_576 = arith.mulf %bitcast3A_569, %mul3A_575 : vector<16xf32>
          %swap3A_577 = arith.index_cast %add3A_545 : i32 to index
          %swap3A_578 = arith.constant 48 : index
          %swap3A_579 = tpu.vector_load %arg12[%swap3A_577, %swap3A_578] {strides = array<i32>} : memref<112x128xf32, #tpu.memory_space<vmem>>, vector<16xf32>,
          tpu.vector_store %arg12[%swap3A_577, %swap3A_578], %mul3A_576 {strides = array<i32>} : memref<112x128xf32, #tpu.memory_space<vmem>>, vector<16xf32>,
          %get3A_580 = arith.index_cast %add3A_545 : i32 to index
          %get3A_581 = arith.constant 32 : index
          %get3A_582 = tpu.vector_load %arg10[%get3A_580, %get3A_581] {strides = array<i32>} : memref<112x64xi32, #tpu.memory_space<vmem>>, vector<16xi32>,
          %shift_left3A_583 = arith.shli %get3A_582, %broadcast_in_dim3A_21 : vector<16xi32>
          %bitcast3A_584 = vector.bitcast %shift_left3A_583 : vector<16xi32> to vector<16xf32>
          %and3A_585 = arith.andi %get3A_582, %broadcast_in_dim3A_19 : vector<16xi32>
          %bitcast3A_586 = vector.bitcast %and3A_585 : vector<16xi32> to vector<16xf32>
          %mul3A_587 = vector.broadcast %squeeze3A_543 : f32 to vector<16xf32>
          %mul3A_588 = arith.mulf %bitcast3A_584, %mul3A_587 : vector<16xf32>
          %swap3A_589 = arith.index_cast %add3A_545 : i32 to index
          %swap3A_590 = arith.constant 64 : index
          %swap3A_591 = tpu.vector_load %arg12[%swap3A_589, %swap3A_590] {strides = array<i32>} : memref<112x128xf32, #tpu.memory_space<vmem>>, vector<16xf32>,
          tpu.vector_store %arg12[%swap3A_589, %swap3A_590], %mul3A_588 {strides = array<i32>} : memref<112x128xf32, #tpu.memory_space<vmem>>, vector<16xf32>,
          %mul3A_592 = vector.broadcast %squeeze3A_543 : f32 to vector<16xf32>
          %mul3A_593 = arith.mulf %bitcast3A_586, %mul3A_592 : vector<16xf32>
          %swap3A_594 = arith.index_cast %add3A_545 : i32 to index
          %swap3A_595 = arith.constant 80 : index
          %swap3A_596 = tpu.vector_load %arg12[%swap3A_594, %swap3A_595] {strides = array<i32>} : memref<112x128xf32, #tpu.memory_space<vmem>>, vector<16xf32>,
          tpu.vector_store %arg12[%swap3A_594, %swap3A_595], %mul3A_593 {strides = array<i32>} : memref<112x128xf32, #tpu.memory_space<vmem>>, vector<16xf32>,
          %get3A_597 = arith.index_cast %add3A_545 : i32 to index
          %get3A_598 = arith.constant 48 : index
          %get3A_599 = tpu.vector_load %arg10[%get3A_597, %get3A_598] {strides = array<i32>} : memref<112x64xi32, #tpu.memory_space<vmem>>, vector<16xi32>,
          %shift_left3A_600 = arith.shli %get3A_599, %broadcast_in_dim3A_21 : vector<16xi32>
          %bitcast3A_601 = vector.bitcast %shift_left3A_600 : vector<16xi32> to vector<16xf32>
          %and3A_602 = arith.andi %get3A_599, %broadcast_in_dim3A_19 : vector<16xi32>
          %bitcast3A_603 = vector.bitcast %and3A_602 : vector<16xi32> to vector<16xf32>
          %mul3A_604 = vector.broadcast %squeeze3A_543 : f32 to vector<16xf32>
          %mul3A_605 = arith.mulf %bitcast3A_601, %mul3A_604 : vector<16xf32>
          %swap3A_606 = arith.index_cast %add3A_545 : i32 to index
          %swap3A_607 = arith.constant 96 : index
          %swap3A_608 = tpu.vector_load %arg12[%swap3A_606, %swap3A_607] {strides = array<i32>} : memref<112x128xf32, #tpu.memory_space<vmem>>, vector<16xf32>,
          tpu.vector_store %arg12[%swap3A_606, %swap3A_607], %mul3A_605 {strides = array<i32>} : memref<112x128xf32, #tpu.memory_space<vmem>>, vector<16xf32>,
          %mul3A_609 = vector.broadcast %squeeze3A_543 : f32 to vector<16xf32>
          %mul3A_610 = arith.mulf %bitcast3A_603, %mul3A_609 : vector<16xf32>
          %swap3A_611 = arith.index_cast %add3A_545 : i32 to index
          %swap3A_612 = arith.constant 112 : index
          %swap3A_613 = tpu.vector_load %arg12[%swap3A_611, %swap3A_612] {strides = array<i32>} : memref<112x128xf32, #tpu.memory_space<vmem>>, vector<16xf32>,
          tpu.vector_store %arg12[%swap3A_611, %swap3A_612], %mul3A_610 {strides = array<i32>} : memref<112x128xf32, #tpu.memory_space<vmem>>, vector<16xf32>,
          %slice3A_614 = vector.extract_strided_slice %get3A_113 {offsets = [7], sizes = [1], strides = [1]} : vector<16xf32> to vector<1xf32>
          %squeeze3A_615 = vector.extract %slice3A_614[0] : f32 from vector<1xf32>
          %add3A_616 = arith.constant 7 : i32
          %add3A_617 = arith.addi %mul3A_115, %add3A_616 : i32
          %get3A_618 = arith.index_cast %add3A_617 : i32 to index
          %get3A_619 = arith.constant 0 : index
          %get3A_620 = tpu.vector_load %arg10[%get3A_618, %get3A_619] {strides = array<i32>} : memref<112x64xi32, #tpu.memory_space<vmem>>, vector<16xi32>,
          %shift_left3A_621 = arith.shli %get3A_620, %broadcast_in_dim3A_21 : vector<16xi32>
          %bitcast3A_622 = vector.bitcast %shift_left3A_621 : vector<16xi32> to vector<16xf32>
          %and3A_623 = arith.andi %get3A_620, %broadcast_in_dim3A_19 : vector<16xi32>
          %bitcast3A_624 = vector.bitcast %and3A_623 : vector<16xi32> to vector<16xf32>
          %mul3A_625 = vector.broadcast %squeeze3A_615 : f32 to vector<16xf32>
          %mul3A_626 = arith.mulf %bitcast3A_622, %mul3A_625 : vector<16xf32>
          %swap3A_627 = arith.index_cast %add3A_617 : i32 to index
          %swap3A_628 = arith.constant 0 : index
          %swap3A_629 = tpu.vector_load %arg12[%swap3A_627, %swap3A_628] {strides = array<i32>} : memref<112x128xf32, #tpu.memory_space<vmem>>, vector<16xf32>,
          tpu.vector_store %arg12[%swap3A_627, %swap3A_628], %mul3A_626 {strides = array<i32>} : memref<112x128xf32, #tpu.memory_space<vmem>>, vector<16xf32>,
          %mul3A_630 = vector.broadcast %squeeze3A_615 : f32 to vector<16xf32>
          %mul3A_631 = arith.mulf %bitcast3A_624, %mul3A_630 : vector<16xf32>
          %swap3A_632 = arith.index_cast %add3A_617 : i32 to index
          %swap3A_633 = arith.constant 16 : index
          %swap3A_634 = tpu.vector_load %arg12[%swap3A_632, %swap3A_633] {strides = array<i32>} : memref<112x128xf32, #tpu.memory_space<vmem>>, vector<16xf32>,
          tpu.vector_store %arg12[%swap3A_632, %swap3A_633], %mul3A_631 {strides = array<i32>} : memref<112x128xf32, #tpu.memory_space<vmem>>, vector<16xf32>,
          %get3A_635 = arith.index_cast %add3A_617 : i32 to index
          %get3A_636 = arith.constant 16 : index
          %get3A_637 = tpu.vector_load %arg10[%get3A_635, %get3A_636] {strides = array<i32>} : memref<112x64xi32, #tpu.memory_space<vmem>>, vector<16xi32>,
          %shift_left3A_638 = arith.shli %get3A_637, %broadcast_in_dim3A_21 : vector<16xi32>
          %bitcast3A_639 = vector.bitcast %shift_left3A_638 : vector<16xi32> to vector<16xf32>
          %and3A_640 = arith.andi %get3A_637, %broadcast_in_dim3A_19 : vector<16xi32>
          %bitcast3A_641 = vector.bitcast %and3A_640 : vector<16xi32> to vector<16xf32>
          %mul3A_642 = vector.broadcast %squeeze3A_615 : f32 to vector<16xf32>
          %mul3A_643 = arith.mulf %bitcast3A_639, %mul3A_642 : vector<16xf32>
          %swap3A_644 = arith.index_cast %add3A_617 : i32 to index
          %swap3A_645 = arith.constant 32 : index
          %swap3A_646 = tpu.vector_load %arg12[%swap3A_644, %swap3A_645] {strides = array<i32>} : memref<112x128xf32, #tpu.memory_space<vmem>>, vector<16xf32>,
          tpu.vector_store %arg12[%swap3A_644, %swap3A_645], %mul3A_643 {strides = array<i32>} : memref<112x128xf32, #tpu.memory_space<vmem>>, vector<16xf32>,
          %mul3A_647 = vector.broadcast %squeeze3A_615 : f32 to vector<16xf32>
          %mul3A_648 = arith.mulf %bitcast3A_641, %mul3A_647 : vector<16xf32>
          %swap3A_649 = arith.index_cast %add3A_617 : i32 to index
          %swap3A_650 = arith.constant 48 : index
          %swap3A_651 = tpu.vector_load %arg12[%swap3A_649, %swap3A_650] {strides = array<i32>} : memref<112x128xf32, #tpu.memory_space<vmem>>, vector<16xf32>,
          tpu.vector_store %arg12[%swap3A_649, %swap3A_650], %mul3A_648 {strides = array<i32>} : memref<112x128xf32, #tpu.memory_space<vmem>>, vector<16xf32>,
          %get3A_652 = arith.index_cast %add3A_617 : i32 to index
          %get3A_653 = arith.constant 32 : index
          %get3A_654 = tpu.vector_load %arg10[%get3A_652, %get3A_653] {strides = array<i32>} : memref<112x64xi32, #tpu.memory_space<vmem>>, vector<16xi32>,
          %shift_left3A_655 = arith.shli %get3A_654, %broadcast_in_dim3A_21 : vector<16xi32>
          %bitcast3A_656 = vector.bitcast %shift_left3A_655 : vector<16xi32> to vector<16xf32>
          %and3A_657 = arith.andi %get3A_654, %broadcast_in_dim3A_19 : vector<16xi32>
          %bitcast3A_658 = vector.bitcast %and3A_657 : vector<16xi32> to vector<16xf32>
          %mul3A_659 = vector.broadcast %squeeze3A_615 : f32 to vector<16xf32>
          %mul3A_660 = arith.mulf %bitcast3A_656, %mul3A_659 : vector<16xf32>
          %swap3A_661 = arith.index_cast %add3A_617 : i32 to index
          %swap3A_662 = arith.constant 64 : index
          %swap3A_663 = tpu.vector_load %arg12[%swap3A_661, %swap3A_662] {strides = array<i32>} : memref<112x128xf32, #tpu.memory_space<vmem>>, vector<16xf32>,
          tpu.vector_store %arg12[%swap3A_661, %swap3A_662], %mul3A_660 {strides = array<i32>} : memref<112x128xf32, #tpu.memory_space<vmem>>, vector<16xf32>,
          %mul3A_664 = vector.broadcast %squeeze3A_615 : f32 to vector<16xf32>
          %mul3A_665 = arith.mulf %bitcast3A_658, %mul3A_664 : vector<16xf32>
          %swap3A_666 = arith.index_cast %add3A_617 : i32 to index
          %swap3A_667 = arith.constant 80 : index
          %swap3A_668 = tpu.vector_load %arg12[%swap3A_666, %swap3A_667] {strides = array<i32>} : memref<112x128xf32, #tpu.memory_space<vmem>>, vector<16xf32>,
          tpu.vector_store %arg12[%swap3A_666, %swap3A_667], %mul3A_665 {strides = array<i32>} : memref<112x128xf32, #tpu.memory_space<vmem>>, vector<16xf32>,
          %get3A_669 = arith.index_cast %add3A_617 : i32 to index
          %get3A_670 = arith.constant 48 : index
          %get3A_671 = tpu.vector_load %arg10[%get3A_669, %get3A_670] {strides = array<i32>} : memref<112x64xi32, #tpu.memory_space<vmem>>, vector<16xi32>,
          %shift_left3A_672 = arith.shli %get3A_671, %broadcast_in_dim3A_21 : vector<16xi32>
          %bitcast3A_673 = vector.bitcast %shift_left3A_672 : vector<16xi32> to vector<16xf32>
          %and3A_674 = arith.andi %get3A_671, %broadcast_in_dim3A_19 : vector<16xi32>
          %bitcast3A_675 = vector.bitcast %and3A_674 : vector<16xi32> to vector<16xf32>
          %mul3A_676 = vector.broadcast %squeeze3A_615 : f32 to vector<16xf32>
          %mul3A_677 = arith.mulf %bitcast3A_673, %mul3A_676 : vector<16xf32>
          %swap3A_678 = arith.index_cast %add3A_617 : i32 to index
          %swap3A_679 = arith.constant 96 : index
          %swap3A_680 = tpu.vector_load %arg12[%swap3A_678, %swap3A_679] {strides = array<i32>} : memref<112x128xf32, #tpu.memory_space<vmem>>, vector<16xf32>,
          tpu.vector_store %arg12[%swap3A_678, %swap3A_679], %mul3A_677 {strides = array<i32>} : memref<112x128xf32, #tpu.memory_space<vmem>>, vector<16xf32>,
          %mul3A_681 = vector.broadcast %squeeze3A_615 : f32 to vector<16xf32>
          %mul3A_682 = arith.mulf %bitcast3A_675, %mul3A_681 : vector<16xf32>
          %swap3A_683 = arith.index_cast %add3A_617 : i32 to index
          %swap3A_684 = arith.constant 112 : index
          %swap3A_685 = tpu.vector_load %arg12[%swap3A_683, %swap3A_684] {strides = array<i32>} : memref<112x128xf32, #tpu.memory_space<vmem>>, vector<16xf32>,
          tpu.vector_store %arg12[%swap3A_683, %swap3A_684], %mul3A_682 {strides = array<i32>} : memref<112x128xf32, #tpu.memory_space<vmem>>, vector<16xf32>,
          %slice3A_686 = vector.extract_strided_slice %get3A_113 {offsets = [8], sizes = [1], strides = [1]} : vector<16xf32> to vector<1xf32>
          %squeeze3A_687 = vector.extract %slice3A_686[0] : f32 from vector<1xf32>
          %add3A_688 = arith.constant 8 : i32
          %add3A_689 = arith.addi %mul3A_115, %add3A_688 : i32
          %get3A_690 = arith.index_cast %add3A_689 : i32 to index
          %get3A_691 = arith.constant 0 : index
          %get3A_692 = tpu.vector_load %arg10[%get3A_690, %get3A_691] {strides = array<i32>} : memref<112x64xi32, #tpu.memory_space<vmem>>, vector<16xi32>,
          %shift_left3A_693 = arith.shli %get3A_692, %broadcast_in_dim3A_21 : vector<16xi32>
          %bitcast3A_694 = vector.bitcast %shift_left3A_693 : vector<16xi32> to vector<16xf32>
          %and3A_695 = arith.andi %get3A_692, %broadcast_in_dim3A_19 : vector<16xi32>
          %bitcast3A_696 = vector.bitcast %and3A_695 : vector<16xi32> to vector<16xf32>
          %mul3A_697 = vector.broadcast %squeeze3A_687 : f32 to vector<16xf32>
          %mul3A_698 = arith.mulf %bitcast3A_694, %mul3A_697 : vector<16xf32>
          %swap3A_699 = arith.index_cast %add3A_689 : i32 to index
          %swap3A_700 = arith.constant 0 : index
          %swap3A_701 = tpu.vector_load %arg12[%swap3A_699, %swap3A_700] {strides = array<i32>} : memref<112x128xf32, #tpu.memory_space<vmem>>, vector<16xf32>,
          tpu.vector_store %arg12[%swap3A_699, %swap3A_700], %mul3A_698 {strides = array<i32>} : memref<112x128xf32, #tpu.memory_space<vmem>>, vector<16xf32>,
          %mul3A_702 = vector.broadcast %squeeze3A_687 : f32 to vector<16xf32>
          %mul3A_703 = arith.mulf %bitcast3A_696, %mul3A_702 : vector<16xf32>
          %swap3A_704 = arith.index_cast %add3A_689 : i32 to index
          %swap3A_705 = arith.constant 16 : index
          %swap3A_706 = tpu.vector_load %arg12[%swap3A_704, %swap3A_705] {strides = array<i32>} : memref<112x128xf32, #tpu.memory_space<vmem>>, vector<16xf32>,
          tpu.vector_store %arg12[%swap3A_704, %swap3A_705], %mul3A_703 {strides = array<i32>} : memref<112x128xf32, #tpu.memory_space<vmem>>, vector<16xf32>,
          %get3A_707 = arith.index_cast %add3A_689 : i32 to index
          %get3A_708 = arith.constant 16 : index
          %get3A_709 = tpu.vector_load %arg10[%get3A_707, %get3A_708] {strides = array<i32>} : memref<112x64xi32, #tpu.memory_space<vmem>>, vector<16xi32>,
          %shift_left3A_710 = arith.shli %get3A_709, %broadcast_in_dim3A_21 : vector<16xi32>
          %bitcast3A_711 = vector.bitcast %shift_left3A_710 : vector<16xi32> to vector<16xf32>
          %and3A_712 = arith.andi %get3A_709, %broadcast_in_dim3A_19 : vector<16xi32>
          %bitcast3A_713 = vector.bitcast %and3A_712 : vector<16xi32> to vector<16xf32>
          %mul3A_714 = vector.broadcast %squeeze3A_687 : f32 to vector<16xf32>
          %mul3A_715 = arith.mulf %bitcast3A_711, %mul3A_714 : vector<16xf32>
          %swap3A_716 = arith.index_cast %add3A_689 : i32 to index
          %swap3A_717 = arith.constant 32 : index
          %swap3A_718 = tpu.vector_load %arg12[%swap3A_716, %swap3A_717] {strides = array<i32>} : memref<112x128xf32, #tpu.memory_space<vmem>>, vector<16xf32>,
          tpu.vector_store %arg12[%swap3A_716, %swap3A_717], %mul3A_715 {strides = array<i32>} : memref<112x128xf32, #tpu.memory_space<vmem>>, vector<16xf32>,
          %mul3A_719 = vector.broadcast %squeeze3A_687 : f32 to vector<16xf32>
          %mul3A_720 = arith.mulf %bitcast3A_713, %mul3A_719 : vector<16xf32>
          %swap3A_721 = arith.index_cast %add3A_689 : i32 to index
          %swap3A_722 = arith.constant 48 : index
          %swap3A_723 = tpu.vector_load %arg12[%swap3A_721, %swap3A_722] {strides = array<i32>} : memref<112x128xf32, #tpu.memory_space<vmem>>, vector<16xf32>,
          tpu.vector_store %arg12[%swap3A_721, %swap3A_722], %mul3A_720 {strides = array<i32>} : memref<112x128xf32, #tpu.memory_space<vmem>>, vector<16xf32>,
          %get3A_724 = arith.index_cast %add3A_689 : i32 to index
          %get3A_725 = arith.constant 32 : index
          %get3A_726 = tpu.vector_load %arg10[%get3A_724, %get3A_725] {strides = array<i32>} : memref<112x64xi32, #tpu.memory_space<vmem>>, vector<16xi32>,
          %shift_left3A_727 = arith.shli %get3A_726, %broadcast_in_dim3A_21 : vector<16xi32>
          %bitcast3A_728 = vector.bitcast %shift_left3A_727 : vector<16xi32> to vector<16xf32>
          %and3A_729 = arith.andi %get3A_726, %broadcast_in_dim3A_19 : vector<16xi32>
          %bitcast3A_730 = vector.bitcast %and3A_729 : vector<16xi32> to vector<16xf32>
          %mul3A_731 = vector.broadcast %squeeze3A_687 : f32 to vector<16xf32>
          %mul3A_732 = arith.mulf %bitcast3A_728, %mul3A_731 : vector<16xf32>
          %swap3A_733 = arith.index_cast %add3A_689 : i32 to index
          %swap3A_734 = arith.constant 64 : index
          %swap3A_735 = tpu.vector_load %arg12[%swap3A_733, %swap3A_734] {strides = array<i32>} : memref<112x128xf32, #tpu.memory_space<vmem>>, vector<16xf32>,
          tpu.vector_store %arg12[%swap3A_733, %swap3A_734], %mul3A_732 {strides = array<i32>} : memref<112x128xf32, #tpu.memory_space<vmem>>, vector<16xf32>,
          %mul3A_736 = vector.broadcast %squeeze3A_687 : f32 to vector<16xf32>
          %mul3A_737 = arith.mulf %bitcast3A_730, %mul3A_736 : vector<16xf32>
          %swap3A_738 = arith.index_cast %add3A_689 : i32 to index
          %swap3A_739 = arith.constant 80 : index
          %swap3A_740 = tpu.vector_load %arg12[%swap3A_738, %swap3A_739] {strides = array<i32>} : memref<112x128xf32, #tpu.memory_space<vmem>>, vector<16xf32>,
          tpu.vector_store %arg12[%swap3A_738, %swap3A_739], %mul3A_737 {strides = array<i32>} : memref<112x128xf32, #tpu.memory_space<vmem>>, vector<16xf32>,
          %get3A_741 = arith.index_cast %add3A_689 : i32 to index
          %get3A_742 = arith.constant 48 : index
          %get3A_743 = tpu.vector_load %arg10[%get3A_741, %get3A_742] {strides = array<i32>} : memref<112x64xi32, #tpu.memory_space<vmem>>, vector<16xi32>,
          %shift_left3A_744 = arith.shli %get3A_743, %broadcast_in_dim3A_21 : vector<16xi32>
          %bitcast3A_745 = vector.bitcast %shift_left3A_744 : vector<16xi32> to vector<16xf32>
          %and3A_746 = arith.andi %get3A_743, %broadcast_in_dim3A_19 : vector<16xi32>
          %bitcast3A_747 = vector.bitcast %and3A_746 : vector<16xi32> to vector<16xf32>
          %mul3A_748 = vector.broadcast %squeeze3A_687 : f32 to vector<16xf32>
          %mul3A_749 = arith.mulf %bitcast3A_745, %mul3A_748 : vector<16xf32>
          %swap3A_750 = arith.index_cast %add3A_689 : i32 to index
          %swap3A_751 = arith.constant 96 : index
          %swap3A_752 = tpu.vector_load %arg12[%swap3A_750, %swap3A_751] {strides = array<i32>} : memref<112x128xf32, #tpu.memory_space<vmem>>, vector<16xf32>,
          tpu.vector_store %arg12[%swap3A_750, %swap3A_751], %mul3A_749 {strides = array<i32>} : memref<112x128xf32, #tpu.memory_space<vmem>>, vector<16xf32>,
          %mul3A_753 = vector.broadcast %squeeze3A_687 : f32 to vector<16xf32>
          %mul3A_754 = arith.mulf %bitcast3A_747, %mul3A_753 : vector<16xf32>
          %swap3A_755 = arith.index_cast %add3A_689 : i32 to index
          %swap3A_756 = arith.constant 112 : index
          %swap3A_757 = tpu.vector_load %arg12[%swap3A_755, %swap3A_756] {strides = array<i32>} : memref<112x128xf32, #tpu.memory_space<vmem>>, vector<16xf32>,
          tpu.vector_store %arg12[%swap3A_755, %swap3A_756], %mul3A_754 {strides = array<i32>} : memref<112x128xf32, #tpu.memory_space<vmem>>, vector<16xf32>,
          %slice3A_758 = vector.extract_strided_slice %get3A_113 {offsets = [9], sizes = [1], strides = [1]} : vector<16xf32> to vector<1xf32>
          %squeeze3A_759 = vector.extract %slice3A_758[0] : f32 from vector<1xf32>
          %add3A_760 = arith.constant 9 : i32
          %add3A_761 = arith.addi %mul3A_115, %add3A_760 : i32
          %get3A_762 = arith.index_cast %add3A_761 : i32 to index
          %get3A_763 = arith.constant 0 : index
          %get3A_764 = tpu.vector_load %arg10[%get3A_762, %get3A_763] {strides = array<i32>} : memref<112x64xi32, #tpu.memory_space<vmem>>, vector<16xi32>,
          %shift_left3A_765 = arith.shli %get3A_764, %broadcast_in_dim3A_21 : vector<16xi32>
          %bitcast3A_766 = vector.bitcast %shift_left3A_765 : vector<16xi32> to vector<16xf32>
          %and3A_767 = arith.andi %get3A_764, %broadcast_in_dim3A_19 : vector<16xi32>
          %bitcast3A_768 = vector.bitcast %and3A_767 : vector<16xi32> to vector<16xf32>
          %mul3A_769 = vector.broadcast %squeeze3A_759 : f32 to vector<16xf32>
          %mul3A_770 = arith.mulf %bitcast3A_766, %mul3A_769 : vector<16xf32>
          %swap3A_771 = arith.index_cast %add3A_761 : i32 to index
          %swap3A_772 = arith.constant 0 : index
          %swap3A_773 = tpu.vector_load %arg12[%swap3A_771, %swap3A_772] {strides = array<i32>} : memref<112x128xf32, #tpu.memory_space<vmem>>, vector<16xf32>,
          tpu.vector_store %arg12[%swap3A_771, %swap3A_772], %mul3A_770 {strides = array<i32>} : memref<112x128xf32, #tpu.memory_space<vmem>>, vector<16xf32>,
          %mul3A_774 = vector.broadcast %squeeze3A_759 : f32 to vector<16xf32>
          %mul3A_775 = arith.mulf %bitcast3A_768, %mul3A_774 : vector<16xf32>
          %swap3A_776 = arith.index_cast %add3A_761 : i32 to index
          %swap3A_777 = arith.constant 16 : index
          %swap3A_778 = tpu.vector_load %arg12[%swap3A_776, %swap3A_777] {strides = array<i32>} : memref<112x128xf32, #tpu.memory_space<vmem>>, vector<16xf32>,
          tpu.vector_store %arg12[%swap3A_776, %swap3A_777], %mul3A_775 {strides = array<i32>} : memref<112x128xf32, #tpu.memory_space<vmem>>, vector<16xf32>,
          %get3A_779 = arith.index_cast %add3A_761 : i32 to index
          %get3A_780 = arith.constant 16 : index
          %get3A_781 = tpu.vector_load %arg10[%get3A_779, %get3A_780] {strides = array<i32>} : memref<112x64xi32, #tpu.memory_space<vmem>>, vector<16xi32>,
          %shift_left3A_782 = arith.shli %get3A_781, %broadcast_in_dim3A_21 : vector<16xi32>
          %bitcast3A_783 = vector.bitcast %shift_left3A_782 : vector<16xi32> to vector<16xf32>
          %and3A_784 = arith.andi %get3A_781, %broadcast_in_dim3A_19 : vector<16xi32>
          %bitcast3A_785 = vector.bitcast %and3A_784 : vector<16xi32> to vector<16xf32>
          %mul3A_786 = vector.broadcast %squeeze3A_759 : f32 to vector<16xf32>
          %mul3A_787 = arith.mulf %bitcast3A_783, %mul3A_786 : vector<16xf32>
          %swap3A_788 = arith.index_cast %add3A_761 : i32 to index
          %swap3A_789 = arith.constant 32 : index
          %swap3A_790 = tpu.vector_load %arg12[%swap3A_788, %swap3A_789] {strides = array<i32>} : memref<112x128xf32, #tpu.memory_space<vmem>>, vector<16xf32>,
          tpu.vector_store %arg12[%swap3A_788, %swap3A_789], %mul3A_787 {strides = array<i32>} : memref<112x128xf32, #tpu.memory_space<vmem>>, vector<16xf32>,
          %mul3A_791 = vector.broadcast %squeeze3A_759 : f32 to vector<16xf32>
          %mul3A_792 = arith.mulf %bitcast3A_785, %mul3A_791 : vector<16xf32>
          %swap3A_793 = arith.index_cast %add3A_761 : i32 to index
          %swap3A_794 = arith.constant 48 : index
          %swap3A_795 = tpu.vector_load %arg12[%swap3A_793, %swap3A_794] {strides = array<i32>} : memref<112x128xf32, #tpu.memory_space<vmem>>, vector<16xf32>,
          tpu.vector_store %arg12[%swap3A_793, %swap3A_794], %mul3A_792 {strides = array<i32>} : memref<112x128xf32, #tpu.memory_space<vmem>>, vector<16xf32>,
          %get3A_796 = arith.index_cast %add3A_761 : i32 to index
          %get3A_797 = arith.constant 32 : index
          %get3A_798 = tpu.vector_load %arg10[%get3A_796, %get3A_797] {strides = array<i32>} : memref<112x64xi32, #tpu.memory_space<vmem>>, vector<16xi32>,
          %shift_left3A_799 = arith.shli %get3A_798, %broadcast_in_dim3A_21 : vector<16xi32>
          %bitcast3A_800 = vector.bitcast %shift_left3A_799 : vector<16xi32> to vector<16xf32>
          %and3A_801 = arith.andi %get3A_798, %broadcast_in_dim3A_19 : vector<16xi32>
          %bitcast3A_802 = vector.bitcast %and3A_801 : vector<16xi32> to vector<16xf32>
          %mul3A_803 = vector.broadcast %squeeze3A_759 : f32 to vector<16xf32>
          %mul3A_804 = arith.mulf %bitcast3A_800, %mul3A_803 : vector<16xf32>
          %swap3A_805 = arith.index_cast %add3A_761 : i32 to index
          %swap3A_806 = arith.constant 64 : index
          %swap3A_807 = tpu.vector_load %arg12[%swap3A_805, %swap3A_806] {strides = array<i32>} : memref<112x128xf32, #tpu.memory_space<vmem>>, vector<16xf32>,
          tpu.vector_store %arg12[%swap3A_805, %swap3A_806], %mul3A_804 {strides = array<i32>} : memref<112x128xf32, #tpu.memory_space<vmem>>, vector<16xf32>,
          %mul3A_808 = vector.broadcast %squeeze3A_759 : f32 to vector<16xf32>
          %mul3A_809 = arith.mulf %bitcast3A_802, %mul3A_808 : vector<16xf32>
          %swap3A_810 = arith.index_cast %add3A_761 : i32 to index
          %swap3A_811 = arith.constant 80 : index
          %swap3A_812 = tpu.vector_load %arg12[%swap3A_810, %swap3A_811] {strides = array<i32>} : memref<112x128xf32, #tpu.memory_space<vmem>>, vector<16xf32>,
          tpu.vector_store %arg12[%swap3A_810, %swap3A_811], %mul3A_809 {strides = array<i32>} : memref<112x128xf32, #tpu.memory_space<vmem>>, vector<16xf32>,
          %get3A_813 = arith.index_cast %add3A_761 : i32 to index
          %get3A_814 = arith.constant 48 : index
          %get3A_815 = tpu.vector_load %arg10[%get3A_813, %get3A_814] {strides = array<i32>} : memref<112x64xi32, #tpu.memory_space<vmem>>, vector<16xi32>,
          %shift_left3A_816 = arith.shli %get3A_815, %broadcast_in_dim3A_21 : vector<16xi32>
          %bitcast3A_817 = vector.bitcast %shift_left3A_816 : vector<16xi32> to vector<16xf32>
          %and3A_818 = arith.andi %get3A_815, %broadcast_in_dim3A_19 : vector<16xi32>
          %bitcast3A_819 = vector.bitcast %and3A_818 : vector<16xi32> to vector<16xf32>
          %mul3A_820 = vector.broadcast %squeeze3A_759 : f32 to vector<16xf32>
          %mul3A_821 = arith.mulf %bitcast3A_817, %mul3A_820 : vector<16xf32>
          %swap3A_822 = arith.index_cast %add3A_761 : i32 to index
          %swap3A_823 = arith.constant 96 : index
          %swap3A_824 = tpu.vector_load %arg12[%swap3A_822, %swap3A_823] {strides = array<i32>} : memref<112x128xf32, #tpu.memory_space<vmem>>, vector<16xf32>,
          tpu.vector_store %arg12[%swap3A_822, %swap3A_823], %mul3A_821 {strides = array<i32>} : memref<112x128xf32, #tpu.memory_space<vmem>>, vector<16xf32>,
          %mul3A_825 = vector.broadcast %squeeze3A_759 : f32 to vector<16xf32>
          %mul3A_826 = arith.mulf %bitcast3A_819, %mul3A_825 : vector<16xf32>
          %swap3A_827 = arith.index_cast %add3A_761 : i32 to index
          %swap3A_828 = arith.constant 112 : index
          %swap3A_829 = tpu.vector_load %arg12[%swap3A_827, %swap3A_828] {strides = array<i32>} : memref<112x128xf32, #tpu.memory_space<vmem>>, vector<16xf32>,
          tpu.vector_store %arg12[%swap3A_827, %swap3A_828], %mul3A_826 {strides = array<i32>} : memref<112x128xf32, #tpu.memory_space<vmem>>, vector<16xf32>,
          %slice3A_830 = vector.extract_strided_slice %get3A_113 {offsets = [10], sizes = [1], strides = [1]} : vector<16xf32> to vector<1xf32>
          %squeeze3A_831 = vector.extract %slice3A_830[0] : f32 from vector<1xf32>
          %add3A_832 = arith.constant 10 : i32
          %add3A_833 = arith.addi %mul3A_115, %add3A_832 : i32
          %get3A_834 = arith.index_cast %add3A_833 : i32 to index
          %get3A_835 = arith.constant 0 : index
          %get3A_836 = tpu.vector_load %arg10[%get3A_834, %get3A_835] {strides = array<i32>} : memref<112x64xi32, #tpu.memory_space<vmem>>, vector<16xi32>,
          %shift_left3A_837 = arith.shli %get3A_836, %broadcast_in_dim3A_21 : vector<16xi32>
          %bitcast3A_838 = vector.bitcast %shift_left3A_837 : vector<16xi32> to vector<16xf32>
          %and3A_839 = arith.andi %get3A_836, %broadcast_in_dim3A_19 : vector<16xi32>
          %bitcast3A_840 = vector.bitcast %and3A_839 : vector<16xi32> to vector<16xf32>
          %mul3A_841 = vector.broadcast %squeeze3A_831 : f32 to vector<16xf32>
          %mul3A_842 = arith.mulf %bitcast3A_838, %mul3A_841 : vector<16xf32>
          %swap3A_843 = arith.index_cast %add3A_833 : i32 to index
          %swap3A_844 = arith.constant 0 : index
          %swap3A_845 = tpu.vector_load %arg12[%swap3A_843, %swap3A_844] {strides = array<i32>} : memref<112x128xf32, #tpu.memory_space<vmem>>, vector<16xf32>,
          tpu.vector_store %arg12[%swap3A_843, %swap3A_844], %mul3A_842 {strides = array<i32>} : memref<112x128xf32, #tpu.memory_space<vmem>>, vector<16xf32>,
          %mul3A_846 = vector.broadcast %squeeze3A_831 : f32 to vector<16xf32>
          %mul3A_847 = arith.mulf %bitcast3A_840, %mul3A_846 : vector<16xf32>
          %swap3A_848 = arith.index_cast %add3A_833 : i32 to index
          %swap3A_849 = arith.constant 16 : index
          %swap3A_850 = tpu.vector_load %arg12[%swap3A_848, %swap3A_849] {strides = array<i32>} : memref<112x128xf32, #tpu.memory_space<vmem>>, vector<16xf32>,
          tpu.vector_store %arg12[%swap3A_848, %swap3A_849], %mul3A_847 {strides = array<i32>} : memref<112x128xf32, #tpu.memory_space<vmem>>, vector<16xf32>,
          %get3A_851 = arith.index_cast %add3A_833 : i32 to index
          %get3A_852 = arith.constant 16 : index
          %get3A_853 = tpu.vector_load %arg10[%get3A_851, %get3A_852] {strides = array<i32>} : memref<112x64xi32, #tpu.memory_space<vmem>>, vector<16xi32>,
          %shift_left3A_854 = arith.shli %get3A_853, %broadcast_in_dim3A_21 : vector<16xi32>
          %bitcast3A_855 = vector.bitcast %shift_left3A_854 : vector<16xi32> to vector<16xf32>
          %and3A_856 = arith.andi %get3A_853, %broadcast_in_dim3A_19 : vector<16xi32>
          %bitcast3A_857 = vector.bitcast %and3A_856 : vector<16xi32> to vector<16xf32>
          %mul3A_858 = vector.broadcast %squeeze3A_831 : f32 to vector<16xf32>
          %mul3A_859 = arith.mulf %bitcast3A_855, %mul3A_858 : vector<16xf32>
          %swap3A_860 = arith.index_cast %add3A_833 : i32 to index
          %swap3A_861 = arith.constant 32 : index
          %swap3A_862 = tpu.vector_load %arg12[%swap3A_860, %swap3A_861] {strides = array<i32>} : memref<112x128xf32, #tpu.memory_space<vmem>>, vector<16xf32>,
          tpu.vector_store %arg12[%swap3A_860, %swap3A_861], %mul3A_859 {strides = array<i32>} : memref<112x128xf32, #tpu.memory_space<vmem>>, vector<16xf32>,
          %mul3A_863 = vector.broadcast %squeeze3A_831 : f32 to vector<16xf32>
          %mul3A_864 = arith.mulf %bitcast3A_857, %mul3A_863 : vector<16xf32>
          %swap3A_865 = arith.index_cast %add3A_833 : i32 to index
          %swap3A_866 = arith.constant 48 : index
          %swap3A_867 = tpu.vector_load %arg12[%swap3A_865, %swap3A_866] {strides = array<i32>} : memref<112x128xf32, #tpu.memory_space<vmem>>, vector<16xf32>,
          tpu.vector_store %arg12[%swap3A_865, %swap3A_866], %mul3A_864 {strides = array<i32>} : memref<112x128xf32, #tpu.memory_space<vmem>>, vector<16xf32>,
          %get3A_868 = arith.index_cast %add3A_833 : i32 to index
          %get3A_869 = arith.constant 32 : index
          %get3A_870 = tpu.vector_load %arg10[%get3A_868, %get3A_869] {strides = array<i32>} : memref<112x64xi32, #tpu.memory_space<vmem>>, vector<16xi32>,
          %shift_left3A_871 = arith.shli %get3A_870, %broadcast_in_dim3A_21 : vector<16xi32>
          %bitcast3A_872 = vector.bitcast %shift_left3A_871 : vector<16xi32> to vector<16xf32>
          %and3A_873 = arith.andi %get3A_870, %broadcast_in_dim3A_19 : vector<16xi32>
          %bitcast3A_874 = vector.bitcast %and3A_873 : vector<16xi32> to vector<16xf32>
          %mul3A_875 = vector.broadcast %squeeze3A_831 : f32 to vector<16xf32>
          %mul3A_876 = arith.mulf %bitcast3A_872, %mul3A_875 : vector<16xf32>
          %swap3A_877 = arith.index_cast %add3A_833 : i32 to index
          %swap3A_878 = arith.constant 64 : index
          %swap3A_879 = tpu.vector_load %arg12[%swap3A_877, %swap3A_878] {strides = array<i32>} : memref<112x128xf32, #tpu.memory_space<vmem>>, vector<16xf32>,
          tpu.vector_store %arg12[%swap3A_877, %swap3A_878], %mul3A_876 {strides = array<i32>} : memref<112x128xf32, #tpu.memory_space<vmem>>, vector<16xf32>,
          %mul3A_880 = vector.broadcast %squeeze3A_831 : f32 to vector<16xf32>
          %mul3A_881 = arith.mulf %bitcast3A_874, %mul3A_880 : vector<16xf32>
          %swap3A_882 = arith.index_cast %add3A_833 : i32 to index
          %swap3A_883 = arith.constant 80 : index
          %swap3A_884 = tpu.vector_load %arg12[%swap3A_882, %swap3A_883] {strides = array<i32>} : memref<112x128xf32, #tpu.memory_space<vmem>>, vector<16xf32>,
          tpu.vector_store %arg12[%swap3A_882, %swap3A_883], %mul3A_881 {strides = array<i32>} : memref<112x128xf32, #tpu.memory_space<vmem>>, vector<16xf32>,
          %get3A_885 = arith.index_cast %add3A_833 : i32 to index
          %get3A_886 = arith.constant 48 : index
          %get3A_887 = tpu.vector_load %arg10[%get3A_885, %get3A_886] {strides = array<i32>} : memref<112x64xi32, #tpu.memory_space<vmem>>, vector<16xi32>,
          %shift_left3A_888 = arith.shli %get3A_887, %broadcast_in_dim3A_21 : vector<16xi32>
          %bitcast3A_889 = vector.bitcast %shift_left3A_888 : vector<16xi32> to vector<16xf32>
          %and3A_890 = arith.andi %get3A_887, %broadcast_in_dim3A_19 : vector<16xi32>
          %bitcast3A_891 = vector.bitcast %and3A_890 : vector<16xi32> to vector<16xf32>
          %mul3A_892 = vector.broadcast %squeeze3A_831 : f32 to vector<16xf32>
          %mul3A_893 = arith.mulf %bitcast3A_889, %mul3A_892 : vector<16xf32>
          %swap3A_894 = arith.index_cast %add3A_833 : i32 to index
          %swap3A_895 = arith.constant 96 : index
          %swap3A_896 = tpu.vector_load %arg12[%swap3A_894, %swap3A_895] {strides = array<i32>} : memref<112x128xf32, #tpu.memory_space<vmem>>, vector<16xf32>,
          tpu.vector_store %arg12[%swap3A_894, %swap3A_895], %mul3A_893 {strides = array<i32>} : memref<112x128xf32, #tpu.memory_space<vmem>>, vector<16xf32>,
          %mul3A_897 = vector.broadcast %squeeze3A_831 : f32 to vector<16xf32>
          %mul3A_898 = arith.mulf %bitcast3A_891, %mul3A_897 : vector<16xf32>
          %swap3A_899 = arith.index_cast %add3A_833 : i32 to index
          %swap3A_900 = arith.constant 112 : index
          %swap3A_901 = tpu.vector_load %arg12[%swap3A_899, %swap3A_900] {strides = array<i32>} : memref<112x128xf32, #tpu.memory_space<vmem>>, vector<16xf32>,
          tpu.vector_store %arg12[%swap3A_899, %swap3A_900], %mul3A_898 {strides = array<i32>} : memref<112x128xf32, #tpu.memory_space<vmem>>, vector<16xf32>,
          %slice3A_902 = vector.extract_strided_slice %get3A_113 {offsets = [11], sizes = [1], strides = [1]} : vector<16xf32> to vector<1xf32>
          %squeeze3A_903 = vector.extract %slice3A_902[0] : f32 from vector<1xf32>
          %add3A_904 = arith.constant 11 : i32
          %add3A_905 = arith.addi %mul3A_115, %add3A_904 : i32
          %get3A_906 = arith.index_cast %add3A_905 : i32 to index
          %get3A_907 = arith.constant 0 : index
          %get3A_908 = tpu.vector_load %arg10[%get3A_906, %get3A_907] {strides = array<i32>} : memref<112x64xi32, #tpu.memory_space<vmem>>, vector<16xi32>,
          %shift_left3A_909 = arith.shli %get3A_908, %broadcast_in_dim3A_21 : vector<16xi32>
          %bitcast3A_910 = vector.bitcast %shift_left3A_909 : vector<16xi32> to vector<16xf32>
          %and3A_911 = arith.andi %get3A_908, %broadcast_in_dim3A_19 : vector<16xi32>
          %bitcast3A_912 = vector.bitcast %and3A_911 : vector<16xi32> to vector<16xf32>
          %mul3A_913 = vector.broadcast %squeeze3A_903 : f32 to vector<16xf32>
          %mul3A_914 = arith.mulf %bitcast3A_910, %mul3A_913 : vector<16xf32>
          %swap3A_915 = arith.index_cast %add3A_905 : i32 to index
          %swap3A_916 = arith.constant 0 : index
          %swap3A_917 = tpu.vector_load %arg12[%swap3A_915, %swap3A_916] {strides = array<i32>} : memref<112x128xf32, #tpu.memory_space<vmem>>, vector<16xf32>,
          tpu.vector_store %arg12[%swap3A_915, %swap3A_916], %mul3A_914 {strides = array<i32>} : memref<112x128xf32, #tpu.memory_space<vmem>>, vector<16xf32>,
          %mul3A_918 = vector.broadcast %squeeze3A_903 : f32 to vector<16xf32>
          %mul3A_919 = arith.mulf %bitcast3A_912, %mul3A_918 : vector<16xf32>
          %swap3A_920 = arith.index_cast %add3A_905 : i32 to index
          %swap3A_921 = arith.constant 16 : index
          %swap3A_922 = tpu.vector_load %arg12[%swap3A_920, %swap3A_921] {strides = array<i32>} : memref<112x128xf32, #tpu.memory_space<vmem>>, vector<16xf32>,
          tpu.vector_store %arg12[%swap3A_920, %swap3A_921], %mul3A_919 {strides = array<i32>} : memref<112x128xf32, #tpu.memory_space<vmem>>, vector<16xf32>,
          %get3A_923 = arith.index_cast %add3A_905 : i32 to index
          %get3A_924 = arith.constant 16 : index
          %get3A_925 = tpu.vector_load %arg10[%get3A_923, %get3A_924] {strides = array<i32>} : memref<112x64xi32, #tpu.memory_space<vmem>>, vector<16xi32>,
          %shift_left3A_926 = arith.shli %get3A_925, %broadcast_in_dim3A_21 : vector<16xi32>
          %bitcast3A_927 = vector.bitcast %shift_left3A_926 : vector<16xi32> to vector<16xf32>
          %and3A_928 = arith.andi %get3A_925, %broadcast_in_dim3A_19 : vector<16xi32>
          %bitcast3A_929 = vector.bitcast %and3A_928 : vector<16xi32> to vector<16xf32>
          %mul3A_930 = vector.broadcast %squeeze3A_903 : f32 to vector<16xf32>
          %mul3A_931 = arith.mulf %bitcast3A_927, %mul3A_930 : vector<16xf32>
          %swap3A_932 = arith.index_cast %add3A_905 : i32 to index
          %swap3A_933 = arith.constant 32 : index
          %swap3A_934 = tpu.vector_load %arg12[%swap3A_932, %swap3A_933] {strides = array<i32>} : memref<112x128xf32, #tpu.memory_space<vmem>>, vector<16xf32>,
          tpu.vector_store %arg12[%swap3A_932, %swap3A_933], %mul3A_931 {strides = array<i32>} : memref<112x128xf32, #tpu.memory_space<vmem>>, vector<16xf32>,
          %mul3A_935 = vector.broadcast %squeeze3A_903 : f32 to vector<16xf32>
          %mul3A_936 = arith.mulf %bitcast3A_929, %mul3A_935 : vector<16xf32>
          %swap3A_937 = arith.index_cast %add3A_905 : i32 to index
          %swap3A_938 = arith.constant 48 : index
          %swap3A_939 = tpu.vector_load %arg12[%swap3A_937, %swap3A_938] {strides = array<i32>} : memref<112x128xf32, #tpu.memory_space<vmem>>, vector<16xf32>,
          tpu.vector_store %arg12[%swap3A_937, %swap3A_938], %mul3A_936 {strides = array<i32>} : memref<112x128xf32, #tpu.memory_space<vmem>>, vector<16xf32>,
          %get3A_940 = arith.index_cast %add3A_905 : i32 to index
          %get3A_941 = arith.constant 32 : index
          %get3A_942 = tpu.vector_load %arg10[%get3A_940, %get3A_941] {strides = array<i32>} : memref<112x64xi32, #tpu.memory_space<vmem>>, vector<16xi32>,
          %shift_left3A_943 = arith.shli %get3A_942, %broadcast_in_dim3A_21 : vector<16xi32>
          %bitcast3A_944 = vector.bitcast %shift_left3A_943 : vector<16xi32> to vector<16xf32>
          %and3A_945 = arith.andi %get3A_942, %broadcast_in_dim3A_19 : vector<16xi32>
          %bitcast3A_946 = vector.bitcast %and3A_945 : vector<16xi32> to vector<16xf32>
          %mul3A_947 = vector.broadcast %squeeze3A_903 : f32 to vector<16xf32>
          %mul3A_948 = arith.mulf %bitcast3A_944, %mul3A_947 : vector<16xf32>
          %swap3A_949 = arith.index_cast %add3A_905 : i32 to index
          %swap3A_950 = arith.constant 64 : index
          %swap3A_951 = tpu.vector_load %arg12[%swap3A_949, %swap3A_950] {strides = array<i32>} : memref<112x128xf32, #tpu.memory_space<vmem>>, vector<16xf32>,
          tpu.vector_store %arg12[%swap3A_949, %swap3A_950], %mul3A_948 {strides = array<i32>} : memref<112x128xf32, #tpu.memory_space<vmem>>, vector<16xf32>,
          %mul3A_952 = vector.broadcast %squeeze3A_903 : f32 to vector<16xf32>
          %mul3A_953 = arith.mulf %bitcast3A_946, %mul3A_952 : vector<16xf32>
          %swap3A_954 = arith.index_cast %add3A_905 : i32 to index
          %swap3A_955 = arith.constant 80 : index
          %swap3A_956 = tpu.vector_load %arg12[%swap3A_954, %swap3A_955] {strides = array<i32>} : memref<112x128xf32, #tpu.memory_space<vmem>>, vector<16xf32>,
          tpu.vector_store %arg12[%swap3A_954, %swap3A_955], %mul3A_953 {strides = array<i32>} : memref<112x128xf32, #tpu.memory_space<vmem>>, vector<16xf32>,
          %get3A_957 = arith.index_cast %add3A_905 : i32 to index
          %get3A_958 = arith.constant 48 : index
          %get3A_959 = tpu.vector_load %arg10[%get3A_957, %get3A_958] {strides = array<i32>} : memref<112x64xi32, #tpu.memory_space<vmem>>, vector<16xi32>,
          %shift_left3A_960 = arith.shli %get3A_959, %broadcast_in_dim3A_21 : vector<16xi32>
          %bitcast3A_961 = vector.bitcast %shift_left3A_960 : vector<16xi32> to vector<16xf32>
          %and3A_962 = arith.andi %get3A_959, %broadcast_in_dim3A_19 : vector<16xi32>
          %bitcast3A_963 = vector.bitcast %and3A_962 : vector<16xi32> to vector<16xf32>
          %mul3A_964 = vector.broadcast %squeeze3A_903 : f32 to vector<16xf32>
          %mul3A_965 = arith.mulf %bitcast3A_961, %mul3A_964 : vector<16xf32>
          %swap3A_966 = arith.index_cast %add3A_905 : i32 to index
          %swap3A_967 = arith.constant 96 : index
          %swap3A_968 = tpu.vector_load %arg12[%swap3A_966, %swap3A_967] {strides = array<i32>} : memref<112x128xf32, #tpu.memory_space<vmem>>, vector<16xf32>,
          tpu.vector_store %arg12[%swap3A_966, %swap3A_967], %mul3A_965 {strides = array<i32>} : memref<112x128xf32, #tpu.memory_space<vmem>>, vector<16xf32>,
          %mul3A_969 = vector.broadcast %squeeze3A_903 : f32 to vector<16xf32>
          %mul3A_970 = arith.mulf %bitcast3A_963, %mul3A_969 : vector<16xf32>
          %swap3A_971 = arith.index_cast %add3A_905 : i32 to index
          %swap3A_972 = arith.constant 112 : index
          %swap3A_973 = tpu.vector_load %arg12[%swap3A_971, %swap3A_972] {strides = array<i32>} : memref<112x128xf32, #tpu.memory_space<vmem>>, vector<16xf32>,
          tpu.vector_store %arg12[%swap3A_971, %swap3A_972], %mul3A_970 {strides = array<i32>} : memref<112x128xf32, #tpu.memory_space<vmem>>, vector<16xf32>,
          %slice3A_974 = vector.extract_strided_slice %get3A_113 {offsets = [12], sizes = [1], strides = [1]} : vector<16xf32> to vector<1xf32>
          %squeeze3A_975 = vector.extract %slice3A_974[0] : f32 from vector<1xf32>
          %add3A_976 = arith.constant 12 : i32
          %add3A_977 = arith.addi %mul3A_115, %add3A_976 : i32
          %get3A_978 = arith.index_cast %add3A_977 : i32 to index
          %get3A_979 = arith.constant 0 : index
          %get3A_980 = tpu.vector_load %arg10[%get3A_978, %get3A_979] {strides = array<i32>} : memref<112x64xi32, #tpu.memory_space<vmem>>, vector<16xi32>,
          %shift_left3A_981 = arith.shli %get3A_980, %broadcast_in_dim3A_21 : vector<16xi32>
          %bitcast3A_982 = vector.bitcast %shift_left3A_981 : vector<16xi32> to vector<16xf32>
          %and3A_983 = arith.andi %get3A_980, %broadcast_in_dim3A_19 : vector<16xi32>
          %bitcast3A_984 = vector.bitcast %and3A_983 : vector<16xi32> to vector<16xf32>
          %mul3A_985 = vector.broadcast %squeeze3A_975 : f32 to vector<16xf32>
          %mul3A_986 = arith.mulf %bitcast3A_982, %mul3A_985 : vector<16xf32>
          %swap3A_987 = arith.index_cast %add3A_977 : i32 to index
          %swap3A_988 = arith.constant 0 : index
          %swap3A_989 = tpu.vector_load %arg12[%swap3A_987, %swap3A_988] {strides = array<i32>} : memref<112x128xf32, #tpu.memory_space<vmem>>, vector<16xf32>,
          tpu.vector_store %arg12[%swap3A_987, %swap3A_988], %mul3A_986 {strides = array<i32>} : memref<112x128xf32, #tpu.memory_space<vmem>>, vector<16xf32>,
          %mul3A_990 = vector.broadcast %squeeze3A_975 : f32 to vector<16xf32>
          %mul3A_991 = arith.mulf %bitcast3A_984, %mul3A_990 : vector<16xf32>
          %swap3A_992 = arith.index_cast %add3A_977 : i32 to index
          %swap3A_993 = arith.constant 16 : index
          %swap3A_994 = tpu.vector_load %arg12[%swap3A_992, %swap3A_993] {strides = array<i32>} : memref<112x128xf32, #tpu.memory_space<vmem>>, vector<16xf32>,
          tpu.vector_store %arg12[%swap3A_992, %swap3A_993], %mul3A_991 {strides = array<i32>} : memref<112x128xf32, #tpu.memory_space<vmem>>, vector<16xf32>,
          %get3A_995 = arith.index_cast %add3A_977 : i32 to index
          %get3A_996 = arith.constant 16 : index
          %get3A_997 = tpu.vector_load %arg10[%get3A_995, %get3A_996] {strides = array<i32>} : memref<112x64xi32, #tpu.memory_space<vmem>>, vector<16xi32>,
          %shift_left3A_998 = arith.shli %get3A_997, %broadcast_in_dim3A_21 : vector<16xi32>
          %bitcast3A_999 = vector.bitcast %shift_left3A_998 : vector<16xi32> to vector<16xf32>
          %and3A_1000 = arith.andi %get3A_997, %broadcast_in_dim3A_19 : vector<16xi32>
          %bitcast3A_1001 = vector.bitcast %and3A_1000 : vector<16xi32> to vector<16xf32>
          %mul3A_1002 = vector.broadcast %squeeze3A_975 : f32 to vector<16xf32>
          %mul3A_1003 = arith.mulf %bitcast3A_999, %mul3A_1002 : vector<16xf32>
          %swap3A_1004 = arith.index_cast %add3A_977 : i32 to index
          %swap3A_1005 = arith.constant 32 : index
          %swap3A_1006 = tpu.vector_load %arg12[%swap3A_1004, %swap3A_1005] {strides = array<i32>} : memref<112x128xf32, #tpu.memory_space<vmem>>, vector<16xf32>,
          tpu.vector_store %arg12[%swap3A_1004, %swap3A_1005], %mul3A_1003 {strides = array<i32>} : memref<112x128xf32, #tpu.memory_space<vmem>>, vector<16xf32>,
          %mul3A_1007 = vector.broadcast %squeeze3A_975 : f32 to vector<16xf32>
          %mul3A_1008 = arith.mulf %bitcast3A_1001, %mul3A_1007 : vector<16xf32>
          %swap3A_1009 = arith.index_cast %add3A_977 : i32 to index
          %swap3A_1010 = arith.constant 48 : index
          %swap3A_1011 = tpu.vector_load %arg12[%swap3A_1009, %swap3A_1010] {strides = array<i32>} : memref<112x128xf32, #tpu.memory_space<vmem>>, vector<16xf32>,
          tpu.vector_store %arg12[%swap3A_1009, %swap3A_1010], %mul3A_1008 {strides = array<i32>} : memref<112x128xf32, #tpu.memory_space<vmem>>, vector<16xf32>,
          %get3A_1012 = arith.index_cast %add3A_977 : i32 to index
          %get3A_1013 = arith.constant 32 : index
          %get3A_1014 = tpu.vector_load %arg10[%get3A_1012, %get3A_1013] {strides = array<i32>} : memref<112x64xi32, #tpu.memory_space<vmem>>, vector<16xi32>,
          %shift_left3A_1015 = arith.shli %get3A_1014, %broadcast_in_dim3A_21 : vector<16xi32>
          %bitcast3A_1016 = vector.bitcast %shift_left3A_1015 : vector<16xi32> to vector<16xf32>
          %and3A_1017 = arith.andi %get3A_1014, %broadcast_in_dim3A_19 : vector<16xi32>
          %bitcast3A_1018 = vector.bitcast %and3A_1017 : vector<16xi32> to vector<16xf32>
          %mul3A_1019 = vector.broadcast %squeeze3A_975 : f32 to vector<16xf32>
          %mul3A_1020 = arith.mulf %bitcast3A_1016, %mul3A_1019 : vector<16xf32>
          %swap3A_1021 = arith.index_cast %add3A_977 : i32 to index
          %swap3A_1022 = arith.constant 64 : index
          %swap3A_1023 = tpu.vector_load %arg12[%swap3A_1021, %swap3A_1022] {strides = array<i32>} : memref<112x128xf32, #tpu.memory_space<vmem>>, vector<16xf32>,
          tpu.vector_store %arg12[%swap3A_1021, %swap3A_1022], %mul3A_1020 {strides = array<i32>} : memref<112x128xf32, #tpu.memory_space<vmem>>, vector<16xf32>,
          %mul3A_1024 = vector.broadcast %squeeze3A_975 : f32 to vector<16xf32>
          %mul3A_1025 = arith.mulf %bitcast3A_1018, %mul3A_1024 : vector<16xf32>
          %swap3A_1026 = arith.index_cast %add3A_977 : i32 to index
          %swap3A_1027 = arith.constant 80 : index
          %swap3A_1028 = tpu.vector_load %arg12[%swap3A_1026, %swap3A_1027] {strides = array<i32>} : memref<112x128xf32, #tpu.memory_space<vmem>>, vector<16xf32>,
          tpu.vector_store %arg12[%swap3A_1026, %swap3A_1027], %mul3A_1025 {strides = array<i32>} : memref<112x128xf32, #tpu.memory_space<vmem>>, vector<16xf32>,
          %get3A_1029 = arith.index_cast %add3A_977 : i32 to index
          %get3A_1030 = arith.constant 48 : index
          %get3A_1031 = tpu.vector_load %arg10[%get3A_1029, %get3A_1030] {strides = array<i32>} : memref<112x64xi32, #tpu.memory_space<vmem>>, vector<16xi32>,
          %shift_left3A_1032 = arith.shli %get3A_1031, %broadcast_in_dim3A_21 : vector<16xi32>
          %bitcast3A_1033 = vector.bitcast %shift_left3A_1032 : vector<16xi32> to vector<16xf32>
          %and3A_1034 = arith.andi %get3A_1031, %broadcast_in_dim3A_19 : vector<16xi32>
          %bitcast3A_1035 = vector.bitcast %and3A_1034 : vector<16xi32> to vector<16xf32>
          %mul3A_1036 = vector.broadcast %squeeze3A_975 : f32 to vector<16xf32>
          %mul3A_1037 = arith.mulf %bitcast3A_1033, %mul3A_1036 : vector<16xf32>
          %swap3A_1038 = arith.index_cast %add3A_977 : i32 to index
          %swap3A_1039 = arith.constant 96 : index
          %swap3A_1040 = tpu.vector_load %arg12[%swap3A_1038, %swap3A_1039] {strides = array<i32>} : memref<112x128xf32, #tpu.memory_space<vmem>>, vector<16xf32>,
          tpu.vector_store %arg12[%swap3A_1038, %swap3A_1039], %mul3A_1037 {strides = array<i32>} : memref<112x128xf32, #tpu.memory_space<vmem>>, vector<16xf32>,
          %mul3A_1041 = vector.broadcast %squeeze3A_975 : f32 to vector<16xf32>
          %mul3A_1042 = arith.mulf %bitcast3A_1035, %mul3A_1041 : vector<16xf32>
          %swap3A_1043 = arith.index_cast %add3A_977 : i32 to index
          %swap3A_1044 = arith.constant 112 : index
          %swap3A_1045 = tpu.vector_load %arg12[%swap3A_1043, %swap3A_1044] {strides = array<i32>} : memref<112x128xf32, #tpu.memory_space<vmem>>, vector<16xf32>,
          tpu.vector_store %arg12[%swap3A_1043, %swap3A_1044], %mul3A_1042 {strides = array<i32>} : memref<112x128xf32, #tpu.memory_space<vmem>>, vector<16xf32>,
          %slice3A_1046 = vector.extract_strided_slice %get3A_113 {offsets = [13], sizes = [1], strides = [1]} : vector<16xf32> to vector<1xf32>
          %squeeze3A_1047 = vector.extract %slice3A_1046[0] : f32 from vector<1xf32>
          %add3A_1048 = arith.constant 13 : i32
          %add3A_1049 = arith.addi %mul3A_115, %add3A_1048 : i32
          %get3A_1050 = arith.index_cast %add3A_1049 : i32 to index
          %get3A_1051 = arith.constant 0 : index
          %get3A_1052 = tpu.vector_load %arg10[%get3A_1050, %get3A_1051] {strides = array<i32>} : memref<112x64xi32, #tpu.memory_space<vmem>>, vector<16xi32>,
          %shift_left3A_1053 = arith.shli %get3A_1052, %broadcast_in_dim3A_21 : vector<16xi32>
          %bitcast3A_1054 = vector.bitcast %shift_left3A_1053 : vector<16xi32> to vector<16xf32>
          %and3A_1055 = arith.andi %get3A_1052, %broadcast_in_dim3A_19 : vector<16xi32>
          %bitcast3A_1056 = vector.bitcast %and3A_1055 : vector<16xi32> to vector<16xf32>
          %mul3A_1057 = vector.broadcast %squeeze3A_1047 : f32 to vector<16xf32>
          %mul3A_1058 = arith.mulf %bitcast3A_1054, %mul3A_1057 : vector<16xf32>
          %swap3A_1059 = arith.index_cast %add3A_1049 : i32 to index
          %swap3A_1060 = arith.constant 0 : index
          %swap3A_1061 = tpu.vector_load %arg12[%swap3A_1059, %swap3A_1060] {strides = array<i32>} : memref<112x128xf32, #tpu.memory_space<vmem>>, vector<16xf32>,
          tpu.vector_store %arg12[%swap3A_1059, %swap3A_1060], %mul3A_1058 {strides = array<i32>} : memref<112x128xf32, #tpu.memory_space<vmem>>, vector<16xf32>,
          %mul3A_1062 = vector.broadcast %squeeze3A_1047 : f32 to vector<16xf32>
          %mul3A_1063 = arith.mulf %bitcast3A_1056, %mul3A_1062 : vector<16xf32>
          %swap3A_1064 = arith.index_cast %add3A_1049 : i32 to index
          %swap3A_1065 = arith.constant 16 : index
          %swap3A_1066 = tpu.vector_load %arg12[%swap3A_1064, %swap3A_1065] {strides = array<i32>} : memref<112x128xf32, #tpu.memory_space<vmem>>, vector<16xf32>,
          tpu.vector_store %arg12[%swap3A_1064, %swap3A_1065], %mul3A_1063 {strides = array<i32>} : memref<112x128xf32, #tpu.memory_space<vmem>>, vector<16xf32>,
          %get3A_1067 = arith.index_cast %add3A_1049 : i32 to index
          %get3A_1068 = arith.constant 16 : index
          %get3A_1069 = tpu.vector_load %arg10[%get3A_1067, %get3A_1068] {strides = array<i32>} : memref<112x64xi32, #tpu.memory_space<vmem>>, vector<16xi32>,
          %shift_left3A_1070 = arith.shli %get3A_1069, %broadcast_in_dim3A_21 : vector<16xi32>
          %bitcast3A_1071 = vector.bitcast %shift_left3A_1070 : vector<16xi32> to vector<16xf32>
          %and3A_1072 = arith.andi %get3A_1069, %broadcast_in_dim3A_19 : vector<16xi32>
          %bitcast3A_1073 = vector.bitcast %and3A_1072 : vector<16xi32> to vector<16xf32>
          %mul3A_1074 = vector.broadcast %squeeze3A_1047 : f32 to vector<16xf32>
          %mul3A_1075 = arith.mulf %bitcast3A_1071, %mul3A_1074 : vector<16xf32>
          %swap3A_1076 = arith.index_cast %add3A_1049 : i32 to index
          %swap3A_1077 = arith.constant 32 : index
          %swap3A_1078 = tpu.vector_load %arg12[%swap3A_1076, %swap3A_1077] {strides = array<i32>} : memref<112x128xf32, #tpu.memory_space<vmem>>, vector<16xf32>,
          tpu.vector_store %arg12[%swap3A_1076, %swap3A_1077], %mul3A_1075 {strides = array<i32>} : memref<112x128xf32, #tpu.memory_space<vmem>>, vector<16xf32>,
          %mul3A_1079 = vector.broadcast %squeeze3A_1047 : f32 to vector<16xf32>
          %mul3A_1080 = arith.mulf %bitcast3A_1073, %mul3A_1079 : vector<16xf32>
          %swap3A_1081 = arith.index_cast %add3A_1049 : i32 to index
          %swap3A_1082 = arith.constant 48 : index
          %swap3A_1083 = tpu.vector_load %arg12[%swap3A_1081, %swap3A_1082] {strides = array<i32>} : memref<112x128xf32, #tpu.memory_space<vmem>>, vector<16xf32>,
          tpu.vector_store %arg12[%swap3A_1081, %swap3A_1082], %mul3A_1080 {strides = array<i32>} : memref<112x128xf32, #tpu.memory_space<vmem>>, vector<16xf32>,
          %get3A_1084 = arith.index_cast %add3A_1049 : i32 to index
          %get3A_1085 = arith.constant 32 : index
          %get3A_1086 = tpu.vector_load %arg10[%get3A_1084, %get3A_1085] {strides = array<i32>} : memref<112x64xi32, #tpu.memory_space<vmem>>, vector<16xi32>,
          %shift_left3A_1087 = arith.shli %get3A_1086, %broadcast_in_dim3A_21 : vector<16xi32>
          %bitcast3A_1088 = vector.bitcast %shift_left3A_1087 : vector<16xi32> to vector<16xf32>
          %and3A_1089 = arith.andi %get3A_1086, %broadcast_in_dim3A_19 : vector<16xi32>
          %bitcast3A_1090 = vector.bitcast %and3A_1089 : vector<16xi32> to vector<16xf32>
          %mul3A_1091 = vector.broadcast %squeeze3A_1047 : f32 to vector<16xf32>
          %mul3A_1092 = arith.mulf %bitcast3A_1088, %mul3A_1091 : vector<16xf32>
          %swap3A_1093 = arith.index_cast %add3A_1049 : i32 to index
          %swap3A_1094 = arith.constant 64 : index
          %swap3A_1095 = tpu.vector_load %arg12[%swap3A_1093, %swap3A_1094] {strides = array<i32>} : memref<112x128xf32, #tpu.memory_space<vmem>>, vector<16xf32>,
          tpu.vector_store %arg12[%swap3A_1093, %swap3A_1094], %mul3A_1092 {strides = array<i32>} : memref<112x128xf32, #tpu.memory_space<vmem>>, vector<16xf32>,
          %mul3A_1096 = vector.broadcast %squeeze3A_1047 : f32 to vector<16xf32>
          %mul3A_1097 = arith.mulf %bitcast3A_1090, %mul3A_1096 : vector<16xf32>
          %swap3A_1098 = arith.index_cast %add3A_1049 : i32 to index
          %swap3A_1099 = arith.constant 80 : index
          %swap3A_1100 = tpu.vector_load %arg12[%swap3A_1098, %swap3A_1099] {strides = array<i32>} : memref<112x128xf32, #tpu.memory_space<vmem>>, vector<16xf32>,
          tpu.vector_store %arg12[%swap3A_1098, %swap3A_1099], %mul3A_1097 {strides = array<i32>} : memref<112x128xf32, #tpu.memory_space<vmem>>, vector<16xf32>,
          %get3A_1101 = arith.index_cast %add3A_1049 : i32 to index
          %get3A_1102 = arith.constant 48 : index
          %get3A_1103 = tpu.vector_load %arg10[%get3A_1101, %get3A_1102] {strides = array<i32>} : memref<112x64xi32, #tpu.memory_space<vmem>>, vector<16xi32>,
          %shift_left3A_1104 = arith.shli %get3A_1103, %broadcast_in_dim3A_21 : vector<16xi32>
          %bitcast3A_1105 = vector.bitcast %shift_left3A_1104 : vector<16xi32> to vector<16xf32>
          %and3A_1106 = arith.andi %get3A_1103, %broadcast_in_dim3A_19 : vector<16xi32>
          %bitcast3A_1107 = vector.bitcast %and3A_1106 : vector<16xi32> to vector<16xf32>
          %mul3A_1108 = vector.broadcast %squeeze3A_1047 : f32 to vector<16xf32>
          %mul3A_1109 = arith.mulf %bitcast3A_1105, %mul3A_1108 : vector<16xf32>
          %swap3A_1110 = arith.index_cast %add3A_1049 : i32 to index
          %swap3A_1111 = arith.constant 96 : index
          %swap3A_1112 = tpu.vector_load %arg12[%swap3A_1110, %swap3A_1111] {strides = array<i32>} : memref<112x128xf32, #tpu.memory_space<vmem>>, vector<16xf32>,
          tpu.vector_store %arg12[%swap3A_1110, %swap3A_1111], %mul3A_1109 {strides = array<i32>} : memref<112x128xf32, #tpu.memory_space<vmem>>, vector<16xf32>,
          %mul3A_1113 = vector.broadcast %squeeze3A_1047 : f32 to vector<16xf32>
          %mul3A_1114 = arith.mulf %bitcast3A_1107, %mul3A_1113 : vector<16xf32>
          %swap3A_1115 = arith.index_cast %add3A_1049 : i32 to index
          %swap3A_1116 = arith.constant 112 : index
          %swap3A_1117 = tpu.vector_load %arg12[%swap3A_1115, %swap3A_1116] {strides = array<i32>} : memref<112x128xf32, #tpu.memory_space<vmem>>, vector<16xf32>,
          tpu.vector_store %arg12[%swap3A_1115, %swap3A_1116], %mul3A_1114 {strides = array<i32>} : memref<112x128xf32, #tpu.memory_space<vmem>>, vector<16xf32>,
          %slice3A_1118 = vector.extract_strided_slice %get3A_113 {offsets = [14], sizes = [1], strides = [1]} : vector<16xf32> to vector<1xf32>
          %squeeze3A_1119 = vector.extract %slice3A_1118[0] : f32 from vector<1xf32>
          %add3A_1120 = arith.constant 14 : i32
          %add3A_1121 = arith.addi %mul3A_115, %add3A_1120 : i32
          %get3A_1122 = arith.index_cast %add3A_1121 : i32 to index
          %get3A_1123 = arith.constant 0 : index
          %get3A_1124 = tpu.vector_load %arg10[%get3A_1122, %get3A_1123] {strides = array<i32>} : memref<112x64xi32, #tpu.memory_space<vmem>>, vector<16xi32>,
          %shift_left3A_1125 = arith.shli %get3A_1124, %broadcast_in_dim3A_21 : vector<16xi32>
          %bitcast3A_1126 = vector.bitcast %shift_left3A_1125 : vector<16xi32> to vector<16xf32>
          %and3A_1127 = arith.andi %get3A_1124, %broadcast_in_dim3A_19 : vector<16xi32>
          %bitcast3A_1128 = vector.bitcast %and3A_1127 : vector<16xi32> to vector<16xf32>
          %mul3A_1129 = vector.broadcast %squeeze3A_1119 : f32 to vector<16xf32>
          %mul3A_1130 = arith.mulf %bitcast3A_1126, %mul3A_1129 : vector<16xf32>
          %swap3A_1131 = arith.index_cast %add3A_1121 : i32 to index
          %swap3A_1132 = arith.constant 0 : index
          %swap3A_1133 = tpu.vector_load %arg12[%swap3A_1131, %swap3A_1132] {strides = array<i32>} : memref<112x128xf32, #tpu.memory_space<vmem>>, vector<16xf32>,
          tpu.vector_store %arg12[%swap3A_1131, %swap3A_1132], %mul3A_1130 {strides = array<i32>} : memref<112x128xf32, #tpu.memory_space<vmem>>, vector<16xf32>,
          %mul3A_1134 = vector.broadcast %squeeze3A_1119 : f32 to vector<16xf32>
          %mul3A_1135 = arith.mulf %bitcast3A_1128, %mul3A_1134 : vector<16xf32>
          %swap3A_1136 = arith.index_cast %add3A_1121 : i32 to index
          %swap3A_1137 = arith.constant 16 : index
          %swap3A_1138 = tpu.vector_load %arg12[%swap3A_1136, %swap3A_1137] {strides = array<i32>} : memref<112x128xf32, #tpu.memory_space<vmem>>, vector<16xf32>,
          tpu.vector_store %arg12[%swap3A_1136, %swap3A_1137], %mul3A_1135 {strides = array<i32>} : memref<112x128xf32, #tpu.memory_space<vmem>>, vector<16xf32>,
          %get3A_1139 = arith.index_cast %add3A_1121 : i32 to index
          %get3A_1140 = arith.constant 16 : index
          %get3A_1141 = tpu.vector_load %arg10[%get3A_1139, %get3A_1140] {strides = array<i32>} : memref<112x64xi32, #tpu.memory_space<vmem>>, vector<16xi32>,
          %shift_left3A_1142 = arith.shli %get3A_1141, %broadcast_in_dim3A_21 : vector<16xi32>
          %bitcast3A_1143 = vector.bitcast %shift_left3A_1142 : vector<16xi32> to vector<16xf32>
          %and3A_1144 = arith.andi %get3A_1141, %broadcast_in_dim3A_19 : vector<16xi32>
          %bitcast3A_1145 = vector.bitcast %and3A_1144 : vector<16xi32> to vector<16xf32>
          %mul3A_1146 = vector.broadcast %squeeze3A_1119 : f32 to vector<16xf32>
          %mul3A_1147 = arith.mulf %bitcast3A_1143, %mul3A_1146 : vector<16xf32>
          %swap3A_1148 = arith.index_cast %add3A_1121 : i32 to index
          %swap3A_1149 = arith.constant 32 : index
          %swap3A_1150 = tpu.vector_load %arg12[%swap3A_1148, %swap3A_1149] {strides = array<i32>} : memref<112x128xf32, #tpu.memory_space<vmem>>, vector<16xf32>,
          tpu.vector_store %arg12[%swap3A_1148, %swap3A_1149], %mul3A_1147 {strides = array<i32>} : memref<112x128xf32, #tpu.memory_space<vmem>>, vector<16xf32>,
          %mul3A_1151 = vector.broadcast %squeeze3A_1119 : f32 to vector<16xf32>
          %mul3A_1152 = arith.mulf %bitcast3A_1145, %mul3A_1151 : vector<16xf32>
          %swap3A_1153 = arith.index_cast %add3A_1121 : i32 to index
          %swap3A_1154 = arith.constant 48 : index
          %swap3A_1155 = tpu.vector_load %arg12[%swap3A_1153, %swap3A_1154] {strides = array<i32>} : memref<112x128xf32, #tpu.memory_space<vmem>>, vector<16xf32>,
          tpu.vector_store %arg12[%swap3A_1153, %swap3A_1154], %mul3A_1152 {strides = array<i32>} : memref<112x128xf32, #tpu.memory_space<vmem>>, vector<16xf32>,
          %get3A_1156 = arith.index_cast %add3A_1121 : i32 to index
          %get3A_1157 = arith.constant 32 : index
          %get3A_1158 = tpu.vector_load %arg10[%get3A_1156, %get3A_1157] {strides = array<i32>} : memref<112x64xi32, #tpu.memory_space<vmem>>, vector<16xi32>,
          %shift_left3A_1159 = arith.shli %get3A_1158, %broadcast_in_dim3A_21 : vector<16xi32>
          %bitcast3A_1160 = vector.bitcast %shift_left3A_1159 : vector<16xi32> to vector<16xf32>
          %and3A_1161 = arith.andi %get3A_1158, %broadcast_in_dim3A_19 : vector<16xi32>
          %bitcast3A_1162 = vector.bitcast %and3A_1161 : vector<16xi32> to vector<16xf32>
          %mul3A_1163 = vector.broadcast %squeeze3A_1119 : f32 to vector<16xf32>
          %mul3A_1164 = arith.mulf %bitcast3A_1160, %mul3A_1163 : vector<16xf32>
          %swap3A_1165 = arith.index_cast %add3A_1121 : i32 to index
          %swap3A_1166 = arith.constant 64 : index
          %swap3A_1167 = tpu.vector_load %arg12[%swap3A_1165, %swap3A_1166] {strides = array<i32>} : memref<112x128xf32, #tpu.memory_space<vmem>>, vector<16xf32>,
          tpu.vector_store %arg12[%swap3A_1165, %swap3A_1166], %mul3A_1164 {strides = array<i32>} : memref<112x128xf32, #tpu.memory_space<vmem>>, vector<16xf32>,
          %mul3A_1168 = vector.broadcast %squeeze3A_1119 : f32 to vector<16xf32>
          %mul3A_1169 = arith.mulf %bitcast3A_1162, %mul3A_1168 : vector<16xf32>
          %swap3A_1170 = arith.index_cast %add3A_1121 : i32 to index
          %swap3A_1171 = arith.constant 80 : index
          %swap3A_1172 = tpu.vector_load %arg12[%swap3A_1170, %swap3A_1171] {strides = array<i32>} : memref<112x128xf32, #tpu.memory_space<vmem>>, vector<16xf32>,
          tpu.vector_store %arg12[%swap3A_1170, %swap3A_1171], %mul3A_1169 {strides = array<i32>} : memref<112x128xf32, #tpu.memory_space<vmem>>, vector<16xf32>,
          %get3A_1173 = arith.index_cast %add3A_1121 : i32 to index
          %get3A_1174 = arith.constant 48 : index
          %get3A_1175 = tpu.vector_load %arg10[%get3A_1173, %get3A_1174] {strides = array<i32>} : memref<112x64xi32, #tpu.memory_space<vmem>>, vector<16xi32>,
          %shift_left3A_1176 = arith.shli %get3A_1175, %broadcast_in_dim3A_21 : vector<16xi32>
          %bitcast3A_1177 = vector.bitcast %shift_left3A_1176 : vector<16xi32> to vector<16xf32>
          %and3A_1178 = arith.andi %get3A_1175, %broadcast_in_dim3A_19 : vector<16xi32>
          %bitcast3A_1179 = vector.bitcast %and3A_1178 : vector<16xi32> to vector<16xf32>
          %mul3A_1180 = vector.broadcast %squeeze3A_1119 : f32 to vector<16xf32>
          %mul3A_1181 = arith.mulf %bitcast3A_1177, %mul3A_1180 : vector<16xf32>
          %swap3A_1182 = arith.index_cast %add3A_1121 : i32 to index
          %swap3A_1183 = arith.constant 96 : index
          %swap3A_1184 = tpu.vector_load %arg12[%swap3A_1182, %swap3A_1183] {strides = array<i32>} : memref<112x128xf32, #tpu.memory_space<vmem>>, vector<16xf32>,
          tpu.vector_store %arg12[%swap3A_1182, %swap3A_1183], %mul3A_1181 {strides = array<i32>} : memref<112x128xf32, #tpu.memory_space<vmem>>, vector<16xf32>,
          %mul3A_1185 = vector.broadcast %squeeze3A_1119 : f32 to vector<16xf32>
          %mul3A_1186 = arith.mulf %bitcast3A_1179, %mul3A_1185 : vector<16xf32>
          %swap3A_1187 = arith.index_cast %add3A_1121 : i32 to index
          %swap3A_1188 = arith.constant 112 : index
          %swap3A_1189 = tpu.vector_load %arg12[%swap3A_1187, %swap3A_1188] {strides = array<i32>} : memref<112x128xf32, #tpu.memory_space<vmem>>, vector<16xf32>,
          tpu.vector_store %arg12[%swap3A_1187, %swap3A_1188], %mul3A_1186 {strides = array<i32>} : memref<112x128xf32, #tpu.memory_space<vmem>>, vector<16xf32>,
          %slice3A_1190 = vector.extract_strided_slice %get3A_113 {offsets = [15], sizes = [1], strides = [1]} : vector<16xf32> to vector<1xf32>
          %squeeze3A_1191 = vector.extract %slice3A_1190[0] : f32 from vector<1xf32>
          %add3A_1192 = arith.constant 15 : i32
          %add3A_1193 = arith.addi %mul3A_115, %add3A_1192 : i32
          %get3A_1194 = arith.index_cast %add3A_1193 : i32 to index
          %get3A_1195 = arith.constant 0 : index
          %get3A_1196 = tpu.vector_load %arg10[%get3A_1194, %get3A_1195] {strides = array<i32>} : memref<112x64xi32, #tpu.memory_space<vmem>>, vector<16xi32>,
          %shift_left3A_1197 = arith.shli %get3A_1196, %broadcast_in_dim3A_21 : vector<16xi32>
          %bitcast3A_1198 = vector.bitcast %shift_left3A_1197 : vector<16xi32> to vector<16xf32>
          %and3A_1199 = arith.andi %get3A_1196, %broadcast_in_dim3A_19 : vector<16xi32>
          %bitcast3A_1200 = vector.bitcast %and3A_1199 : vector<16xi32> to vector<16xf32>
          %mul3A_1201 = vector.broadcast %squeeze3A_1191 : f32 to vector<16xf32>
          %mul3A_1202 = arith.mulf %bitcast3A_1198, %mul3A_1201 : vector<16xf32>
          %swap3A_1203 = arith.index_cast %add3A_1193 : i32 to index
          %swap3A_1204 = arith.constant 0 : index
          %swap3A_1205 = tpu.vector_load %arg12[%swap3A_1203, %swap3A_1204] {strides = array<i32>} : memref<112x128xf32, #tpu.memory_space<vmem>>, vector<16xf32>,
          tpu.vector_store %arg12[%swap3A_1203, %swap3A_1204], %mul3A_1202 {strides = array<i32>} : memref<112x128xf32, #tpu.memory_space<vmem>>, vector<16xf32>,
          %mul3A_1206 = vector.broadcast %squeeze3A_1191 : f32 to vector<16xf32>
          %mul3A_1207 = arith.mulf %bitcast3A_1200, %mul3A_1206 : vector<16xf32>
          %swap3A_1208 = arith.index_cast %add3A_1193 : i32 to index
          %swap3A_1209 = arith.constant 16 : index
          %swap3A_1210 = tpu.vector_load %arg12[%swap3A_1208, %swap3A_1209] {strides = array<i32>} : memref<112x128xf32, #tpu.memory_space<vmem>>, vector<16xf32>,
          tpu.vector_store %arg12[%swap3A_1208, %swap3A_1209], %mul3A_1207 {strides = array<i32>} : memref<112x128xf32, #tpu.memory_space<vmem>>, vector<16xf32>,
          %get3A_1211 = arith.index_cast %add3A_1193 : i32 to index
          %get3A_1212 = arith.constant 16 : index
          %get3A_1213 = tpu.vector_load %arg10[%get3A_1211, %get3A_1212] {strides = array<i32>} : memref<112x64xi32, #tpu.memory_space<vmem>>, vector<16xi32>,
          %shift_left3A_1214 = arith.shli %get3A_1213, %broadcast_in_dim3A_21 : vector<16xi32>
          %bitcast3A_1215 = vector.bitcast %shift_left3A_1214 : vector<16xi32> to vector<16xf32>
          %and3A_1216 = arith.andi %get3A_1213, %broadcast_in_dim3A_19 : vector<16xi32>
          %bitcast3A_1217 = vector.bitcast %and3A_1216 : vector<16xi32> to vector<16xf32>
          %mul3A_1218 = vector.broadcast %squeeze3A_1191 : f32 to vector<16xf32>
          %mul3A_1219 = arith.mulf %bitcast3A_1215, %mul3A_1218 : vector<16xf32>
          %swap3A_1220 = arith.index_cast %add3A_1193 : i32 to index
          %swap3A_1221 = arith.constant 32 : index
          %swap3A_1222 = tpu.vector_load %arg12[%swap3A_1220, %swap3A_1221] {strides = array<i32>} : memref<112x128xf32, #tpu.memory_space<vmem>>, vector<16xf32>,
          tpu.vector_store %arg12[%swap3A_1220, %swap3A_1221], %mul3A_1219 {strides = array<i32>} : memref<112x128xf32, #tpu.memory_space<vmem>>, vector<16xf32>,
          %mul3A_1223 = vector.broadcast %squeeze3A_1191 : f32 to vector<16xf32>
          %mul3A_1224 = arith.mulf %bitcast3A_1217, %mul3A_1223 : vector<16xf32>
          %swap3A_1225 = arith.index_cast %add3A_1193 : i32 to index
          %swap3A_1226 = arith.constant 48 : index
          %swap3A_1227 = tpu.vector_load %arg12[%swap3A_1225, %swap3A_1226] {strides = array<i32>} : memref<112x128xf32, #tpu.memory_space<vmem>>, vector<16xf32>,
          tpu.vector_store %arg12[%swap3A_1225, %swap3A_1226], %mul3A_1224 {strides = array<i32>} : memref<112x128xf32, #tpu.memory_space<vmem>>, vector<16xf32>,
          %get3A_1228 = arith.index_cast %add3A_1193 : i32 to index
          %get3A_1229 = arith.constant 32 : index
          %get3A_1230 = tpu.vector_load %arg10[%get3A_1228, %get3A_1229] {strides = array<i32>} : memref<112x64xi32, #tpu.memory_space<vmem>>, vector<16xi32>,
          %shift_left3A_1231 = arith.shli %get3A_1230, %broadcast_in_dim3A_21 : vector<16xi32>
          %bitcast3A_1232 = vector.bitcast %shift_left3A_1231 : vector<16xi32> to vector<16xf32>
          %and3A_1233 = arith.andi %get3A_1230, %broadcast_in_dim3A_19 : vector<16xi32>
          %bitcast3A_1234 = vector.bitcast %and3A_1233 : vector<16xi32> to vector<16xf32>
          %mul3A_1235 = vector.broadcast %squeeze3A_1191 : f32 to vector<16xf32>
          %mul3A_1236 = arith.mulf %bitcast3A_1232, %mul3A_1235 : vector<16xf32>
          %swap3A_1237 = arith.index_cast %add3A_1193 : i32 to index
          %swap3A_1238 = arith.constant 64 : index
          %swap3A_1239 = tpu.vector_load %arg12[%swap3A_1237, %swap3A_1238] {strides = array<i32>} : memref<112x128xf32, #tpu.memory_space<vmem>>, vector<16xf32>,
          tpu.vector_store %arg12[%swap3A_1237, %swap3A_1238], %mul3A_1236 {strides = array<i32>} : memref<112x128xf32, #tpu.memory_space<vmem>>, vector<16xf32>,
          %mul3A_1240 = vector.broadcast %squeeze3A_1191 : f32 to vector<16xf32>
          %mul3A_1241 = arith.mulf %bitcast3A_1234, %mul3A_1240 : vector<16xf32>
          %swap3A_1242 = arith.index_cast %add3A_1193 : i32 to index
          %swap3A_1243 = arith.constant 80 : index
          %swap3A_1244 = tpu.vector_load %arg12[%swap3A_1242, %swap3A_1243] {strides = array<i32>} : memref<112x128xf32, #tpu.memory_space<vmem>>, vector<16xf32>,
          tpu.vector_store %arg12[%swap3A_1242, %swap3A_1243], %mul3A_1241 {strides = array<i32>} : memref<112x128xf32, #tpu.memory_space<vmem>>, vector<16xf32>,
          %get3A_1245 = arith.index_cast %add3A_1193 : i32 to index
          %get3A_1246 = arith.constant 48 : index
          %get3A_1247 = tpu.vector_load %arg10[%get3A_1245, %get3A_1246] {strides = array<i32>} : memref<112x64xi32, #tpu.memory_space<vmem>>, vector<16xi32>,
          %shift_left3A_1248 = arith.shli %get3A_1247, %broadcast_in_dim3A_21 : vector<16xi32>
          %bitcast3A_1249 = vector.bitcast %shift_left3A_1248 : vector<16xi32> to vector<16xf32>
          %and3A_1250 = arith.andi %get3A_1247, %broadcast_in_dim3A_19 : vector<16xi32>
          %bitcast3A_1251 = vector.bitcast %and3A_1250 : vector<16xi32> to vector<16xf32>
          %mul3A_1252 = vector.broadcast %squeeze3A_1191 : f32 to vector<16xf32>
          %mul3A_1253 = arith.mulf %bitcast3A_1249, %mul3A_1252 : vector<16xf32>
          %swap3A_1254 = arith.index_cast %add3A_1193 : i32 to index
          %swap3A_1255 = arith.constant 96 : index
          %swap3A_1256 = tpu.vector_load %arg12[%swap3A_1254, %swap3A_1255] {strides = array<i32>} : memref<112x128xf32, #tpu.memory_space<vmem>>, vector<16xf32>,
          tpu.vector_store %arg12[%swap3A_1254, %swap3A_1255], %mul3A_1253 {strides = array<i32>} : memref<112x128xf32, #tpu.memory_space<vmem>>, vector<16xf32>,
          %mul3A_1257 = vector.broadcast %squeeze3A_1191 : f32 to vector<16xf32>
          %mul3A_1258 = arith.mulf %bitcast3A_1251, %mul3A_1257 : vector<16xf32>
          %swap3A_1259 = arith.index_cast %add3A_1193 : i32 to index
          %swap3A_1260 = arith.constant 112 : index
          %swap3A_1261 = tpu.vector_load %arg12[%swap3A_1259, %swap3A_1260] {strides = array<i32>} : memref<112x128xf32, #tpu.memory_space<vmem>>, vector<16xf32>,
          tpu.vector_store %arg12[%swap3A_1259, %swap3A_1260], %mul3A_1258 {strides = array<i32>} : memref<112x128xf32, #tpu.memory_space<vmem>>, vector<16xf32>,
        }
        %scan3A_76 = arith.constant 7 : i32
        "tpu.region"() ({
          %run_scoped3A = tpu.sem_alloc : memref<!tpu.dma_semaphore, #tpu.memory_space<semaphore_mem>>
          %dma_start3A_109 = arith.constant 0 : i32
          %dma_start3A_110 = tpu.memref_slice %arg8[%mul3A_65, %dma_start3A_109] : memref<10x112xi32, #tpu.memory_space<vmem>> -> memref<1x112xi32, #tpu.memory_space<vmem>>
          %dma_start3A_111 = tpu.memref_squeeze %dma_start3A_110 : memref<1x112xi32, #tpu.memory_space<vmem>> -> memref<112xi32, #tpu.memory_space<vmem>>
          %dma_start3A_112 = arith.constant 0 : i32
          %dma_start3A_113 = arith.constant 0 : i32
          %dma_start3A_114 = tpu.memref_slice %arg13[%dma_start3A_112, %dma_start3A_113] : memref<10000x128xf32, #tpu.memory_space<vmem_shared>> -> memref<10000x128xf32, #tpu.memory_space<vmem_shared>>
          tpu.enqueue_indirect_dma source(%arg12 : memref<112x128xf32, #tpu.memory_space<vmem>>) target(%dma_start3A_114 : memref<10000x128xf32, #tpu.memory_space<vmem_shared>>) offsets(%dma_start3A_111 : memref<112xi32, #tpu.memory_space<vmem>>) semaphore(%run_scoped3A : memref<!tpu.dma_semaphore, #tpu.memory_space<semaphore_mem>>) {add = true}
          %dma_wait3A_115 = arith.constant 0 : i32
          %dma_wait3A_116 = tpu.memref_slice %arg8[%mul3A_65, %dma_wait3A_115] : memref<10x112xi32, #tpu.memory_space<vmem>> -> memref<1x112xi32, #tpu.memory_space<vmem>>
          %dma_wait3A_117 = tpu.memref_squeeze %dma_wait3A_116 : memref<1x112xi32, #tpu.memory_space<vmem>> -> memref<112xi32, #tpu.memory_space<vmem>>
          %dma_wait3A_118 = arith.constant 0 : i32
          %dma_wait3A_119 = arith.constant 0 : i32
          %dma_wait3A_120 = tpu.memref_slice %arg13[%dma_wait3A_118, %dma_wait3A_119] : memref<10000x128xf32, #tpu.memory_space<vmem_shared>> -> memref<10000x128xf32, #tpu.memory_space<vmem_shared>>
          tpu.wait_indirect_dma semaphore(%run_scoped3A : memref<!tpu.dma_semaphore, #tpu.memory_space<semaphore_mem>>) src(%arg12 : memref<112x128xf32, #tpu.memory_space<vmem>>) dst(%dma_wait3A_120 : memref<10000x128xf32, #tpu.memory_space<vmem_shared>>)
          tpu.yield
        }) : () -> ()
        %add3A_77 = arith.constant 2 : i32
        %add3A_78 = arith.addi %mul3A_65, %add3A_77 : i32
        %lt3A_79 = arith.constant 10 : i32
        %lt3A_80 = arith.cmpi slt, %add3A_78, %lt3A_79 : i32
        %convert_element_type3A_81 = arith.extui %lt3A_80 : i1 to i32
        %cond3A_82 = arith.constant 0 : i32
        %cond3A_83 = arith.cmpi ne, %convert_element_type3A_81, %cond3A_82 : i32
        scf.if %cond3A_83 {
          %add3A_109 = arith.constant 2 : i32
          %add3A_110 = arith.addi %mul3A_65, %add3A_109 : i32
          %dma_start3A_111 = arith.constant 0 : i32
          %dma_start3A_112 = tpu.memref_slice %arg7[%add3A_110, %dma_start3A_111] : memref<10x112xi32, #tpu.memory_space<vmem>> -> memref<1x112xi32, #tpu.memory_space<vmem>>
          %dma_start3A_113 = tpu.memref_squeeze %dma_start3A_112 : memref<1x112xi32, #tpu.memory_space<vmem>> -> memref<112xi32, #tpu.memory_space<vmem>>
          %dma_start3A_114 = arith.constant 0 : i32
          %dma_start3A_115 = arith.constant 0 : i32
          %dma_start3A_116 = tpu.memref_slice %arg2[%dma_start3A_114, %dma_start3A_115] : memref<10000x64xi32, #tpu.memory_space<hbm>> -> memref<10000x64xi32, #tpu.memory_space<hbm>>
          tpu.enqueue_indirect_dma source(%dma_start3A_116 : memref<10000x64xi32, #tpu.memory_space<hbm>>) target(%arg10 : memref<112x64xi32, #tpu.memory_space<vmem>>) offsets(%dma_start3A_113 : memref<112xi32, #tpu.memory_space<vmem>>) semaphore(%arg14 : memref<!tpu.dma_semaphore, #tpu.memory_space<semaphore_mem>>)
        } else {
        }
        %add3A_84 = arith.constant 1 : i32
        %add3A_85 = arith.addi %mul3A_65, %add3A_84 : i32
        %dma_wait3A_86 = arith.constant 0 : i32
        %dma_wait3A_87 = tpu.memref_slice %arg7[%add3A_85, %dma_wait3A_86] : memref<10x112xi32, #tpu.memory_space<vmem>> -> memref<1x112xi32, #tpu.memory_space<vmem>>
        %dma_wait3A_88 = tpu.memref_squeeze %dma_wait3A_87 : memref<1x112xi32, #tpu.memory_space<vmem>> -> memref<112xi32, #tpu.memory_space<vmem>>
        %dma_wait3A_89 = arith.constant 0 : i32
        %dma_wait3A_90 = arith.constant 0 : i32
        %dma_wait3A_91 = tpu.memref_slice %arg2[%dma_wait3A_89, %dma_wait3A_90] : memref<10000x64xi32, #tpu.memory_space<hbm>> -> memref<10000x64xi32, #tpu.memory_space<hbm>>
        tpu.wait_indirect_dma semaphore(%arg15 : memref<!tpu.dma_semaphore, #tpu.memory_space<semaphore_mem>>) src(%dma_wait3A_91 : memref<10000x64xi32, #tpu.memory_space<hbm>>) dst(%arg11 : memref<112x64xi32, #tpu.memory_space<vmem>>)
        %add3A_92 = arith.constant 1 : i32
        %add3A_93 = arith.addi %mul3A_65, %add3A_92 : i32
        %scan3A_94 = arith.constant 0 : i32
        %scan3A_95 = arith.constant 0 : i32
        %scan3A_96 = arith.constant 7 : i32
        %scan3A_97 = arith.addi %scan3A_95, %scan3A_96 : i32
        %scan3A_98 = arith.constant 1 : i32
        scf.for %scan3A_109 = %scan3A_95 to %scan3A_97 step %scan3A_98  : i32 {
          %mul3A_110 = arith.constant 16 : i32
          %mul3A_111 = arith.muli %scan3A_109, %mul3A_110 : i32
          %get3A = arith.index_cast %add3A_93 : i32 to index
          %get3A_112 = arith.index_cast %mul3A_111 : i32 to index
          %get3A_113 = tpu.vector_load %arg9[%get3A, %get3A_112] {strides = array<i32>} : memref<10x112xf32, #tpu.memory_space<vmem>>, vector<16xf32>,
          %mul3A_114 = arith.constant 16 : i32
          %mul3A_115 = arith.muli %scan3A_109, %mul3A_114 : i32
          %slice3A = vector.extract_strided_slice %get3A_113 {offsets = [0], sizes = [1], strides = [1]} : vector<16xf32> to vector<1xf32>
          %squeeze3A = vector.extract %slice3A[0] : f32 from vector<1xf32>
          %add3A_116 = arith.constant 0 : i32
          %add3A_117 = arith.addi %mul3A_115, %add3A_116 : i32
          %get3A_118 = arith.index_cast %add3A_117 : i32 to index
          %get3A_119 = arith.constant 0 : index
          %get3A_120 = tpu.vector_load %arg11[%get3A_118, %get3A_119] {strides = array<i32>} : memref<112x64xi32, #tpu.memory_space<vmem>>, vector<16xi32>,
          %shift_left3A = arith.shli %get3A_120, %broadcast_in_dim3A_21 : vector<16xi32>
          %bitcast3A = vector.bitcast %shift_left3A : vector<16xi32> to vector<16xf32>
          %and3A = arith.andi %get3A_120, %broadcast_in_dim3A_19 : vector<16xi32>
          %bitcast3A_121 = vector.bitcast %and3A : vector<16xi32> to vector<16xf32>
          %mul3A_122 = vector.broadcast %squeeze3A : f32 to vector<16xf32>
          %mul3A_123 = arith.mulf %bitcast3A, %mul3A_122 : vector<16xf32>
          %swap3A = arith.index_cast %add3A_117 : i32 to index
          %swap3A_124 = arith.constant 0 : index
          %swap3A_125 = tpu.vector_load %arg12[%swap3A, %swap3A_124] {strides = array<i32>} : memref<112x128xf32, #tpu.memory_space<vmem>>, vector<16xf32>,
          tpu.vector_store %arg12[%swap3A, %swap3A_124], %mul3A_123 {strides = array<i32>} : memref<112x128xf32, #tpu.memory_space<vmem>>, vector<16xf32>,
          %mul3A_126 = vector.broadcast %squeeze3A : f32 to vector<16xf32>
          %mul3A_127 = arith.mulf %bitcast3A_121, %mul3A_126 : vector<16xf32>
          %swap3A_128 = arith.index_cast %add3A_117 : i32 to index
          %swap3A_129 = arith.constant 16 : index
          %swap3A_130 = tpu.vector_load %arg12[%swap3A_128, %swap3A_129] {strides = array<i32>} : memref<112x128xf32, #tpu.memory_space<vmem>>, vector<16xf32>,
          tpu.vector_store %arg12[%swap3A_128, %swap3A_129], %mul3A_127 {strides = array<i32>} : memref<112x128xf32, #tpu.memory_space<vmem>>, vector<16xf32>,
          %get3A_131 = arith.index_cast %add3A_117 : i32 to index
          %get3A_132 = arith.constant 16 : index
          %get3A_133 = tpu.vector_load %arg11[%get3A_131, %get3A_132] {strides = array<i32>} : memref<112x64xi32, #tpu.memory_space<vmem>>, vector<16xi32>,
          %shift_left3A_134 = arith.shli %get3A_133, %broadcast_in_dim3A_21 : vector<16xi32>
          %bitcast3A_135 = vector.bitcast %shift_left3A_134 : vector<16xi32> to vector<16xf32>
          %and3A_136 = arith.andi %get3A_133, %broadcast_in_dim3A_19 : vector<16xi32>
          %bitcast3A_137 = vector.bitcast %and3A_136 : vector<16xi32> to vector<16xf32>
          %mul3A_138 = vector.broadcast %squeeze3A : f32 to vector<16xf32>
          %mul3A_139 = arith.mulf %bitcast3A_135, %mul3A_138 : vector<16xf32>
          %swap3A_140 = arith.index_cast %add3A_117 : i32 to index
          %swap3A_141 = arith.constant 32 : index
          %swap3A_142 = tpu.vector_load %arg12[%swap3A_140, %swap3A_141] {strides = array<i32>} : memref<112x128xf32, #tpu.memory_space<vmem>>, vector<16xf32>,
          tpu.vector_store %arg12[%swap3A_140, %swap3A_141], %mul3A_139 {strides = array<i32>} : memref<112x128xf32, #tpu.memory_space<vmem>>, vector<16xf32>,
          %mul3A_143 = vector.broadcast %squeeze3A : f32 to vector<16xf32>
          %mul3A_144 = arith.mulf %bitcast3A_137, %mul3A_143 : vector<16xf32>
          %swap3A_145 = arith.index_cast %add3A_117 : i32 to index
          %swap3A_146 = arith.constant 48 : index
          %swap3A_147 = tpu.vector_load %arg12[%swap3A_145, %swap3A_146] {strides = array<i32>} : memref<112x128xf32, #tpu.memory_space<vmem>>, vector<16xf32>,
          tpu.vector_store %arg12[%swap3A_145, %swap3A_146], %mul3A_144 {strides = array<i32>} : memref<112x128xf32, #tpu.memory_space<vmem>>, vector<16xf32>,
          %get3A_148 = arith.index_cast %add3A_117 : i32 to index
          %get3A_149 = arith.constant 32 : index
          %get3A_150 = tpu.vector_load %arg11[%get3A_148, %get3A_149] {strides = array<i32>} : memref<112x64xi32, #tpu.memory_space<vmem>>, vector<16xi32>,
          %shift_left3A_151 = arith.shli %get3A_150, %broadcast_in_dim3A_21 : vector<16xi32>
          %bitcast3A_152 = vector.bitcast %shift_left3A_151 : vector<16xi32> to vector<16xf32>
          %and3A_153 = arith.andi %get3A_150, %broadcast_in_dim3A_19 : vector<16xi32>
          %bitcast3A_154 = vector.bitcast %and3A_153 : vector<16xi32> to vector<16xf32>
          %mul3A_155 = vector.broadcast %squeeze3A : f32 to vector<16xf32>
          %mul3A_156 = arith.mulf %bitcast3A_152, %mul3A_155 : vector<16xf32>
          %swap3A_157 = arith.index_cast %add3A_117 : i32 to index
          %swap3A_158 = arith.constant 64 : index
          %swap3A_159 = tpu.vector_load %arg12[%swap3A_157, %swap3A_158] {strides = array<i32>} : memref<112x128xf32, #tpu.memory_space<vmem>>, vector<16xf32>,
          tpu.vector_store %arg12[%swap3A_157, %swap3A_158], %mul3A_156 {strides = array<i32>} : memref<112x128xf32, #tpu.memory_space<vmem>>, vector<16xf32>,
          %mul3A_160 = vector.broadcast %squeeze3A : f32 to vector<16xf32>
          %mul3A_161 = arith.mulf %bitcast3A_154, %mul3A_160 : vector<16xf32>
          %swap3A_162 = arith.index_cast %add3A_117 : i32 to index
          %swap3A_163 = arith.constant 80 : index
          %swap3A_164 = tpu.vector_load %arg12[%swap3A_162, %swap3A_163] {strides = array<i32>} : memref<112x128xf32, #tpu.memory_space<vmem>>, vector<16xf32>,
          tpu.vector_store %arg12[%swap3A_162, %swap3A_163], %mul3A_161 {strides = array<i32>} : memref<112x128xf32, #tpu.memory_space<vmem>>, vector<16xf32>,
          %get3A_165 = arith.index_cast %add3A_117 : i32 to index
          %get3A_166 = arith.constant 48 : index
          %get3A_167 = tpu.vector_load %arg11[%get3A_165, %get3A_166] {strides = array<i32>} : memref<112x64xi32, #tpu.memory_space<vmem>>, vector<16xi32>,
          %shift_left3A_168 = arith.shli %get3A_167, %broadcast_in_dim3A_21 : vector<16xi32>
          %bitcast3A_169 = vector.bitcast %shift_left3A_168 : vector<16xi32> to vector<16xf32>
          %and3A_170 = arith.andi %get3A_167, %broadcast_in_dim3A_19 : vector<16xi32>
          %bitcast3A_171 = vector.bitcast %and3A_170 : vector<16xi32> to vector<16xf32>
          %mul3A_172 = vector.broadcast %squeeze3A : f32 to vector<16xf32>
          %mul3A_173 = arith.mulf %bitcast3A_169, %mul3A_172 : vector<16xf32>
          %swap3A_174 = arith.index_cast %add3A_117 : i32 to index
          %swap3A_175 = arith.constant 96 : index
          %swap3A_176 = tpu.vector_load %arg12[%swap3A_174, %swap3A_175] {strides = array<i32>} : memref<112x128xf32, #tpu.memory_space<vmem>>, vector<16xf32>,
          tpu.vector_store %arg12[%swap3A_174, %swap3A_175], %mul3A_173 {strides = array<i32>} : memref<112x128xf32, #tpu.memory_space<vmem>>, vector<16xf32>,
          %mul3A_177 = vector.broadcast %squeeze3A : f32 to vector<16xf32>
          %mul3A_178 = arith.mulf %bitcast3A_171, %mul3A_177 : vector<16xf32>
          %swap3A_179 = arith.index_cast %add3A_117 : i32 to index
          %swap3A_180 = arith.constant 112 : index
          %swap3A_181 = tpu.vector_load %arg12[%swap3A_179, %swap3A_180] {strides = array<i32>} : memref<112x128xf32, #tpu.memory_space<vmem>>, vector<16xf32>,
          tpu.vector_store %arg12[%swap3A_179, %swap3A_180], %mul3A_178 {strides = array<i32>} : memref<112x128xf32, #tpu.memory_space<vmem>>, vector<16xf32>,
          %slice3A_182 = vector.extract_strided_slice %get3A_113 {offsets = [1], sizes = [1], strides = [1]} : vector<16xf32> to vector<1xf32>
          %squeeze3A_183 = vector.extract %slice3A_182[0] : f32 from vector<1xf32>
          %add3A_184 = arith.constant 1 : i32
          %add3A_185 = arith.addi %mul3A_115, %add3A_184 : i32
          %get3A_186 = arith.index_cast %add3A_185 : i32 to index
          %get3A_187 = arith.constant 0 : index
          %get3A_188 = tpu.vector_load %arg11[%get3A_186, %get3A_187] {strides = array<i32>} : memref<112x64xi32, #tpu.memory_space<vmem>>, vector<16xi32>,
          %shift_left3A_189 = arith.shli %get3A_188, %broadcast_in_dim3A_21 : vector<16xi32>
          %bitcast3A_190 = vector.bitcast %shift_left3A_189 : vector<16xi32> to vector<16xf32>
          %and3A_191 = arith.andi %get3A_188, %broadcast_in_dim3A_19 : vector<16xi32>
          %bitcast3A_192 = vector.bitcast %and3A_191 : vector<16xi32> to vector<16xf32>
          %mul3A_193 = vector.broadcast %squeeze3A_183 : f32 to vector<16xf32>
          %mul3A_194 = arith.mulf %bitcast3A_190, %mul3A_193 : vector<16xf32>
          %swap3A_195 = arith.index_cast %add3A_185 : i32 to index
          %swap3A_196 = arith.constant 0 : index
          %swap3A_197 = tpu.vector_load %arg12[%swap3A_195, %swap3A_196] {strides = array<i32>} : memref<112x128xf32, #tpu.memory_space<vmem>>, vector<16xf32>,
          tpu.vector_store %arg12[%swap3A_195, %swap3A_196], %mul3A_194 {strides = array<i32>} : memref<112x128xf32, #tpu.memory_space<vmem>>, vector<16xf32>,
          %mul3A_198 = vector.broadcast %squeeze3A_183 : f32 to vector<16xf32>
          %mul3A_199 = arith.mulf %bitcast3A_192, %mul3A_198 : vector<16xf32>
          %swap3A_200 = arith.index_cast %add3A_185 : i32 to index
          %swap3A_201 = arith.constant 16 : index
          %swap3A_202 = tpu.vector_load %arg12[%swap3A_200, %swap3A_201] {strides = array<i32>} : memref<112x128xf32, #tpu.memory_space<vmem>>, vector<16xf32>,
          tpu.vector_store %arg12[%swap3A_200, %swap3A_201], %mul3A_199 {strides = array<i32>} : memref<112x128xf32, #tpu.memory_space<vmem>>, vector<16xf32>,
          %get3A_203 = arith.index_cast %add3A_185 : i32 to index
          %get3A_204 = arith.constant 16 : index
          %get3A_205 = tpu.vector_load %arg11[%get3A_203, %get3A_204] {strides = array<i32>} : memref<112x64xi32, #tpu.memory_space<vmem>>, vector<16xi32>,
          %shift_left3A_206 = arith.shli %get3A_205, %broadcast_in_dim3A_21 : vector<16xi32>
          %bitcast3A_207 = vector.bitcast %shift_left3A_206 : vector<16xi32> to vector<16xf32>
          %and3A_208 = arith.andi %get3A_205, %broadcast_in_dim3A_19 : vector<16xi32>
          %bitcast3A_209 = vector.bitcast %and3A_208 : vector<16xi32> to vector<16xf32>
          %mul3A_210 = vector.broadcast %squeeze3A_183 : f32 to vector<16xf32>
          %mul3A_211 = arith.mulf %bitcast3A_207, %mul3A_210 : vector<16xf32>
          %swap3A_212 = arith.index_cast %add3A_185 : i32 to index
          %swap3A_213 = arith.constant 32 : index
          %swap3A_214 = tpu.vector_load %arg12[%swap3A_212, %swap3A_213] {strides = array<i32>} : memref<112x128xf32, #tpu.memory_space<vmem>>, vector<16xf32>,
          tpu.vector_store %arg12[%swap3A_212, %swap3A_213], %mul3A_211 {strides = array<i32>} : memref<112x128xf32, #tpu.memory_space<vmem>>, vector<16xf32>,
          %mul3A_215 = vector.broadcast %squeeze3A_183 : f32 to vector<16xf32>
          %mul3A_216 = arith.mulf %bitcast3A_209, %mul3A_215 : vector<16xf32>
          %swap3A_217 = arith.index_cast %add3A_185 : i32 to index
          %swap3A_218 = arith.constant 48 : index
          %swap3A_219 = tpu.vector_load %arg12[%swap3A_217, %swap3A_218] {strides = array<i32>} : memref<112x128xf32, #tpu.memory_space<vmem>>, vector<16xf32>,
          tpu.vector_store %arg12[%swap3A_217, %swap3A_218], %mul3A_216 {strides = array<i32>} : memref<112x128xf32, #tpu.memory_space<vmem>>, vector<16xf32>,
          %get3A_220 = arith.index_cast %add3A_185 : i32 to index
          %get3A_221 = arith.constant 32 : index
          %get3A_222 = tpu.vector_load %arg11[%get3A_220, %get3A_221] {strides = array<i32>} : memref<112x64xi32, #tpu.memory_space<vmem>>, vector<16xi32>,
          %shift_left3A_223 = arith.shli %get3A_222, %broadcast_in_dim3A_21 : vector<16xi32>
          %bitcast3A_224 = vector.bitcast %shift_left3A_223 : vector<16xi32> to vector<16xf32>
          %and3A_225 = arith.andi %get3A_222, %broadcast_in_dim3A_19 : vector<16xi32>
          %bitcast3A_226 = vector.bitcast %and3A_225 : vector<16xi32> to vector<16xf32>
          %mul3A_227 = vector.broadcast %squeeze3A_183 : f32 to vector<16xf32>
          %mul3A_228 = arith.mulf %bitcast3A_224, %mul3A_227 : vector<16xf32>
          %swap3A_229 = arith.index_cast %add3A_185 : i32 to index
          %swap3A_230 = arith.constant 64 : index
          %swap3A_231 = tpu.vector_load %arg12[%swap3A_229, %swap3A_230] {strides = array<i32>} : memref<112x128xf32, #tpu.memory_space<vmem>>, vector<16xf32>,
          tpu.vector_store %arg12[%swap3A_229, %swap3A_230], %mul3A_228 {strides = array<i32>} : memref<112x128xf32, #tpu.memory_space<vmem>>, vector<16xf32>,
          %mul3A_232 = vector.broadcast %squeeze3A_183 : f32 to vector<16xf32>
          %mul3A_233 = arith.mulf %bitcast3A_226, %mul3A_232 : vector<16xf32>
          %swap3A_234 = arith.index_cast %add3A_185 : i32 to index
          %swap3A_235 = arith.constant 80 : index
          %swap3A_236 = tpu.vector_load %arg12[%swap3A_234, %swap3A_235] {strides = array<i32>} : memref<112x128xf32, #tpu.memory_space<vmem>>, vector<16xf32>,
          tpu.vector_store %arg12[%swap3A_234, %swap3A_235], %mul3A_233 {strides = array<i32>} : memref<112x128xf32, #tpu.memory_space<vmem>>, vector<16xf32>,
          %get3A_237 = arith.index_cast %add3A_185 : i32 to index
          %get3A_238 = arith.constant 48 : index
          %get3A_239 = tpu.vector_load %arg11[%get3A_237, %get3A_238] {strides = array<i32>} : memref<112x64xi32, #tpu.memory_space<vmem>>, vector<16xi32>,
          %shift_left3A_240 = arith.shli %get3A_239, %broadcast_in_dim3A_21 : vector<16xi32>
          %bitcast3A_241 = vector.bitcast %shift_left3A_240 : vector<16xi32> to vector<16xf32>
          %and3A_242 = arith.andi %get3A_239, %broadcast_in_dim3A_19 : vector<16xi32>
          %bitcast3A_243 = vector.bitcast %and3A_242 : vector<16xi32> to vector<16xf32>
          %mul3A_244 = vector.broadcast %squeeze3A_183 : f32 to vector<16xf32>
          %mul3A_245 = arith.mulf %bitcast3A_241, %mul3A_244 : vector<16xf32>
          %swap3A_246 = arith.index_cast %add3A_185 : i32 to index
          %swap3A_247 = arith.constant 96 : index
          %swap3A_248 = tpu.vector_load %arg12[%swap3A_246, %swap3A_247] {strides = array<i32>} : memref<112x128xf32, #tpu.memory_space<vmem>>, vector<16xf32>,
          tpu.vector_store %arg12[%swap3A_246, %swap3A_247], %mul3A_245 {strides = array<i32>} : memref<112x128xf32, #tpu.memory_space<vmem>>, vector<16xf32>,
          %mul3A_249 = vector.broadcast %squeeze3A_183 : f32 to vector<16xf32>
          %mul3A_250 = arith.mulf %bitcast3A_243, %mul3A_249 : vector<16xf32>
          %swap3A_251 = arith.index_cast %add3A_185 : i32 to index
          %swap3A_252 = arith.constant 112 : index
          %swap3A_253 = tpu.vector_load %arg12[%swap3A_251, %swap3A_252] {strides = array<i32>} : memref<112x128xf32, #tpu.memory_space<vmem>>, vector<16xf32>,
          tpu.vector_store %arg12[%swap3A_251, %swap3A_252], %mul3A_250 {strides = array<i32>} : memref<112x128xf32, #tpu.memory_space<vmem>>, vector<16xf32>,
          %slice3A_254 = vector.extract_strided_slice %get3A_113 {offsets = [2], sizes = [1], strides = [1]} : vector<16xf32> to vector<1xf32>
          %squeeze3A_255 = vector.extract %slice3A_254[0] : f32 from vector<1xf32>
          %add3A_256 = arith.constant 2 : i32
          %add3A_257 = arith.addi %mul3A_115, %add3A_256 : i32
          %get3A_258 = arith.index_cast %add3A_257 : i32 to index
          %get3A_259 = arith.constant 0 : index
          %get3A_260 = tpu.vector_load %arg11[%get3A_258, %get3A_259] {strides = array<i32>} : memref<112x64xi32, #tpu.memory_space<vmem>>, vector<16xi32>,
          %shift_left3A_261 = arith.shli %get3A_260, %broadcast_in_dim3A_21 : vector<16xi32>
          %bitcast3A_262 = vector.bitcast %shift_left3A_261 : vector<16xi32> to vector<16xf32>
          %and3A_263 = arith.andi %get3A_260, %broadcast_in_dim3A_19 : vector<16xi32>
          %bitcast3A_264 = vector.bitcast %and3A_263 : vector<16xi32> to vector<16xf32>
          %mul3A_265 = vector.broadcast %squeeze3A_255 : f32 to vector<16xf32>
          %mul3A_266 = arith.mulf %bitcast3A_262, %mul3A_265 : vector<16xf32>
          %swap3A_267 = arith.index_cast %add3A_257 : i32 to index
          %swap3A_268 = arith.constant 0 : index
          %swap3A_269 = tpu.vector_load %arg12[%swap3A_267, %swap3A_268] {strides = array<i32>} : memref<112x128xf32, #tpu.memory_space<vmem>>, vector<16xf32>,
          tpu.vector_store %arg12[%swap3A_267, %swap3A_268], %mul3A_266 {strides = array<i32>} : memref<112x128xf32, #tpu.memory_space<vmem>>, vector<16xf32>,
          %mul3A_270 = vector.broadcast %squeeze3A_255 : f32 to vector<16xf32>
          %mul3A_271 = arith.mulf %bitcast3A_264, %mul3A_270 : vector<16xf32>
          %swap3A_272 = arith.index_cast %add3A_257 : i32 to index
          %swap3A_273 = arith.constant 16 : index
          %swap3A_274 = tpu.vector_load %arg12[%swap3A_272, %swap3A_273] {strides = array<i32>} : memref<112x128xf32, #tpu.memory_space<vmem>>, vector<16xf32>,
          tpu.vector_store %arg12[%swap3A_272, %swap3A_273], %mul3A_271 {strides = array<i32>} : memref<112x128xf32, #tpu.memory_space<vmem>>, vector<16xf32>,
          %get3A_275 = arith.index_cast %add3A_257 : i32 to index
          %get3A_276 = arith.constant 16 : index
          %get3A_277 = tpu.vector_load %arg11[%get3A_275, %get3A_276] {strides = array<i32>} : memref<112x64xi32, #tpu.memory_space<vmem>>, vector<16xi32>,
          %shift_left3A_278 = arith.shli %get3A_277, %broadcast_in_dim3A_21 : vector<16xi32>
          %bitcast3A_279 = vector.bitcast %shift_left3A_278 : vector<16xi32> to vector<16xf32>
          %and3A_280 = arith.andi %get3A_277, %broadcast_in_dim3A_19 : vector<16xi32>
          %bitcast3A_281 = vector.bitcast %and3A_280 : vector<16xi32> to vector<16xf32>
          %mul3A_282 = vector.broadcast %squeeze3A_255 : f32 to vector<16xf32>
          %mul3A_283 = arith.mulf %bitcast3A_279, %mul3A_282 : vector<16xf32>
          %swap3A_284 = arith.index_cast %add3A_257 : i32 to index
          %swap3A_285 = arith.constant 32 : index
          %swap3A_286 = tpu.vector_load %arg12[%swap3A_284, %swap3A_285] {strides = array<i32>} : memref<112x128xf32, #tpu.memory_space<vmem>>, vector<16xf32>,
          tpu.vector_store %arg12[%swap3A_284, %swap3A_285], %mul3A_283 {strides = array<i32>} : memref<112x128xf32, #tpu.memory_space<vmem>>, vector<16xf32>,
          %mul3A_287 = vector.broadcast %squeeze3A_255 : f32 to vector<16xf32>
          %mul3A_288 = arith.mulf %bitcast3A_281, %mul3A_287 : vector<16xf32>
          %swap3A_289 = arith.index_cast %add3A_257 : i32 to index
          %swap3A_290 = arith.constant 48 : index
          %swap3A_291 = tpu.vector_load %arg12[%swap3A_289, %swap3A_290] {strides = array<i32>} : memref<112x128xf32, #tpu.memory_space<vmem>>, vector<16xf32>,
          tpu.vector_store %arg12[%swap3A_289, %swap3A_290], %mul3A_288 {strides = array<i32>} : memref<112x128xf32, #tpu.memory_space<vmem>>, vector<16xf32>,
          %get3A_292 = arith.index_cast %add3A_257 : i32 to index
          %get3A_293 = arith.constant 32 : index
          %get3A_294 = tpu.vector_load %arg11[%get3A_292, %get3A_293] {strides = array<i32>} : memref<112x64xi32, #tpu.memory_space<vmem>>, vector<16xi32>,
          %shift_left3A_295 = arith.shli %get3A_294, %broadcast_in_dim3A_21 : vector<16xi32>
          %bitcast3A_296 = vector.bitcast %shift_left3A_295 : vector<16xi32> to vector<16xf32>
          %and3A_297 = arith.andi %get3A_294, %broadcast_in_dim3A_19 : vector<16xi32>
          %bitcast3A_298 = vector.bitcast %and3A_297 : vector<16xi32> to vector<16xf32>
          %mul3A_299 = vector.broadcast %squeeze3A_255 : f32 to vector<16xf32>
          %mul3A_300 = arith.mulf %bitcast3A_296, %mul3A_299 : vector<16xf32>
          %swap3A_301 = arith.index_cast %add3A_257 : i32 to index
          %swap3A_302 = arith.constant 64 : index
          %swap3A_303 = tpu.vector_load %arg12[%swap3A_301, %swap3A_302] {strides = array<i32>} : memref<112x128xf32, #tpu.memory_space<vmem>>, vector<16xf32>,
          tpu.vector_store %arg12[%swap3A_301, %swap3A_302], %mul3A_300 {strides = array<i32>} : memref<112x128xf32, #tpu.memory_space<vmem>>, vector<16xf32>,
          %mul3A_304 = vector.broadcast %squeeze3A_255 : f32 to vector<16xf32>
          %mul3A_305 = arith.mulf %bitcast3A_298, %mul3A_304 : vector<16xf32>
          %swap3A_306 = arith.index_cast %add3A_257 : i32 to index
          %swap3A_307 = arith.constant 80 : index
          %swap3A_308 = tpu.vector_load %arg12[%swap3A_306, %swap3A_307] {strides = array<i32>} : memref<112x128xf32, #tpu.memory_space<vmem>>, vector<16xf32>,
          tpu.vector_store %arg12[%swap3A_306, %swap3A_307], %mul3A_305 {strides = array<i32>} : memref<112x128xf32, #tpu.memory_space<vmem>>, vector<16xf32>,
          %get3A_309 = arith.index_cast %add3A_257 : i32 to index
          %get3A_310 = arith.constant 48 : index
          %get3A_311 = tpu.vector_load %arg11[%get3A_309, %get3A_310] {strides = array<i32>} : memref<112x64xi32, #tpu.memory_space<vmem>>, vector<16xi32>,
          %shift_left3A_312 = arith.shli %get3A_311, %broadcast_in_dim3A_21 : vector<16xi32>
          %bitcast3A_313 = vector.bitcast %shift_left3A_312 : vector<16xi32> to vector<16xf32>
          %and3A_314 = arith.andi %get3A_311, %broadcast_in_dim3A_19 : vector<16xi32>
          %bitcast3A_315 = vector.bitcast %and3A_314 : vector<16xi32> to vector<16xf32>
          %mul3A_316 = vector.broadcast %squeeze3A_255 : f32 to vector<16xf32>
          %mul3A_317 = arith.mulf %bitcast3A_313, %mul3A_316 : vector<16xf32>
          %swap3A_318 = arith.index_cast %add3A_257 : i32 to index
          %swap3A_319 = arith.constant 96 : index
          %swap3A_320 = tpu.vector_load %arg12[%swap3A_318, %swap3A_319] {strides = array<i32>} : memref<112x128xf32, #tpu.memory_space<vmem>>, vector<16xf32>,
          tpu.vector_store %arg12[%swap3A_318, %swap3A_319], %mul3A_317 {strides = array<i32>} : memref<112x128xf32, #tpu.memory_space<vmem>>, vector<16xf32>,
          %mul3A_321 = vector.broadcast %squeeze3A_255 : f32 to vector<16xf32>
          %mul3A_322 = arith.mulf %bitcast3A_315, %mul3A_321 : vector<16xf32>
          %swap3A_323 = arith.index_cast %add3A_257 : i32 to index
          %swap3A_324 = arith.constant 112 : index
          %swap3A_325 = tpu.vector_load %arg12[%swap3A_323, %swap3A_324] {strides = array<i32>} : memref<112x128xf32, #tpu.memory_space<vmem>>, vector<16xf32>,
          tpu.vector_store %arg12[%swap3A_323, %swap3A_324], %mul3A_322 {strides = array<i32>} : memref<112x128xf32, #tpu.memory_space<vmem>>, vector<16xf32>,
          %slice3A_326 = vector.extract_strided_slice %get3A_113 {offsets = [3], sizes = [1], strides = [1]} : vector<16xf32> to vector<1xf32>
          %squeeze3A_327 = vector.extract %slice3A_326[0] : f32 from vector<1xf32>
          %add3A_328 = arith.constant 3 : i32
          %add3A_329 = arith.addi %mul3A_115, %add3A_328 : i32
          %get3A_330 = arith.index_cast %add3A_329 : i32 to index
          %get3A_331 = arith.constant 0 : index
          %get3A_332 = tpu.vector_load %arg11[%get3A_330, %get3A_331] {strides = array<i32>} : memref<112x64xi32, #tpu.memory_space<vmem>>, vector<16xi32>,
          %shift_left3A_333 = arith.shli %get3A_332, %broadcast_in_dim3A_21 : vector<16xi32>
          %bitcast3A_334 = vector.bitcast %shift_left3A_333 : vector<16xi32> to vector<16xf32>
          %and3A_335 = arith.andi %get3A_332, %broadcast_in_dim3A_19 : vector<16xi32>
          %bitcast3A_336 = vector.bitcast %and3A_335 : vector<16xi32> to vector<16xf32>
          %mul3A_337 = vector.broadcast %squeeze3A_327 : f32 to vector<16xf32>
          %mul3A_338 = arith.mulf %bitcast3A_334, %mul3A_337 : vector<16xf32>
          %swap3A_339 = arith.index_cast %add3A_329 : i32 to index
          %swap3A_340 = arith.constant 0 : index
          %swap3A_341 = tpu.vector_load %arg12[%swap3A_339, %swap3A_340] {strides = array<i32>} : memref<112x128xf32, #tpu.memory_space<vmem>>, vector<16xf32>,
          tpu.vector_store %arg12[%swap3A_339, %swap3A_340], %mul3A_338 {strides = array<i32>} : memref<112x128xf32, #tpu.memory_space<vmem>>, vector<16xf32>,
          %mul3A_342 = vector.broadcast %squeeze3A_327 : f32 to vector<16xf32>
          %mul3A_343 = arith.mulf %bitcast3A_336, %mul3A_342 : vector<16xf32>
          %swap3A_344 = arith.index_cast %add3A_329 : i32 to index
          %swap3A_345 = arith.constant 16 : index
          %swap3A_346 = tpu.vector_load %arg12[%swap3A_344, %swap3A_345] {strides = array<i32>} : memref<112x128xf32, #tpu.memory_space<vmem>>, vector<16xf32>,
          tpu.vector_store %arg12[%swap3A_344, %swap3A_345], %mul3A_343 {strides = array<i32>} : memref<112x128xf32, #tpu.memory_space<vmem>>, vector<16xf32>,
          %get3A_347 = arith.index_cast %add3A_329 : i32 to index
          %get3A_348 = arith.constant 16 : index
          %get3A_349 = tpu.vector_load %arg11[%get3A_347, %get3A_348] {strides = array<i32>} : memref<112x64xi32, #tpu.memory_space<vmem>>, vector<16xi32>,
          %shift_left3A_350 = arith.shli %get3A_349, %broadcast_in_dim3A_21 : vector<16xi32>
          %bitcast3A_351 = vector.bitcast %shift_left3A_350 : vector<16xi32> to vector<16xf32>
          %and3A_352 = arith.andi %get3A_349, %broadcast_in_dim3A_19 : vector<16xi32>
          %bitcast3A_353 = vector.bitcast %and3A_352 : vector<16xi32> to vector<16xf32>
          %mul3A_354 = vector.broadcast %squeeze3A_327 : f32 to vector<16xf32>
          %mul3A_355 = arith.mulf %bitcast3A_351, %mul3A_354 : vector<16xf32>
          %swap3A_356 = arith.index_cast %add3A_329 : i32 to index
          %swap3A_357 = arith.constant 32 : index
          %swap3A_358 = tpu.vector_load %arg12[%swap3A_356, %swap3A_357] {strides = array<i32>} : memref<112x128xf32, #tpu.memory_space<vmem>>, vector<16xf32>,
          tpu.vector_store %arg12[%swap3A_356, %swap3A_357], %mul3A_355 {strides = array<i32>} : memref<112x128xf32, #tpu.memory_space<vmem>>, vector<16xf32>,
          %mul3A_359 = vector.broadcast %squeeze3A_327 : f32 to vector<16xf32>
          %mul3A_360 = arith.mulf %bitcast3A_353, %mul3A_359 : vector<16xf32>
          %swap3A_361 = arith.index_cast %add3A_329 : i32 to index
          %swap3A_362 = arith.constant 48 : index
          %swap3A_363 = tpu.vector_load %arg12[%swap3A_361, %swap3A_362] {strides = array<i32>} : memref<112x128xf32, #tpu.memory_space<vmem>>, vector<16xf32>,
          tpu.vector_store %arg12[%swap3A_361, %swap3A_362], %mul3A_360 {strides = array<i32>} : memref<112x128xf32, #tpu.memory_space<vmem>>, vector<16xf32>,
          %get3A_364 = arith.index_cast %add3A_329 : i32 to index
          %get3A_365 = arith.constant 32 : index
          %get3A_366 = tpu.vector_load %arg11[%get3A_364, %get3A_365] {strides = array<i32>} : memref<112x64xi32, #tpu.memory_space<vmem>>, vector<16xi32>,
          %shift_left3A_367 = arith.shli %get3A_366, %broadcast_in_dim3A_21 : vector<16xi32>
          %bitcast3A_368 = vector.bitcast %shift_left3A_367 : vector<16xi32> to vector<16xf32>
          %and3A_369 = arith.andi %get3A_366, %broadcast_in_dim3A_19 : vector<16xi32>
          %bitcast3A_370 = vector.bitcast %and3A_369 : vector<16xi32> to vector<16xf32>
          %mul3A_371 = vector.broadcast %squeeze3A_327 : f32 to vector<16xf32>
          %mul3A_372 = arith.mulf %bitcast3A_368, %mul3A_371 : vector<16xf32>
          %swap3A_373 = arith.index_cast %add3A_329 : i32 to index
          %swap3A_374 = arith.constant 64 : index
          %swap3A_375 = tpu.vector_load %arg12[%swap3A_373, %swap3A_374] {strides = array<i32>} : memref<112x128xf32, #tpu.memory_space<vmem>>, vector<16xf32>,
          tpu.vector_store %arg12[%swap3A_373, %swap3A_374], %mul3A_372 {strides = array<i32>} : memref<112x128xf32, #tpu.memory_space<vmem>>, vector<16xf32>,
          %mul3A_376 = vector.broadcast %squeeze3A_327 : f32 to vector<16xf32>
          %mul3A_377 = arith.mulf %bitcast3A_370, %mul3A_376 : vector<16xf32>
          %swap3A_378 = arith.index_cast %add3A_329 : i32 to index
          %swap3A_379 = arith.constant 80 : index
          %swap3A_380 = tpu.vector_load %arg12[%swap3A_378, %swap3A_379] {strides = array<i32>} : memref<112x128xf32, #tpu.memory_space<vmem>>, vector<16xf32>,
          tpu.vector_store %arg12[%swap3A_378, %swap3A_379], %mul3A_377 {strides = array<i32>} : memref<112x128xf32, #tpu.memory_space<vmem>>, vector<16xf32>,
          %get3A_381 = arith.index_cast %add3A_329 : i32 to index
          %get3A_382 = arith.constant 48 : index
          %get3A_383 = tpu.vector_load %arg11[%get3A_381, %get3A_382] {strides = array<i32>} : memref<112x64xi32, #tpu.memory_space<vmem>>, vector<16xi32>,
          %shift_left3A_384 = arith.shli %get3A_383, %broadcast_in_dim3A_21 : vector<16xi32>
          %bitcast3A_385 = vector.bitcast %shift_left3A_384 : vector<16xi32> to vector<16xf32>
          %and3A_386 = arith.andi %get3A_383, %broadcast_in_dim3A_19 : vector<16xi32>
          %bitcast3A_387 = vector.bitcast %and3A_386 : vector<16xi32> to vector<16xf32>
          %mul3A_388 = vector.broadcast %squeeze3A_327 : f32 to vector<16xf32>
          %mul3A_389 = arith.mulf %bitcast3A_385, %mul3A_388 : vector<16xf32>
          %swap3A_390 = arith.index_cast %add3A_329 : i32 to index
          %swap3A_391 = arith.constant 96 : index
          %swap3A_392 = tpu.vector_load %arg12[%swap3A_390, %swap3A_391] {strides = array<i32>} : memref<112x128xf32, #tpu.memory_space<vmem>>, vector<16xf32>,
          tpu.vector_store %arg12[%swap3A_390, %swap3A_391], %mul3A_389 {strides = array<i32>} : memref<112x128xf32, #tpu.memory_space<vmem>>, vector<16xf32>,
          %mul3A_393 = vector.broadcast %squeeze3A_327 : f32 to vector<16xf32>
          %mul3A_394 = arith.mulf %bitcast3A_387, %mul3A_393 : vector<16xf32>
          %swap3A_395 = arith.index_cast %add3A_329 : i32 to index
          %swap3A_396 = arith.constant 112 : index
          %swap3A_397 = tpu.vector_load %arg12[%swap3A_395, %swap3A_396] {strides = array<i32>} : memref<112x128xf32, #tpu.memory_space<vmem>>, vector<16xf32>,
          tpu.vector_store %arg12[%swap3A_395, %swap3A_396], %mul3A_394 {strides = array<i32>} : memref<112x128xf32, #tpu.memory_space<vmem>>, vector<16xf32>,
          %slice3A_398 = vector.extract_strided_slice %get3A_113 {offsets = [4], sizes = [1], strides = [1]} : vector<16xf32> to vector<1xf32>
          %squeeze3A_399 = vector.extract %slice3A_398[0] : f32 from vector<1xf32>
          %add3A_400 = arith.constant 4 : i32
          %add3A_401 = arith.addi %mul3A_115, %add3A_400 : i32
          %get3A_402 = arith.index_cast %add3A_401 : i32 to index
          %get3A_403 = arith.constant 0 : index
          %get3A_404 = tpu.vector_load %arg11[%get3A_402, %get3A_403] {strides = array<i32>} : memref<112x64xi32, #tpu.memory_space<vmem>>, vector<16xi32>,
          %shift_left3A_405 = arith.shli %get3A_404, %broadcast_in_dim3A_21 : vector<16xi32>
          %bitcast3A_406 = vector.bitcast %shift_left3A_405 : vector<16xi32> to vector<16xf32>
          %and3A_407 = arith.andi %get3A_404, %broadcast_in_dim3A_19 : vector<16xi32>
          %bitcast3A_408 = vector.bitcast %and3A_407 : vector<16xi32> to vector<16xf32>
          %mul3A_409 = vector.broadcast %squeeze3A_399 : f32 to vector<16xf32>
          %mul3A_410 = arith.mulf %bitcast3A_406, %mul3A_409 : vector<16xf32>
          %swap3A_411 = arith.index_cast %add3A_401 : i32 to index
          %swap3A_412 = arith.constant 0 : index
          %swap3A_413 = tpu.vector_load %arg12[%swap3A_411, %swap3A_412] {strides = array<i32>} : memref<112x128xf32, #tpu.memory_space<vmem>>, vector<16xf32>,
          tpu.vector_store %arg12[%swap3A_411, %swap3A_412], %mul3A_410 {strides = array<i32>} : memref<112x128xf32, #tpu.memory_space<vmem>>, vector<16xf32>,
          %mul3A_414 = vector.broadcast %squeeze3A_399 : f32 to vector<16xf32>
          %mul3A_415 = arith.mulf %bitcast3A_408, %mul3A_414 : vector<16xf32>
          %swap3A_416 = arith.index_cast %add3A_401 : i32 to index
          %swap3A_417 = arith.constant 16 : index
          %swap3A_418 = tpu.vector_load %arg12[%swap3A_416, %swap3A_417] {strides = array<i32>} : memref<112x128xf32, #tpu.memory_space<vmem>>, vector<16xf32>,
          tpu.vector_store %arg12[%swap3A_416, %swap3A_417], %mul3A_415 {strides = array<i32>} : memref<112x128xf32, #tpu.memory_space<vmem>>, vector<16xf32>,
          %get3A_419 = arith.index_cast %add3A_401 : i32 to index
          %get3A_420 = arith.constant 16 : index
          %get3A_421 = tpu.vector_load %arg11[%get3A_419, %get3A_420] {strides = array<i32>} : memref<112x64xi32, #tpu.memory_space<vmem>>, vector<16xi32>,
          %shift_left3A_422 = arith.shli %get3A_421, %broadcast_in_dim3A_21 : vector<16xi32>
          %bitcast3A_423 = vector.bitcast %shift_left3A_422 : vector<16xi32> to vector<16xf32>
          %and3A_424 = arith.andi %get3A_421, %broadcast_in_dim3A_19 : vector<16xi32>
          %bitcast3A_425 = vector.bitcast %and3A_424 : vector<16xi32> to vector<16xf32>
          %mul3A_426 = vector.broadcast %squeeze3A_399 : f32 to vector<16xf32>
          %mul3A_427 = arith.mulf %bitcast3A_423, %mul3A_426 : vector<16xf32>
          %swap3A_428 = arith.index_cast %add3A_401 : i32 to index
          %swap3A_429 = arith.constant 32 : index
          %swap3A_430 = tpu.vector_load %arg12[%swap3A_428, %swap3A_429] {strides = array<i32>} : memref<112x128xf32, #tpu.memory_space<vmem>>, vector<16xf32>,
          tpu.vector_store %arg12[%swap3A_428, %swap3A_429], %mul3A_427 {strides = array<i32>} : memref<112x128xf32, #tpu.memory_space<vmem>>, vector<16xf32>,
          %mul3A_431 = vector.broadcast %squeeze3A_399 : f32 to vector<16xf32>
          %mul3A_432 = arith.mulf %bitcast3A_425, %mul3A_431 : vector<16xf32>
          %swap3A_433 = arith.index_cast %add3A_401 : i32 to index
          %swap3A_434 = arith.constant 48 : index
          %swap3A_435 = tpu.vector_load %arg12[%swap3A_433, %swap3A_434] {strides = array<i32>} : memref<112x128xf32, #tpu.memory_space<vmem>>, vector<16xf32>,
          tpu.vector_store %arg12[%swap3A_433, %swap3A_434], %mul3A_432 {strides = array<i32>} : memref<112x128xf32, #tpu.memory_space<vmem>>, vector<16xf32>,
          %get3A_436 = arith.index_cast %add3A_401 : i32 to index
          %get3A_437 = arith.constant 32 : index
          %get3A_438 = tpu.vector_load %arg11[%get3A_436, %get3A_437] {strides = array<i32>} : memref<112x64xi32, #tpu.memory_space<vmem>>, vector<16xi32>,
          %shift_left3A_439 = arith.shli %get3A_438, %broadcast_in_dim3A_21 : vector<16xi32>
          %bitcast3A_440 = vector.bitcast %shift_left3A_439 : vector<16xi32> to vector<16xf32>
          %and3A_441 = arith.andi %get3A_438, %broadcast_in_dim3A_19 : vector<16xi32>
          %bitcast3A_442 = vector.bitcast %and3A_441 : vector<16xi32> to vector<16xf32>
          %mul3A_443 = vector.broadcast %squeeze3A_399 : f32 to vector<16xf32>
          %mul3A_444 = arith.mulf %bitcast3A_440, %mul3A_443 : vector<16xf32>
          %swap3A_445 = arith.index_cast %add3A_401 : i32 to index
          %swap3A_446 = arith.constant 64 : index
          %swap3A_447 = tpu.vector_load %arg12[%swap3A_445, %swap3A_446] {strides = array<i32>} : memref<112x128xf32, #tpu.memory_space<vmem>>, vector<16xf32>,
          tpu.vector_store %arg12[%swap3A_445, %swap3A_446], %mul3A_444 {strides = array<i32>} : memref<112x128xf32, #tpu.memory_space<vmem>>, vector<16xf32>,
          %mul3A_448 = vector.broadcast %squeeze3A_399 : f32 to vector<16xf32>
          %mul3A_449 = arith.mulf %bitcast3A_442, %mul3A_448 : vector<16xf32>
          %swap3A_450 = arith.index_cast %add3A_401 : i32 to index
          %swap3A_451 = arith.constant 80 : index
          %swap3A_452 = tpu.vector_load %arg12[%swap3A_450, %swap3A_451] {strides = array<i32>} : memref<112x128xf32, #tpu.memory_space<vmem>>, vector<16xf32>,
          tpu.vector_store %arg12[%swap3A_450, %swap3A_451], %mul3A_449 {strides = array<i32>} : memref<112x128xf32, #tpu.memory_space<vmem>>, vector<16xf32>,
          %get3A_453 = arith.index_cast %add3A_401 : i32 to index
          %get3A_454 = arith.constant 48 : index
          %get3A_455 = tpu.vector_load %arg11[%get3A_453, %get3A_454] {strides = array<i32>} : memref<112x64xi32, #tpu.memory_space<vmem>>, vector<16xi32>,
          %shift_left3A_456 = arith.shli %get3A_455, %broadcast_in_dim3A_21 : vector<16xi32>
          %bitcast3A_457 = vector.bitcast %shift_left3A_456 : vector<16xi32> to vector<16xf32>
          %and3A_458 = arith.andi %get3A_455, %broadcast_in_dim3A_19 : vector<16xi32>
          %bitcast3A_459 = vector.bitcast %and3A_458 : vector<16xi32> to vector<16xf32>
          %mul3A_460 = vector.broadcast %squeeze3A_399 : f32 to vector<16xf32>
          %mul3A_461 = arith.mulf %bitcast3A_457, %mul3A_460 : vector<16xf32>
          %swap3A_462 = arith.index_cast %add3A_401 : i32 to index
          %swap3A_463 = arith.constant 96 : index
          %swap3A_464 = tpu.vector_load %arg12[%swap3A_462, %swap3A_463] {strides = array<i32>} : memref<112x128xf32, #tpu.memory_space<vmem>>, vector<16xf32>,
          tpu.vector_store %arg12[%swap3A_462, %swap3A_463], %mul3A_461 {strides = array<i32>} : memref<112x128xf32, #tpu.memory_space<vmem>>, vector<16xf32>,
          %mul3A_465 = vector.broadcast %squeeze3A_399 : f32 to vector<16xf32>
          %mul3A_466 = arith.mulf %bitcast3A_459, %mul3A_465 : vector<16xf32>
          %swap3A_467 = arith.index_cast %add3A_401 : i32 to index
          %swap3A_468 = arith.constant 112 : index
          %swap3A_469 = tpu.vector_load %arg12[%swap3A_467, %swap3A_468] {strides = array<i32>} : memref<112x128xf32, #tpu.memory_space<vmem>>, vector<16xf32>,
          tpu.vector_store %arg12[%swap3A_467, %swap3A_468], %mul3A_466 {strides = array<i32>} : memref<112x128xf32, #tpu.memory_space<vmem>>, vector<16xf32>,
          %slice3A_470 = vector.extract_strided_slice %get3A_113 {offsets = [5], sizes = [1], strides = [1]} : vector<16xf32> to vector<1xf32>
          %squeeze3A_471 = vector.extract %slice3A_470[0] : f32 from vector<1xf32>
          %add3A_472 = arith.constant 5 : i32
          %add3A_473 = arith.addi %mul3A_115, %add3A_472 : i32
          %get3A_474 = arith.index_cast %add3A_473 : i32 to index
          %get3A_475 = arith.constant 0 : index
          %get3A_476 = tpu.vector_load %arg11[%get3A_474, %get3A_475] {strides = array<i32>} : memref<112x64xi32, #tpu.memory_space<vmem>>, vector<16xi32>,
          %shift_left3A_477 = arith.shli %get3A_476, %broadcast_in_dim3A_21 : vector<16xi32>
          %bitcast3A_478 = vector.bitcast %shift_left3A_477 : vector<16xi32> to vector<16xf32>
          %and3A_479 = arith.andi %get3A_476, %broadcast_in_dim3A_19 : vector<16xi32>
          %bitcast3A_480 = vector.bitcast %and3A_479 : vector<16xi32> to vector<16xf32>
          %mul3A_481 = vector.broadcast %squeeze3A_471 : f32 to vector<16xf32>
          %mul3A_482 = arith.mulf %bitcast3A_478, %mul3A_481 : vector<16xf32>
          %swap3A_483 = arith.index_cast %add3A_473 : i32 to index
          %swap3A_484 = arith.constant 0 : index
          %swap3A_485 = tpu.vector_load %arg12[%swap3A_483, %swap3A_484] {strides = array<i32>} : memref<112x128xf32, #tpu.memory_space<vmem>>, vector<16xf32>,
          tpu.vector_store %arg12[%swap3A_483, %swap3A_484], %mul3A_482 {strides = array<i32>} : memref<112x128xf32, #tpu.memory_space<vmem>>, vector<16xf32>,
          %mul3A_486 = vector.broadcast %squeeze3A_471 : f32 to vector<16xf32>
          %mul3A_487 = arith.mulf %bitcast3A_480, %mul3A_486 : vector<16xf32>
          %swap3A_488 = arith.index_cast %add3A_473 : i32 to index
          %swap3A_489 = arith.constant 16 : index
          %swap3A_490 = tpu.vector_load %arg12[%swap3A_488, %swap3A_489] {strides = array<i32>} : memref<112x128xf32, #tpu.memory_space<vmem>>, vector<16xf32>,
          tpu.vector_store %arg12[%swap3A_488, %swap3A_489], %mul3A_487 {strides = array<i32>} : memref<112x128xf32, #tpu.memory_space<vmem>>, vector<16xf32>,
          %get3A_491 = arith.index_cast %add3A_473 : i32 to index
          %get3A_492 = arith.constant 16 : index
          %get3A_493 = tpu.vector_load %arg11[%get3A_491, %get3A_492] {strides = array<i32>} : memref<112x64xi32, #tpu.memory_space<vmem>>, vector<16xi32>,
          %shift_left3A_494 = arith.shli %get3A_493, %broadcast_in_dim3A_21 : vector<16xi32>
          %bitcast3A_495 = vector.bitcast %shift_left3A_494 : vector<16xi32> to vector<16xf32>
          %and3A_496 = arith.andi %get3A_493, %broadcast_in_dim3A_19 : vector<16xi32>
          %bitcast3A_497 = vector.bitcast %and3A_496 : vector<16xi32> to vector<16xf32>
          %mul3A_498 = vector.broadcast %squeeze3A_471 : f32 to vector<16xf32>
          %mul3A_499 = arith.mulf %bitcast3A_495, %mul3A_498 : vector<16xf32>
          %swap3A_500 = arith.index_cast %add3A_473 : i32 to index
          %swap3A_501 = arith.constant 32 : index
          %swap3A_502 = tpu.vector_load %arg12[%swap3A_500, %swap3A_501] {strides = array<i32>} : memref<112x128xf32, #tpu.memory_space<vmem>>, vector<16xf32>,
          tpu.vector_store %arg12[%swap3A_500, %swap3A_501], %mul3A_499 {strides = array<i32>} : memref<112x128xf32, #tpu.memory_space<vmem>>, vector<16xf32>,
          %mul3A_503 = vector.broadcast %squeeze3A_471 : f32 to vector<16xf32>
          %mul3A_504 = arith.mulf %bitcast3A_497, %mul3A_503 : vector<16xf32>
          %swap3A_505 = arith.index_cast %add3A_473 : i32 to index
          %swap3A_506 = arith.constant 48 : index
          %swap3A_507 = tpu.vector_load %arg12[%swap3A_505, %swap3A_506] {strides = array<i32>} : memref<112x128xf32, #tpu.memory_space<vmem>>, vector<16xf32>,
          tpu.vector_store %arg12[%swap3A_505, %swap3A_506], %mul3A_504 {strides = array<i32>} : memref<112x128xf32, #tpu.memory_space<vmem>>, vector<16xf32>,
          %get3A_508 = arith.index_cast %add3A_473 : i32 to index
          %get3A_509 = arith.constant 32 : index
          %get3A_510 = tpu.vector_load %arg11[%get3A_508, %get3A_509] {strides = array<i32>} : memref<112x64xi32, #tpu.memory_space<vmem>>, vector<16xi32>,
          %shift_left3A_511 = arith.shli %get3A_510, %broadcast_in_dim3A_21 : vector<16xi32>
          %bitcast3A_512 = vector.bitcast %shift_left3A_511 : vector<16xi32> to vector<16xf32>
          %and3A_513 = arith.andi %get3A_510, %broadcast_in_dim3A_19 : vector<16xi32>
          %bitcast3A_514 = vector.bitcast %and3A_513 : vector<16xi32> to vector<16xf32>
          %mul3A_515 = vector.broadcast %squeeze3A_471 : f32 to vector<16xf32>
          %mul3A_516 = arith.mulf %bitcast3A_512, %mul3A_515 : vector<16xf32>
          %swap3A_517 = arith.index_cast %add3A_473 : i32 to index
          %swap3A_518 = arith.constant 64 : index
          %swap3A_519 = tpu.vector_load %arg12[%swap3A_517, %swap3A_518] {strides = array<i32>} : memref<112x128xf32, #tpu.memory_space<vmem>>, vector<16xf32>,
          tpu.vector_store %arg12[%swap3A_517, %swap3A_518], %mul3A_516 {strides = array<i32>} : memref<112x128xf32, #tpu.memory_space<vmem>>, vector<16xf32>,
          %mul3A_520 = vector.broadcast %squeeze3A_471 : f32 to vector<16xf32>
          %mul3A_521 = arith.mulf %bitcast3A_514, %mul3A_520 : vector<16xf32>
          %swap3A_522 = arith.index_cast %add3A_473 : i32 to index
          %swap3A_523 = arith.constant 80 : index
          %swap3A_524 = tpu.vector_load %arg12[%swap3A_522, %swap3A_523] {strides = array<i32>} : memref<112x128xf32, #tpu.memory_space<vmem>>, vector<16xf32>,
          tpu.vector_store %arg12[%swap3A_522, %swap3A_523], %mul3A_521 {strides = array<i32>} : memref<112x128xf32, #tpu.memory_space<vmem>>, vector<16xf32>,
          %get3A_525 = arith.index_cast %add3A_473 : i32 to index
          %get3A_526 = arith.constant 48 : index
          %get3A_527 = tpu.vector_load %arg11[%get3A_525, %get3A_526] {strides = array<i32>} : memref<112x64xi32, #tpu.memory_space<vmem>>, vector<16xi32>,
          %shift_left3A_528 = arith.shli %get3A_527, %broadcast_in_dim3A_21 : vector<16xi32>
          %bitcast3A_529 = vector.bitcast %shift_left3A_528 : vector<16xi32> to vector<16xf32>
          %and3A_530 = arith.andi %get3A_527, %broadcast_in_dim3A_19 : vector<16xi32>
          %bitcast3A_531 = vector.bitcast %and3A_530 : vector<16xi32> to vector<16xf32>
          %mul3A_532 = vector.broadcast %squeeze3A_471 : f32 to vector<16xf32>
          %mul3A_533 = arith.mulf %bitcast3A_529, %mul3A_532 : vector<16xf32>
          %swap3A_534 = arith.index_cast %add3A_473 : i32 to index
          %swap3A_535 = arith.constant 96 : index
          %swap3A_536 = tpu.vector_load %arg12[%swap3A_534, %swap3A_535] {strides = array<i32>} : memref<112x128xf32, #tpu.memory_space<vmem>>, vector<16xf32>,
          tpu.vector_store %arg12[%swap3A_534, %swap3A_535], %mul3A_533 {strides = array<i32>} : memref<112x128xf32, #tpu.memory_space<vmem>>, vector<16xf32>,
          %mul3A_537 = vector.broadcast %squeeze3A_471 : f32 to vector<16xf32>
          %mul3A_538 = arith.mulf %bitcast3A_531, %mul3A_537 : vector<16xf32>
          %swap3A_539 = arith.index_cast %add3A_473 : i32 to index
          %swap3A_540 = arith.constant 112 : index
          %swap3A_541 = tpu.vector_load %arg12[%swap3A_539, %swap3A_540] {strides = array<i32>} : memref<112x128xf32, #tpu.memory_space<vmem>>, vector<16xf32>,
          tpu.vector_store %arg12[%swap3A_539, %swap3A_540], %mul3A_538 {strides = array<i32>} : memref<112x128xf32, #tpu.memory_space<vmem>>, vector<16xf32>,
          %slice3A_542 = vector.extract_strided_slice %get3A_113 {offsets = [6], sizes = [1], strides = [1]} : vector<16xf32> to vector<1xf32>
          %squeeze3A_543 = vector.extract %slice3A_542[0] : f32 from vector<1xf32>
          %add3A_544 = arith.constant 6 : i32
          %add3A_545 = arith.addi %mul3A_115, %add3A_544 : i32
          %get3A_546 = arith.index_cast %add3A_545 : i32 to index
          %get3A_547 = arith.constant 0 : index
          %get3A_548 = tpu.vector_load %arg11[%get3A_546, %get3A_547] {strides = array<i32>} : memref<112x64xi32, #tpu.memory_space<vmem>>, vector<16xi32>,
          %shift_left3A_549 = arith.shli %get3A_548, %broadcast_in_dim3A_21 : vector<16xi32>
          %bitcast3A_550 = vector.bitcast %shift_left3A_549 : vector<16xi32> to vector<16xf32>
          %and3A_551 = arith.andi %get3A_548, %broadcast_in_dim3A_19 : vector<16xi32>
          %bitcast3A_552 = vector.bitcast %and3A_551 : vector<16xi32> to vector<16xf32>
          %mul3A_553 = vector.broadcast %squeeze3A_543 : f32 to vector<16xf32>
          %mul3A_554 = arith.mulf %bitcast3A_550, %mul3A_553 : vector<16xf32>
          %swap3A_555 = arith.index_cast %add3A_545 : i32 to index
          %swap3A_556 = arith.constant 0 : index
          %swap3A_557 = tpu.vector_load %arg12[%swap3A_555, %swap3A_556] {strides = array<i32>} : memref<112x128xf32, #tpu.memory_space<vmem>>, vector<16xf32>,
          tpu.vector_store %arg12[%swap3A_555, %swap3A_556], %mul3A_554 {strides = array<i32>} : memref<112x128xf32, #tpu.memory_space<vmem>>, vector<16xf32>,
          %mul3A_558 = vector.broadcast %squeeze3A_543 : f32 to vector<16xf32>
          %mul3A_559 = arith.mulf %bitcast3A_552, %mul3A_558 : vector<16xf32>
          %swap3A_560 = arith.index_cast %add3A_545 : i32 to index
          %swap3A_561 = arith.constant 16 : index
          %swap3A_562 = tpu.vector_load %arg12[%swap3A_560, %swap3A_561] {strides = array<i32>} : memref<112x128xf32, #tpu.memory_space<vmem>>, vector<16xf32>,
          tpu.vector_store %arg12[%swap3A_560, %swap3A_561], %mul3A_559 {strides = array<i32>} : memref<112x128xf32, #tpu.memory_space<vmem>>, vector<16xf32>,
          %get3A_563 = arith.index_cast %add3A_545 : i32 to index
          %get3A_564 = arith.constant 16 : index
          %get3A_565 = tpu.vector_load %arg11[%get3A_563, %get3A_564] {strides = array<i32>} : memref<112x64xi32, #tpu.memory_space<vmem>>, vector<16xi32>,
          %shift_left3A_566 = arith.shli %get3A_565, %broadcast_in_dim3A_21 : vector<16xi32>
          %bitcast3A_567 = vector.bitcast %shift_left3A_566 : vector<16xi32> to vector<16xf32>
          %and3A_568 = arith.andi %get3A_565, %broadcast_in_dim3A_19 : vector<16xi32>
          %bitcast3A_569 = vector.bitcast %and3A_568 : vector<16xi32> to vector<16xf32>
          %mul3A_570 = vector.broadcast %squeeze3A_543 : f32 to vector<16xf32>
          %mul3A_571 = arith.mulf %bitcast3A_567, %mul3A_570 : vector<16xf32>
          %swap3A_572 = arith.index_cast %add3A_545 : i32 to index
          %swap3A_573 = arith.constant 32 : index
          %swap3A_574 = tpu.vector_load %arg12[%swap3A_572, %swap3A_573] {strides = array<i32>} : memref<112x128xf32, #tpu.memory_space<vmem>>, vector<16xf32>,
          tpu.vector_store %arg12[%swap3A_572, %swap3A_573], %mul3A_571 {strides = array<i32>} : memref<112x128xf32, #tpu.memory_space<vmem>>, vector<16xf32>,
          %mul3A_575 = vector.broadcast %squeeze3A_543 : f32 to vector<16xf32>
          %mul3A_576 = arith.mulf %bitcast3A_569, %mul3A_575 : vector<16xf32>
          %swap3A_577 = arith.index_cast %add3A_545 : i32 to index
          %swap3A_578 = arith.constant 48 : index
          %swap3A_579 = tpu.vector_load %arg12[%swap3A_577, %swap3A_578] {strides = array<i32>} : memref<112x128xf32, #tpu.memory_space<vmem>>, vector<16xf32>,
          tpu.vector_store %arg12[%swap3A_577, %swap3A_578], %mul3A_576 {strides = array<i32>} : memref<112x128xf32, #tpu.memory_space<vmem>>, vector<16xf32>,
          %get3A_580 = arith.index_cast %add3A_545 : i32 to index
          %get3A_581 = arith.constant 32 : index
          %get3A_582 = tpu.vector_load %arg11[%get3A_580, %get3A_581] {strides = array<i32>} : memref<112x64xi32, #tpu.memory_space<vmem>>, vector<16xi32>,
          %shift_left3A_583 = arith.shli %get3A_582, %broadcast_in_dim3A_21 : vector<16xi32>
          %bitcast3A_584 = vector.bitcast %shift_left3A_583 : vector<16xi32> to vector<16xf32>
          %and3A_585 = arith.andi %get3A_582, %broadcast_in_dim3A_19 : vector<16xi32>
          %bitcast3A_586 = vector.bitcast %and3A_585 : vector<16xi32> to vector<16xf32>
          %mul3A_587 = vector.broadcast %squeeze3A_543 : f32 to vector<16xf32>
          %mul3A_588 = arith.mulf %bitcast3A_584, %mul3A_587 : vector<16xf32>
          %swap3A_589 = arith.index_cast %add3A_545 : i32 to index
          %swap3A_590 = arith.constant 64 : index
          %swap3A_591 = tpu.vector_load %arg12[%swap3A_589, %swap3A_590] {strides = array<i32>} : memref<112x128xf32, #tpu.memory_space<vmem>>, vector<16xf32>,
          tpu.vector_store %arg12[%swap3A_589, %swap3A_590], %mul3A_588 {strides = array<i32>} : memref<112x128xf32, #tpu.memory_space<vmem>>, vector<16xf32>,
          %mul3A_592 = vector.broadcast %squeeze3A_543 : f32 to vector<16xf32>
          %mul3A_593 = arith.mulf %bitcast3A_586, %mul3A_592 : vector<16xf32>
          %swap3A_594 = arith.index_cast %add3A_545 : i32 to index
          %swap3A_595 = arith.constant 80 : index
          %swap3A_596 = tpu.vector_load %arg12[%swap3A_594, %swap3A_595] {strides = array<i32>} : memref<112x128xf32, #tpu.memory_space<vmem>>, vector<16xf32>,
          tpu.vector_store %arg12[%swap3A_594, %swap3A_595], %mul3A_593 {strides = array<i32>} : memref<112x128xf32, #tpu.memory_space<vmem>>, vector<16xf32>,
          %get3A_597 = arith.index_cast %add3A_545 : i32 to index
          %get3A_598 = arith.constant 48 : index
          %get3A_599 = tpu.vector_load %arg11[%get3A_597, %get3A_598] {strides = array<i32>} : memref<112x64xi32, #tpu.memory_space<vmem>>, vector<16xi32>,
          %shift_left3A_600 = arith.shli %get3A_599, %broadcast_in_dim3A_21 : vector<16xi32>
          %bitcast3A_601 = vector.bitcast %shift_left3A_600 : vector<16xi32> to vector<16xf32>
          %and3A_602 = arith.andi %get3A_599, %broadcast_in_dim3A_19 : vector<16xi32>
          %bitcast3A_603 = vector.bitcast %and3A_602 : vector<16xi32> to vector<16xf32>
          %mul3A_604 = vector.broadcast %squeeze3A_543 : f32 to vector<16xf32>
          %mul3A_605 = arith.mulf %bitcast3A_601, %mul3A_604 : vector<16xf32>
          %swap3A_606 = arith.index_cast %add3A_545 : i32 to index
          %swap3A_607 = arith.constant 96 : index
          %swap3A_608 = tpu.vector_load %arg12[%swap3A_606, %swap3A_607] {strides = array<i32>} : memref<112x128xf32, #tpu.memory_space<vmem>>, vector<16xf32>,
          tpu.vector_store %arg12[%swap3A_606, %swap3A_607], %mul3A_605 {strides = array<i32>} : memref<112x128xf32, #tpu.memory_space<vmem>>, vector<16xf32>,
          %mul3A_609 = vector.broadcast %squeeze3A_543 : f32 to vector<16xf32>
          %mul3A_610 = arith.mulf %bitcast3A_603, %mul3A_609 : vector<16xf32>
          %swap3A_611 = arith.index_cast %add3A_545 : i32 to index
          %swap3A_612 = arith.constant 112 : index
          %swap3A_613 = tpu.vector_load %arg12[%swap3A_611, %swap3A_612] {strides = array<i32>} : memref<112x128xf32, #tpu.memory_space<vmem>>, vector<16xf32>,
          tpu.vector_store %arg12[%swap3A_611, %swap3A_612], %mul3A_610 {strides = array<i32>} : memref<112x128xf32, #tpu.memory_space<vmem>>, vector<16xf32>,
          %slice3A_614 = vector.extract_strided_slice %get3A_113 {offsets = [7], sizes = [1], strides = [1]} : vector<16xf32> to vector<1xf32>
          %squeeze3A_615 = vector.extract %slice3A_614[0] : f32 from vector<1xf32>
          %add3A_616 = arith.constant 7 : i32
          %add3A_617 = arith.addi %mul3A_115, %add3A_616 : i32
          %get3A_618 = arith.index_cast %add3A_617 : i32 to index
          %get3A_619 = arith.constant 0 : index
          %get3A_620 = tpu.vector_load %arg11[%get3A_618, %get3A_619] {strides = array<i32>} : memref<112x64xi32, #tpu.memory_space<vmem>>, vector<16xi32>,
          %shift_left3A_621 = arith.shli %get3A_620, %broadcast_in_dim3A_21 : vector<16xi32>
          %bitcast3A_622 = vector.bitcast %shift_left3A_621 : vector<16xi32> to vector<16xf32>
          %and3A_623 = arith.andi %get3A_620, %broadcast_in_dim3A_19 : vector<16xi32>
          %bitcast3A_624 = vector.bitcast %and3A_623 : vector<16xi32> to vector<16xf32>
          %mul3A_625 = vector.broadcast %squeeze3A_615 : f32 to vector<16xf32>
          %mul3A_626 = arith.mulf %bitcast3A_622, %mul3A_625 : vector<16xf32>
          %swap3A_627 = arith.index_cast %add3A_617 : i32 to index
          %swap3A_628 = arith.constant 0 : index
          %swap3A_629 = tpu.vector_load %arg12[%swap3A_627, %swap3A_628] {strides = array<i32>} : memref<112x128xf32, #tpu.memory_space<vmem>>, vector<16xf32>,
          tpu.vector_store %arg12[%swap3A_627, %swap3A_628], %mul3A_626 {strides = array<i32>} : memref<112x128xf32, #tpu.memory_space<vmem>>, vector<16xf32>,
          %mul3A_630 = vector.broadcast %squeeze3A_615 : f32 to vector<16xf32>
          %mul3A_631 = arith.mulf %bitcast3A_624, %mul3A_630 : vector<16xf32>
          %swap3A_632 = arith.index_cast %add3A_617 : i32 to index
          %swap3A_633 = arith.constant 16 : index
          %swap3A_634 = tpu.vector_load %arg12[%swap3A_632, %swap3A_633] {strides = array<i32>} : memref<112x128xf32, #tpu.memory_space<vmem>>, vector<16xf32>,
          tpu.vector_store %arg12[%swap3A_632, %swap3A_633], %mul3A_631 {strides = array<i32>} : memref<112x128xf32, #tpu.memory_space<vmem>>, vector<16xf32>,
          %get3A_635 = arith.index_cast %add3A_617 : i32 to index
          %get3A_636 = arith.constant 16 : index
          %get3A_637 = tpu.vector_load %arg11[%get3A_635, %get3A_636] {strides = array<i32>} : memref<112x64xi32, #tpu.memory_space<vmem>>, vector<16xi32>,
          %shift_left3A_638 = arith.shli %get3A_637, %broadcast_in_dim3A_21 : vector<16xi32>
          %bitcast3A_639 = vector.bitcast %shift_left3A_638 : vector<16xi32> to vector<16xf32>
          %and3A_640 = arith.andi %get3A_637, %broadcast_in_dim3A_19 : vector<16xi32>
          %bitcast3A_641 = vector.bitcast %and3A_640 : vector<16xi32> to vector<16xf32>
          %mul3A_642 = vector.broadcast %squeeze3A_615 : f32 to vector<16xf32>
          %mul3A_643 = arith.mulf %bitcast3A_639, %mul3A_642 : vector<16xf32>
          %swap3A_644 = arith.index_cast %add3A_617 : i32 to index
          %swap3A_645 = arith.constant 32 : index
          %swap3A_646 = tpu.vector_load %arg12[%swap3A_644, %swap3A_645] {strides = array<i32>} : memref<112x128xf32, #tpu.memory_space<vmem>>, vector<16xf32>,
          tpu.vector_store %arg12[%swap3A_644, %swap3A_645], %mul3A_643 {strides = array<i32>} : memref<112x128xf32, #tpu.memory_space<vmem>>, vector<16xf32>,
          %mul3A_647 = vector.broadcast %squeeze3A_615 : f32 to vector<16xf32>
          %mul3A_648 = arith.mulf %bitcast3A_641, %mul3A_647 : vector<16xf32>
          %swap3A_649 = arith.index_cast %add3A_617 : i32 to index
          %swap3A_650 = arith.constant 48 : index
          %swap3A_651 = tpu.vector_load %arg12[%swap3A_649, %swap3A_650] {strides = array<i32>} : memref<112x128xf32, #tpu.memory_space<vmem>>, vector<16xf32>,
          tpu.vector_store %arg12[%swap3A_649, %swap3A_650], %mul3A_648 {strides = array<i32>} : memref<112x128xf32, #tpu.memory_space<vmem>>, vector<16xf32>,
          %get3A_652 = arith.index_cast %add3A_617 : i32 to index
          %get3A_653 = arith.constant 32 : index
          %get3A_654 = tpu.vector_load %arg11[%get3A_652, %get3A_653] {strides = array<i32>} : memref<112x64xi32, #tpu.memory_space<vmem>>, vector<16xi32>,
          %shift_left3A_655 = arith.shli %get3A_654, %broadcast_in_dim3A_21 : vector<16xi32>
          %bitcast3A_656 = vector.bitcast %shift_left3A_655 : vector<16xi32> to vector<16xf32>
          %and3A_657 = arith.andi %get3A_654, %broadcast_in_dim3A_19 : vector<16xi32>
          %bitcast3A_658 = vector.bitcast %and3A_657 : vector<16xi32> to vector<16xf32>
          %mul3A_659 = vector.broadcast %squeeze3A_615 : f32 to vector<16xf32>
          %mul3A_660 = arith.mulf %bitcast3A_656, %mul3A_659 : vector<16xf32>
          %swap3A_661 = arith.index_cast %add3A_617 : i32 to index
          %swap3A_662 = arith.constant 64 : index
          %swap3A_663 = tpu.vector_load %arg12[%swap3A_661, %swap3A_662] {strides = array<i32>} : memref<112x128xf32, #tpu.memory_space<vmem>>, vector<16xf32>,
          tpu.vector_store %arg12[%swap3A_661, %swap3A_662], %mul3A_660 {strides = array<i32>} : memref<112x128xf32, #tpu.memory_space<vmem>>, vector<16xf32>,
          %mul3A_664 = vector.broadcast %squeeze3A_615 : f32 to vector<16xf32>
          %mul3A_665 = arith.mulf %bitcast3A_658, %mul3A_664 : vector<16xf32>
          %swap3A_666 = arith.index_cast %add3A_617 : i32 to index
          %swap3A_667 = arith.constant 80 : index
          %swap3A_668 = tpu.vector_load %arg12[%swap3A_666, %swap3A_667] {strides = array<i32>} : memref<112x128xf32, #tpu.memory_space<vmem>>, vector<16xf32>,
          tpu.vector_store %arg12[%swap3A_666, %swap3A_667], %mul3A_665 {strides = array<i32>} : memref<112x128xf32, #tpu.memory_space<vmem>>, vector<16xf32>,
          %get3A_669 = arith.index_cast %add3A_617 : i32 to index
          %get3A_670 = arith.constant 48 : index
          %get3A_671 = tpu.vector_load %arg11[%get3A_669, %get3A_670] {strides = array<i32>} : memref<112x64xi32, #tpu.memory_space<vmem>>, vector<16xi32>,
          %shift_left3A_672 = arith.shli %get3A_671, %broadcast_in_dim3A_21 : vector<16xi32>
          %bitcast3A_673 = vector.bitcast %shift_left3A_672 : vector<16xi32> to vector<16xf32>
          %and3A_674 = arith.andi %get3A_671, %broadcast_in_dim3A_19 : vector<16xi32>
          %bitcast3A_675 = vector.bitcast %and3A_674 : vector<16xi32> to vector<16xf32>
          %mul3A_676 = vector.broadcast %squeeze3A_615 : f32 to vector<16xf32>
          %mul3A_677 = arith.mulf %bitcast3A_673, %mul3A_676 : vector<16xf32>
          %swap3A_678 = arith.index_cast %add3A_617 : i32 to index
          %swap3A_679 = arith.constant 96 : index
          %swap3A_680 = tpu.vector_load %arg12[%swap3A_678, %swap3A_679] {strides = array<i32>} : memref<112x128xf32, #tpu.memory_space<vmem>>, vector<16xf32>,
          tpu.vector_store %arg12[%swap3A_678, %swap3A_679], %mul3A_677 {strides = array<i32>} : memref<112x128xf32, #tpu.memory_space<vmem>>, vector<16xf32>,
          %mul3A_681 = vector.broadcast %squeeze3A_615 : f32 to vector<16xf32>
          %mul3A_682 = arith.mulf %bitcast3A_675, %mul3A_681 : vector<16xf32>
          %swap3A_683 = arith.index_cast %add3A_617 : i32 to index
          %swap3A_684 = arith.constant 112 : index
          %swap3A_685 = tpu.vector_load %arg12[%swap3A_683, %swap3A_684] {strides = array<i32>} : memref<112x128xf32, #tpu.memory_space<vmem>>, vector<16xf32>,
          tpu.vector_store %arg12[%swap3A_683, %swap3A_684], %mul3A_682 {strides = array<i32>} : memref<112x128xf32, #tpu.memory_space<vmem>>, vector<16xf32>,
          %slice3A_686 = vector.extract_strided_slice %get3A_113 {offsets = [8], sizes = [1], strides = [1]} : vector<16xf32> to vector<1xf32>
          %squeeze3A_687 = vector.extract %slice3A_686[0] : f32 from vector<1xf32>
          %add3A_688 = arith.constant 8 : i32
          %add3A_689 = arith.addi %mul3A_115, %add3A_688 : i32
          %get3A_690 = arith.index_cast %add3A_689 : i32 to index
          %get3A_691 = arith.constant 0 : index
          %get3A_692 = tpu.vector_load %arg11[%get3A_690, %get3A_691] {strides = array<i32>} : memref<112x64xi32, #tpu.memory_space<vmem>>, vector<16xi32>,
          %shift_left3A_693 = arith.shli %get3A_692, %broadcast_in_dim3A_21 : vector<16xi32>
          %bitcast3A_694 = vector.bitcast %shift_left3A_693 : vector<16xi32> to vector<16xf32>
          %and3A_695 = arith.andi %get3A_692, %broadcast_in_dim3A_19 : vector<16xi32>
          %bitcast3A_696 = vector.bitcast %and3A_695 : vector<16xi32> to vector<16xf32>
          %mul3A_697 = vector.broadcast %squeeze3A_687 : f32 to vector<16xf32>
          %mul3A_698 = arith.mulf %bitcast3A_694, %mul3A_697 : vector<16xf32>
          %swap3A_699 = arith.index_cast %add3A_689 : i32 to index
          %swap3A_700 = arith.constant 0 : index
          %swap3A_701 = tpu.vector_load %arg12[%swap3A_699, %swap3A_700] {strides = array<i32>} : memref<112x128xf32, #tpu.memory_space<vmem>>, vector<16xf32>,
          tpu.vector_store %arg12[%swap3A_699, %swap3A_700], %mul3A_698 {strides = array<i32>} : memref<112x128xf32, #tpu.memory_space<vmem>>, vector<16xf32>,
          %mul3A_702 = vector.broadcast %squeeze3A_687 : f32 to vector<16xf32>
          %mul3A_703 = arith.mulf %bitcast3A_696, %mul3A_702 : vector<16xf32>
          %swap3A_704 = arith.index_cast %add3A_689 : i32 to index
          %swap3A_705 = arith.constant 16 : index
          %swap3A_706 = tpu.vector_load %arg12[%swap3A_704, %swap3A_705] {strides = array<i32>} : memref<112x128xf32, #tpu.memory_space<vmem>>, vector<16xf32>,
          tpu.vector_store %arg12[%swap3A_704, %swap3A_705], %mul3A_703 {strides = array<i32>} : memref<112x128xf32, #tpu.memory_space<vmem>>, vector<16xf32>,
          %get3A_707 = arith.index_cast %add3A_689 : i32 to index
          %get3A_708 = arith.constant 16 : index
          %get3A_709 = tpu.vector_load %arg11[%get3A_707, %get3A_708] {strides = array<i32>} : memref<112x64xi32, #tpu.memory_space<vmem>>, vector<16xi32>,
          %shift_left3A_710 = arith.shli %get3A_709, %broadcast_in_dim3A_21 : vector<16xi32>
          %bitcast3A_711 = vector.bitcast %shift_left3A_710 : vector<16xi32> to vector<16xf32>
          %and3A_712 = arith.andi %get3A_709, %broadcast_in_dim3A_19 : vector<16xi32>
          %bitcast3A_713 = vector.bitcast %and3A_712 : vector<16xi32> to vector<16xf32>
          %mul3A_714 = vector.broadcast %squeeze3A_687 : f32 to vector<16xf32>
          %mul3A_715 = arith.mulf %bitcast3A_711, %mul3A_714 : vector<16xf32>
          %swap3A_716 = arith.index_cast %add3A_689 : i32 to index
          %swap3A_717 = arith.constant 32 : index
          %swap3A_718 = tpu.vector_load %arg12[%swap3A_716, %swap3A_717] {strides = array<i32>} : memref<112x128xf32, #tpu.memory_space<vmem>>, vector<16xf32>,
          tpu.vector_store %arg12[%swap3A_716, %swap3A_717], %mul3A_715 {strides = array<i32>} : memref<112x128xf32, #tpu.memory_space<vmem>>, vector<16xf32>,
          %mul3A_719 = vector.broadcast %squeeze3A_687 : f32 to vector<16xf32>
          %mul3A_720 = arith.mulf %bitcast3A_713, %mul3A_719 : vector<16xf32>
          %swap3A_721 = arith.index_cast %add3A_689 : i32 to index
          %swap3A_722 = arith.constant 48 : index
          %swap3A_723 = tpu.vector_load %arg12[%swap3A_721, %swap3A_722] {strides = array<i32>} : memref<112x128xf32, #tpu.memory_space<vmem>>, vector<16xf32>,
          tpu.vector_store %arg12[%swap3A_721, %swap3A_722], %mul3A_720 {strides = array<i32>} : memref<112x128xf32, #tpu.memory_space<vmem>>, vector<16xf32>,
          %get3A_724 = arith.index_cast %add3A_689 : i32 to index
          %get3A_725 = arith.constant 32 : index
          %get3A_726 = tpu.vector_load %arg11[%get3A_724, %get3A_725] {strides = array<i32>} : memref<112x64xi32, #tpu.memory_space<vmem>>, vector<16xi32>,
          %shift_left3A_727 = arith.shli %get3A_726, %broadcast_in_dim3A_21 : vector<16xi32>
          %bitcast3A_728 = vector.bitcast %shift_left3A_727 : vector<16xi32> to vector<16xf32>
          %and3A_729 = arith.andi %get3A_726, %broadcast_in_dim3A_19 : vector<16xi32>
          %bitcast3A_730 = vector.bitcast %and3A_729 : vector<16xi32> to vector<16xf32>
          %mul3A_731 = vector.broadcast %squeeze3A_687 : f32 to vector<16xf32>
          %mul3A_732 = arith.mulf %bitcast3A_728, %mul3A_731 : vector<16xf32>
          %swap3A_733 = arith.index_cast %add3A_689 : i32 to index
          %swap3A_734 = arith.constant 64 : index
          %swap3A_735 = tpu.vector_load %arg12[%swap3A_733, %swap3A_734] {strides = array<i32>} : memref<112x128xf32, #tpu.memory_space<vmem>>, vector<16xf32>,
          tpu.vector_store %arg12[%swap3A_733, %swap3A_734], %mul3A_732 {strides = array<i32>} : memref<112x128xf32, #tpu.memory_space<vmem>>, vector<16xf32>,
          %mul3A_736 = vector.broadcast %squeeze3A_687 : f32 to vector<16xf32>
          %mul3A_737 = arith.mulf %bitcast3A_730, %mul3A_736 : vector<16xf32>
          %swap3A_738 = arith.index_cast %add3A_689 : i32 to index
          %swap3A_739 = arith.constant 80 : index
          %swap3A_740 = tpu.vector_load %arg12[%swap3A_738, %swap3A_739] {strides = array<i32>} : memref<112x128xf32, #tpu.memory_space<vmem>>, vector<16xf32>,
          tpu.vector_store %arg12[%swap3A_738, %swap3A_739], %mul3A_737 {strides = array<i32>} : memref<112x128xf32, #tpu.memory_space<vmem>>, vector<16xf32>,
          %get3A_741 = arith.index_cast %add3A_689 : i32 to index
          %get3A_742 = arith.constant 48 : index
          %get3A_743 = tpu.vector_load %arg11[%get3A_741, %get3A_742] {strides = array<i32>} : memref<112x64xi32, #tpu.memory_space<vmem>>, vector<16xi32>,
          %shift_left3A_744 = arith.shli %get3A_743, %broadcast_in_dim3A_21 : vector<16xi32>
          %bitcast3A_745 = vector.bitcast %shift_left3A_744 : vector<16xi32> to vector<16xf32>
          %and3A_746 = arith.andi %get3A_743, %broadcast_in_dim3A_19 : vector<16xi32>
          %bitcast3A_747 = vector.bitcast %and3A_746 : vector<16xi32> to vector<16xf32>
          %mul3A_748 = vector.broadcast %squeeze3A_687 : f32 to vector<16xf32>
          %mul3A_749 = arith.mulf %bitcast3A_745, %mul3A_748 : vector<16xf32>
          %swap3A_750 = arith.index_cast %add3A_689 : i32 to index
          %swap3A_751 = arith.constant 96 : index
          %swap3A_752 = tpu.vector_load %arg12[%swap3A_750, %swap3A_751] {strides = array<i32>} : memref<112x128xf32, #tpu.memory_space<vmem>>, vector<16xf32>,
          tpu.vector_store %arg12[%swap3A_750, %swap3A_751], %mul3A_749 {strides = array<i32>} : memref<112x128xf32, #tpu.memory_space<vmem>>, vector<16xf32>,
          %mul3A_753 = vector.broadcast %squeeze3A_687 : f32 to vector<16xf32>
          %mul3A_754 = arith.mulf %bitcast3A_747, %mul3A_753 : vector<16xf32>
          %swap3A_755 = arith.index_cast %add3A_689 : i32 to index
          %swap3A_756 = arith.constant 112 : index
          %swap3A_757 = tpu.vector_load %arg12[%swap3A_755, %swap3A_756] {strides = array<i32>} : memref<112x128xf32, #tpu.memory_space<vmem>>, vector<16xf32>,
          tpu.vector_store %arg12[%swap3A_755, %swap3A_756], %mul3A_754 {strides = array<i32>} : memref<112x128xf32, #tpu.memory_space<vmem>>, vector<16xf32>,
          %slice3A_758 = vector.extract_strided_slice %get3A_113 {offsets = [9], sizes = [1], strides = [1]} : vector<16xf32> to vector<1xf32>
          %squeeze3A_759 = vector.extract %slice3A_758[0] : f32 from vector<1xf32>
          %add3A_760 = arith.constant 9 : i32
          %add3A_761 = arith.addi %mul3A_115, %add3A_760 : i32
          %get3A_762 = arith.index_cast %add3A_761 : i32 to index
          %get3A_763 = arith.constant 0 : index
          %get3A_764 = tpu.vector_load %arg11[%get3A_762, %get3A_763] {strides = array<i32>} : memref<112x64xi32, #tpu.memory_space<vmem>>, vector<16xi32>,
          %shift_left3A_765 = arith.shli %get3A_764, %broadcast_in_dim3A_21 : vector<16xi32>
          %bitcast3A_766 = vector.bitcast %shift_left3A_765 : vector<16xi32> to vector<16xf32>
          %and3A_767 = arith.andi %get3A_764, %broadcast_in_dim3A_19 : vector<16xi32>
          %bitcast3A_768 = vector.bitcast %and3A_767 : vector<16xi32> to vector<16xf32>
          %mul3A_769 = vector.broadcast %squeeze3A_759 : f32 to vector<16xf32>
          %mul3A_770 = arith.mulf %bitcast3A_766, %mul3A_769 : vector<16xf32>
          %swap3A_771 = arith.index_cast %add3A_761 : i32 to index
          %swap3A_772 = arith.constant 0 : index
          %swap3A_773 = tpu.vector_load %arg12[%swap3A_771, %swap3A_772] {strides = array<i32>} : memref<112x128xf32, #tpu.memory_space<vmem>>, vector<16xf32>,
          tpu.vector_store %arg12[%swap3A_771, %swap3A_772], %mul3A_770 {strides = array<i32>} : memref<112x128xf32, #tpu.memory_space<vmem>>, vector<16xf32>,
          %mul3A_774 = vector.broadcast %squeeze3A_759 : f32 to vector<16xf32>
          %mul3A_775 = arith.mulf %bitcast3A_768, %mul3A_774 : vector<16xf32>
          %swap3A_776 = arith.index_cast %add3A_761 : i32 to index
          %swap3A_777 = arith.constant 16 : index
          %swap3A_778 = tpu.vector_load %arg12[%swap3A_776, %swap3A_777] {strides = array<i32>} : memref<112x128xf32, #tpu.memory_space<vmem>>, vector<16xf32>,
          tpu.vector_store %arg12[%swap3A_776, %swap3A_777], %mul3A_775 {strides = array<i32>} : memref<112x128xf32, #tpu.memory_space<vmem>>, vector<16xf32>,
          %get3A_779 = arith.index_cast %add3A_761 : i32 to index
          %get3A_780 = arith.constant 16 : index
          %get3A_781 = tpu.vector_load %arg11[%get3A_779, %get3A_780] {strides = array<i32>} : memref<112x64xi32, #tpu.memory_space<vmem>>, vector<16xi32>,
          %shift_left3A_782 = arith.shli %get3A_781, %broadcast_in_dim3A_21 : vector<16xi32>
          %bitcast3A_783 = vector.bitcast %shift_left3A_782 : vector<16xi32> to vector<16xf32>
          %and3A_784 = arith.andi %get3A_781, %broadcast_in_dim3A_19 : vector<16xi32>
          %bitcast3A_785 = vector.bitcast %and3A_784 : vector<16xi32> to vector<16xf32>
          %mul3A_786 = vector.broadcast %squeeze3A_759 : f32 to vector<16xf32>
          %mul3A_787 = arith.mulf %bitcast3A_783, %mul3A_786 : vector<16xf32>
          %swap3A_788 = arith.index_cast %add3A_761 : i32 to index
          %swap3A_789 = arith.constant 32 : index
          %swap3A_790 = tpu.vector_load %arg12[%swap3A_788, %swap3A_789] {strides = array<i32>} : memref<112x128xf32, #tpu.memory_space<vmem>>, vector<16xf32>,
          tpu.vector_store %arg12[%swap3A_788, %swap3A_789], %mul3A_787 {strides = array<i32>} : memref<112x128xf32, #tpu.memory_space<vmem>>, vector<16xf32>,
          %mul3A_791 = vector.broadcast %squeeze3A_759 : f32 to vector<16xf32>
          %mul3A_792 = arith.mulf %bitcast3A_785, %mul3A_791 : vector<16xf32>
          %swap3A_793 = arith.index_cast %add3A_761 : i32 to index
          %swap3A_794 = arith.constant 48 : index
          %swap3A_795 = tpu.vector_load %arg12[%swap3A_793, %swap3A_794] {strides = array<i32>} : memref<112x128xf32, #tpu.memory_space<vmem>>, vector<16xf32>,
          tpu.vector_store %arg12[%swap3A_793, %swap3A_794], %mul3A_792 {strides = array<i32>} : memref<112x128xf32, #tpu.memory_space<vmem>>, vector<16xf32>,
          %get3A_796 = arith.index_cast %add3A_761 : i32 to index
          %get3A_797 = arith.constant 32 : index
          %get3A_798 = tpu.vector_load %arg11[%get3A_796, %get3A_797] {strides = array<i32>} : memref<112x64xi32, #tpu.memory_space<vmem>>, vector<16xi32>,
          %shift_left3A_799 = arith.shli %get3A_798, %broadcast_in_dim3A_21 : vector<16xi32>
          %bitcast3A_800 = vector.bitcast %shift_left3A_799 : vector<16xi32> to vector<16xf32>
          %and3A_801 = arith.andi %get3A_798, %broadcast_in_dim3A_19 : vector<16xi32>
          %bitcast3A_802 = vector.bitcast %and3A_801 : vector<16xi32> to vector<16xf32>
          %mul3A_803 = vector.broadcast %squeeze3A_759 : f32 to vector<16xf32>
          %mul3A_804 = arith.mulf %bitcast3A_800, %mul3A_803 : vector<16xf32>
          %swap3A_805 = arith.index_cast %add3A_761 : i32 to index
          %swap3A_806 = arith.constant 64 : index
          %swap3A_807 = tpu.vector_load %arg12[%swap3A_805, %swap3A_806] {strides = array<i32>} : memref<112x128xf32, #tpu.memory_space<vmem>>, vector<16xf32>,
          tpu.vector_store %arg12[%swap3A_805, %swap3A_806], %mul3A_804 {strides = array<i32>} : memref<112x128xf32, #tpu.memory_space<vmem>>, vector<16xf32>,
          %mul3A_808 = vector.broadcast %squeeze3A_759 : f32 to vector<16xf32>
          %mul3A_809 = arith.mulf %bitcast3A_802, %mul3A_808 : vector<16xf32>
          %swap3A_810 = arith.index_cast %add3A_761 : i32 to index
          %swap3A_811 = arith.constant 80 : index
          %swap3A_812 = tpu.vector_load %arg12[%swap3A_810, %swap3A_811] {strides = array<i32>} : memref<112x128xf32, #tpu.memory_space<vmem>>, vector<16xf32>,
          tpu.vector_store %arg12[%swap3A_810, %swap3A_811], %mul3A_809 {strides = array<i32>} : memref<112x128xf32, #tpu.memory_space<vmem>>, vector<16xf32>,
          %get3A_813 = arith.index_cast %add3A_761 : i32 to index
          %get3A_814 = arith.constant 48 : index
          %get3A_815 = tpu.vector_load %arg11[%get3A_813, %get3A_814] {strides = array<i32>} : memref<112x64xi32, #tpu.memory_space<vmem>>, vector<16xi32>,
          %shift_left3A_816 = arith.shli %get3A_815, %broadcast_in_dim3A_21 : vector<16xi32>
          %bitcast3A_817 = vector.bitcast %shift_left3A_816 : vector<16xi32> to vector<16xf32>
          %and3A_818 = arith.andi %get3A_815, %broadcast_in_dim3A_19 : vector<16xi32>
          %bitcast3A_819 = vector.bitcast %and3A_818 : vector<16xi32> to vector<16xf32>
          %mul3A_820 = vector.broadcast %squeeze3A_759 : f32 to vector<16xf32>
          %mul3A_821 = arith.mulf %bitcast3A_817, %mul3A_820 : vector<16xf32>
          %swap3A_822 = arith.index_cast %add3A_761 : i32 to index
          %swap3A_823 = arith.constant 96 : index
          %swap3A_824 = tpu.vector_load %arg12[%swap3A_822, %swap3A_823] {strides = array<i32>} : memref<112x128xf32, #tpu.memory_space<vmem>>, vector<16xf32>,
          tpu.vector_store %arg12[%swap3A_822, %swap3A_823], %mul3A_821 {strides = array<i32>} : memref<112x128xf32, #tpu.memory_space<vmem>>, vector<16xf32>,
          %mul3A_825 = vector.broadcast %squeeze3A_759 : f32 to vector<16xf32>
          %mul3A_826 = arith.mulf %bitcast3A_819, %mul3A_825 : vector<16xf32>
          %swap3A_827 = arith.index_cast %add3A_761 : i32 to index
          %swap3A_828 = arith.constant 112 : index
          %swap3A_829 = tpu.vector_load %arg12[%swap3A_827, %swap3A_828] {strides = array<i32>} : memref<112x128xf32, #tpu.memory_space<vmem>>, vector<16xf32>,
          tpu.vector_store %arg12[%swap3A_827, %swap3A_828], %mul3A_826 {strides = array<i32>} : memref<112x128xf32, #tpu.memory_space<vmem>>, vector<16xf32>,
          %slice3A_830 = vector.extract_strided_slice %get3A_113 {offsets = [10], sizes = [1], strides = [1]} : vector<16xf32> to vector<1xf32>
          %squeeze3A_831 = vector.extract %slice3A_830[0] : f32 from vector<1xf32>
          %add3A_832 = arith.constant 10 : i32
          %add3A_833 = arith.addi %mul3A_115, %add3A_832 : i32
          %get3A_834 = arith.index_cast %add3A_833 : i32 to index
          %get3A_835 = arith.constant 0 : index
          %get3A_836 = tpu.vector_load %arg11[%get3A_834, %get3A_835] {strides = array<i32>} : memref<112x64xi32, #tpu.memory_space<vmem>>, vector<16xi32>,
          %shift_left3A_837 = arith.shli %get3A_836, %broadcast_in_dim3A_21 : vector<16xi32>
          %bitcast3A_838 = vector.bitcast %shift_left3A_837 : vector<16xi32> to vector<16xf32>
          %and3A_839 = arith.andi %get3A_836, %broadcast_in_dim3A_19 : vector<16xi32>
          %bitcast3A_840 = vector.bitcast %and3A_839 : vector<16xi32> to vector<16xf32>
          %mul3A_841 = vector.broadcast %squeeze3A_831 : f32 to vector<16xf32>
          %mul3A_842 = arith.mulf %bitcast3A_838, %mul3A_841 : vector<16xf32>
          %swap3A_843 = arith.index_cast %add3A_833 : i32 to index
          %swap3A_844 = arith.constant 0 : index
          %swap3A_845 = tpu.vector_load %arg12[%swap3A_843, %swap3A_844] {strides = array<i32>} : memref<112x128xf32, #tpu.memory_space<vmem>>, vector<16xf32>,
          tpu.vector_store %arg12[%swap3A_843, %swap3A_844], %mul3A_842 {strides = array<i32>} : memref<112x128xf32, #tpu.memory_space<vmem>>, vector<16xf32>,
          %mul3A_846 = vector.broadcast %squeeze3A_831 : f32 to vector<16xf32>
          %mul3A_847 = arith.mulf %bitcast3A_840, %mul3A_846 : vector<16xf32>
          %swap3A_848 = arith.index_cast %add3A_833 : i32 to index
          %swap3A_849 = arith.constant 16 : index
          %swap3A_850 = tpu.vector_load %arg12[%swap3A_848, %swap3A_849] {strides = array<i32>} : memref<112x128xf32, #tpu.memory_space<vmem>>, vector<16xf32>,
          tpu.vector_store %arg12[%swap3A_848, %swap3A_849], %mul3A_847 {strides = array<i32>} : memref<112x128xf32, #tpu.memory_space<vmem>>, vector<16xf32>,
          %get3A_851 = arith.index_cast %add3A_833 : i32 to index
          %get3A_852 = arith.constant 16 : index
          %get3A_853 = tpu.vector_load %arg11[%get3A_851, %get3A_852] {strides = array<i32>} : memref<112x64xi32, #tpu.memory_space<vmem>>, vector<16xi32>,
          %shift_left3A_854 = arith.shli %get3A_853, %broadcast_in_dim3A_21 : vector<16xi32>
          %bitcast3A_855 = vector.bitcast %shift_left3A_854 : vector<16xi32> to vector<16xf32>
          %and3A_856 = arith.andi %get3A_853, %broadcast_in_dim3A_19 : vector<16xi32>
          %bitcast3A_857 = vector.bitcast %and3A_856 : vector<16xi32> to vector<16xf32>
          %mul3A_858 = vector.broadcast %squeeze3A_831 : f32 to vector<16xf32>
          %mul3A_859 = arith.mulf %bitcast3A_855, %mul3A_858 : vector<16xf32>
          %swap3A_860 = arith.index_cast %add3A_833 : i32 to index
          %swap3A_861 = arith.constant 32 : index
          %swap3A_862 = tpu.vector_load %arg12[%swap3A_860, %swap3A_861] {strides = array<i32>} : memref<112x128xf32, #tpu.memory_space<vmem>>, vector<16xf32>,
          tpu.vector_store %arg12[%swap3A_860, %swap3A_861], %mul3A_859 {strides = array<i32>} : memref<112x128xf32, #tpu.memory_space<vmem>>, vector<16xf32>,
          %mul3A_863 = vector.broadcast %squeeze3A_831 : f32 to vector<16xf32>
          %mul3A_864 = arith.mulf %bitcast3A_857, %mul3A_863 : vector<16xf32>
          %swap3A_865 = arith.index_cast %add3A_833 : i32 to index
          %swap3A_866 = arith.constant 48 : index
          %swap3A_867 = tpu.vector_load %arg12[%swap3A_865, %swap3A_866] {strides = array<i32>} : memref<112x128xf32, #tpu.memory_space<vmem>>, vector<16xf32>,
          tpu.vector_store %arg12[%swap3A_865, %swap3A_866], %mul3A_864 {strides = array<i32>} : memref<112x128xf32, #tpu.memory_space<vmem>>, vector<16xf32>,
          %get3A_868 = arith.index_cast %add3A_833 : i32 to index
          %get3A_869 = arith.constant 32 : index
          %get3A_870 = tpu.vector_load %arg11[%get3A_868, %get3A_869] {strides = array<i32>} : memref<112x64xi32, #tpu.memory_space<vmem>>, vector<16xi32>,
          %shift_left3A_871 = arith.shli %get3A_870, %broadcast_in_dim3A_21 : vector<16xi32>
          %bitcast3A_872 = vector.bitcast %shift_left3A_871 : vector<16xi32> to vector<16xf32>
          %and3A_873 = arith.andi %get3A_870, %broadcast_in_dim3A_19 : vector<16xi32>
          %bitcast3A_874 = vector.bitcast %and3A_873 : vector<16xi32> to vector<16xf32>
          %mul3A_875 = vector.broadcast %squeeze3A_831 : f32 to vector<16xf32>
          %mul3A_876 = arith.mulf %bitcast3A_872, %mul3A_875 : vector<16xf32>
          %swap3A_877 = arith.index_cast %add3A_833 : i32 to index
          %swap3A_878 = arith.constant 64 : index
          %swap3A_879 = tpu.vector_load %arg12[%swap3A_877, %swap3A_878] {strides = array<i32>} : memref<112x128xf32, #tpu.memory_space<vmem>>, vector<16xf32>,
          tpu.vector_store %arg12[%swap3A_877, %swap3A_878], %mul3A_876 {strides = array<i32>} : memref<112x128xf32, #tpu.memory_space<vmem>>, vector<16xf32>,
          %mul3A_880 = vector.broadcast %squeeze3A_831 : f32 to vector<16xf32>
          %mul3A_881 = arith.mulf %bitcast3A_874, %mul3A_880 : vector<16xf32>
          %swap3A_882 = arith.index_cast %add3A_833 : i32 to index
          %swap3A_883 = arith.constant 80 : index
          %swap3A_884 = tpu.vector_load %arg12[%swap3A_882, %swap3A_883] {strides = array<i32>} : memref<112x128xf32, #tpu.memory_space<vmem>>, vector<16xf32>,
          tpu.vector_store %arg12[%swap3A_882, %swap3A_883], %mul3A_881 {strides = array<i32>} : memref<112x128xf32, #tpu.memory_space<vmem>>, vector<16xf32>,
          %get3A_885 = arith.index_cast %add3A_833 : i32 to index
          %get3A_886 = arith.constant 48 : index
          %get3A_887 = tpu.vector_load %arg11[%get3A_885, %get3A_886] {strides = array<i32>} : memref<112x64xi32, #tpu.memory_space<vmem>>, vector<16xi32>,
          %shift_left3A_888 = arith.shli %get3A_887, %broadcast_in_dim3A_21 : vector<16xi32>
          %bitcast3A_889 = vector.bitcast %shift_left3A_888 : vector<16xi32> to vector<16xf32>
          %and3A_890 = arith.andi %get3A_887, %broadcast_in_dim3A_19 : vector<16xi32>
          %bitcast3A_891 = vector.bitcast %and3A_890 : vector<16xi32> to vector<16xf32>
          %mul3A_892 = vector.broadcast %squeeze3A_831 : f32 to vector<16xf32>
          %mul3A_893 = arith.mulf %bitcast3A_889, %mul3A_892 : vector<16xf32>
          %swap3A_894 = arith.index_cast %add3A_833 : i32 to index
          %swap3A_895 = arith.constant 96 : index
          %swap3A_896 = tpu.vector_load %arg12[%swap3A_894, %swap3A_895] {strides = array<i32>} : memref<112x128xf32, #tpu.memory_space<vmem>>, vector<16xf32>,
          tpu.vector_store %arg12[%swap3A_894, %swap3A_895], %mul3A_893 {strides = array<i32>} : memref<112x128xf32, #tpu.memory_space<vmem>>, vector<16xf32>,
          %mul3A_897 = vector.broadcast %squeeze3A_831 : f32 to vector<16xf32>
          %mul3A_898 = arith.mulf %bitcast3A_891, %mul3A_897 : vector<16xf32>
          %swap3A_899 = arith.index_cast %add3A_833 : i32 to index
          %swap3A_900 = arith.constant 112 : index
          %swap3A_901 = tpu.vector_load %arg12[%swap3A_899, %swap3A_900] {strides = array<i32>} : memref<112x128xf32, #tpu.memory_space<vmem>>, vector<16xf32>,
          tpu.vector_store %arg12[%swap3A_899, %swap3A_900], %mul3A_898 {strides = array<i32>} : memref<112x128xf32, #tpu.memory_space<vmem>>, vector<16xf32>,
          %slice3A_902 = vector.extract_strided_slice %get3A_113 {offsets = [11], sizes = [1], strides = [1]} : vector<16xf32> to vector<1xf32>
          %squeeze3A_903 = vector.extract %slice3A_902[0] : f32 from vector<1xf32>
          %add3A_904 = arith.constant 11 : i32
          %add3A_905 = arith.addi %mul3A_115, %add3A_904 : i32
          %get3A_906 = arith.index_cast %add3A_905 : i32 to index
          %get3A_907 = arith.constant 0 : index
          %get3A_908 = tpu.vector_load %arg11[%get3A_906, %get3A_907] {strides = array<i32>} : memref<112x64xi32, #tpu.memory_space<vmem>>, vector<16xi32>,
          %shift_left3A_909 = arith.shli %get3A_908, %broadcast_in_dim3A_21 : vector<16xi32>
          %bitcast3A_910 = vector.bitcast %shift_left3A_909 : vector<16xi32> to vector<16xf32>
          %and3A_911 = arith.andi %get3A_908, %broadcast_in_dim3A_19 : vector<16xi32>
          %bitcast3A_912 = vector.bitcast %and3A_911 : vector<16xi32> to vector<16xf32>
          %mul3A_913 = vector.broadcast %squeeze3A_903 : f32 to vector<16xf32>
          %mul3A_914 = arith.mulf %bitcast3A_910, %mul3A_913 : vector<16xf32>
          %swap3A_915 = arith.index_cast %add3A_905 : i32 to index
          %swap3A_916 = arith.constant 0 : index
          %swap3A_917 = tpu.vector_load %arg12[%swap3A_915, %swap3A_916] {strides = array<i32>} : memref<112x128xf32, #tpu.memory_space<vmem>>, vector<16xf32>,
          tpu.vector_store %arg12[%swap3A_915, %swap3A_916], %mul3A_914 {strides = array<i32>} : memref<112x128xf32, #tpu.memory_space<vmem>>, vector<16xf32>,
          %mul3A_918 = vector.broadcast %squeeze3A_903 : f32 to vector<16xf32>
          %mul3A_919 = arith.mulf %bitcast3A_912, %mul3A_918 : vector<16xf32>
          %swap3A_920 = arith.index_cast %add3A_905 : i32 to index
          %swap3A_921 = arith.constant 16 : index
          %swap3A_922 = tpu.vector_load %arg12[%swap3A_920, %swap3A_921] {strides = array<i32>} : memref<112x128xf32, #tpu.memory_space<vmem>>, vector<16xf32>,
          tpu.vector_store %arg12[%swap3A_920, %swap3A_921], %mul3A_919 {strides = array<i32>} : memref<112x128xf32, #tpu.memory_space<vmem>>, vector<16xf32>,
          %get3A_923 = arith.index_cast %add3A_905 : i32 to index
          %get3A_924 = arith.constant 16 : index
          %get3A_925 = tpu.vector_load %arg11[%get3A_923, %get3A_924] {strides = array<i32>} : memref<112x64xi32, #tpu.memory_space<vmem>>, vector<16xi32>,
          %shift_left3A_926 = arith.shli %get3A_925, %broadcast_in_dim3A_21 : vector<16xi32>
          %bitcast3A_927 = vector.bitcast %shift_left3A_926 : vector<16xi32> to vector<16xf32>
          %and3A_928 = arith.andi %get3A_925, %broadcast_in_dim3A_19 : vector<16xi32>
          %bitcast3A_929 = vector.bitcast %and3A_928 : vector<16xi32> to vector<16xf32>
          %mul3A_930 = vector.broadcast %squeeze3A_903 : f32 to vector<16xf32>
          %mul3A_931 = arith.mulf %bitcast3A_927, %mul3A_930 : vector<16xf32>
          %swap3A_932 = arith.index_cast %add3A_905 : i32 to index
          %swap3A_933 = arith.constant 32 : index
          %swap3A_934 = tpu.vector_load %arg12[%swap3A_932, %swap3A_933] {strides = array<i32>} : memref<112x128xf32, #tpu.memory_space<vmem>>, vector<16xf32>,
          tpu.vector_store %arg12[%swap3A_932, %swap3A_933], %mul3A_931 {strides = array<i32>} : memref<112x128xf32, #tpu.memory_space<vmem>>, vector<16xf32>,
          %mul3A_935 = vector.broadcast %squeeze3A_903 : f32 to vector<16xf32>
          %mul3A_936 = arith.mulf %bitcast3A_929, %mul3A_935 : vector<16xf32>
          %swap3A_937 = arith.index_cast %add3A_905 : i32 to index
          %swap3A_938 = arith.constant 48 : index
          %swap3A_939 = tpu.vector_load %arg12[%swap3A_937, %swap3A_938] {strides = array<i32>} : memref<112x128xf32, #tpu.memory_space<vmem>>, vector<16xf32>,
          tpu.vector_store %arg12[%swap3A_937, %swap3A_938], %mul3A_936 {strides = array<i32>} : memref<112x128xf32, #tpu.memory_space<vmem>>, vector<16xf32>,
          %get3A_940 = arith.index_cast %add3A_905 : i32 to index
          %get3A_941 = arith.constant 32 : index
          %get3A_942 = tpu.vector_load %arg11[%get3A_940, %get3A_941] {strides = array<i32>} : memref<112x64xi32, #tpu.memory_space<vmem>>, vector<16xi32>,
          %shift_left3A_943 = arith.shli %get3A_942, %broadcast_in_dim3A_21 : vector<16xi32>
          %bitcast3A_944 = vector.bitcast %shift_left3A_943 : vector<16xi32> to vector<16xf32>
          %and3A_945 = arith.andi %get3A_942, %broadcast_in_dim3A_19 : vector<16xi32>
          %bitcast3A_946 = vector.bitcast %and3A_945 : vector<16xi32> to vector<16xf32>
          %mul3A_947 = vector.broadcast %squeeze3A_903 : f32 to vector<16xf32>
          %mul3A_948 = arith.mulf %bitcast3A_944, %mul3A_947 : vector<16xf32>
          %swap3A_949 = arith.index_cast %add3A_905 : i32 to index
          %swap3A_950 = arith.constant 64 : index
          %swap3A_951 = tpu.vector_load %arg12[%swap3A_949, %swap3A_950] {strides = array<i32>} : memref<112x128xf32, #tpu.memory_space<vmem>>, vector<16xf32>,
          tpu.vector_store %arg12[%swap3A_949, %swap3A_950], %mul3A_948 {strides = array<i32>} : memref<112x128xf32, #tpu.memory_space<vmem>>, vector<16xf32>,
          %mul3A_952 = vector.broadcast %squeeze3A_903 : f32 to vector<16xf32>
          %mul3A_953 = arith.mulf %bitcast3A_946, %mul3A_952 : vector<16xf32>
          %swap3A_954 = arith.index_cast %add3A_905 : i32 to index
          %swap3A_955 = arith.constant 80 : index
          %swap3A_956 = tpu.vector_load %arg12[%swap3A_954, %swap3A_955] {strides = array<i32>} : memref<112x128xf32, #tpu.memory_space<vmem>>, vector<16xf32>,
          tpu.vector_store %arg12[%swap3A_954, %swap3A_955], %mul3A_953 {strides = array<i32>} : memref<112x128xf32, #tpu.memory_space<vmem>>, vector<16xf32>,
          %get3A_957 = arith.index_cast %add3A_905 : i32 to index
          %get3A_958 = arith.constant 48 : index
          %get3A_959 = tpu.vector_load %arg11[%get3A_957, %get3A_958] {strides = array<i32>} : memref<112x64xi32, #tpu.memory_space<vmem>>, vector<16xi32>,
          %shift_left3A_960 = arith.shli %get3A_959, %broadcast_in_dim3A_21 : vector<16xi32>
          %bitcast3A_961 = vector.bitcast %shift_left3A_960 : vector<16xi32> to vector<16xf32>
          %and3A_962 = arith.andi %get3A_959, %broadcast_in_dim3A_19 : vector<16xi32>
          %bitcast3A_963 = vector.bitcast %and3A_962 : vector<16xi32> to vector<16xf32>
          %mul3A_964 = vector.broadcast %squeeze3A_903 : f32 to vector<16xf32>
          %mul3A_965 = arith.mulf %bitcast3A_961, %mul3A_964 : vector<16xf32>
          %swap3A_966 = arith.index_cast %add3A_905 : i32 to index
          %swap3A_967 = arith.constant 96 : index
          %swap3A_968 = tpu.vector_load %arg12[%swap3A_966, %swap3A_967] {strides = array<i32>} : memref<112x128xf32, #tpu.memory_space<vmem>>, vector<16xf32>,
          tpu.vector_store %arg12[%swap3A_966, %swap3A_967], %mul3A_965 {strides = array<i32>} : memref<112x128xf32, #tpu.memory_space<vmem>>, vector<16xf32>,
          %mul3A_969 = vector.broadcast %squeeze3A_903 : f32 to vector<16xf32>
          %mul3A_970 = arith.mulf %bitcast3A_963, %mul3A_969 : vector<16xf32>
          %swap3A_971 = arith.index_cast %add3A_905 : i32 to index
          %swap3A_972 = arith.constant 112 : index
          %swap3A_973 = tpu.vector_load %arg12[%swap3A_971, %swap3A_972] {strides = array<i32>} : memref<112x128xf32, #tpu.memory_space<vmem>>, vector<16xf32>,
          tpu.vector_store %arg12[%swap3A_971, %swap3A_972], %mul3A_970 {strides = array<i32>} : memref<112x128xf32, #tpu.memory_space<vmem>>, vector<16xf32>,
          %slice3A_974 = vector.extract_strided_slice %get3A_113 {offsets = [12], sizes = [1], strides = [1]} : vector<16xf32> to vector<1xf32>
          %squeeze3A_975 = vector.extract %slice3A_974[0] : f32 from vector<1xf32>
          %add3A_976 = arith.constant 12 : i32
          %add3A_977 = arith.addi %mul3A_115, %add3A_976 : i32
          %get3A_978 = arith.index_cast %add3A_977 : i32 to index
          %get3A_979 = arith.constant 0 : index
          %get3A_980 = tpu.vector_load %arg11[%get3A_978, %get3A_979] {strides = array<i32>} : memref<112x64xi32, #tpu.memory_space<vmem>>, vector<16xi32>,
          %shift_left3A_981 = arith.shli %get3A_980, %broadcast_in_dim3A_21 : vector<16xi32>
          %bitcast3A_982 = vector.bitcast %shift_left3A_981 : vector<16xi32> to vector<16xf32>
          %and3A_983 = arith.andi %get3A_980, %broadcast_in_dim3A_19 : vector<16xi32>
          %bitcast3A_984 = vector.bitcast %and3A_983 : vector<16xi32> to vector<16xf32>
          %mul3A_985 = vector.broadcast %squeeze3A_975 : f32 to vector<16xf32>
          %mul3A_986 = arith.mulf %bitcast3A_982, %mul3A_985 : vector<16xf32>
          %swap3A_987 = arith.index_cast %add3A_977 : i32 to index
          %swap3A_988 = arith.constant 0 : index
          %swap3A_989 = tpu.vector_load %arg12[%swap3A_987, %swap3A_988] {strides = array<i32>} : memref<112x128xf32, #tpu.memory_space<vmem>>, vector<16xf32>,
          tpu.vector_store %arg12[%swap3A_987, %swap3A_988], %mul3A_986 {strides = array<i32>} : memref<112x128xf32, #tpu.memory_space<vmem>>, vector<16xf32>,
          %mul3A_990 = vector.broadcast %squeeze3A_975 : f32 to vector<16xf32>
          %mul3A_991 = arith.mulf %bitcast3A_984, %mul3A_990 : vector<16xf32>
          %swap3A_992 = arith.index_cast %add3A_977 : i32 to index
          %swap3A_993 = arith.constant 16 : index
          %swap3A_994 = tpu.vector_load %arg12[%swap3A_992, %swap3A_993] {strides = array<i32>} : memref<112x128xf32, #tpu.memory_space<vmem>>, vector<16xf32>,
          tpu.vector_store %arg12[%swap3A_992, %swap3A_993], %mul3A_991 {strides = array<i32>} : memref<112x128xf32, #tpu.memory_space<vmem>>, vector<16xf32>,
          %get3A_995 = arith.index_cast %add3A_977 : i32 to index
          %get3A_996 = arith.constant 16 : index
          %get3A_997 = tpu.vector_load %arg11[%get3A_995, %get3A_996] {strides = array<i32>} : memref<112x64xi32, #tpu.memory_space<vmem>>, vector<16xi32>,
          %shift_left3A_998 = arith.shli %get3A_997, %broadcast_in_dim3A_21 : vector<16xi32>
          %bitcast3A_999 = vector.bitcast %shift_left3A_998 : vector<16xi32> to vector<16xf32>
          %and3A_1000 = arith.andi %get3A_997, %broadcast_in_dim3A_19 : vector<16xi32>
          %bitcast3A_1001 = vector.bitcast %and3A_1000 : vector<16xi32> to vector<16xf32>
          %mul3A_1002 = vector.broadcast %squeeze3A_975 : f32 to vector<16xf32>
          %mul3A_1003 = arith.mulf %bitcast3A_999, %mul3A_1002 : vector<16xf32>
          %swap3A_1004 = arith.index_cast %add3A_977 : i32 to index
          %swap3A_1005 = arith.constant 32 : index
          %swap3A_1006 = tpu.vector_load %arg12[%swap3A_1004, %swap3A_1005] {strides = array<i32>} : memref<112x128xf32, #tpu.memory_space<vmem>>, vector<16xf32>,
          tpu.vector_store %arg12[%swap3A_1004, %swap3A_1005], %mul3A_1003 {strides = array<i32>} : memref<112x128xf32, #tpu.memory_space<vmem>>, vector<16xf32>,
          %mul3A_1007 = vector.broadcast %squeeze3A_975 : f32 to vector<16xf32>
          %mul3A_1008 = arith.mulf %bitcast3A_1001, %mul3A_1007 : vector<16xf32>
          %swap3A_1009 = arith.index_cast %add3A_977 : i32 to index
          %swap3A_1010 = arith.constant 48 : index
          %swap3A_1011 = tpu.vector_load %arg12[%swap3A_1009, %swap3A_1010] {strides = array<i32>} : memref<112x128xf32, #tpu.memory_space<vmem>>, vector<16xf32>,
          tpu.vector_store %arg12[%swap3A_1009, %swap3A_1010], %mul3A_1008 {strides = array<i32>} : memref<112x128xf32, #tpu.memory_space<vmem>>, vector<16xf32>,
          %get3A_1012 = arith.index_cast %add3A_977 : i32 to index
          %get3A_1013 = arith.constant 32 : index
          %get3A_1014 = tpu.vector_load %arg11[%get3A_1012, %get3A_1013] {strides = array<i32>} : memref<112x64xi32, #tpu.memory_space<vmem>>, vector<16xi32>,
          %shift_left3A_1015 = arith.shli %get3A_1014, %broadcast_in_dim3A_21 : vector<16xi32>
          %bitcast3A_1016 = vector.bitcast %shift_left3A_1015 : vector<16xi32> to vector<16xf32>
          %and3A_1017 = arith.andi %get3A_1014, %broadcast_in_dim3A_19 : vector<16xi32>
          %bitcast3A_1018 = vector.bitcast %and3A_1017 : vector<16xi32> to vector<16xf32>
          %mul3A_1019 = vector.broadcast %squeeze3A_975 : f32 to vector<16xf32>
          %mul3A_1020 = arith.mulf %bitcast3A_1016, %mul3A_1019 : vector<16xf32>
          %swap3A_1021 = arith.index_cast %add3A_977 : i32 to index
          %swap3A_1022 = arith.constant 64 : index
          %swap3A_1023 = tpu.vector_load %arg12[%swap3A_1021, %swap3A_1022] {strides = array<i32>} : memref<112x128xf32, #tpu.memory_space<vmem>>, vector<16xf32>,
          tpu.vector_store %arg12[%swap3A_1021, %swap3A_1022], %mul3A_1020 {strides = array<i32>} : memref<112x128xf32, #tpu.memory_space<vmem>>, vector<16xf32>,
          %mul3A_1024 = vector.broadcast %squeeze3A_975 : f32 to vector<16xf32>
          %mul3A_1025 = arith.mulf %bitcast3A_1018, %mul3A_1024 : vector<16xf32>
          %swap3A_1026 = arith.index_cast %add3A_977 : i32 to index
          %swap3A_1027 = arith.constant 80 : index
          %swap3A_1028 = tpu.vector_load %arg12[%swap3A_1026, %swap3A_1027] {strides = array<i32>} : memref<112x128xf32, #tpu.memory_space<vmem>>, vector<16xf32>,
          tpu.vector_store %arg12[%swap3A_1026, %swap3A_1027], %mul3A_1025 {strides = array<i32>} : memref<112x128xf32, #tpu.memory_space<vmem>>, vector<16xf32>,
          %get3A_1029 = arith.index_cast %add3A_977 : i32 to index
          %get3A_1030 = arith.constant 48 : index
          %get3A_1031 = tpu.vector_load %arg11[%get3A_1029, %get3A_1030] {strides = array<i32>} : memref<112x64xi32, #tpu.memory_space<vmem>>, vector<16xi32>,
          %shift_left3A_1032 = arith.shli %get3A_1031, %broadcast_in_dim3A_21 : vector<16xi32>
          %bitcast3A_1033 = vector.bitcast %shift_left3A_1032 : vector<16xi32> to vector<16xf32>
          %and3A_1034 = arith.andi %get3A_1031, %broadcast_in_dim3A_19 : vector<16xi32>
          %bitcast3A_1035 = vector.bitcast %and3A_1034 : vector<16xi32> to vector<16xf32>
          %mul3A_1036 = vector.broadcast %squeeze3A_975 : f32 to vector<16xf32>
          %mul3A_1037 = arith.mulf %bitcast3A_1033, %mul3A_1036 : vector<16xf32>
          %swap3A_1038 = arith.index_cast %add3A_977 : i32 to index
          %swap3A_1039 = arith.constant 96 : index
          %swap3A_1040 = tpu.vector_load %arg12[%swap3A_1038, %swap3A_1039] {strides = array<i32>} : memref<112x128xf32, #tpu.memory_space<vmem>>, vector<16xf32>,
          tpu.vector_store %arg12[%swap3A_1038, %swap3A_1039], %mul3A_1037 {strides = array<i32>} : memref<112x128xf32, #tpu.memory_space<vmem>>, vector<16xf32>,
          %mul3A_1041 = vector.broadcast %squeeze3A_975 : f32 to vector<16xf32>
          %mul3A_1042 = arith.mulf %bitcast3A_1035, %mul3A_1041 : vector<16xf32>
          %swap3A_1043 = arith.index_cast %add3A_977 : i32 to index
          %swap3A_1044 = arith.constant 112 : index
          %swap3A_1045 = tpu.vector_load %arg12[%swap3A_1043, %swap3A_1044] {strides = array<i32>} : memref<112x128xf32, #tpu.memory_space<vmem>>, vector<16xf32>,
          tpu.vector_store %arg12[%swap3A_1043, %swap3A_1044], %mul3A_1042 {strides = array<i32>} : memref<112x128xf32, #tpu.memory_space<vmem>>, vector<16xf32>,
          %slice3A_1046 = vector.extract_strided_slice %get3A_113 {offsets = [13], sizes = [1], strides = [1]} : vector<16xf32> to vector<1xf32>
          %squeeze3A_1047 = vector.extract %slice3A_1046[0] : f32 from vector<1xf32>
          %add3A_1048 = arith.constant 13 : i32
          %add3A_1049 = arith.addi %mul3A_115, %add3A_1048 : i32
          %get3A_1050 = arith.index_cast %add3A_1049 : i32 to index
          %get3A_1051 = arith.constant 0 : index
          %get3A_1052 = tpu.vector_load %arg11[%get3A_1050, %get3A_1051] {strides = array<i32>} : memref<112x64xi32, #tpu.memory_space<vmem>>, vector<16xi32>,
          %shift_left3A_1053 = arith.shli %get3A_1052, %broadcast_in_dim3A_21 : vector<16xi32>
          %bitcast3A_1054 = vector.bitcast %shift_left3A_1053 : vector<16xi32> to vector<16xf32>
          %and3A_1055 = arith.andi %get3A_1052, %broadcast_in_dim3A_19 : vector<16xi32>
          %bitcast3A_1056 = vector.bitcast %and3A_1055 : vector<16xi32> to vector<16xf32>
          %mul3A_1057 = vector.broadcast %squeeze3A_1047 : f32 to vector<16xf32>
          %mul3A_1058 = arith.mulf %bitcast3A_1054, %mul3A_1057 : vector<16xf32>
          %swap3A_1059 = arith.index_cast %add3A_1049 : i32 to index
          %swap3A_1060 = arith.constant 0 : index
          %swap3A_1061 = tpu.vector_load %arg12[%swap3A_1059, %swap3A_1060] {strides = array<i32>} : memref<112x128xf32, #tpu.memory_space<vmem>>, vector<16xf32>,
          tpu.vector_store %arg12[%swap3A_1059, %swap3A_1060], %mul3A_1058 {strides = array<i32>} : memref<112x128xf32, #tpu.memory_space<vmem>>, vector<16xf32>,
          %mul3A_1062 = vector.broadcast %squeeze3A_1047 : f32 to vector<16xf32>
          %mul3A_1063 = arith.mulf %bitcast3A_1056, %mul3A_1062 : vector<16xf32>
          %swap3A_1064 = arith.index_cast %add3A_1049 : i32 to index
          %swap3A_1065 = arith.constant 16 : index
          %swap3A_1066 = tpu.vector_load %arg12[%swap3A_1064, %swap3A_1065] {strides = array<i32>} : memref<112x128xf32, #tpu.memory_space<vmem>>, vector<16xf32>,
          tpu.vector_store %arg12[%swap3A_1064, %swap3A_1065], %mul3A_1063 {strides = array<i32>} : memref<112x128xf32, #tpu.memory_space<vmem>>, vector<16xf32>,
          %get3A_1067 = arith.index_cast %add3A_1049 : i32 to index
          %get3A_1068 = arith.constant 16 : index
          %get3A_1069 = tpu.vector_load %arg11[%get3A_1067, %get3A_1068] {strides = array<i32>} : memref<112x64xi32, #tpu.memory_space<vmem>>, vector<16xi32>,
          %shift_left3A_1070 = arith.shli %get3A_1069, %broadcast_in_dim3A_21 : vector<16xi32>
          %bitcast3A_1071 = vector.bitcast %shift_left3A_1070 : vector<16xi32> to vector<16xf32>
          %and3A_1072 = arith.andi %get3A_1069, %broadcast_in_dim3A_19 : vector<16xi32>
          %bitcast3A_1073 = vector.bitcast %and3A_1072 : vector<16xi32> to vector<16xf32>
          %mul3A_1074 = vector.broadcast %squeeze3A_1047 : f32 to vector<16xf32>
          %mul3A_1075 = arith.mulf %bitcast3A_1071, %mul3A_1074 : vector<16xf32>
          %swap3A_1076 = arith.index_cast %add3A_1049 : i32 to index
          %swap3A_1077 = arith.constant 32 : index
          %swap3A_1078 = tpu.vector_load %arg12[%swap3A_1076, %swap3A_1077] {strides = array<i32>} : memref<112x128xf32, #tpu.memory_space<vmem>>, vector<16xf32>,
          tpu.vector_store %arg12[%swap3A_1076, %swap3A_1077], %mul3A_1075 {strides = array<i32>} : memref<112x128xf32, #tpu.memory_space<vmem>>, vector<16xf32>,
          %mul3A_1079 = vector.broadcast %squeeze3A_1047 : f32 to vector<16xf32>
          %mul3A_1080 = arith.mulf %bitcast3A_1073, %mul3A_1079 : vector<16xf32>
          %swap3A_1081 = arith.index_cast %add3A_1049 : i32 to index
          %swap3A_1082 = arith.constant 48 : index
          %swap3A_1083 = tpu.vector_load %arg12[%swap3A_1081, %swap3A_1082] {strides = array<i32>} : memref<112x128xf32, #tpu.memory_space<vmem>>, vector<16xf32>,
          tpu.vector_store %arg12[%swap3A_1081, %swap3A_1082], %mul3A_1080 {strides = array<i32>} : memref<112x128xf32, #tpu.memory_space<vmem>>, vector<16xf32>,
          %get3A_1084 = arith.index_cast %add3A_1049 : i32 to index
          %get3A_1085 = arith.constant 32 : index
          %get3A_1086 = tpu.vector_load %arg11[%get3A_1084, %get3A_1085] {strides = array<i32>} : memref<112x64xi32, #tpu.memory_space<vmem>>, vector<16xi32>,
          %shift_left3A_1087 = arith.shli %get3A_1086, %broadcast_in_dim3A_21 : vector<16xi32>
          %bitcast3A_1088 = vector.bitcast %shift_left3A_1087 : vector<16xi32> to vector<16xf32>
          %and3A_1089 = arith.andi %get3A_1086, %broadcast_in_dim3A_19 : vector<16xi32>
          %bitcast3A_1090 = vector.bitcast %and3A_1089 : vector<16xi32> to vector<16xf32>
          %mul3A_1091 = vector.broadcast %squeeze3A_1047 : f32 to vector<16xf32>
          %mul3A_1092 = arith.mulf %bitcast3A_1088, %mul3A_1091 : vector<16xf32>
          %swap3A_1093 = arith.index_cast %add3A_1049 : i32 to index
          %swap3A_1094 = arith.constant 64 : index
          %swap3A_1095 = tpu.vector_load %arg12[%swap3A_1093, %swap3A_1094] {strides = array<i32>} : memref<112x128xf32, #tpu.memory_space<vmem>>, vector<16xf32>,
          tpu.vector_store %arg12[%swap3A_1093, %swap3A_1094], %mul3A_1092 {strides = array<i32>} : memref<112x128xf32, #tpu.memory_space<vmem>>, vector<16xf32>,
          %mul3A_1096 = vector.broadcast %squeeze3A_1047 : f32 to vector<16xf32>
          %mul3A_1097 = arith.mulf %bitcast3A_1090, %mul3A_1096 : vector<16xf32>
          %swap3A_1098 = arith.index_cast %add3A_1049 : i32 to index
          %swap3A_1099 = arith.constant 80 : index
          %swap3A_1100 = tpu.vector_load %arg12[%swap3A_1098, %swap3A_1099] {strides = array<i32>} : memref<112x128xf32, #tpu.memory_space<vmem>>, vector<16xf32>,
          tpu.vector_store %arg12[%swap3A_1098, %swap3A_1099], %mul3A_1097 {strides = array<i32>} : memref<112x128xf32, #tpu.memory_space<vmem>>, vector<16xf32>,
          %get3A_1101 = arith.index_cast %add3A_1049 : i32 to index
          %get3A_1102 = arith.constant 48 : index
          %get3A_1103 = tpu.vector_load %arg11[%get3A_1101, %get3A_1102] {strides = array<i32>} : memref<112x64xi32, #tpu.memory_space<vmem>>, vector<16xi32>,
          %shift_left3A_1104 = arith.shli %get3A_1103, %broadcast_in_dim3A_21 : vector<16xi32>
          %bitcast3A_1105 = vector.bitcast %shift_left3A_1104 : vector<16xi32> to vector<16xf32>
          %and3A_1106 = arith.andi %get3A_1103, %broadcast_in_dim3A_19 : vector<16xi32>
          %bitcast3A_1107 = vector.bitcast %and3A_1106 : vector<16xi32> to vector<16xf32>
          %mul3A_1108 = vector.broadcast %squeeze3A_1047 : f32 to vector<16xf32>
          %mul3A_1109 = arith.mulf %bitcast3A_1105, %mul3A_1108 : vector<16xf32>
          %swap3A_1110 = arith.index_cast %add3A_1049 : i32 to index
          %swap3A_1111 = arith.constant 96 : index
          %swap3A_1112 = tpu.vector_load %arg12[%swap3A_1110, %swap3A_1111] {strides = array<i32>} : memref<112x128xf32, #tpu.memory_space<vmem>>, vector<16xf32>,
          tpu.vector_store %arg12[%swap3A_1110, %swap3A_1111], %mul3A_1109 {strides = array<i32>} : memref<112x128xf32, #tpu.memory_space<vmem>>, vector<16xf32>,
          %mul3A_1113 = vector.broadcast %squeeze3A_1047 : f32 to vector<16xf32>
          %mul3A_1114 = arith.mulf %bitcast3A_1107, %mul3A_1113 : vector<16xf32>
          %swap3A_1115 = arith.index_cast %add3A_1049 : i32 to index
          %swap3A_1116 = arith.constant 112 : index
          %swap3A_1117 = tpu.vector_load %arg12[%swap3A_1115, %swap3A_1116] {strides = array<i32>} : memref<112x128xf32, #tpu.memory_space<vmem>>, vector<16xf32>,
          tpu.vector_store %arg12[%swap3A_1115, %swap3A_1116], %mul3A_1114 {strides = array<i32>} : memref<112x128xf32, #tpu.memory_space<vmem>>, vector<16xf32>,
          %slice3A_1118 = vector.extract_strided_slice %get3A_113 {offsets = [14], sizes = [1], strides = [1]} : vector<16xf32> to vector<1xf32>
          %squeeze3A_1119 = vector.extract %slice3A_1118[0] : f32 from vector<1xf32>
          %add3A_1120 = arith.constant 14 : i32
          %add3A_1121 = arith.addi %mul3A_115, %add3A_1120 : i32
          %get3A_1122 = arith.index_cast %add3A_1121 : i32 to index
          %get3A_1123 = arith.constant 0 : index
          %get3A_1124 = tpu.vector_load %arg11[%get3A_1122, %get3A_1123] {strides = array<i32>} : memref<112x64xi32, #tpu.memory_space<vmem>>, vector<16xi32>,
          %shift_left3A_1125 = arith.shli %get3A_1124, %broadcast_in_dim3A_21 : vector<16xi32>
          %bitcast3A_1126 = vector.bitcast %shift_left3A_1125 : vector<16xi32> to vector<16xf32>
          %and3A_1127 = arith.andi %get3A_1124, %broadcast_in_dim3A_19 : vector<16xi32>
          %bitcast3A_1128 = vector.bitcast %and3A_1127 : vector<16xi32> to vector<16xf32>
          %mul3A_1129 = vector.broadcast %squeeze3A_1119 : f32 to vector<16xf32>
          %mul3A_1130 = arith.mulf %bitcast3A_1126, %mul3A_1129 : vector<16xf32>
          %swap3A_1131 = arith.index_cast %add3A_1121 : i32 to index
          %swap3A_1132 = arith.constant 0 : index
          %swap3A_1133 = tpu.vector_load %arg12[%swap3A_1131, %swap3A_1132] {strides = array<i32>} : memref<112x128xf32, #tpu.memory_space<vmem>>, vector<16xf32>,
          tpu.vector_store %arg12[%swap3A_1131, %swap3A_1132], %mul3A_1130 {strides = array<i32>} : memref<112x128xf32, #tpu.memory_space<vmem>>, vector<16xf32>,
          %mul3A_1134 = vector.broadcast %squeeze3A_1119 : f32 to vector<16xf32>
          %mul3A_1135 = arith.mulf %bitcast3A_1128, %mul3A_1134 : vector<16xf32>
          %swap3A_1136 = arith.index_cast %add3A_1121 : i32 to index
          %swap3A_1137 = arith.constant 16 : index
          %swap3A_1138 = tpu.vector_load %arg12[%swap3A_1136, %swap3A_1137] {strides = array<i32>} : memref<112x128xf32, #tpu.memory_space<vmem>>, vector<16xf32>,
          tpu.vector_store %arg12[%swap3A_1136, %swap3A_1137], %mul3A_1135 {strides = array<i32>} : memref<112x128xf32, #tpu.memory_space<vmem>>, vector<16xf32>,
          %get3A_1139 = arith.index_cast %add3A_1121 : i32 to index
          %get3A_1140 = arith.constant 16 : index
          %get3A_1141 = tpu.vector_load %arg11[%get3A_1139, %get3A_1140] {strides = array<i32>} : memref<112x64xi32, #tpu.memory_space<vmem>>, vector<16xi32>,
          %shift_left3A_1142 = arith.shli %get3A_1141, %broadcast_in_dim3A_21 : vector<16xi32>
          %bitcast3A_1143 = vector.bitcast %shift_left3A_1142 : vector<16xi32> to vector<16xf32>
          %and3A_1144 = arith.andi %get3A_1141, %broadcast_in_dim3A_19 : vector<16xi32>
          %bitcast3A_1145 = vector.bitcast %and3A_1144 : vector<16xi32> to vector<16xf32>
          %mul3A_1146 = vector.broadcast %squeeze3A_1119 : f32 to vector<16xf32>
          %mul3A_1147 = arith.mulf %bitcast3A_1143, %mul3A_1146 : vector<16xf32>
          %swap3A_1148 = arith.index_cast %add3A_1121 : i32 to index
          %swap3A_1149 = arith.constant 32 : index
          %swap3A_1150 = tpu.vector_load %arg12[%swap3A_1148, %swap3A_1149] {strides = array<i32>} : memref<112x128xf32, #tpu.memory_space<vmem>>, vector<16xf32>,
          tpu.vector_store %arg12[%swap3A_1148, %swap3A_1149], %mul3A_1147 {strides = array<i32>} : memref<112x128xf32, #tpu.memory_space<vmem>>, vector<16xf32>,
          %mul3A_1151 = vector.broadcast %squeeze3A_1119 : f32 to vector<16xf32>
          %mul3A_1152 = arith.mulf %bitcast3A_1145, %mul3A_1151 : vector<16xf32>
          %swap3A_1153 = arith.index_cast %add3A_1121 : i32 to index
          %swap3A_1154 = arith.constant 48 : index
          %swap3A_1155 = tpu.vector_load %arg12[%swap3A_1153, %swap3A_1154] {strides = array<i32>} : memref<112x128xf32, #tpu.memory_space<vmem>>, vector<16xf32>,
          tpu.vector_store %arg12[%swap3A_1153, %swap3A_1154], %mul3A_1152 {strides = array<i32>} : memref<112x128xf32, #tpu.memory_space<vmem>>, vector<16xf32>,
          %get3A_1156 = arith.index_cast %add3A_1121 : i32 to index
          %get3A_1157 = arith.constant 32 : index
          %get3A_1158 = tpu.vector_load %arg11[%get3A_1156, %get3A_1157] {strides = array<i32>} : memref<112x64xi32, #tpu.memory_space<vmem>>, vector<16xi32>,
          %shift_left3A_1159 = arith.shli %get3A_1158, %broadcast_in_dim3A_21 : vector<16xi32>
          %bitcast3A_1160 = vector.bitcast %shift_left3A_1159 : vector<16xi32> to vector<16xf32>
          %and3A_1161 = arith.andi %get3A_1158, %broadcast_in_dim3A_19 : vector<16xi32>
          %bitcast3A_1162 = vector.bitcast %and3A_1161 : vector<16xi32> to vector<16xf32>
          %mul3A_1163 = vector.broadcast %squeeze3A_1119 : f32 to vector<16xf32>
          %mul3A_1164 = arith.mulf %bitcast3A_1160, %mul3A_1163 : vector<16xf32>
          %swap3A_1165 = arith.index_cast %add3A_1121 : i32 to index
          %swap3A_1166 = arith.constant 64 : index
          %swap3A_1167 = tpu.vector_load %arg12[%swap3A_1165, %swap3A_1166] {strides = array<i32>} : memref<112x128xf32, #tpu.memory_space<vmem>>, vector<16xf32>,
          tpu.vector_store %arg12[%swap3A_1165, %swap3A_1166], %mul3A_1164 {strides = array<i32>} : memref<112x128xf32, #tpu.memory_space<vmem>>, vector<16xf32>,
          %mul3A_1168 = vector.broadcast %squeeze3A_1119 : f32 to vector<16xf32>
          %mul3A_1169 = arith.mulf %bitcast3A_1162, %mul3A_1168 : vector<16xf32>
          %swap3A_1170 = arith.index_cast %add3A_1121 : i32 to index
          %swap3A_1171 = arith.constant 80 : index
          %swap3A_1172 = tpu.vector_load %arg12[%swap3A_1170, %swap3A_1171] {strides = array<i32>} : memref<112x128xf32, #tpu.memory_space<vmem>>, vector<16xf32>,
          tpu.vector_store %arg12[%swap3A_1170, %swap3A_1171], %mul3A_1169 {strides = array<i32>} : memref<112x128xf32, #tpu.memory_space<vmem>>, vector<16xf32>,
          %get3A_1173 = arith.index_cast %add3A_1121 : i32 to index
          %get3A_1174 = arith.constant 48 : index
          %get3A_1175 = tpu.vector_load %arg11[%get3A_1173, %get3A_1174] {strides = array<i32>} : memref<112x64xi32, #tpu.memory_space<vmem>>, vector<16xi32>,
          %shift_left3A_1176 = arith.shli %get3A_1175, %broadcast_in_dim3A_21 : vector<16xi32>
          %bitcast3A_1177 = vector.bitcast %shift_left3A_1176 : vector<16xi32> to vector<16xf32>
          %and3A_1178 = arith.andi %get3A_1175, %broadcast_in_dim3A_19 : vector<16xi32>
          %bitcast3A_1179 = vector.bitcast %and3A_1178 : vector<16xi32> to vector<16xf32>
          %mul3A_1180 = vector.broadcast %squeeze3A_1119 : f32 to vector<16xf32>
          %mul3A_1181 = arith.mulf %bitcast3A_1177, %mul3A_1180 : vector<16xf32>
          %swap3A_1182 = arith.index_cast %add3A_1121 : i32 to index
          %swap3A_1183 = arith.constant 96 : index
          %swap3A_1184 = tpu.vector_load %arg12[%swap3A_1182, %swap3A_1183] {strides = array<i32>} : memref<112x128xf32, #tpu.memory_space<vmem>>, vector<16xf32>,
          tpu.vector_store %arg12[%swap3A_1182, %swap3A_1183], %mul3A_1181 {strides = array<i32>} : memref<112x128xf32, #tpu.memory_space<vmem>>, vector<16xf32>,
          %mul3A_1185 = vector.broadcast %squeeze3A_1119 : f32 to vector<16xf32>
          %mul3A_1186 = arith.mulf %bitcast3A_1179, %mul3A_1185 : vector<16xf32>
          %swap3A_1187 = arith.index_cast %add3A_1121 : i32 to index
          %swap3A_1188 = arith.constant 112 : index
          %swap3A_1189 = tpu.vector_load %arg12[%swap3A_1187, %swap3A_1188] {strides = array<i32>} : memref<112x128xf32, #tpu.memory_space<vmem>>, vector<16xf32>,
          tpu.vector_store %arg12[%swap3A_1187, %swap3A_1188], %mul3A_1186 {strides = array<i32>} : memref<112x128xf32, #tpu.memory_space<vmem>>, vector<16xf32>,
          %slice3A_1190 = vector.extract_strided_slice %get3A_113 {offsets = [15], sizes = [1], strides = [1]} : vector<16xf32> to vector<1xf32>
          %squeeze3A_1191 = vector.extract %slice3A_1190[0] : f32 from vector<1xf32>
          %add3A_1192 = arith.constant 15 : i32
          %add3A_1193 = arith.addi %mul3A_115, %add3A_1192 : i32
          %get3A_1194 = arith.index_cast %add3A_1193 : i32 to index
          %get3A_1195 = arith.constant 0 : index
          %get3A_1196 = tpu.vector_load %arg11[%get3A_1194, %get3A_1195] {strides = array<i32>} : memref<112x64xi32, #tpu.memory_space<vmem>>, vector<16xi32>,
          %shift_left3A_1197 = arith.shli %get3A_1196, %broadcast_in_dim3A_21 : vector<16xi32>
          %bitcast3A_1198 = vector.bitcast %shift_left3A_1197 : vector<16xi32> to vector<16xf32>
          %and3A_1199 = arith.andi %get3A_1196, %broadcast_in_dim3A_19 : vector<16xi32>
          %bitcast3A_1200 = vector.bitcast %and3A_1199 : vector<16xi32> to vector<16xf32>
          %mul3A_1201 = vector.broadcast %squeeze3A_1191 : f32 to vector<16xf32>
          %mul3A_1202 = arith.mulf %bitcast3A_1198, %mul3A_1201 : vector<16xf32>
          %swap3A_1203 = arith.index_cast %add3A_1193 : i32 to index
          %swap3A_1204 = arith.constant 0 : index
          %swap3A_1205 = tpu.vector_load %arg12[%swap3A_1203, %swap3A_1204] {strides = array<i32>} : memref<112x128xf32, #tpu.memory_space<vmem>>, vector<16xf32>,
          tpu.vector_store %arg12[%swap3A_1203, %swap3A_1204], %mul3A_1202 {strides = array<i32>} : memref<112x128xf32, #tpu.memory_space<vmem>>, vector<16xf32>,
          %mul3A_1206 = vector.broadcast %squeeze3A_1191 : f32 to vector<16xf32>
          %mul3A_1207 = arith.mulf %bitcast3A_1200, %mul3A_1206 : vector<16xf32>
          %swap3A_1208 = arith.index_cast %add3A_1193 : i32 to index
          %swap3A_1209 = arith.constant 16 : index
          %swap3A_1210 = tpu.vector_load %arg12[%swap3A_1208, %swap3A_1209] {strides = array<i32>} : memref<112x128xf32, #tpu.memory_space<vmem>>, vector<16xf32>,
          tpu.vector_store %arg12[%swap3A_1208, %swap3A_1209], %mul3A_1207 {strides = array<i32>} : memref<112x128xf32, #tpu.memory_space<vmem>>, vector<16xf32>,
          %get3A_1211 = arith.index_cast %add3A_1193 : i32 to index
          %get3A_1212 = arith.constant 16 : index
          %get3A_1213 = tpu.vector_load %arg11[%get3A_1211, %get3A_1212] {strides = array<i32>} : memref<112x64xi32, #tpu.memory_space<vmem>>, vector<16xi32>,
          %shift_left3A_1214 = arith.shli %get3A_1213, %broadcast_in_dim3A_21 : vector<16xi32>
          %bitcast3A_1215 = vector.bitcast %shift_left3A_1214 : vector<16xi32> to vector<16xf32>
          %and3A_1216 = arith.andi %get3A_1213, %broadcast_in_dim3A_19 : vector<16xi32>
          %bitcast3A_1217 = vector.bitcast %and3A_1216 : vector<16xi32> to vector<16xf32>
          %mul3A_1218 = vector.broadcast %squeeze3A_1191 : f32 to vector<16xf32>
          %mul3A_1219 = arith.mulf %bitcast3A_1215, %mul3A_1218 : vector<16xf32>
          %swap3A_1220 = arith.index_cast %add3A_1193 : i32 to index
          %swap3A_1221 = arith.constant 32 : index
          %swap3A_1222 = tpu.vector_load %arg12[%swap3A_1220, %swap3A_1221] {strides = array<i32>} : memref<112x128xf32, #tpu.memory_space<vmem>>, vector<16xf32>,
          tpu.vector_store %arg12[%swap3A_1220, %swap3A_1221], %mul3A_1219 {strides = array<i32>} : memref<112x128xf32, #tpu.memory_space<vmem>>, vector<16xf32>,
          %mul3A_1223 = vector.broadcast %squeeze3A_1191 : f32 to vector<16xf32>
          %mul3A_1224 = arith.mulf %bitcast3A_1217, %mul3A_1223 : vector<16xf32>
          %swap3A_1225 = arith.index_cast %add3A_1193 : i32 to index
          %swap3A_1226 = arith.constant 48 : index
          %swap3A_1227 = tpu.vector_load %arg12[%swap3A_1225, %swap3A_1226] {strides = array<i32>} : memref<112x128xf32, #tpu.memory_space<vmem>>, vector<16xf32>,
          tpu.vector_store %arg12[%swap3A_1225, %swap3A_1226], %mul3A_1224 {strides = array<i32>} : memref<112x128xf32, #tpu.memory_space<vmem>>, vector<16xf32>,
          %get3A_1228 = arith.index_cast %add3A_1193 : i32 to index
          %get3A_1229 = arith.constant 32 : index
          %get3A_1230 = tpu.vector_load %arg11[%get3A_1228, %get3A_1229] {strides = array<i32>} : memref<112x64xi32, #tpu.memory_space<vmem>>, vector<16xi32>,
          %shift_left3A_1231 = arith.shli %get3A_1230, %broadcast_in_dim3A_21 : vector<16xi32>
          %bitcast3A_1232 = vector.bitcast %shift_left3A_1231 : vector<16xi32> to vector<16xf32>
          %and3A_1233 = arith.andi %get3A_1230, %broadcast_in_dim3A_19 : vector<16xi32>
          %bitcast3A_1234 = vector.bitcast %and3A_1233 : vector<16xi32> to vector<16xf32>
          %mul3A_1235 = vector.broadcast %squeeze3A_1191 : f32 to vector<16xf32>
          %mul3A_1236 = arith.mulf %bitcast3A_1232, %mul3A_1235 : vector<16xf32>
          %swap3A_1237 = arith.index_cast %add3A_1193 : i32 to index
          %swap3A_1238 = arith.constant 64 : index
          %swap3A_1239 = tpu.vector_load %arg12[%swap3A_1237, %swap3A_1238] {strides = array<i32>} : memref<112x128xf32, #tpu.memory_space<vmem>>, vector<16xf32>,
          tpu.vector_store %arg12[%swap3A_1237, %swap3A_1238], %mul3A_1236 {strides = array<i32>} : memref<112x128xf32, #tpu.memory_space<vmem>>, vector<16xf32>,
          %mul3A_1240 = vector.broadcast %squeeze3A_1191 : f32 to vector<16xf32>
          %mul3A_1241 = arith.mulf %bitcast3A_1234, %mul3A_1240 : vector<16xf32>
          %swap3A_1242 = arith.index_cast %add3A_1193 : i32 to index
          %swap3A_1243 = arith.constant 80 : index
          %swap3A_1244 = tpu.vector_load %arg12[%swap3A_1242, %swap3A_1243] {strides = array<i32>} : memref<112x128xf32, #tpu.memory_space<vmem>>, vector<16xf32>,
          tpu.vector_store %arg12[%swap3A_1242, %swap3A_1243], %mul3A_1241 {strides = array<i32>} : memref<112x128xf32, #tpu.memory_space<vmem>>, vector<16xf32>,
          %get3A_1245 = arith.index_cast %add3A_1193 : i32 to index
          %get3A_1246 = arith.constant 48 : index
          %get3A_1247 = tpu.vector_load %arg11[%get3A_1245, %get3A_1246] {strides = array<i32>} : memref<112x64xi32, #tpu.memory_space<vmem>>, vector<16xi32>,
          %shift_left3A_1248 = arith.shli %get3A_1247, %broadcast_in_dim3A_21 : vector<16xi32>
          %bitcast3A_1249 = vector.bitcast %shift_left3A_1248 : vector<16xi32> to vector<16xf32>
          %and3A_1250 = arith.andi %get3A_1247, %broadcast_in_dim3A_19 : vector<16xi32>
          %bitcast3A_1251 = vector.bitcast %and3A_1250 : vector<16xi32> to vector<16xf32>
          %mul3A_1252 = vector.broadcast %squeeze3A_1191 : f32 to vector<16xf32>
          %mul3A_1253 = arith.mulf %bitcast3A_1249, %mul3A_1252 : vector<16xf32>
          %swap3A_1254 = arith.index_cast %add3A_1193 : i32 to index
          %swap3A_1255 = arith.constant 96 : index
          %swap3A_1256 = tpu.vector_load %arg12[%swap3A_1254, %swap3A_1255] {strides = array<i32>} : memref<112x128xf32, #tpu.memory_space<vmem>>, vector<16xf32>,
          tpu.vector_store %arg12[%swap3A_1254, %swap3A_1255], %mul3A_1253 {strides = array<i32>} : memref<112x128xf32, #tpu.memory_space<vmem>>, vector<16xf32>,
          %mul3A_1257 = vector.broadcast %squeeze3A_1191 : f32 to vector<16xf32>
          %mul3A_1258 = arith.mulf %bitcast3A_1251, %mul3A_1257 : vector<16xf32>
          %swap3A_1259 = arith.index_cast %add3A_1193 : i32 to index
          %swap3A_1260 = arith.constant 112 : index
          %swap3A_1261 = tpu.vector_load %arg12[%swap3A_1259, %swap3A_1260] {strides = array<i32>} : memref<112x128xf32, #tpu.memory_space<vmem>>, vector<16xf32>,
          tpu.vector_store %arg12[%swap3A_1259, %swap3A_1260], %mul3A_1258 {strides = array<i32>} : memref<112x128xf32, #tpu.memory_space<vmem>>, vector<16xf32>,
        }
        %scan3A_99 = arith.constant 7 : i32
        %add3A_100 = arith.constant 1 : i32
        %add3A_101 = arith.addi %mul3A_65, %add3A_100 : i32
        "tpu.region"() ({
          %run_scoped3A = tpu.sem_alloc : memref<!tpu.dma_semaphore, #tpu.memory_space<semaphore_mem>>
          %dma_start3A_109 = arith.constant 0 : i32
          %dma_start3A_110 = tpu.memref_slice %arg8[%add3A_101, %dma_start3A_109] : memref<10x112xi32, #tpu.memory_space<vmem>> -> memref<1x112xi32, #tpu.memory_space<vmem>>
          %dma_start3A_111 = tpu.memref_squeeze %dma_start3A_110 : memref<1x112xi32, #tpu.memory_space<vmem>> -> memref<112xi32, #tpu.memory_space<vmem>>
          %dma_start3A_112 = arith.constant 0 : i32
          %dma_start3A_113 = arith.constant 0 : i32
          %dma_start3A_114 = tpu.memref_slice %arg13[%dma_start3A_112, %dma_start3A_113] : memref<10000x128xf32, #tpu.memory_space<vmem_shared>> -> memref<10000x128xf32, #tpu.memory_space<vmem_shared>>
          tpu.enqueue_indirect_dma source(%arg12 : memref<112x128xf32, #tpu.memory_space<vmem>>) target(%dma_start3A_114 : memref<10000x128xf32, #tpu.memory_space<vmem_shared>>) offsets(%dma_start3A_111 : memref<112xi32, #tpu.memory_space<vmem>>) semaphore(%run_scoped3A : memref<!tpu.dma_semaphore, #tpu.memory_space<semaphore_mem>>) {add = true}
          %dma_wait3A_115 = arith.constant 0 : i32
          %dma_wait3A_116 = tpu.memref_slice %arg8[%add3A_101, %dma_wait3A_115] : memref<10x112xi32, #tpu.memory_space<vmem>> -> memref<1x112xi32, #tpu.memory_space<vmem>>
          %dma_wait3A_117 = tpu.memref_squeeze %dma_wait3A_116 : memref<1x112xi32, #tpu.memory_space<vmem>> -> memref<112xi32, #tpu.memory_space<vmem>>
          %dma_wait3A_118 = arith.constant 0 : i32
          %dma_wait3A_119 = arith.constant 0 : i32
          %dma_wait3A_120 = tpu.memref_slice %arg13[%dma_wait3A_118, %dma_wait3A_119] : memref<10000x128xf32, #tpu.memory_space<vmem_shared>> -> memref<10000x128xf32, #tpu.memory_space<vmem_shared>>
          tpu.wait_indirect_dma semaphore(%run_scoped3A : memref<!tpu.dma_semaphore, #tpu.memory_space<semaphore_mem>>) src(%arg12 : memref<112x128xf32, #tpu.memory_space<vmem>>) dst(%dma_wait3A_120 : memref<10000x128xf32, #tpu.memory_space<vmem_shared>>)
          tpu.yield
        }) : () -> ()
        %add3A_102 = arith.constant 3 : i32
        %add3A_103 = arith.addi %mul3A_65, %add3A_102 : i32
        %lt3A_104 = arith.constant 10 : i32
        %lt3A_105 = arith.cmpi slt, %add3A_103, %lt3A_104 : i32
        %convert_element_type3A_106 = arith.extui %lt3A_105 : i1 to i32
        %cond3A_107 = arith.constant 0 : i32
        %cond3A_108 = arith.cmpi ne, %convert_element_type3A_106, %cond3A_107 : i32
        scf.if %cond3A_108 {
          %add3A_109 = arith.constant 3 : i32
          %add3A_110 = arith.addi %mul3A_65, %add3A_109 : i32
          %dma_start3A_111 = arith.constant 0 : i32
          %dma_start3A_112 = tpu.memref_slice %arg7[%add3A_110, %dma_start3A_111] : memref<10x112xi32, #tpu.memory_space<vmem>> -> memref<1x112xi32, #tpu.memory_space<vmem>>
          %dma_start3A_113 = tpu.memref_squeeze %dma_start3A_112 : memref<1x112xi32, #tpu.memory_space<vmem>> -> memref<112xi32, #tpu.memory_space<vmem>>
          %dma_start3A_114 = arith.constant 0 : i32
          %dma_start3A_115 = arith.constant 0 : i32
          %dma_start3A_116 = tpu.memref_slice %arg2[%dma_start3A_114, %dma_start3A_115] : memref<10000x64xi32, #tpu.memory_space<hbm>> -> memref<10000x64xi32, #tpu.memory_space<hbm>>
          tpu.enqueue_indirect_dma source(%dma_start3A_116 : memref<10000x64xi32, #tpu.memory_space<hbm>>) target(%arg11 : memref<112x64xi32, #tpu.memory_space<vmem>>) offsets(%dma_start3A_113 : memref<112xi32, #tpu.memory_space<vmem>>) semaphore(%arg15 : memref<!tpu.dma_semaphore, #tpu.memory_space<semaphore_mem>>)
        } else {
        }
      }
      %scan3A_62 = arith.constant 5 : i32
    }
    %scan3A_27 = arith.constant 9 : i32
    %barrier3A_28 = arith.constant 0 : index
    tpu.barrier barrier_id(%barrier3A_28)
    %add3A_29 = arith.constant 0 : i32
    %add3A_30 = arith.addi %arg1, %add3A_29 : i32
    %lt3A_31 = arith.constant 25 : i32
    %lt3A_32 = arith.cmpi slt, %add3A_30, %lt3A_31 : i32
    %convert_element_type3A_33 = arith.extui %lt3A_32 : i1 to i32
    %cond3A_34 = arith.constant 0 : i32
    %cond3A_35 = arith.cmpi ne, %convert_element_type3A_33, %cond3A_34 : i32
    scf.if %cond3A_35 {
      %mul3A_43 = arith.constant 400 : i32
      %mul3A_44 = arith.muli %add3A_30, %mul3A_43 : i32
      %multiple_of3A = tpu.assume_multiple %mul3A_44, 8 : i32
      "tpu.region"() ({
        %run_scoped3A = tpu.sem_alloc : memref<!tpu.dma_semaphore, #tpu.memory_space<semaphore_mem>>
        %dma_start3A = arith.constant 0 : i32
        %dma_start3A_45 = tpu.memref_slice %arg6[%arg0, %multiple_of3A, %dma_start3A] : memref<2x10000x128xf32, #tpu.memory_space<hbm>> -> memref<1x400x128xf32, #tpu.memory_space<hbm>>
        %dma_start3A_46 = tpu.memref_squeeze %dma_start3A_45 : memref<1x400x128xf32, #tpu.memory_space<hbm>> -> memref<400x128xf32, #tpu.memory_space<hbm>>
        %dma_start3A_47 = arith.constant 0 : i32
        %dma_start3A_48 = tpu.memref_slice %arg13[%multiple_of3A, %dma_start3A_47] : memref<10000x128xf32, #tpu.memory_space<vmem_shared>> -> memref<400x128xf32, #tpu.memory_space<vmem_shared>>
        tpu.enqueue_dma source(%dma_start3A_48 : memref<400x128xf32, #tpu.memory_space<vmem_shared>>) target(%dma_start3A_46 : memref<400x128xf32, #tpu.memory_space<hbm>>) target_semaphore(%run_scoped3A : memref<!tpu.dma_semaphore, #tpu.memory_space<semaphore_mem>>)
        %dma_wait3A = arith.constant 0 : i32
        %dma_wait3A_49 = tpu.memref_slice %arg6[%arg0, %multiple_of3A, %dma_wait3A] : memref<2x10000x128xf32, #tpu.memory_space<hbm>> -> memref<1x400x128xf32, #tpu.memory_space<hbm>>
        %dma_wait3A_50 = tpu.memref_squeeze %dma_wait3A_49 : memref<1x400x128xf32, #tpu.memory_space<hbm>> -> memref<400x128xf32, #tpu.memory_space<hbm>>
        %dma_wait3A_51 = arith.constant 0 : i32
        %dma_wait3A_52 = tpu.memref_slice %arg13[%multiple_of3A, %dma_wait3A_51] : memref<10000x128xf32, #tpu.memory_space<vmem_shared>> -> memref<400x128xf32, #tpu.memory_space<vmem_shared>>
        tpu.wait_dma2 semaphore(%run_scoped3A : memref<!tpu.dma_semaphore, #tpu.memory_space<semaphore_mem>>) src(%dma_wait3A_52 : memref<400x128xf32, #tpu.memory_space<vmem_shared>>) dst(%dma_wait3A_50 : memref<400x128xf32, #tpu.memory_space<hbm>>)
        tpu.yield
      }) : () -> ()
    } else {
    }
    %add3A_36 = arith.constant 16 : i32
    %add3A_37 = arith.addi %arg1, %add3A_36 : i32
    %lt3A_38 = arith.constant 25 : i32
    %lt3A_39 = arith.cmpi slt, %add3A_37, %lt3A_38 : i32
    %convert_element_type3A_40 = arith.extui %lt3A_39 : i1 to i32
    %cond3A_41 = arith.constant 0 : i32
    %cond3A_42 = arith.cmpi ne, %convert_element_type3A_40, %cond3A_41 : i32
    scf.if %cond3A_42 {
      %mul3A_43 = arith.constant 400 : i32
      %mul3A_44 = arith.muli %add3A_37, %mul3A_43 : i32
      %multiple_of3A = tpu.assume_multiple %mul3A_44, 8 : i32
      "tpu.region"() ({
        %run_scoped3A = tpu.sem_alloc : memref<!tpu.dma_semaphore, #tpu.memory_space<semaphore_mem>>
        %dma_start3A = arith.constant 0 : i32
        %dma_start3A_45 = tpu.memref_slice %arg6[%arg0, %multiple_of3A, %dma_start3A] : memref<2x10000x128xf32, #tpu.memory_space<hbm>> -> memref<1x400x128xf32, #tpu.memory_space<hbm>>
        %dma_start3A_46 = tpu.memref_squeeze %dma_start3A_45 : memref<1x400x128xf32, #tpu.memory_space<hbm>> -> memref<400x128xf32, #tpu.memory_space<hbm>>
        %dma_start3A_47 = arith.constant 0 : i32
        %dma_start3A_48 = tpu.memref_slice %arg13[%multiple_of3A, %dma_start3A_47] : memref<10000x128xf32, #tpu.memory_space<vmem_shared>> -> memref<400x128xf32, #tpu.memory_space<vmem_shared>>
        tpu.enqueue_dma source(%dma_start3A_48 : memref<400x128xf32, #tpu.memory_space<vmem_shared>>) target(%dma_start3A_46 : memref<400x128xf32, #tpu.memory_space<hbm>>) target_semaphore(%run_scoped3A : memref<!tpu.dma_semaphore, #tpu.memory_space<semaphore_mem>>)
        %dma_wait3A = arith.constant 0 : i32
        %dma_wait3A_49 = tpu.memref_slice %arg6[%arg0, %multiple_of3A, %dma_wait3A] : memref<2x10000x128xf32, #tpu.memory_space<hbm>> -> memref<1x400x128xf32, #tpu.memory_space<hbm>>
        %dma_wait3A_50 = tpu.memref_squeeze %dma_wait3A_49 : memref<1x400x128xf32, #tpu.memory_space<hbm>> -> memref<400x128xf32, #tpu.memory_space<hbm>>
        %dma_wait3A_51 = arith.constant 0 : i32
        %dma_wait3A_52 = tpu.memref_slice %arg13[%multiple_of3A, %dma_wait3A_51] : memref<10000x128xf32, #tpu.memory_space<vmem_shared>> -> memref<400x128xf32, #tpu.memory_space<vmem_shared>>
        tpu.wait_dma2 semaphore(%run_scoped3A : memref<!tpu.dma_semaphore, #tpu.memory_space<semaphore_mem>>) src(%dma_wait3A_52 : memref<400x128xf32, #tpu.memory_space<vmem_shared>>) dst(%dma_wait3A_50 : memref<400x128xf32, #tpu.memory_space<hbm>>)
        tpu.yield
      }) : () -> ()
    } else {
    }
    return
  }
}

module attributes {stable_mosaic.version = 14 : i64} {
  func.func @_mm_body(%arg0: i32, %arg1: memref<1000x128xf32, #tpu.memory_space<vmem>>, %arg2: memref<128x128xf32, #tpu.memory_space<vmem>>, %arg3: memref<1000x128xbf16, #tpu.memory_space<vmem>>) attributes {dimension_semantics = [#tpu.dimension_semantics<arbitrary>], iteration_bounds = array<i64: 10>, scalar_prefetch = 0 : i64, scratch_operands = 0 : i64, tpu.core_type = #tpu.core_type<tc>, window_params = [{transform_indices = @transform_0, window_bounds = array<i64: 1000, 128>}, {pipeline_mode = #tpu.pipeline_mode<synchronous>, transform_indices = @transform_1, window_bounds = array<i64: 128, 128>}, {transform_indices = @transform_2, window_bounds = array<i64: 1000, 128>}]} {
    %get3A = arith.constant 0 : index
    %get3A_0 = arith.constant 0 : index
    %get3A_1 = vector.load %arg1[%get3A, %get3A_0] : memref<1000x128xf32, #tpu.memory_space<vmem>>, vector<1000x128xf32>
    %get3A_2 = arith.constant 0 : index
    %get3A_3 = arith.constant 0 : index
    %get3A_4 = vector.load %arg2[%get3A_2, %get3A_3] : memref<128x128xf32, #tpu.memory_space<vmem>>, vector<128x128xf32>
    %dot_general3A = arith.constant dense<0.000000e+00> : vector<1000x128xf32>
    %dot_general3A_5 = tpu.matmul %get3A_1, %get3A_4, %dot_general3A {dimension_numbers = #tpu.dot_dimension_numbers<[1], [0], [0], [1], [0, 0, 1, 1], [], []>, transpose_lhs_hint = false} : vector<1000x128xf32>, vector<128x128xf32>, vector<1000x128xf32> -> vector<1000x128xf32>
    %convert_element_type3A = arith.truncf %dot_general3A_5 : vector<1000x128xf32> to vector<1000x128xbf16>
    %swap3A = arith.constant 0 : index
    %swap3A_6 = arith.constant 0 : index
    %swap3A_7 = vector.load %arg3[%swap3A, %swap3A_6] : memref<1000x128xbf16, #tpu.memory_space<vmem>>, vector<1000x128xbf16>
    tpu.vector_store %arg3[%swap3A, %swap3A_6], %convert_element_type3A {strides = array<i32>} : memref<1000x128xbf16, #tpu.memory_space<vmem>>, vector<1000x128xbf16>,
    return
  }
  func.func @transform_0(%arg0: i32) -> (i32, i32) {
    %c0_i32 = arith.constant 0 : i32
    %c0_i32_0 = arith.constant 0 : i32
    return %arg0, %c0_i32 : i32, i32
  }
  func.func @transform_1(%arg0: i32) -> (i32, i32) {
    %c0_i32 = arith.constant 0 : i32
    %c0_i32_0 = arith.constant 0 : i32
    %c0_i32_1 = arith.constant 0 : i32
    return %c0_i32, %c0_i32_0 : i32, i32
  }
  func.func @transform_2(%arg0: i32) -> (i32, i32) {
    %c0_i32 = arith.constant 0 : i32
    %c0_i32_0 = arith.constant 0 : i32
    return %arg0, %c0_i32 : i32, i32
  }
}

module attributes {stable_mosaic.version = 14 : i64} {
  func.func @_comb_body(%arg0: i32, %arg1: memref<2x1000x128xf32, #tpu.memory_space<vmem>>, %arg2: memref<1x128xf32, #tpu.memory_space<vmem>>, %arg3: memref<1000x128xf32, #tpu.memory_space<vmem>>) attributes {dimension_semantics = [#tpu.dimension_semantics<arbitrary>], iteration_bounds = array<i64: 10>, scalar_prefetch = 0 : i64, scratch_operands = 0 : i64, tpu.core_type = #tpu.core_type<tc>, window_params = [{transform_indices = @transform_0, window_bounds = array<i64: 2, 1000, 128>}, {pipeline_mode = #tpu.pipeline_mode<synchronous>, transform_indices = @transform_1, window_bounds = array<i64: 1, 128>}, {transform_indices = @transform_2, window_bounds = array<i64: 1000, 128>}]} {
    %get3A = arith.constant 0 : index
    %get3A_0 = arith.constant 0 : index
    %get3A_1 = arith.constant 0 : index
    %get3A_2 = vector.load %arg1[%get3A, %get3A_0, %get3A_1] : memref<2x1000x128xf32, #tpu.memory_space<vmem>>, vector<1x1000x128xf32>
    %get3A_3 = vector.shape_cast %get3A_2 : vector<1x1000x128xf32> to vector<1000x128xf32>
    %get3A_4 = arith.constant 1 : index
    %get3A_5 = arith.constant 0 : index
    %get3A_6 = arith.constant 0 : index
    %get3A_7 = vector.load %arg1[%get3A_4, %get3A_5, %get3A_6] : memref<2x1000x128xf32, #tpu.memory_space<vmem>>, vector<1x1000x128xf32>
    %get3A_8 = vector.shape_cast %get3A_7 : vector<1x1000x128xf32> to vector<1000x128xf32>
    %add3A = arith.addf %get3A_3, %get3A_8 : vector<1000x128xf32>
    %get3A_9 = arith.constant 0 : index
    %get3A_10 = arith.constant 0 : index
    %get3A_11 = vector.load %arg2[%get3A_9, %get3A_10] : memref<1x128xf32, #tpu.memory_space<vmem>>, vector<1x128xf32>
    %add3A_12 = vector.broadcast %get3A_11 : vector<1x128xf32> to vector<1000x128xf32>
    %add3A_13 = arith.addf %add3A, %add3A_12 : vector<1000x128xf32>
    %swap3A = arith.constant 0 : index
    %swap3A_14 = arith.constant 0 : index
    %swap3A_15 = vector.load %arg3[%swap3A, %swap3A_14] : memref<1000x128xf32, #tpu.memory_space<vmem>>, vector<1000x128xf32>
    tpu.vector_store %arg3[%swap3A, %swap3A_14], %add3A_13 {strides = array<i32>} : memref<1000x128xf32, #tpu.memory_space<vmem>>, vector<1000x128xf32>,
    return
  }
  func.func @transform_0(%arg0: i32) -> (i32, i32, i32) {
    %c0_i32 = arith.constant 0 : i32
    %c0_i32_0 = arith.constant 0 : i32
    %c0_i32_1 = arith.constant 0 : i32
    return %c0_i32, %arg0, %c0_i32_0 : i32, i32, i32
  }
  func.func @transform_1(%arg0: i32) -> (i32, i32) {
    %c0_i32 = arith.constant 0 : i32
    %c0_i32_0 = arith.constant 0 : i32
    %c0_i32_1 = arith.constant 0 : i32
    return %c0_i32, %c0_i32_0 : i32, i32
  }
  func.func @transform_2(%arg0: i32) -> (i32, i32) {
    %c0_i32 = arith.constant 0 : i32
    %c0_i32_0 = arith.constant 0 : i32
    return %arg0, %c0_i32 : i32, i32
  }
}

</mosaic_0001>

<sc_bundles>
// kernel: kernel.5.cloned.1.call-start
scs
__scs_entry_jumppad:
0x0: {  	(pc) =	sbr.rel $0x88, $3  }
0x1: {  	(tag) =	ssettag $0x0;
	lr =	simm.s32 $0x1  }
0x2: {  	[smem:$0x3F9C] =	sst lr;
	_ =	strace $0xD0000000  }
0x3: {  	_ = 	snop  }
0x4: {  	_ = 	snop  }
0x5: {  	_ = 	snop  }
0x6: {  	_ = 	snop  }
0x7: {  	_ = 	snop  }
__scs_overlays_trampoline_lowered:
0x8: {  	[smem:$0x3FAB] =	sst s0  }
0x9: {  	[smem:$0x3FAC] =	sst s1  }
0xa: {  	[smem:$0x3FAD] =	sst s2  }
0xb: {  	[smem:$0x3FAE] =	sst s3  }
0xc: {  	[smem:$0x3FAF] =	sst s4  }
0xd: {  	[smem:$0x3FB0] =	sst s5  }
0xe: {  	[smem:$0x3FB1] =	sst s6  }
0xf: {  	[smem:$0x3FB2] =	sst s7  }
0x10: {  	[smem:$0x3FB3] =	sst s8  }
0x11: {  	[smem:$0x3FB4] =	sst s9;
	s0 =	simm.s32 @!p0 $0x0  }
0x12: {  	s1 =	sld [smem:$0x3F9A];
	s0 =	simm.s32 @p0 $0x1  }
0x13: {  	[smem:$0x3FB5] =	sst s0;
	s0 =	simm.s32 @!p1 $0x0  }
0x14: {  	s2 =	sld [smem:$0x3F99];
	s0 =	simm.s32 @p1 $0x1  }
0x15: {  	[smem:$0x3FB6] =	sst s0;
	s0 =	simm.s32 @!p2 $0x0  }
0x16: {  	s3 =	sld [smem:$0x3FDB];
	s0 =	simm.s32 @p2 $0x1  }
0x17: {  	s4 =	simm.s32 $0x1BF5;
	[smem:$0x3FB8] =	sst s0  }
0x18: {  	s0 =	sld [smem:$0x3F9B];
	_ =	swait.ge [sflag:s4], $0x0  }
0x19: {  	s7 =	sld [smem:$0x3F9C]  }
0x1a: {  	s8 =	sadd.s32 $0xFFFFE003, lr  }
0x1b: {  	s9 =	sadd.s32 $0xFFFFFEF7, lr;
	s5 =	simm.s32 $0xFFFFFFFF;
	p2 =	slt.u32 s8, $0xFFFFF086  }
0x1c: {  	p1 =	slt.u32 s9, $0xF7A;
	s5 =	simm.s32 @!p2 $0x0  }
0x1d: {  	s5 =	simm.s32 @p1 $0x1;
	p0 =	seq.s32 s7, s2  }
0x1e: {  	s7 =	smul.u32 @!p0 $0xF7A, s2;
	p2 =	seq.s32 @!p0 s5, $0x0  }
0x1f: {  	s9 =	smul.u32 $0xF7A, s1;
	s8 =	simm.s32 @!p0 $0x1BF5;
	p2 =	por !p2, p0  }
0x20: {  	[sflag:s8] =	ssyncset.s32 @!p0 $0xFFFFF086;
	s6 =	sadd.s32 @!p0 s3, s7;
	s7 =	simm.s32 @!p0 $0x108  }
0x21: {  	s3 =	sadd.s32 s3, s9;
	s6 =	sadd.s32 @!p0 $0x88, s6;
	s7 =	simm.s32 @p2 $0x1082  }
0x22: {  	[simem:s7], [sflag:s8] =	dma.local @!p0 [hbm:s6], $0xF7A  }
0x23: {  	s9 =	sor.u32 $0xD0000000, s2;
	s6 =	simm.s32 $0x108;
	_ =	swait.ge @!p0 [sflag:s8], $0x0  }
0x24: {  	s3 =	sadd.s32 $0x88, s3;
	s6 =	simm.s32 @!p1 $0x1082;
	[sflag:s4] =	ssyncset.s32 $0xFFFFF086  }
0x25: {  	[simem:s6], [sflag:s4] =	dma.local [hbm:s3], $0xF7A  }
0x26: {  	[smem:$0x3F9C] =	sst s1;
	(tag) =	ssettag s2;
	_ =	strace s9  }
0x27: {  	s1 =	sld [smem:$0x3FAC]  }
0x28: {  	s2 =	sld [smem:$0x3FAD]  }
0x29: {  	s4 =	sld [smem:$0x3FAF]  }
0x2a: {  	p0 =	seq.s32 s5, $0x0;
	s5 =	sld [smem:$0x3FB0]  }
0x2b: {  	s6 =	sld [smem:$0x3FB1]  }
0x2c: {  	s7 =	sld [smem:$0x3FB2]  }
0x2d: {  	s3 =	simm.s32 $0x108;
	s8 =	sld [smem:$0x3FB3]  }
0x2e: {  	s3 =	simm.s32 @!p0 $0x1082;
	s9 =	sld [smem:$0x3FB4]  }
0x2f: {  	lr =	sadd.s32 s0, s3;
	s0 =	sld [smem:$0x3FAB]  }
0x30: {  	s3 =	sld [smem:$0x3FAE]  }
0x31: {  	[smem:$0x3FB7] =	sst s10  }
0x32: {  	s10 =	sld [smem:$0x3FB5];
	_ =	sdelay $0x3  }
0x33: {  	p0 =	seq.s32 s10, $0x1;
	s10 =	sld [smem:$0x3FB7];
	_ =	sdelay $0x3  }
0x34: {  	[smem:$0x3FB7] =	sst s10  }
0x35: {  	s10 =	sld [smem:$0x3FB6];
	_ =	sdelay $0x3  }
0x36: {  	p1 =	seq.s32 s10, $0x1;
	s10 =	sld [smem:$0x3FB7];
	_ =	sdelay $0x3  }
0x37: {  	[smem:$0x3FB7] =	sst s10  }
0x38: {  	s10 =	sld [smem:$0x3FB8]  }
0x39: {  	_ = 	snop;
	(pc) =	sbr.ind lr, $3  }
0x3a: {  	_ = 	snop  }
0x3b: {  	_ = 	snop  }
0x3c: {  	p2 =	seq.s32 s10, $0x1;
	s10 =	sld [smem:$0x3FB7]  }
0x3d: {  	_ =	shalt  }
0x3e: {  	_ =	shalt  }
0x3f: {  	_ =	shalt  }
0x40: {  	_ =	shalt  }
0x41: {  	_ =	shalt  }
0x42: {  	_ =	shalt  }
0x43: {  	_ =	shalt  }
0x44: {  	_ =	shalt  }
0x45: {  	_ =	shalt  }
0x46: {  	_ =	shalt  }
0x47: {  	_ =	shalt  }
0x48: {  	_ =	shalt  }
0x49: {  	_ =	shalt  }
0x4a: {  	_ =	shalt  }
0x4b: {  	_ =	shalt  }
0x4c: {  	_ =	shalt  }
0x4d: {  	_ =	shalt  }
0x4e: {  	_ =	shalt  }
0x4f: {  	_ =	shalt  }
0x50: {  	_ =	shalt  }
0x51: {  	_ =	shalt  }
0x52: {  	_ =	shalt  }
0x53: {  	_ =	shalt  }
0x54: {  	_ =	shalt  }
0x55: {  	_ =	shalt  }
0x56: {  	_ =	shalt  }
0x57: {  	_ =	shalt  }
0x58: {  	_ =	shalt  }
0x59: {  	_ =	shalt  }
0x5a: {  	_ =	shalt  }
0x5b: {  	_ =	shalt  }
0x5c: {  	_ =	shalt  }
0x5d: {  	_ =	shalt  }
0x5e: {  	_ =	shalt  }
0x5f: {  	_ =	shalt  }
0x60: {  	_ =	shalt  }
0x61: {  	_ =	shalt  }
0x62: {  	_ =	shalt  }
0x63: {  	_ =	shalt  }
0x64: {  	_ =	shalt  }
0x65: {  	_ =	shalt  }
0x66: {  	_ =	shalt  }
0x67: {  	_ =	shalt  }
0x68: {  	_ =	shalt  }
0x69: {  	_ =	shalt  }
0x6a: {  	_ =	shalt  }
0x6b: {  	_ =	shalt  }
0x6c: {  	_ =	shalt  }
0x6d: {  	_ =	shalt  }
0x6e: {  	_ =	shalt  }
0x6f: {  	_ =	shalt  }
0x70: {  	_ =	shalt  }
0x71: {  	_ =	shalt  }
0x72: {  	_ =	shalt  }
0x73: {  	_ =	shalt  }
0x74: {  	_ =	shalt  }
0x75: {  	_ =	shalt  }
0x76: {  	_ =	shalt  }
0x77: {  	_ =	shalt  }
0x78: {  	_ =	shalt  }
0x79: {  	_ =	shalt  }
0x7a: {  	_ =	shalt  }
0x7b: {  	_ =	shalt  }
0x7c: {  	_ =	shalt  }
0x7d: {  	_ =	shalt  }
0x7e: {  	_ =	shalt  }
0x7f: {  	_ =	shalt  }
0x80: {  	_ =	shalt  }
0x81: {  	_ =	shalt  }
0x82: {  	_ =	shalt  }
0x83: {  	_ =	shalt  }
0x84: {  	_ =	shalt  }
0x85: {  	_ =	shalt  }
0x86: {  	_ =	shalt  }
0x87: {  	_ =	shalt  }
.Lfunc_end0:
.L_simem_size_0:
called_computation_lowered:
.L_overlay_start_0:
0x88: {  	s2 =	sld [smem:$0x3FD9]  }
0x89: {  	s3 =	sld [smem:$0x3FFE];
	_ =	sdelay $0x1  }
0x8a: {  	s1 =	srdreg.scid  }
0x8b: {  	s0 =	sand.u32 $0x1, s1  }
0x8c: {  	s17 =	sshll.u32 s0, $0xA;
	s2 =	sadd.s32 s3, s2  }
0x8d: {  	s2 =	sadd.s32 s2, s17  }
0x8e: {  	[smem:$0x3FC3] =	sst s2  }
0x8f: {  	_ = 	snop  }
0x90: {  	s2 =	sld [smem:$0x3FD0];
	(tm) =	ssettm $0x1  }
0x91: {  	s18 =	sld [smem:$0x3FFB];
	_ =	sdelay $0x3  }
0x92: {  	_ =	strace s18  }
0x93: {  	s3 =	sld [smem:$0x3FFC];
	_ =	sdelay $0x3  }
0x94: {  	_ =	strace s3  }
0x95: {  	s3 =	sld [smem:$0x3FFD];
	_ =	sdelay $0x3  }
0x96: {  	_ =	strace s3  }
0x97: {  	_ =	strace $0x8FFFFFFF  }
0x98: {  	s19 =	sld [smem:$0x3FDB];
	_ =	sdelay $0x1  }
0x99: {  	s4 =	simm.s32 $_scs_section_size  }
0x9a: {  	s5 =	simm.s32 $_size__tile_overlayer_lowered;
	s6 =	simm.s32 $_tile_overlayer_lowered  }
0x9b: {  	s22 =	simm.s32 $0x1BFF;
	s21 =	sshll.u32 s6, $0x1;
	s3 =	sadd.s32 s4, s19  }
0x9c: {  	s7 =	simm.s32 $0x0;
	s20 =	sshll.u32 s5, $0x1;
	s5 =	sadd.s32 s21, s3  }
0x9d: {  	[timem:s7], [sflag:s22] =	dma.local [hbm:s5], s20  }
0x9e: {  	_ =	swait.ge [sflag:s22], s20  }
0x9f: {  	s4 =	ssub.s32 $0x0, s20;
	[sflag:s22] =	ssyncset.done $0x0  }
0xa0: {  	[sflag:s22] =	ssyncadd.s32 s4;
	_ =	sdelay $0x1  }
0xa1: {  	s23 =	simm.s32 $0x1B8B  }
0xa2: {  	_ =	swait.ge [sflag:s23], $0x1  }
0xa3: {  	[sflag:s23] =	ssyncset.done $0x0  }
0xa4: {  	s25 =	simm.s32 $0x1B8E;
	s24 =	sld [smem:$0x3FFE];
	[sflag:s23] =	ssyncadd.s32 $0xFFFFFFFF  }
0xa5: {  	s26 =	simm.s32 $execute0_lowered;
	[smem:$0x3FD2] =	sst s25  }
0xa6: {  	s5 =	sshll.u32 s26, $0x1;
	_ =	strace $0x80000046;
	[dreg:$0x1] =	wrdreg $0xFFFFFFFF  }
0xa7: {  	s28 =	simm.s32 $_size_execute0_lowered;
	s3 =	sadd.s32 s3, s5;
	[dreg:$0x0] =	wrdreg $0x0  }
0xa8: {  	s5 =	sshll.u32 s28, $0x1;
	[dreg:$0x2] =	wrdreg s3  }
0xa9: {  	[dreg:$0x3] =	wrdreg s5  }
0xaa: {  	[dreg:$0x4] =	wrdreg $0xC0  }
0xab: {  	_ =	task [dreg:s7], $0x5FFFF  }
0xac: {  	[dreg:$0x1] =	wrdreg $0xFFFFFFFF  }
0xad: {  	[dreg:$0x0] =	wrdreg $0x60  }
0xae: {  	[dreg:$0x2] =	wrdreg s2  }
0xaf: {  	[dreg:$0x3] =	wrdreg s24  }
0xb0: {  	[dreg:$0x4] =	wrdreg $0x7D200  }
0xb1: {  	[dreg:$0x5] =	wrdreg $0x9  }
0xb2: {  	_ =	task.clear_ibuf [dreg:s7], $0x6FFFF;
	_ =	strace $0x90000046  }
0xb3: {  	s29 =	simm.s32 $0x9;
	_ =	strace $0x80000048  }
0xb4: {  	_ =	swait.ge [sflag:s29], $0x1  }
0xb5: {  	[sflag:s29] =	ssyncadd.s32 $0xFFFFFFFF  }
0xb6: {  	_ =	strace $0x90000048  }
0xb7: {  	_ =	sfence  }
0xb8: {  	s30 =	sld [smem:$0x0];
	_ =	sdelay $0x2  }
0xb9: {  	s31 =	sshll.u32 s1, $0xD;
	s1 =	sshrl.u32 s1, $0x2  }
0xba: {  	s3 =	sand.u32 $0x4000, s31;
	s1 =	sadd.s32 s1, s30  }
0xbb: {  	s0 =	sor.u32 s3, s0;
	s1 =	sshll.u32 s1, $0x11  }
0xbc: {  	s0 =	sor.u32 s1, s0  }
0xbd: {  	s0 =	sadd.s32 $0x8F2B, s0  }
0xbe: {  	[sflag:s0] =	ssyncadd.remote.s32 $0x1  }
0xbf: {  	_ =	sfence.sel $0xFFFF  }
0xc0: {  	[dreg:$0x0] =	wrdreg $0xFFFFFFFF;
	(pc) =	sbr.abs _section_cstart, $3  }
0xc1: {  	[dreg:$0x1] =	wrdreg $0xFFFFFFFF  }
0xc2: {  	_ =	task.clear_ibuf [dreg:s7], $0x2FFFF;
	_ =	strace $0x9FFFFFFF  }
0xc3: {  	(tm) =	ssettm $0x7FFFFFFF  }
tec
execute0_lowered:
.L_overlay_start_1:
0x0: {  	(tag) =	ssettag $0x1  }
0x1: {  	s1 =	rddreg [dreg:$0x0]  }
0x2: {  	s2 =	rddreg [dreg:$0x1]  }
0x3: {  	s3 =	rddreg [dreg:$0x2];
	s5 =	simm.s32 $0x0  }
0x4: {  	s0 =	srdreg.scid;
	s15 =	stileid.u32;
	s28 =	simm.s32 $0x70  }
0x5: {  	s29 =	simm.s32 $0xD20;
	s30 =	simm.s32 $0x2920;
	s31 =	simm.s32 $0x1  }
0x6: {  	[smem:$0x7FF] =	sst s5;
	s6 =	sadd.s32 $0x13C00, s2;
	s0 =	sand.u32 $0x1, s0  }
0x7: {  	s4 =	smul.u32 $0x32000, s15;
	s7 =	sadd.s32 $0x9E00, s2;
	s9 =	sadd.s32 $0x1DA00, s2  }
0x8: {  	s13 =	sor.u32 $0x10, s15;
	s12 =	sshll.u32 s15, $0x1;
	s21 =	smul.u32 $0xC800, s15  }
0x9: {  	p0 =	sgt.u32 s15, $0x8;
	_ =	strace $0x80000047;
	s16 =	smul.u32 $0x32000, s13  }
0xa: {  	s10 =	ssub.s32 $0x2, s0;
	s17 =	sor.u32 s0, s12;
	s0 =	smul.u32 $0x138800, s0  }
0xb: {  	s13 =	smul.u32 $0xC800, s13;
	s11 =	sshrl.u32 s10, $0x1;
	s4 =	sshrl.u32 s4, $0x2  }
0xc: {  	s8 =	sadd.s32 s4, s3;
	s10 =	ssub.s32 s10, s11;
	s4 =	sshrl.u32 s16, $0x2  }
0xd: {  	s25 =	sadd.s32 s21, s0;
	s0 =	sadd.s32 s0, s13;
	s18 =	sadd.s32 $0x2800, s8  }
0xe: {  	s19 =	sadd.s32 $0x5000, s8;
	s20 =	sadd.s32 $0x7800, s8;
	[dreg:$0x4] =	wrdreg s18  }
0xf: {  	s12 =	sadd.s32 s4, s3;
	s14 =	sadd.s32 $0xA000, s8;
	[dreg:$0x5] =	wrdreg s19  }
0x10: {  	s0 =	sshrl.u32 s0, $0x3;
	s4 =	sadd.s32 s21, s3;
	[dreg:$0x6] =	wrdreg s20  }
0x11: {  	s21 =	smax.u32 s10, $0x1;
	[dreg:$0x7] =	wrdreg s14;
	s22 =	sadd.s32 $0x2800, s12  }
0x12: {  	s23 =	sadd.s32 $0x5000, s12;
	s24 =	sadd.s32 $0x7800, s12;
	[dreg:$0x8] =	wrdreg s22  }
0x13: {  	s16 =	sadd.s32 $0xA000, s12;
	s18 =	smul.u32 $0x2760, s17;
	[dreg:$0x9] =	wrdreg s23  }
.Ltmp0:
0x14: {  	s14 =	sshrl.u32 s25, $0x3;
	[dreg:$0xa] =	wrdreg s24;
	(pc) =	sbr.rel .LBB2_1-.Ltmp0, $4  }
0x15: {  	s0 =	sadd.s32 s9, s0;
	[dreg:$0xb] =	wrdreg s16;
	s26 =	sadd.s32 s9, s14  }
0x16: {  	[dreg:$0xd] =	wrdreg s0;
	s0 =	sadd.s32 s13, s3;
	s22 =	simm.s32 $0x4520  }
0x17: {  	s23 =	simm.s32 $0x3;
	s24 =	sshrl.u32 s4, $0x3;
	[dreg:$0xc] =	wrdreg s26  }
0x18: {  	v0 =	vimm.f32 $0.0e+00;
	s25 =	sshrl.u32 @!p0 s0, $0x3;
	s26 =	simm.s32 $0x460;
	s0 =	simm.s32 $0x2  }
.LBB2_12:
0x19: {  	s4 =	stileid.u32  }
0x1a: {  	[bflag:$0x0] =	sbarrier.arrive $0xFFFF;
	s4 =	sshll.u32 s4, $0x6  }
0x1b: {  	s9 =	rddreg [dreg:$0xc];
	s4 =	sor.u32 $0x1C03, s4  }
0x1c: {  	[hbm:s9], [sflag:s4] =	dma.local [spmem:s24], $0x1900  }
0x1d: {  	_ =	swait.ge [sflag:s23], $0x1900  }
0x1e: {  	s5 =	sadd.s32 $0x1, s5;
	[sflag:s23] =	ssyncset.done $0x0  }
0x1f: {  	p1 =	sne.s32 s5, s21;
	s9 =	rddreg [dreg:$0xd];
	[sflag:s23] =	ssyncadd.s32 $0xFFFFE700  }
0x20: {  	[hbm:s9], [sflag:s4] =	dma.local @!p0 [spmem:s25], $0x1900  }
.Ltmp1:
0x21: {  	_ = 	snop;
	(pc) =	sbr.rel @!p1 .LBB2_13-.Ltmp1, $4  }
0x22: {  	s4 =	simm.s32 @!p0 $0x3  }
0x23: {  	_ =	swait.ge @!p0 [sflag:s4], $0x1900  }
0x24: {  	[sflag:s4] =	ssyncset.done @!p0 $0x0  }
0x25: {  	[sflag:s4] =	ssyncadd.s32 @!p0 $0xFFFFE700  }
.LBB2_1:
0x26: {  	s4 =	simm.s32 $0x0;
	s9 =	simm.s32 $0x200  }
.LBB2_2:
0x27: {  	p1 =	sne.s32 s9, $0x9E00;
	[tilespmem:s4+$0x4590] =	vst v0  }
0x28: {  	[tilespmem:s4+$0x4520] =	vst v0  }
0x29: {  	[tilespmem:s4+$0x4530] =	vst v0  }
.Ltmp2:
0x2a: {  	[tilespmem:s4+$0x4540] =	vst v0;
	(pc) =	sbr.rel @p1 .LBB2_2-.Ltmp2, $4  }
0x2b: {  	[tilespmem:s4+$0x4550] =	vst v0  }
0x2c: {  	[tilespmem:s4+$0x4560] =	vst v0  }
0x2d: {  	[tilespmem:s4+$0x4570] =	vst v0  }
0x2e: {  	[tilespmem:s4+$0x4580] =	vst v0;
	s4 =	sshra.s32 s9, $0x2;
	s9 =	sadd.s32 $0x200, s9  }
0x2f: {  	[tilespmem:s4+$0x4590] =	vst v0  }
0x30: {  	[tilespmem:s4+$0x4520] =	vst v0  }
0x31: {  	[tilespmem:s4+$0x4530] =	vst v0  }
0x32: {  	[tilespmem:s4+$0x4540] =	vst v0  }
0x33: {  	[tilespmem:s4+$0x4550] =	vst v0  }
0x34: {  	[tilespmem:s4+$0x4560] =	vst v0  }
0x35: {  	[tilespmem:s4+$0x4570] =	vst v0  }
0x36: {  	[tilespmem:s4+$0x4580] =	vst v0  }
0x37: {  	[spmem:s8] =	stream.linear.scatter [tilespmem:s22], [sflag:$0x3], $0x2800, $0x38;
	[tilespmem:$0x1B5A0] =	vst v63  }
0x38: {  	_ =	swait.ge [sflag:s23], $0x2800  }
0x39: {  	[sflag:s23] =	ssyncset.done $0x0  }
0x3a: {  	s16 =	rddreg [dreg:$0x4];
	[sflag:s23] =	ssyncadd.s32 $0xFFFFD800  }
0x3b: {  	[spmem:s16] =	stream.linear.scatter [tilespmem:s22], [sflag:$0x3], $0x2800, $0x38;
	[tilespmem:$0x1B5A0] =	vst v63  }
0x3c: {  	_ =	swait.ge [sflag:s23], $0x2800  }
0x3d: {  	[sflag:s23] =	ssyncset.done $0x0  }
0x3e: {  	s17 =	rddreg [dreg:$0x5];
	[sflag:s23] =	ssyncadd.s32 $0xFFFFD800  }
0x3f: {  	[spmem:s17] =	stream.linear.scatter [tilespmem:s22], [sflag:$0x3], $0x2800, $0x38;
	[tilespmem:$0x1B5A0] =	vst v63  }
0x40: {  	_ =	swait.ge [sflag:s23], $0x2800  }
0x41: {  	[sflag:s23] =	ssyncset.done $0x0  }
0x42: {  	s19 =	rddreg [dreg:$0x6];
	[sflag:s23] =	ssyncadd.s32 $0xFFFFD800  }
0x43: {  	[spmem:s19] =	stream.linear.scatter [tilespmem:s22], [sflag:$0x3], $0x2800, $0x38;
	[tilespmem:$0x1B5A0] =	vst v63  }
0x44: {  	_ =	swait.ge [sflag:s23], $0x2800  }
0x45: {  	[sflag:s23] =	ssyncset.done $0x0  }
0x46: {  	s20 =	rddreg [dreg:$0x7];
	[sflag:s23] =	ssyncadd.s32 $0xFFFFD800  }
0x47: {  	[spmem:s20] =	stream.linear.scatter [tilespmem:s22], [sflag:$0x3], $0x2800, $0x38;
	[tilespmem:$0x1B5A0] =	vst v63  }
0x48: {  	_ =	swait.ge [sflag:s23], $0x2800  }
0x49: {  	[sflag:s23] =	ssyncset.done $0x0  }
0x4a: {  	s4 =	simm.s32 @!p0 $0x4520;
	s9 =	simm.s32 @!p0 $0x3;
	[sflag:s23] =	ssyncadd.s32 $0xFFFFD800  }
0x4b: {  	[spmem:s12] =	stream.linear.scatter @!p0 [tilespmem:s4], [sflag:$0x3], $0x2800, $0x38;
	[tilespmem:$0x1B5A0] =	vst v63  }
0x4c: {  	_ =	swait.ge @!p0 [sflag:s9], $0x2800  }
0x4d: {  	[sflag:s9] =	ssyncset.done @!p0 $0x0  }
0x4e: {  	s10 =	rddreg [dreg:$0x8];
	[sflag:s9] =	ssyncadd.s32 @!p0 $0xFFFFD800  }
0x4f: {  	[spmem:s10] =	stream.linear.scatter @!p0 [tilespmem:s4], [sflag:$0x3], $0x2800, $0x38;
	[tilespmem:$0x1B5A0] =	vst v63  }
0x50: {  	_ =	swait.ge @!p0 [sflag:s9], $0x2800  }
0x51: {  	[sflag:s9] =	ssyncset.done @!p0 $0x0  }
0x52: {  	s10 =	rddreg [dreg:$0x9];
	[sflag:s9] =	ssyncadd.s32 @!p0 $0xFFFFD800  }
0x53: {  	[spmem:s10] =	stream.linear.scatter @!p0 [tilespmem:s4], [sflag:$0x3], $0x2800, $0x38;
	[tilespmem:$0x1B5A0] =	vst v63  }
0x54: {  	_ =	swait.ge @!p0 [sflag:s9], $0x2800  }
0x55: {  	[sflag:s9] =	ssyncset.done @!p0 $0x0  }
0x56: {  	s10 =	rddreg [dreg:$0xa];
	[sflag:s9] =	ssyncadd.s32 @!p0 $0xFFFFD800  }
0x57: {  	[spmem:s10] =	stream.linear.scatter @!p0 [tilespmem:s4], [sflag:$0x3], $0x2800, $0x38;
	[tilespmem:$0x1B5A0] =	vst v63  }
0x58: {  	_ =	swait.ge @!p0 [sflag:s9], $0x2800  }
0x59: {  	[sflag:s9] =	ssyncset.done @!p0 $0x0  }
0x5a: {  	s10 =	rddreg [dreg:$0xb];
	[sflag:s9] =	ssyncadd.s32 @!p0 $0xFFFFD800  }
0x5b: {  	[spmem:s10] =	stream.linear.scatter @!p0 [tilespmem:s4], [sflag:$0x3], $0x2800, $0x38;
	[tilespmem:$0x1B5A0] =	vst v63  }
.Ltmp3:
0x5c: {  	_ =	swait.ge @!p0 [sflag:s9], $0x2800;
	(pc) =	sbr.rel .LBB2_4-.Ltmp3, $4  }
0x5d: {  	[sflag:s9] =	ssyncset.done @!p0 $0x0  }
0x5e: {  	[sflag:s9] =	ssyncadd.s32 @!p0 $0xFFFFD800  }
0x5f: {  	[bflag:$0x0] =	sbarrier.arrive $0xFFFF  }
0x60: {  	s4 =	simm.s32 $0x0;
	s9 =	simm.s32 $0x0  }
.LBB2_11:
0x61: {  	s9 =	sadd.s32 $0x1, s9  }
0x62: {  	p1 =	sne.s32 s9, $0x9  }
.Ltmp4:
0x63: {  	_ = 	snop;
	(pc) =	sbr.rel @!p1 .LBB2_12-.Ltmp4, $1  }
0x64: {  	_ =	sdelay $0x3  }
.LBB2_4:
0x65: {  	s10 =	smul.u32 $0x460, s9;
	_ =	sdelay $0x1  }
0x66: {  	s10 =	sadd.s32 s18, s10  }
0x67: {  	s10 =	sshrl.u32 s10, $0x3  }
0x68: {  	s11 =	sadd.s32 s7, s10  }
0x69: {  	[tilespmem:s4], [sflag:$0x3] =	stream.linear.gather [hbm4b:s11+s4], $0x460, $0x38;
	[tilespmem:$0x1B5A0] =	vst v63  }
0x6a: {  	_ =	swait.ge [sflag:s23], $0x460  }
0x6b: {  	[sflag:s23] =	ssyncset.done $0x0  }
0x6c: {  	s19 =	sadd.s32 s6, s10;
	[sflag:s23] =	ssyncadd.s32 $0xFFFFFBA0  }
0x6d: {  	[tilespmem:s26], [sflag:$0x3] =	stream.linear.gather [hbm4b:s19+s4], $0x460, $0x38;
	[tilespmem:$0x1B5A0] =	vst v63  }
0x6e: {  	_ =	swait.ge [sflag:s23], $0x460  }
0x6f: {  	[sflag:s23] =	ssyncset.done $0x0  }
0x70: {  	s20 =	sadd.s32 s2, s10;
	s10 =	simm.s32 $0x8C0;
	[sflag:s23] =	ssyncadd.s32 $0xFFFFFBA0  }
0x71: {  	[tilespmem:s10], [sflag:$0x3] =	stream.linear.gather [hbm4b:s20+s4], $0x460, $0x38;
	[tilespmem:$0x1B5A0] =	vst v63  }
0x72: {  	_ =	swait.ge [sflag:s23], $0x460  }
0x73: {  	[sflag:s23] =	ssyncset.done $0x0  }
0x74: {  	[sflag:s23] =	ssyncadd.s32 $0xFFFFFBA0  }
0x75: {  	[tilespmem:s29], [sflag:$0x1] =	stream.indirect.gather [hbm4b:s1+s28], $0x40, s4, s28, $0xb8;
	[tilespmem:$0x1B5A0] =	vst v63  }
0x76: {  	s13 =	simm.s32 $0x0;
	s11 =	simm.s32 $0x930  }
0x77: {  	[tilespmem:s30], [sflag:$0x2] =	stream.indirect.gather [hbm4b:s1+s28], $0x40, s28, s28, $0xb8;
	[tilespmem:$0x1B5A0] =	vst v63  }
.LBB2_5:
0x78: {  	v1 =	vmov s10  }
0x79: {  	_ =	swait.ge [sflag:s31], $0x1C00  }
0x7a: {  	s15 =	smul.u32 $0x380, s13;
	s14 =	simm.s32 $0x0;
	[sflag:s31] =	ssyncset.done $0x0  }
0x7b: {  	s16 =	simm.s32 $0xF20;
	s17 =	simm.s32 $0x4920;
	[sflag:s31] =	ssyncadd.s32 $0xFFFFE400  }
.LBB2_6:
0x7c: {  	s19 =	sshra.s32 s14, $0x2  }
0x7d: {  	v2 =	vld.idx.msk [tilespmem:v1+s19+$0x0 ss:$0x1], $0xffff  }
0x7e: {  	v3 =	vld [tilespmem:s16+$0xFFFFFE00];
	_ =	sdelay $0x3  }
0x7f: {  	v4 =	vbroadcast v2, $0x0  }
0x80: {  	v5 =	vshll.u32 v3, $0x10  }
0x81: {  	v3 =	vand.u32 $0xFFFF0000, v3;
	v5 =	vmul.f32 v5, v4  }
0x82: {  	v3 =	vmul.f32 v3, v4  }
0x83: {  	[tilespmem:s17+$0xFFFFFC00] =	vst v5  }
0x84: {  	[tilespmem:s17+$0xFFFFFC10] =	vst v3  }
0x85: {  	v3 =	vld [tilespmem:s16+$0xFFFFFE10];
	_ =	sdelay $0x4  }
0x86: {  	v43 =	vshll.u32 v3, $0x10  }
0x87: {  	v3 =	vand.u32 $0xFFFF0000, v3;
	v5 =	vmul.f32 v43, v4  }
0x88: {  	v3 =	vmul.f32 v3, v4  }
0x89: {  	[tilespmem:s17+$0xFFFFFC20] =	vst v5  }
0x8a: {  	[tilespmem:s17+$0xFFFFFC30] =	vst v3  }
0x8b: {  	v3 =	vld [tilespmem:s16+$0xFFFFFE20];
	_ =	sdelay $0x4  }
0x8c: {  	v44 =	vshll.u32 v3, $0x10  }
0x8d: {  	v3 =	vand.u32 $0xFFFF0000, v3;
	v5 =	vmul.f32 v44, v4  }
0x8e: {  	v3 =	vmul.f32 v3, v4  }
0x8f: {  	[tilespmem:s17+$0xFFFFFC40] =	vst v5  }
0x90: {  	[tilespmem:s17+$0xFFFFFC50] =	vst v3  }
0x91: {  	v3 =	vld [tilespmem:s16+$0xFFFFFE30];
	_ =	sdelay $0x4  }
0x92: {  	v45 =	vshll.u32 v3, $0x10  }
0x93: {  	v3 =	vand.u32 $0xFFFF0000, v3;
	v5 =	vmul.f32 v45, v4  }
0x94: {  	v3 =	vmul.f32 v3, v4  }
0x95: {  	[tilespmem:s17+$0xFFFFFC60] =	vst v5  }
0x96: {  	[tilespmem:s17+$0xFFFFFC70] =	vst v3  }
0x97: {  	v3 =	vld [tilespmem:s16+$0xFFFFFE40];
	_ =	sdelay $0x3  }
0x98: {  	v46 =	vbroadcast v2, $0x1  }
0x99: {  	v47 =	vshll.u32 v3, $0x10  }
0x9a: {  	v3 =	vand.u32 $0xFFFF0000, v3;
	v5 =	vmul.f32 v47, v46  }
0x9b: {  	v3 =	vmul.f32 v3, v46  }
0x9c: {  	[tilespmem:s17+$0xFFFFFC80] =	vst v5  }
0x9d: {  	[tilespmem:s17+$0xFFFFFC90] =	vst v3  }
0x9e: {  	v3 =	vld [tilespmem:s16+$0xFFFFFE50];
	_ =	sdelay $0x4  }
0x9f: {  	v48 =	vshll.u32 v3, $0x10  }
0xa0: {  	v3 =	vand.u32 $0xFFFF0000, v3;
	v5 =	vmul.f32 v48, v46  }
0xa1: {  	v3 =	vmul.f32 v3, v46  }
0xa2: {  	[tilespmem:s17+$0xFFFFFCA0] =	vst v5  }
0xa3: {  	[tilespmem:s17+$0xFFFFFCB0] =	vst v3  }
0xa4: {  	v3 =	vld [tilespmem:s16+$0xFFFFFE60];
	_ =	sdelay $0x4  }
0xa5: {  	v49 =	vshll.u32 v3, $0x10  }
0xa6: {  	v3 =	vand.u32 $0xFFFF0000, v3;
	v5 =	vmul.f32 v49, v46  }
0xa7: {  	v3 =	vmul.f32 v3, v46  }
0xa8: {  	[tilespmem:s17+$0xFFFFFCC0] =	vst v5  }
0xa9: {  	[tilespmem:s17+$0xFFFFFCD0] =	vst v3  }
0xaa: {  	v3 =	vld [tilespmem:s16+$0xFFFFFE70];
	_ =	sdelay $0x4  }
0xab: {  	v50 =	vshll.u32 v3, $0x10  }
0xac: {  	v3 =	vand.u32 $0xFFFF0000, v3;
	v5 =	vmul.f32 v50, v46  }
0xad: {  	v3 =	vmul.f32 v3, v46  }
0xae: {  	[tilespmem:s17+$0xFFFFFCE0] =	vst v5  }
0xaf: {  	[tilespmem:s17+$0xFFFFFCF0] =	vst v3  }
0xb0: {  	v3 =	vld [tilespmem:s16+$0xFFFFFE80];
	_ =	sdelay $0x3  }
0xb1: {  	v51 =	vbroadcast v2, $0x2  }
0xb2: {  	v52 =	vshll.u32 v3, $0x10  }
0xb3: {  	v3 =	vand.u32 $0xFFFF0000, v3;
	v5 =	vmul.f32 v52, v51  }
0xb4: {  	v3 =	vmul.f32 v3, v51  }
0xb5: {  	[tilespmem:s17+$0xFFFFFD00] =	vst v5  }
0xb6: {  	[tilespmem:s17+$0xFFFFFD10] =	vst v3  }
0xb7: {  	v3 =	vld [tilespmem:s16+$0xFFFFFE90];
	_ =	sdelay $0x4  }
0xb8: {  	v53 =	vshll.u32 v3, $0x10  }
0xb9: {  	v3 =	vand.u32 $0xFFFF0000, v3;
	v5 =	vmul.f32 v53, v51  }
0xba: {  	v3 =	vmul.f32 v3, v51  }
0xbb: {  	[tilespmem:s17+$0xFFFFFD20] =	vst v5  }
0xbc: {  	[tilespmem:s17+$0xFFFFFD30] =	vst v3  }
0xbd: {  	v3 =	vld [tilespmem:s16+$0xFFFFFEA0];
	_ =	sdelay $0x4  }
0xbe: {  	v54 =	vshll.u32 v3, $0x10  }
0xbf: {  	v3 =	vand.u32 $0xFFFF0000, v3;
	v5 =	vmul.f32 v54, v51  }
0xc0: {  	v3 =	vmul.f32 v3, v51  }
0xc1: {  	[tilespmem:s17+$0xFFFFFD40] =	vst v5  }
0xc2: {  	[tilespmem:s17+$0xFFFFFD50] =	vst v3  }
0xc3: {  	v3 =	vld [tilespmem:s16+$0xFFFFFEB0];
	_ =	sdelay $0x4  }
0xc4: {  	v55 =	vshll.u32 v3, $0x10  }
0xc5: {  	v3 =	vand.u32 $0xFFFF0000, v3;
	v5 =	vmul.f32 v55, v51  }
0xc6: {  	v3 =	vmul.f32 v3, v51  }
0xc7: {  	[tilespmem:s17+$0xFFFFFD60] =	vst v5  }
0xc8: {  	[tilespmem:s17+$0xFFFFFD70] =	vst v3  }
0xc9: {  	v3 =	vld [tilespmem:s16+$0xFFFFFEC0];
	_ =	sdelay $0x3  }
0xca: {  	v56 =	vbroadcast v2, $0x3  }
0xcb: {  	v57 =	vshll.u32 v3, $0x10  }
0xcc: {  	v3 =	vand.u32 $0xFFFF0000, v3;
	v5 =	vmul.f32 v57, v56  }
0xcd: {  	v3 =	vmul.f32 v3, v56  }
0xce: {  	[tilespmem:s17+$0xFFFFFD80] =	vst v5  }
0xcf: {  	[tilespmem:s17+$0xFFFFFD90] =	vst v3  }
0xd0: {  	v3 =	vld [tilespmem:s16+$0xFFFFFED0];
	_ =	sdelay $0x4  }
0xd1: {  	v58 =	vshll.u32 v3, $0x10  }
0xd2: {  	v3 =	vand.u32 $0xFFFF0000, v3;
	v5 =	vmul.f32 v58, v56  }
0xd3: {  	v3 =	vmul.f32 v3, v56  }
0xd4: {  	[tilespmem:s17+$0xFFFFFDA0] =	vst v5  }
0xd5: {  	[tilespmem:s17+$0xFFFFFDB0] =	vst v3  }
0xd6: {  	v3 =	vld [tilespmem:s16+$0xFFFFFEE0];
	_ =	sdelay $0x4  }
0xd7: {  	v59 =	vshll.u32 v3, $0x10  }
0xd8: {  	v3 =	vand.u32 $0xFFFF0000, v3;
	v5 =	vmul.f32 v59, v56  }
0xd9: {  	v3 =	vmul.f32 v3, v56  }
0xda: {  	[tilespmem:s17+$0xFFFFFDC0] =	vst v5  }
0xdb: {  	[tilespmem:s17+$0xFFFFFDD0] =	vst v3  }
0xdc: {  	v3 =	vld [tilespmem:s16+$0xFFFFFEF0];
	_ =	sdelay $0x4  }
0xdd: {  	v60 =	vshll.u32 v3, $0x10  }
0xde: {  	v3 =	vand.u32 $0xFFFF0000, v3;
	v5 =	vmul.f32 v60, v56  }
0xdf: {  	v3 =	vmul.f32 v3, v56  }
0xe0: {  	[tilespmem:s17+$0xFFFFFDE0] =	vst v5  }
0xe1: {  	[tilespmem:s17+$0xFFFFFDF0] =	vst v3  }
0xe2: {  	v3 =	vld [tilespmem:s16+$0xFFFFFF00];
	_ =	sdelay $0x3  }
0xe3: {  	v61 =	vbroadcast v2, $0x4  }
0xe4: {  	v62 =	vshll.u32 v3, $0x10  }
0xe5: {  	v3 =	vand.u32 $0xFFFF0000, v3;
	v5 =	vmul.f32 v62, v61  }
0xe6: {  	v3 =	vmul.f32 v3, v61  }
0xe7: {  	[tilespmem:s17+$0xFFFFFE00] =	vst v5  }
0xe8: {  	[tilespmem:s17+$0xFFFFFE10] =	vst v3  }
0xe9: {  	v3 =	vld [tilespmem:s16+$0xFFFFFF10];
	_ =	sdelay $0x4  }
0xea: {  	v63 =	vshll.u32 v3, $0x10  }
0xeb: {  	v3 =	vand.u32 $0xFFFF0000, v3;
	v5 =	vmul.f32 v63, v61  }
0xec: {  	v3 =	vmul.f32 v3, v61  }
0xed: {  	[tilespmem:s17+$0xFFFFFE20] =	vst v5  }
0xee: {  	[tilespmem:s17+$0xFFFFFE30] =	vst v3  }
0xef: {  	v3 =	vld [tilespmem:s16+$0xFFFFFF20];
	_ =	sdelay $0x4  }
0xf0: {  	v8 =	vshll.u32 v3, $0x10  }
0xf1: {  	v3 =	vand.u32 $0xFFFF0000, v3;
	v5 =	vmul.f32 v8, v61  }
0xf2: {  	v3 =	vmul.f32 v3, v61  }
0xf3: {  	[tilespmem:s17+$0xFFFFFE40] =	vst v5  }
0xf4: {  	[tilespmem:s17+$0xFFFFFE50] =	vst v3  }
0xf5: {  	v3 =	vld [tilespmem:s16+$0xFFFFFF30];
	_ =	sdelay $0x4  }
0xf6: {  	v9 =	vshll.u32 v3, $0x10  }
0xf7: {  	v3 =	vand.u32 $0xFFFF0000, v3;
	v5 =	vmul.f32 v9, v61  }
0xf8: {  	v3 =	vmul.f32 v3, v61  }
0xf9: {  	[tilespmem:s17+$0xFFFFFE60] =	vst v5  }
0xfa: {  	[tilespmem:s17+$0xFFFFFE70] =	vst v3  }
0xfb: {  	v3 =	vld [tilespmem:s16+$0xFFFFFF40];
	_ =	sdelay $0x3  }
0xfc: {  	v10 =	vbroadcast v2, $0x5  }
0xfd: {  	v11 =	vshll.u32 v3, $0x10  }
0xfe: {  	v3 =	vand.u32 $0xFFFF0000, v3;
	v5 =	vmul.f32 v11, v10  }
0xff: {  	v3 =	vmul.f32 v3, v10  }
0x100: {  	[tilespmem:s17+$0xFFFFFE80] =	vst v5  }
0x101: {  	[tilespmem:s17+$0xFFFFFE90] =	vst v3  }
0x102: {  	v3 =	vld [tilespmem:s16+$0xFFFFFF50];
	_ =	sdelay $0x4  }
0x103: {  	v12 =	vshll.u32 v3, $0x10  }
0x104: {  	v3 =	vand.u32 $0xFFFF0000, v3;
	v5 =	vmul.f32 v12, v10  }
0x105: {  	v3 =	vmul.f32 v3, v10  }
0x106: {  	[tilespmem:s17+$0xFFFFFEA0] =	vst v5  }
0x107: {  	[tilespmem:s17+$0xFFFFFEB0] =	vst v3  }
0x108: {  	v3 =	vld [tilespmem:s16+$0xFFFFFF60];
	_ =	sdelay $0x4  }
0x109: {  	v13 =	vshll.u32 v3, $0x10  }
0x10a: {  	v3 =	vand.u32 $0xFFFF0000, v3;
	v5 =	vmul.f32 v13, v10  }
0x10b: {  	v3 =	vmul.f32 v3, v10  }
0x10c: {  	[tilespmem:s17+$0xFFFFFEC0] =	vst v5  }
0x10d: {  	[tilespmem:s17+$0xFFFFFED0] =	vst v3  }
0x10e: {  	v3 =	vld [tilespmem:s16+$0xFFFFFF70];
	_ =	sdelay $0x4  }
0x10f: {  	v14 =	vshll.u32 v3, $0x10  }
0x110: {  	v3 =	vand.u32 $0xFFFF0000, v3;
	v5 =	vmul.f32 v14, v10  }
0x111: {  	v3 =	vmul.f32 v3, v10  }
0x112: {  	[tilespmem:s17+$0xFFFFFEE0] =	vst v5  }
0x113: {  	[tilespmem:s17+$0xFFFFFEF0] =	vst v3  }
0x114: {  	v3 =	vld [tilespmem:s16+$0xFFFFFF80];
	_ =	sdelay $0x3  }
0x115: {  	v15 =	vbroadcast v2, $0x6  }
0x116: {  	v16 =	vshll.u32 v3, $0x10  }
0x117: {  	v3 =	vand.u32 $0xFFFF0000, v3;
	v5 =	vmul.f32 v16, v15  }
0x118: {  	v3 =	vmul.f32 v3, v15  }
0x119: {  	[tilespmem:s17+$0xFFFFFF00] =	vst v5  }
0x11a: {  	[tilespmem:s17+$0xFFFFFF10] =	vst v3  }
0x11b: {  	v3 =	vld [tilespmem:s16+$0xFFFFFF90];
	_ =	sdelay $0x4  }
0x11c: {  	v17 =	vshll.u32 v3, $0x10  }
0x11d: {  	v3 =	vand.u32 $0xFFFF0000, v3;
	v5 =	vmul.f32 v17, v15  }
0x11e: {  	v3 =	vmul.f32 v3, v15  }
0x11f: {  	[tilespmem:s17+$0xFFFFFF20] =	vst v5  }
0x120: {  	[tilespmem:s17+$0xFFFFFF30] =	vst v3  }
0x121: {  	v3 =	vld [tilespmem:s16+$0xFFFFFFA0];
	_ =	sdelay $0x4  }
0x122: {  	v18 =	vshll.u32 v3, $0x10  }
0x123: {  	v3 =	vand.u32 $0xFFFF0000, v3;
	v5 =	vmul.f32 v18, v15  }
0x124: {  	v3 =	vmul.f32 v3, v15  }
0x125: {  	[tilespmem:s17+$0xFFFFFF40] =	vst v5  }
0x126: {  	[tilespmem:s17+$0xFFFFFF50] =	vst v3  }
0x127: {  	v3 =	vld [tilespmem:s16+$0xFFFFFFB0];
	_ =	sdelay $0x4  }
0x128: {  	v19 =	vshll.u32 v3, $0x10  }
0x129: {  	v3 =	vand.u32 $0xFFFF0000, v3;
	v5 =	vmul.f32 v19, v15  }
0x12a: {  	v3 =	vmul.f32 v3, v15  }
0x12b: {  	[tilespmem:s17+$0xFFFFFF60] =	vst v5  }
0x12c: {  	[tilespmem:s17+$0xFFFFFF70] =	vst v3  }
0x12d: {  	v3 =	vld [tilespmem:s16+$0xFFFFFFC0];
	_ =	sdelay $0x3  }
0x12e: {  	v20 =	vbroadcast v2, $0x7  }
0x12f: {  	v21 =	vshll.u32 v3, $0x10  }
0x130: {  	v3 =	vand.u32 $0xFFFF0000, v3;
	v5 =	vmul.f32 v21, v20  }
0x131: {  	v3 =	vmul.f32 v3, v20  }
0x132: {  	[tilespmem:s17+$0xFFFFFF80] =	vst v5  }
0x133: {  	[tilespmem:s17+$0xFFFFFF90] =	vst v3  }
0x134: {  	v3 =	vld [tilespmem:s16+$0xFFFFFFD0];
	_ =	sdelay $0x4  }
0x135: {  	v22 =	vshll.u32 v3, $0x10  }
0x136: {  	v3 =	vand.u32 $0xFFFF0000, v3;
	v5 =	vmul.f32 v22, v20  }
0x137: {  	v3 =	vmul.f32 v3, v20  }
0x138: {  	[tilespmem:s17+$0xFFFFFFA0] =	vst v5  }
0x139: {  	[tilespmem:s17+$0xFFFFFFB0] =	vst v3  }
0x13a: {  	v3 =	vld [tilespmem:s16+$0xFFFFFFE0];
	_ =	sdelay $0x4  }
0x13b: {  	v23 =	vshll.u32 v3, $0x10  }
0x13c: {  	v3 =	vand.u32 $0xFFFF0000, v3;
	v5 =	vmul.f32 v23, v20  }
0x13d: {  	v3 =	vmul.f32 v3, v20  }
0x13e: {  	[tilespmem:s17+$0xFFFFFFC0] =	vst v5  }
0x13f: {  	[tilespmem:s17+$0xFFFFFFD0] =	vst v3  }
0x140: {  	v3 =	vld [tilespmem:s16+$0xFFFFFFF0];
	_ =	sdelay $0x4  }
0x141: {  	v24 =	vshll.u32 v3, $0x10  }
0x142: {  	v3 =	vand.u32 $0xFFFF0000, v3;
	v5 =	vmul.f32 v24, v20  }
0x143: {  	v3 =	vmul.f32 v3, v20  }
0x144: {  	[tilespmem:s17+$0xFFFFFFE0] =	vst v5  }
0x145: {  	[tilespmem:s17+$0xFFFFFFF0] =	vst v3  }
0x146: {  	v3 =	vld [tilespmem:s16+$0x0];
	_ =	sdelay $0x3  }
0x147: {  	v25 =	vbroadcast v2, $0x8  }
0x148: {  	v26 =	vshll.u32 v3, $0x10  }
0x149: {  	v3 =	vand.u32 $0xFFFF0000, v3;
	v5 =	vmul.f32 v26, v25  }
0x14a: {  	v3 =	vmul.f32 v3, v25  }
0x14b: {  	[tilespmem:s17+$0x0] =	vst v5  }
0x14c: {  	[tilespmem:s17+$0x10] =	vst v3  }
0x14d: {  	v3 =	vld [tilespmem:s16+$0x10];
	_ =	sdelay $0x4  }
0x14e: {  	v27 =	vshll.u32 v3, $0x10  }
0x14f: {  	v3 =	vand.u32 $0xFFFF0000, v3;
	v5 =	vmul.f32 v27, v25  }
0x150: {  	v3 =	vmul.f32 v3, v25  }
0x151: {  	[tilespmem:s17+$0x20] =	vst v5  }
0x152: {  	[tilespmem:s17+$0x30] =	vst v3  }
0x153: {  	v3 =	vld [tilespmem:s16+$0x20];
	_ =	sdelay $0x4  }
0x154: {  	v28 =	vshll.u32 v3, $0x10  }
0x155: {  	v3 =	vand.u32 $0xFFFF0000, v3;
	v5 =	vmul.f32 v28, v25  }
0x156: {  	v3 =	vmul.f32 v3, v25  }
0x157: {  	[tilespmem:s17+$0x40] =	vst v5  }
0x158: {  	[tilespmem:s17+$0x50] =	vst v3  }
0x159: {  	v3 =	vld [tilespmem:s16+$0x30];
	_ =	sdelay $0x4  }
0x15a: {  	v29 =	vshll.u32 v3, $0x10  }
0x15b: {  	v3 =	vand.u32 $0xFFFF0000, v3;
	v5 =	vmul.f32 v29, v25  }
0x15c: {  	v3 =	vmul.f32 v3, v25  }
0x15d: {  	[tilespmem:s17+$0x60] =	vst v5  }
0x15e: {  	[tilespmem:s17+$0x70] =	vst v3  }
0x15f: {  	v3 =	vld [tilespmem:s16+$0x40];
	_ =	sdelay $0x3  }
0x160: {  	v30 =	vbroadcast v2, $0x9  }
0x161: {  	v31 =	vshll.u32 v3, $0x10  }
0x162: {  	v3 =	vand.u32 $0xFFFF0000, v3;
	v5 =	vmul.f32 v31, v30  }
0x163: {  	v3 =	vmul.f32 v3, v30  }
0x164: {  	[tilespmem:s17+$0x80] =	vst v5  }
0x165: {  	[tilespmem:s17+$0x90] =	vst v3  }
0x166: {  	v3 =	vld [tilespmem:s16+$0x50];
	_ =	sdelay $0x4  }
0x167: {  	v32 =	vshll.u32 v3, $0x10  }
0x168: {  	v3 =	vand.u32 $0xFFFF0000, v3;
	v5 =	vmul.f32 v32, v30  }
0x169: {  	v3 =	vmul.f32 v3, v30  }
0x16a: {  	[tilespmem:s17+$0xA0] =	vst v5  }
0x16b: {  	[tilespmem:s17+$0xB0] =	vst v3  }
0x16c: {  	v3 =	vld [tilespmem:s16+$0x60];
	_ =	sdelay $0x4  }
0x16d: {  	v33 =	vshll.u32 v3, $0x10  }
0x16e: {  	v3 =	vand.u32 $0xFFFF0000, v3;
	v5 =	vmul.f32 v33, v30  }
0x16f: {  	v3 =	vmul.f32 v3, v30  }
0x170: {  	[tilespmem:s17+$0xC0] =	vst v5  }
0x171: {  	[tilespmem:s17+$0xD0] =	vst v3  }
0x172: {  	v3 =	vld [tilespmem:s16+$0x70];
	_ =	sdelay $0x4  }
0x173: {  	v34 =	vshll.u32 v3, $0x10  }
0x174: {  	v3 =	vand.u32 $0xFFFF0000, v3;
	v5 =	vmul.f32 v34, v30  }
0x175: {  	v3 =	vmul.f32 v3, v30  }
0x176: {  	[tilespmem:s17+$0xE0] =	vst v5  }
0x177: {  	[tilespmem:s17+$0xF0] =	vst v3  }
0x178: {  	v3 =	vld [tilespmem:s16+$0x80];
	_ =	sdelay $0x3  }
0x179: {  	v35 =	vbroadcast v2, $0xA  }
0x17a: {  	v36 =	vshll.u32 v3, $0x10  }
0x17b: {  	v3 =	vand.u32 $0xFFFF0000, v3;
	v5 =	vmul.f32 v36, v35  }
0x17c: {  	v3 =	vmul.f32 v3, v35  }
0x17d: {  	[tilespmem:s17+$0x100] =	vst v5  }
0x17e: {  	[tilespmem:s17+$0x110] =	vst v3  }
0x17f: {  	v3 =	vld [tilespmem:s16+$0x90];
	_ =	sdelay $0x4  }
0x180: {  	v37 =	vshll.u32 v3, $0x10  }
0x181: {  	v3 =	vand.u32 $0xFFFF0000, v3;
	v5 =	vmul.f32 v37, v35  }
0x182: {  	v3 =	vmul.f32 v3, v35  }
0x183: {  	[tilespmem:s17+$0x120] =	vst v5  }
0x184: {  	[tilespmem:s17+$0x130] =	vst v3  }
0x185: {  	v3 =	vld [tilespmem:s16+$0xA0];
	_ =	sdelay $0x4  }
0x186: {  	v38 =	vshll.u32 v3, $0x10  }
0x187: {  	v3 =	vand.u32 $0xFFFF0000, v3;
	v5 =	vmul.f32 v38, v35  }
0x188: {  	v3 =	vmul.f32 v3, v35  }
0x189: {  	[tilespmem:s17+$0x140] =	vst v5  }
0x18a: {  	[tilespmem:s17+$0x150] =	vst v3  }
0x18b: {  	v3 =	vld [tilespmem:s16+$0xB0];
	_ =	sdelay $0x4  }
0x18c: {  	v39 =	vshll.u32 v3, $0x10  }
0x18d: {  	v3 =	vand.u32 $0xFFFF0000, v3;
	v5 =	vmul.f32 v39, v35  }
0x18e: {  	v3 =	vmul.f32 v3, v35  }
0x18f: {  	[tilespmem:s17+$0x160] =	vst v5  }
0x190: {  	[tilespmem:s17+$0x170] =	vst v3  }
0x191: {  	v3 =	vld [tilespmem:s16+$0xC0];
	_ =	sdelay $0x3  }
0x192: {  	v40 =	vbroadcast v2, $0xB  }
0x193: {  	v41 =	vshll.u32 v3, $0x10  }
0x194: {  	v3 =	vand.u32 $0xFFFF0000, v3;
	v5 =	vmul.f32 v41, v40  }
0x195: {  	v3 =	vmul.f32 v3, v40  }
0x196: {  	[tilespmem:s17+$0x180] =	vst v5  }
0x197: {  	[tilespmem:s17+$0x190] =	vst v3  }
0x198: {  	v3 =	vld [tilespmem:s16+$0xD0];
	_ =	sdelay $0x4  }
0x199: {  	v42 =	vshll.u32 v3, $0x10  }
0x19a: {  	v3 =	vand.u32 $0xFFFF0000, v3;
	v5 =	vmul.f32 v42, v40  }
0x19b: {  	v3 =	vmul.f32 v3, v40  }
0x19c: {  	[tilespmem:s17+$0x1A0] =	vst v5  }
0x19d: {  	[tilespmem:s17+$0x1B0] =	vst v3  }
0x19e: {  	v3 =	vld [tilespmem:s16+$0xE0];
	_ =	sdelay $0x4  }
0x19f: {  	v43 =	vshll.u32 v3, $0x10  }
0x1a0: {  	v3 =	vand.u32 $0xFFFF0000, v3;
	v5 =	vmul.f32 v43, v40  }
0x1a1: {  	v3 =	vmul.f32 v3, v40  }
0x1a2: {  	[tilespmem:s17+$0x1C0] =	vst v5  }
0x1a3: {  	[tilespmem:s17+$0x1D0] =	vst v3  }
0x1a4: {  	v3 =	vld [tilespmem:s16+$0xF0];
	_ =	sdelay $0x4  }
0x1a5: {  	v44 =	vshll.u32 v3, $0x10  }
0x1a6: {  	v3 =	vand.u32 $0xFFFF0000, v3;
	v5 =	vmul.f32 v44, v40  }
0x1a7: {  	v3 =	vmul.f32 v3, v40  }
0x1a8: {  	[tilespmem:s17+$0x1E0] =	vst v5  }
0x1a9: {  	[tilespmem:s17+$0x1F0] =	vst v3  }
0x1aa: {  	v3 =	vld [tilespmem:s16+$0x100];
	_ =	sdelay $0x3  }
0x1ab: {  	v45 =	vbroadcast v2, $0xC  }
0x1ac: {  	v46 =	vshll.u32 v3, $0x10  }
0x1ad: {  	v3 =	vand.u32 $0xFFFF0000, v3;
	v5 =	vmul.f32 v46, v45  }
0x1ae: {  	v3 =	vmul.f32 v3, v45  }
0x1af: {  	[tilespmem:s17+$0x200] =	vst v5  }
0x1b0: {  	[tilespmem:s17+$0x210] =	vst v3  }
0x1b1: {  	v3 =	vld [tilespmem:s16+$0x110];
	_ =	sdelay $0x4  }
0x1b2: {  	v47 =	vshll.u32 v3, $0x10  }
0x1b3: {  	v3 =	vand.u32 $0xFFFF0000, v3;
	v5 =	vmul.f32 v47, v45  }
0x1b4: {  	v3 =	vmul.f32 v3, v45  }
0x1b5: {  	[tilespmem:s17+$0x220] =	vst v5  }
0x1b6: {  	[tilespmem:s17+$0x230] =	vst v3  }
0x1b7: {  	v3 =	vld [tilespmem:s16+$0x120];
	_ =	sdelay $0x4  }
0x1b8: {  	v48 =	vshll.u32 v3, $0x10  }
0x1b9: {  	v3 =	vand.u32 $0xFFFF0000, v3;
	v5 =	vmul.f32 v48, v45  }
0x1ba: {  	v3 =	vmul.f32 v3, v45  }
0x1bb: {  	[tilespmem:s17+$0x240] =	vst v5  }
0x1bc: {  	[tilespmem:s17+$0x250] =	vst v3  }
0x1bd: {  	v3 =	vld [tilespmem:s16+$0x130];
	_ =	sdelay $0x4  }
0x1be: {  	v49 =	vshll.u32 v3, $0x10  }
0x1bf: {  	v3 =	vand.u32 $0xFFFF0000, v3;
	v5 =	vmul.f32 v49, v45  }
0x1c0: {  	v3 =	vmul.f32 v3, v45  }
0x1c1: {  	[tilespmem:s17+$0x260] =	vst v5  }
0x1c2: {  	[tilespmem:s17+$0x270] =	vst v3  }
0x1c3: {  	v3 =	vld [tilespmem:s16+$0x140];
	_ =	sdelay $0x3  }
0x1c4: {  	v50 =	vbroadcast v2, $0xD  }
0x1c5: {  	v51 =	vshll.u32 v3, $0x10  }
0x1c6: {  	v3 =	vand.u32 $0xFFFF0000, v3;
	v5 =	vmul.f32 v51, v50  }
0x1c7: {  	v3 =	vmul.f32 v3, v50  }
0x1c8: {  	[tilespmem:s17+$0x280] =	vst v5  }
0x1c9: {  	[tilespmem:s17+$0x290] =	vst v3  }
0x1ca: {  	v3 =	vld [tilespmem:s16+$0x150];
	_ =	sdelay $0x4  }
0x1cb: {  	v52 =	vshll.u32 v3, $0x10  }
0x1cc: {  	v3 =	vand.u32 $0xFFFF0000, v3;
	v5 =	vmul.f32 v52, v50  }
0x1cd: {  	v3 =	vmul.f32 v3, v50  }
0x1ce: {  	[tilespmem:s17+$0x2A0] =	vst v5  }
0x1cf: {  	[tilespmem:s17+$0x2B0] =	vst v3  }
0x1d0: {  	v3 =	vld [tilespmem:s16+$0x160];
	_ =	sdelay $0x4  }
0x1d1: {  	v53 =	vshll.u32 v3, $0x10  }
0x1d2: {  	v3 =	vand.u32 $0xFFFF0000, v3;
	v5 =	vmul.f32 v53, v50  }
0x1d3: {  	v3 =	vmul.f32 v3, v50  }
0x1d4: {  	[tilespmem:s17+$0x2C0] =	vst v5  }
0x1d5: {  	[tilespmem:s17+$0x2D0] =	vst v3  }
0x1d6: {  	v3 =	vld [tilespmem:s16+$0x170];
	_ =	sdelay $0x4  }
0x1d7: {  	v54 =	vshll.u32 v3, $0x10  }
0x1d8: {  	v3 =	vand.u32 $0xFFFF0000, v3;
	v5 =	vmul.f32 v54, v50  }
0x1d9: {  	v3 =	vmul.f32 v3, v50  }
0x1da: {  	[tilespmem:s17+$0x2E0] =	vst v5  }
0x1db: {  	[tilespmem:s17+$0x2F0] =	vst v3  }
0x1dc: {  	v3 =	vld [tilespmem:s16+$0x180];
	_ =	sdelay $0x3  }
0x1dd: {  	v55 =	vbroadcast v2, $0xE  }
0x1de: {  	v56 =	vshll.u32 v3, $0x10  }
0x1df: {  	v3 =	vand.u32 $0xFFFF0000, v3;
	v5 =	vmul.f32 v56, v55  }
0x1e0: {  	v3 =	vmul.f32 v3, v55  }
0x1e1: {  	[tilespmem:s17+$0x300] =	vst v5  }
0x1e2: {  	[tilespmem:s17+$0x310] =	vst v3  }
0x1e3: {  	v3 =	vld [tilespmem:s16+$0x190];
	_ =	sdelay $0x4  }
0x1e4: {  	v57 =	vshll.u32 v3, $0x10  }
0x1e5: {  	v3 =	vand.u32 $0xFFFF0000, v3;
	v5 =	vmul.f32 v57, v55  }
0x1e6: {  	v3 =	vmul.f32 v3, v55  }
0x1e7: {  	[tilespmem:s17+$0x320] =	vst v5  }
0x1e8: {  	[tilespmem:s17+$0x330] =	vst v3  }
0x1e9: {  	v3 =	vld [tilespmem:s16+$0x1A0];
	_ =	sdelay $0x4  }
0x1ea: {  	v58 =	vshll.u32 v3, $0x10  }
0x1eb: {  	v3 =	vand.u32 $0xFFFF0000, v3;
	v5 =	vmul.f32 v58, v55  }
0x1ec: {  	v3 =	vmul.f32 v3, v55  }
0x1ed: {  	[tilespmem:s17+$0x340] =	vst v5  }
0x1ee: {  	[tilespmem:s17+$0x350] =	vst v3  }
0x1ef: {  	v3 =	vld [tilespmem:s16+$0x1B0];
	_ =	sdelay $0x4  }
0x1f0: {  	v59 =	vshll.u32 v3, $0x10  }
0x1f1: {  	v3 =	vand.u32 $0xFFFF0000, v3;
	v5 =	vmul.f32 v59, v55  }
0x1f2: {  	v3 =	vmul.f32 v3, v55  }
0x1f3: {  	[tilespmem:s17+$0x360] =	vst v5  }
0x1f4: {  	[tilespmem:s17+$0x370] =	vst v3  }
0x1f5: {  	v3 =	vld [tilespmem:s16+$0x1C0];
	_ =	sdelay $0x3  }
0x1f6: {  	v2 =	vbroadcast v2, $0xF  }
0x1f7: {  	v60 =	vshll.u32 v3, $0x10  }
0x1f8: {  	v3 =	vand.u32 $0xFFFF0000, v3;
	v4 =	vmul.f32 v60, v2  }
0x1f9: {  	v3 =	vmul.f32 v3, v2  }
0x1fa: {  	[tilespmem:s17+$0x380] =	vst v4  }
0x1fb: {  	[tilespmem:s17+$0x390] =	vst v3  }
0x1fc: {  	v3 =	vld [tilespmem:s16+$0x1D0];
	_ =	sdelay $0x4  }
0x1fd: {  	v61 =	vshll.u32 v3, $0x10  }
0x1fe: {  	v3 =	vand.u32 $0xFFFF0000, v3;
	v4 =	vmul.f32 v61, v2  }
0x1ff: {  	v3 =	vmul.f32 v3, v2  }
0x200: {  	[tilespmem:s17+$0x3A0] =	vst v4  }
0x201: {  	[tilespmem:s17+$0x3B0] =	vst v3  }
0x202: {  	v3 =	vld [tilespmem:s16+$0x1E0];
	_ =	sdelay $0x4  }
0x203: {  	v62 =	vshll.u32 v3, $0x10  }
0x204: {  	v3 =	vand.u32 $0xFFFF0000, v3;
	v4 =	vmul.f32 v62, v2  }
0x205: {  	v3 =	vmul.f32 v3, v2  }
0x206: {  	[tilespmem:s17+$0x3C0] =	vst v4  }
0x207: {  	[tilespmem:s17+$0x3D0] =	vst v3  }
0x208: {  	v3 =	vld [tilespmem:s16+$0x1F0];
	_ =	sdelay $0x3  }
0x209: {  	p1 =	sne.s32 s14, $0x180  }
.Ltmp5:
0x20a: {  	v63 =	vshll.u32 v3, $0x10;
	(pc) =	sbr.rel @p1 .LBB2_6-.Ltmp5, $4  }
0x20b: {  	v3 =	vand.u32 $0xFFFF0000, v3;
	v4 =	vmul.f32 v63, v2  }
0x20c: {  	v2 =	vmul.f32 v3, v2  }
0x20d: {  	[tilespmem:s17+$0x3E0] =	vst v4  }
0x20e: {  	s14 =	sadd.s32 $0x40, s14;
	s16 =	sadd.s32 $0x400, s16;
	[tilespmem:s17+$0x3F0] =	vst v2;
	s17 =	sadd.s32 $0x800, s17  }
0x20f: {  	s14 =	sshra.s32 s15, $0x2  }
0x210: {  	s16 =	sadd.s32 $0x460, s14  }
0x211: {  	[spmem:s3] =	stream.indirect.scatter.add.f32 [tilespmem:s22], [sflag:$0x3], $0x80, s16, s28, $0xb8;
	[tilespmem:$0x1B5A0] =	vst v63  }
0x212: {  	p1 =	seq.s32 s13, $0x4;
	_ =	swait.ge [sflag:s23], $0x3800  }
0x213: {  	s17 =	simm.s32 @!p1 $0x70;
	s16 =	sshra.s32 @!p1 s15, $0x2;
	[sflag:s23] =	ssyncset.done $0x0  }
0x214: {  	s19 =	simm.s32 @!p1 $0xD20;
	s16 =	sadd.s32 @!p1 $0xE0, s16;
	[sflag:s23] =	ssyncadd.s32 $0xFFFFC800  }
0x215: {  	v1 =	vmov s11;
	[tilespmem:s19], [sflag:$0x1] =	stream.indirect.gather @!p1 [hbm4b:s1+s17], $0x40, s16, s17, $0xb8;
	[tilespmem:$0x1B5A0] =	vst v63  }
0x216: {  	_ =	swait.ge [sflag:s0], $0x1C00  }
0x217: {  	s15 =	sadd.s32 $0x1C0, s15;
	s16 =	simm.s32 $0x0;
	[sflag:s0] =	ssyncset.done $0x0  }
0x218: {  	s17 =	simm.s32 $0x2B20;
	s19 =	simm.s32 $0x4920;
	[sflag:s0] =	ssyncadd.s32 $0xFFFFE400  }
.LBB2_8:
0x219: {  	s20 =	sshra.s32 s16, $0x2  }
0x21a: {  	v2 =	vld.idx.msk [tilespmem:v1+s20+$0x0 ss:$0x1], $0xffff  }
0x21b: {  	v3 =	vld [tilespmem:s17+$0xFFFFFE00];
	_ =	sdelay $0x3  }
0x21c: {  	v4 =	vbroadcast v2, $0x0  }
0x21d: {  	v5 =	vshll.u32 v3, $0x10  }
0x21e: {  	v3 =	vand.u32 $0xFFFF0000, v3;
	v5 =	vmul.f32 v5, v4  }
0x21f: {  	v3 =	vmul.f32 v3, v4  }
0x220: {  	[tilespmem:s19+$0xFFFFFC00] =	vst v5  }
0x221: {  	[tilespmem:s19+$0xFFFFFC10] =	vst v3  }
0x222: {  	v3 =	vld [tilespmem:s17+$0xFFFFFE10];
	_ =	sdelay $0x4  }
0x223: {  	v43 =	vshll.u32 v3, $0x10  }
0x224: {  	v3 =	vand.u32 $0xFFFF0000, v3;
	v5 =	vmul.f32 v43, v4  }
0x225: {  	v3 =	vmul.f32 v3, v4  }
0x226: {  	[tilespmem:s19+$0xFFFFFC20] =	vst v5  }
0x227: {  	[tilespmem:s19+$0xFFFFFC30] =	vst v3  }
0x228: {  	v3 =	vld [tilespmem:s17+$0xFFFFFE20];
	_ =	sdelay $0x4  }
0x229: {  	v44 =	vshll.u32 v3, $0x10  }
0x22a: {  	v3 =	vand.u32 $0xFFFF0000, v3;
	v5 =	vmul.f32 v44, v4  }
0x22b: {  	v3 =	vmul.f32 v3, v4  }
0x22c: {  	[tilespmem:s19+$0xFFFFFC40] =	vst v5  }
0x22d: {  	[tilespmem:s19+$0xFFFFFC50] =	vst v3  }
0x22e: {  	v3 =	vld [tilespmem:s17+$0xFFFFFE30];
	_ =	sdelay $0x4  }
0x22f: {  	v45 =	vshll.u32 v3, $0x10  }
0x230: {  	v3 =	vand.u32 $0xFFFF0000, v3;
	v5 =	vmul.f32 v45, v4  }
0x231: {  	v3 =	vmul.f32 v3, v4  }
0x232: {  	[tilespmem:s19+$0xFFFFFC60] =	vst v5  }
0x233: {  	[tilespmem:s19+$0xFFFFFC70] =	vst v3  }
0x234: {  	v3 =	vld [tilespmem:s17+$0xFFFFFE40];
	_ =	sdelay $0x3  }
0x235: {  	v46 =	vbroadcast v2, $0x1  }
0x236: {  	v47 =	vshll.u32 v3, $0x10  }
0x237: {  	v3 =	vand.u32 $0xFFFF0000, v3;
	v5 =	vmul.f32 v47, v46  }
0x238: {  	v3 =	vmul.f32 v3, v46  }
0x239: {  	[tilespmem:s19+$0xFFFFFC80] =	vst v5  }
0x23a: {  	[tilespmem:s19+$0xFFFFFC90] =	vst v3  }
0x23b: {  	v3 =	vld [tilespmem:s17+$0xFFFFFE50];
	_ =	sdelay $0x4  }
0x23c: {  	v48 =	vshll.u32 v3, $0x10  }
0x23d: {  	v3 =	vand.u32 $0xFFFF0000, v3;
	v5 =	vmul.f32 v48, v46  }
0x23e: {  	v3 =	vmul.f32 v3, v46  }
0x23f: {  	[tilespmem:s19+$0xFFFFFCA0] =	vst v5  }
0x240: {  	[tilespmem:s19+$0xFFFFFCB0] =	vst v3  }
0x241: {  	v3 =	vld [tilespmem:s17+$0xFFFFFE60];
	_ =	sdelay $0x4  }
0x242: {  	v49 =	vshll.u32 v3, $0x10  }
0x243: {  	v3 =	vand.u32 $0xFFFF0000, v3;
	v5 =	vmul.f32 v49, v46  }
0x244: {  	v3 =	vmul.f32 v3, v46  }
0x245: {  	[tilespmem:s19+$0xFFFFFCC0] =	vst v5  }
0x246: {  	[tilespmem:s19+$0xFFFFFCD0] =	vst v3  }
0x247: {  	v3 =	vld [tilespmem:s17+$0xFFFFFE70];
	_ =	sdelay $0x4  }
0x248: {  	v50 =	vshll.u32 v3, $0x10  }
0x249: {  	v3 =	vand.u32 $0xFFFF0000, v3;
	v5 =	vmul.f32 v50, v46  }
0x24a: {  	v3 =	vmul.f32 v3, v46  }
0x24b: {  	[tilespmem:s19+$0xFFFFFCE0] =	vst v5  }
0x24c: {  	[tilespmem:s19+$0xFFFFFCF0] =	vst v3  }
0x24d: {  	v3 =	vld [tilespmem:s17+$0xFFFFFE80];
	_ =	sdelay $0x3  }
0x24e: {  	v51 =	vbroadcast v2, $0x2  }
0x24f: {  	v52 =	vshll.u32 v3, $0x10  }
0x250: {  	v3 =	vand.u32 $0xFFFF0000, v3;
	v5 =	vmul.f32 v52, v51  }
0x251: {  	v3 =	vmul.f32 v3, v51  }
0x252: {  	[tilespmem:s19+$0xFFFFFD00] =	vst v5  }
0x253: {  	[tilespmem:s19+$0xFFFFFD10] =	vst v3  }
0x254: {  	v3 =	vld [tilespmem:s17+$0xFFFFFE90];
	_ =	sdelay $0x4  }
0x255: {  	v53 =	vshll.u32 v3, $0x10  }
0x256: {  	v3 =	vand.u32 $0xFFFF0000, v3;
	v5 =	vmul.f32 v53, v51  }
0x257: {  	v3 =	vmul.f32 v3, v51  }
0x258: {  	[tilespmem:s19+$0xFFFFFD20] =	vst v5  }
0x259: {  	[tilespmem:s19+$0xFFFFFD30] =	vst v3  }
0x25a: {  	v3 =	vld [tilespmem:s17+$0xFFFFFEA0];
	_ =	sdelay $0x4  }
0x25b: {  	v54 =	vshll.u32 v3, $0x10  }
0x25c: {  	v3 =	vand.u32 $0xFFFF0000, v3;
	v5 =	vmul.f32 v54, v51  }
0x25d: {  	v3 =	vmul.f32 v3, v51  }
0x25e: {  	[tilespmem:s19+$0xFFFFFD40] =	vst v5  }
0x25f: {  	[tilespmem:s19+$0xFFFFFD50] =	vst v3  }
0x260: {  	v3 =	vld [tilespmem:s17+$0xFFFFFEB0];
	_ =	sdelay $0x4  }
0x261: {  	v55 =	vshll.u32 v3, $0x10  }
0x262: {  	v3 =	vand.u32 $0xFFFF0000, v3;
	v5 =	vmul.f32 v55, v51  }
0x263: {  	v3 =	vmul.f32 v3, v51  }
0x264: {  	[tilespmem:s19+$0xFFFFFD60] =	vst v5  }
0x265: {  	[tilespmem:s19+$0xFFFFFD70] =	vst v3  }
0x266: {  	v3 =	vld [tilespmem:s17+$0xFFFFFEC0];
	_ =	sdelay $0x3  }
0x267: {  	v56 =	vbroadcast v2, $0x3  }
0x268: {  	v57 =	vshll.u32 v3, $0x10  }
0x269: {  	v3 =	vand.u32 $0xFFFF0000, v3;
	v5 =	vmul.f32 v57, v56  }
0x26a: {  	v3 =	vmul.f32 v3, v56  }
0x26b: {  	[tilespmem:s19+$0xFFFFFD80] =	vst v5  }
0x26c: {  	[tilespmem:s19+$0xFFFFFD90] =	vst v3  }
0x26d: {  	v3 =	vld [tilespmem:s17+$0xFFFFFED0];
	_ =	sdelay $0x4  }
0x26e: {  	v58 =	vshll.u32 v3, $0x10  }
0x26f: {  	v3 =	vand.u32 $0xFFFF0000, v3;
	v5 =	vmul.f32 v58, v56  }
0x270: {  	v3 =	vmul.f32 v3, v56  }
0x271: {  	[tilespmem:s19+$0xFFFFFDA0] =	vst v5  }
0x272: {  	[tilespmem:s19+$0xFFFFFDB0] =	vst v3  }
0x273: {  	v3 =	vld [tilespmem:s17+$0xFFFFFEE0];
	_ =	sdelay $0x4  }
0x274: {  	v59 =	vshll.u32 v3, $0x10  }
0x275: {  	v3 =	vand.u32 $0xFFFF0000, v3;
	v5 =	vmul.f32 v59, v56  }
0x276: {  	v3 =	vmul.f32 v3, v56  }
0x277: {  	[tilespmem:s19+$0xFFFFFDC0] =	vst v5  }
0x278: {  	[tilespmem:s19+$0xFFFFFDD0] =	vst v3  }
0x279: {  	v3 =	vld [tilespmem:s17+$0xFFFFFEF0];
	_ =	sdelay $0x4  }
0x27a: {  	v60 =	vshll.u32 v3, $0x10  }
0x27b: {  	v3 =	vand.u32 $0xFFFF0000, v3;
	v5 =	vmul.f32 v60, v56  }
0x27c: {  	v3 =	vmul.f32 v3, v56  }
0x27d: {  	[tilespmem:s19+$0xFFFFFDE0] =	vst v5  }
0x27e: {  	[tilespmem:s19+$0xFFFFFDF0] =	vst v3  }
0x27f: {  	v3 =	vld [tilespmem:s17+$0xFFFFFF00];
	_ =	sdelay $0x3  }
0x280: {  	v61 =	vbroadcast v2, $0x4  }
0x281: {  	v62 =	vshll.u32 v3, $0x10  }
0x282: {  	v3 =	vand.u32 $0xFFFF0000, v3;
	v5 =	vmul.f32 v62, v61  }
0x283: {  	v3 =	vmul.f32 v3, v61  }
0x284: {  	[tilespmem:s19+$0xFFFFFE00] =	vst v5  }
0x285: {  	[tilespmem:s19+$0xFFFFFE10] =	vst v3  }
0x286: {  	v3 =	vld [tilespmem:s17+$0xFFFFFF10];
	_ =	sdelay $0x4  }
0x287: {  	v63 =	vshll.u32 v3, $0x10  }
0x288: {  	v3 =	vand.u32 $0xFFFF0000, v3;
	v5 =	vmul.f32 v63, v61  }
0x289: {  	v3 =	vmul.f32 v3, v61  }
0x28a: {  	[tilespmem:s19+$0xFFFFFE20] =	vst v5  }
0x28b: {  	[tilespmem:s19+$0xFFFFFE30] =	vst v3  }
0x28c: {  	v3 =	vld [tilespmem:s17+$0xFFFFFF20];
	_ =	sdelay $0x4  }
0x28d: {  	v8 =	vshll.u32 v3, $0x10  }
0x28e: {  	v3 =	vand.u32 $0xFFFF0000, v3;
	v5 =	vmul.f32 v8, v61  }
0x28f: {  	v3 =	vmul.f32 v3, v61  }
0x290: {  	[tilespmem:s19+$0xFFFFFE40] =	vst v5  }
0x291: {  	[tilespmem:s19+$0xFFFFFE50] =	vst v3  }
0x292: {  	v3 =	vld [tilespmem:s17+$0xFFFFFF30];
	_ =	sdelay $0x4  }
0x293: {  	v9 =	vshll.u32 v3, $0x10  }
0x294: {  	v3 =	vand.u32 $0xFFFF0000, v3;
	v5 =	vmul.f32 v9, v61  }
0x295: {  	v3 =	vmul.f32 v3, v61  }
0x296: {  	[tilespmem:s19+$0xFFFFFE60] =	vst v5  }
0x297: {  	[tilespmem:s19+$0xFFFFFE70] =	vst v3  }
0x298: {  	v3 =	vld [tilespmem:s17+$0xFFFFFF40];
	_ =	sdelay $0x3  }
0x299: {  	v10 =	vbroadcast v2, $0x5  }
0x29a: {  	v11 =	vshll.u32 v3, $0x10  }
0x29b: {  	v3 =	vand.u32 $0xFFFF0000, v3;
	v5 =	vmul.f32 v11, v10  }
0x29c: {  	v3 =	vmul.f32 v3, v10  }
0x29d: {  	[tilespmem:s19+$0xFFFFFE80] =	vst v5  }
0x29e: {  	[tilespmem:s19+$0xFFFFFE90] =	vst v3  }
0x29f: {  	v3 =	vld [tilespmem:s17+$0xFFFFFF50];
	_ =	sdelay $0x4  }
0x2a0: {  	v12 =	vshll.u32 v3, $0x10  }
0x2a1: {  	v3 =	vand.u32 $0xFFFF0000, v3;
	v5 =	vmul.f32 v12, v10  }
0x2a2: {  	v3 =	vmul.f32 v3, v10  }
0x2a3: {  	[tilespmem:s19+$0xFFFFFEA0] =	vst v5  }
0x2a4: {  	[tilespmem:s19+$0xFFFFFEB0] =	vst v3  }
0x2a5: {  	v3 =	vld [tilespmem:s17+$0xFFFFFF60];
	_ =	sdelay $0x4  }
0x2a6: {  	v13 =	vshll.u32 v3, $0x10  }
0x2a7: {  	v3 =	vand.u32 $0xFFFF0000, v3;
	v5 =	vmul.f32 v13, v10  }
0x2a8: {  	v3 =	vmul.f32 v3, v10  }
0x2a9: {  	[tilespmem:s19+$0xFFFFFEC0] =	vst v5  }
0x2aa: {  	[tilespmem:s19+$0xFFFFFED0] =	vst v3  }
0x2ab: {  	v3 =	vld [tilespmem:s17+$0xFFFFFF70];
	_ =	sdelay $0x4  }
0x2ac: {  	v14 =	vshll.u32 v3, $0x10  }
0x2ad: {  	v3 =	vand.u32 $0xFFFF0000, v3;
	v5 =	vmul.f32 v14, v10  }
0x2ae: {  	v3 =	vmul.f32 v3, v10  }
0x2af: {  	[tilespmem:s19+$0xFFFFFEE0] =	vst v5  }
0x2b0: {  	[tilespmem:s19+$0xFFFFFEF0] =	vst v3  }
0x2b1: {  	v3 =	vld [tilespmem:s17+$0xFFFFFF80];
	_ =	sdelay $0x3  }
0x2b2: {  	v15 =	vbroadcast v2, $0x6  }
0x2b3: {  	v16 =	vshll.u32 v3, $0x10  }
0x2b4: {  	v3 =	vand.u32 $0xFFFF0000, v3;
	v5 =	vmul.f32 v16, v15  }
0x2b5: {  	v3 =	vmul.f32 v3, v15  }
0x2b6: {  	[tilespmem:s19+$0xFFFFFF00] =	vst v5  }
0x2b7: {  	[tilespmem:s19+$0xFFFFFF10] =	vst v3  }
0x2b8: {  	v3 =	vld [tilespmem:s17+$0xFFFFFF90];
	_ =	sdelay $0x4  }
0x2b9: {  	v17 =	vshll.u32 v3, $0x10  }
0x2ba: {  	v3 =	vand.u32 $0xFFFF0000, v3;
	v5 =	vmul.f32 v17, v15  }
0x2bb: {  	v3 =	vmul.f32 v3, v15  }
0x2bc: {  	[tilespmem:s19+$0xFFFFFF20] =	vst v5  }
0x2bd: {  	[tilespmem:s19+$0xFFFFFF30] =	vst v3  }
0x2be: {  	v3 =	vld [tilespmem:s17+$0xFFFFFFA0];
	_ =	sdelay $0x4  }
0x2bf: {  	v18 =	vshll.u32 v3, $0x10  }
0x2c0: {  	v3 =	vand.u32 $0xFFFF0000, v3;
	v5 =	vmul.f32 v18, v15  }
0x2c1: {  	v3 =	vmul.f32 v3, v15  }
0x2c2: {  	[tilespmem:s19+$0xFFFFFF40] =	vst v5  }
0x2c3: {  	[tilespmem:s19+$0xFFFFFF50] =	vst v3  }
0x2c4: {  	v3 =	vld [tilespmem:s17+$0xFFFFFFB0];
	_ =	sdelay $0x4  }
0x2c5: {  	v19 =	vshll.u32 v3, $0x10  }
0x2c6: {  	v3 =	vand.u32 $0xFFFF0000, v3;
	v5 =	vmul.f32 v19, v15  }
0x2c7: {  	v3 =	vmul.f32 v3, v15  }
0x2c8: {  	[tilespmem:s19+$0xFFFFFF60] =	vst v5  }
0x2c9: {  	[tilespmem:s19+$0xFFFFFF70] =	vst v3  }
0x2ca: {  	v3 =	vld [tilespmem:s17+$0xFFFFFFC0];
	_ =	sdelay $0x3  }
0x2cb: {  	v20 =	vbroadcast v2, $0x7  }
0x2cc: {  	v21 =	vshll.u32 v3, $0x10  }
0x2cd: {  	v3 =	vand.u32 $0xFFFF0000, v3;
	v5 =	vmul.f32 v21, v20  }
0x2ce: {  	v3 =	vmul.f32 v3, v20  }
0x2cf: {  	[tilespmem:s19+$0xFFFFFF80] =	vst v5  }
0x2d0: {  	[tilespmem:s19+$0xFFFFFF90] =	vst v3  }
0x2d1: {  	v3 =	vld [tilespmem:s17+$0xFFFFFFD0];
	_ =	sdelay $0x4  }
0x2d2: {  	v22 =	vshll.u32 v3, $0x10  }
0x2d3: {  	v3 =	vand.u32 $0xFFFF0000, v3;
	v5 =	vmul.f32 v22, v20  }
0x2d4: {  	v3 =	vmul.f32 v3, v20  }
0x2d5: {  	[tilespmem:s19+$0xFFFFFFA0] =	vst v5  }
0x2d6: {  	[tilespmem:s19+$0xFFFFFFB0] =	vst v3  }
0x2d7: {  	v3 =	vld [tilespmem:s17+$0xFFFFFFE0];
	_ =	sdelay $0x4  }
0x2d8: {  	v23 =	vshll.u32 v3, $0x10  }
0x2d9: {  	v3 =	vand.u32 $0xFFFF0000, v3;
	v5 =	vmul.f32 v23, v20  }
0x2da: {  	v3 =	vmul.f32 v3, v20  }
0x2db: {  	[tilespmem:s19+$0xFFFFFFC0] =	vst v5  }
0x2dc: {  	[tilespmem:s19+$0xFFFFFFD0] =	vst v3  }
0x2dd: {  	v3 =	vld [tilespmem:s17+$0xFFFFFFF0];
	_ =	sdelay $0x4  }
0x2de: {  	v24 =	vshll.u32 v3, $0x10  }
0x2df: {  	v3 =	vand.u32 $0xFFFF0000, v3;
	v5 =	vmul.f32 v24, v20  }
0x2e0: {  	v3 =	vmul.f32 v3, v20  }
0x2e1: {  	[tilespmem:s19+$0xFFFFFFE0] =	vst v5  }
0x2e2: {  	[tilespmem:s19+$0xFFFFFFF0] =	vst v3  }
0x2e3: {  	v3 =	vld [tilespmem:s17+$0x0];
	_ =	sdelay $0x3  }
0x2e4: {  	v25 =	vbroadcast v2, $0x8  }
0x2e5: {  	v26 =	vshll.u32 v3, $0x10  }
0x2e6: {  	v3 =	vand.u32 $0xFFFF0000, v3;
	v5 =	vmul.f32 v26, v25  }
0x2e7: {  	v3 =	vmul.f32 v3, v25  }
0x2e8: {  	[tilespmem:s19+$0x0] =	vst v5  }
0x2e9: {  	[tilespmem:s19+$0x10] =	vst v3  }
0x2ea: {  	v3 =	vld [tilespmem:s17+$0x10];
	_ =	sdelay $0x4  }
0x2eb: {  	v27 =	vshll.u32 v3, $0x10  }
0x2ec: {  	v3 =	vand.u32 $0xFFFF0000, v3;
	v5 =	vmul.f32 v27, v25  }
0x2ed: {  	v3 =	vmul.f32 v3, v25  }
0x2ee: {  	[tilespmem:s19+$0x20] =	vst v5  }
0x2ef: {  	[tilespmem:s19+$0x30] =	vst v3  }
0x2f0: {  	v3 =	vld [tilespmem:s17+$0x20];
	_ =	sdelay $0x4  }
0x2f1: {  	v28 =	vshll.u32 v3, $0x10  }
0x2f2: {  	v3 =	vand.u32 $0xFFFF0000, v3;
	v5 =	vmul.f32 v28, v25  }
0x2f3: {  	v3 =	vmul.f32 v3, v25  }
0x2f4: {  	[tilespmem:s19+$0x40] =	vst v5  }
0x2f5: {  	[tilespmem:s19+$0x50] =	vst v3  }
0x2f6: {  	v3 =	vld [tilespmem:s17+$0x30];
	_ =	sdelay $0x4  }
0x2f7: {  	v29 =	vshll.u32 v3, $0x10  }
0x2f8: {  	v3 =	vand.u32 $0xFFFF0000, v3;
	v5 =	vmul.f32 v29, v25  }
0x2f9: {  	v3 =	vmul.f32 v3, v25  }
0x2fa: {  	[tilespmem:s19+$0x60] =	vst v5  }
0x2fb: {  	[tilespmem:s19+$0x70] =	vst v3  }
0x2fc: {  	v3 =	vld [tilespmem:s17+$0x40];
	_ =	sdelay $0x3  }
0x2fd: {  	v30 =	vbroadcast v2, $0x9  }
0x2fe: {  	v31 =	vshll.u32 v3, $0x10  }
0x2ff: {  	v3 =	vand.u32 $0xFFFF0000, v3;
	v5 =	vmul.f32 v31, v30  }
0x300: {  	v3 =	vmul.f32 v3, v30  }
0x301: {  	[tilespmem:s19+$0x80] =	vst v5  }
0x302: {  	[tilespmem:s19+$0x90] =	vst v3  }
0x303: {  	v3 =	vld [tilespmem:s17+$0x50];
	_ =	sdelay $0x4  }
0x304: {  	v32 =	vshll.u32 v3, $0x10  }
0x305: {  	v3 =	vand.u32 $0xFFFF0000, v3;
	v5 =	vmul.f32 v32, v30  }
0x306: {  	v3 =	vmul.f32 v3, v30  }
0x307: {  	[tilespmem:s19+$0xA0] =	vst v5  }
0x308: {  	[tilespmem:s19+$0xB0] =	vst v3  }
0x309: {  	v3 =	vld [tilespmem:s17+$0x60];
	_ =	sdelay $0x4  }
0x30a: {  	v33 =	vshll.u32 v3, $0x10  }
0x30b: {  	v3 =	vand.u32 $0xFFFF0000, v3;
	v5 =	vmul.f32 v33, v30  }
0x30c: {  	v3 =	vmul.f32 v3, v30  }
0x30d: {  	[tilespmem:s19+$0xC0] =	vst v5  }
0x30e: {  	[tilespmem:s19+$0xD0] =	vst v3  }
0x30f: {  	v3 =	vld [tilespmem:s17+$0x70];
	_ =	sdelay $0x4  }
0x310: {  	v34 =	vshll.u32 v3, $0x10  }
0x311: {  	v3 =	vand.u32 $0xFFFF0000, v3;
	v5 =	vmul.f32 v34, v30  }
0x312: {  	v3 =	vmul.f32 v3, v30  }
0x313: {  	[tilespmem:s19+$0xE0] =	vst v5  }
0x314: {  	[tilespmem:s19+$0xF0] =	vst v3  }
0x315: {  	v3 =	vld [tilespmem:s17+$0x80];
	_ =	sdelay $0x3  }
0x316: {  	v35 =	vbroadcast v2, $0xA  }
0x317: {  	v36 =	vshll.u32 v3, $0x10  }
0x318: {  	v3 =	vand.u32 $0xFFFF0000, v3;
	v5 =	vmul.f32 v36, v35  }
0x319: {  	v3 =	vmul.f32 v3, v35  }
0x31a: {  	[tilespmem:s19+$0x100] =	vst v5  }
0x31b: {  	[tilespmem:s19+$0x110] =	vst v3  }
0x31c: {  	v3 =	vld [tilespmem:s17+$0x90];
	_ =	sdelay $0x4  }
0x31d: {  	v37 =	vshll.u32 v3, $0x10  }
0x31e: {  	v3 =	vand.u32 $0xFFFF0000, v3;
	v5 =	vmul.f32 v37, v35  }
0x31f: {  	v3 =	vmul.f32 v3, v35  }
0x320: {  	[tilespmem:s19+$0x120] =	vst v5  }
0x321: {  	[tilespmem:s19+$0x130] =	vst v3  }
0x322: {  	v3 =	vld [tilespmem:s17+$0xA0];
	_ =	sdelay $0x4  }
0x323: {  	v38 =	vshll.u32 v3, $0x10  }
0x324: {  	v3 =	vand.u32 $0xFFFF0000, v3;
	v5 =	vmul.f32 v38, v35  }
0x325: {  	v3 =	vmul.f32 v3, v35  }
0x326: {  	[tilespmem:s19+$0x140] =	vst v5  }
0x327: {  	[tilespmem:s19+$0x150] =	vst v3  }
0x328: {  	v3 =	vld [tilespmem:s17+$0xB0];
	_ =	sdelay $0x4  }
0x329: {  	v39 =	vshll.u32 v3, $0x10  }
0x32a: {  	v3 =	vand.u32 $0xFFFF0000, v3;
	v5 =	vmul.f32 v39, v35  }
0x32b: {  	v3 =	vmul.f32 v3, v35  }
0x32c: {  	[tilespmem:s19+$0x160] =	vst v5  }
0x32d: {  	[tilespmem:s19+$0x170] =	vst v3  }
0x32e: {  	v3 =	vld [tilespmem:s17+$0xC0];
	_ =	sdelay $0x3  }
0x32f: {  	v40 =	vbroadcast v2, $0xB  }
0x330: {  	v41 =	vshll.u32 v3, $0x10  }
0x331: {  	v3 =	vand.u32 $0xFFFF0000, v3;
	v5 =	vmul.f32 v41, v40  }
0x332: {  	v3 =	vmul.f32 v3, v40  }
0x333: {  	[tilespmem:s19+$0x180] =	vst v5  }
0x334: {  	[tilespmem:s19+$0x190] =	vst v3  }
0x335: {  	v3 =	vld [tilespmem:s17+$0xD0];
	_ =	sdelay $0x4  }
0x336: {  	v42 =	vshll.u32 v3, $0x10  }
0x337: {  	v3 =	vand.u32 $0xFFFF0000, v3;
	v5 =	vmul.f32 v42, v40  }
0x338: {  	v3 =	vmul.f32 v3, v40  }
0x339: {  	[tilespmem:s19+$0x1A0] =	vst v5  }
0x33a: {  	[tilespmem:s19+$0x1B0] =	vst v3  }
0x33b: {  	v3 =	vld [tilespmem:s17+$0xE0];
	_ =	sdelay $0x4  }
0x33c: {  	v43 =	vshll.u32 v3, $0x10  }
0x33d: {  	v3 =	vand.u32 $0xFFFF0000, v3;
	v5 =	vmul.f32 v43, v40  }
0x33e: {  	v3 =	vmul.f32 v3, v40  }
0x33f: {  	[tilespmem:s19+$0x1C0] =	vst v5  }
0x340: {  	[tilespmem:s19+$0x1D0] =	vst v3  }
0x341: {  	v3 =	vld [tilespmem:s17+$0xF0];
	_ =	sdelay $0x4  }
0x342: {  	v44 =	vshll.u32 v3, $0x10  }
0x343: {  	v3 =	vand.u32 $0xFFFF0000, v3;
	v5 =	vmul.f32 v44, v40  }
0x344: {  	v3 =	vmul.f32 v3, v40  }
0x345: {  	[tilespmem:s19+$0x1E0] =	vst v5  }
0x346: {  	[tilespmem:s19+$0x1F0] =	vst v3  }
0x347: {  	v3 =	vld [tilespmem:s17+$0x100];
	_ =	sdelay $0x3  }
0x348: {  	v45 =	vbroadcast v2, $0xC  }
0x349: {  	v46 =	vshll.u32 v3, $0x10  }
0x34a: {  	v3 =	vand.u32 $0xFFFF0000, v3;
	v5 =	vmul.f32 v46, v45  }
0x34b: {  	v3 =	vmul.f32 v3, v45  }
0x34c: {  	[tilespmem:s19+$0x200] =	vst v5  }
0x34d: {  	[tilespmem:s19+$0x210] =	vst v3  }
0x34e: {  	v3 =	vld [tilespmem:s17+$0x110];
	_ =	sdelay $0x4  }
0x34f: {  	v47 =	vshll.u32 v3, $0x10  }
0x350: {  	v3 =	vand.u32 $0xFFFF0000, v3;
	v5 =	vmul.f32 v47, v45  }
0x351: {  	v3 =	vmul.f32 v3, v45  }
0x352: {  	[tilespmem:s19+$0x220] =	vst v5  }
0x353: {  	[tilespmem:s19+$0x230] =	vst v3  }
0x354: {  	v3 =	vld [tilespmem:s17+$0x120];
	_ =	sdelay $0x4  }
0x355: {  	v48 =	vshll.u32 v3, $0x10  }
0x356: {  	v3 =	vand.u32 $0xFFFF0000, v3;
	v5 =	vmul.f32 v48, v45  }
0x357: {  	v3 =	vmul.f32 v3, v45  }
0x358: {  	[tilespmem:s19+$0x240] =	vst v5  }
0x359: {  	[tilespmem:s19+$0x250] =	vst v3  }
0x35a: {  	v3 =	vld [tilespmem:s17+$0x130];
	_ =	sdelay $0x4  }
0x35b: {  	v49 =	vshll.u32 v3, $0x10  }
0x35c: {  	v3 =	vand.u32 $0xFFFF0000, v3;
	v5 =	vmul.f32 v49, v45  }
0x35d: {  	v3 =	vmul.f32 v3, v45  }
0x35e: {  	[tilespmem:s19+$0x260] =	vst v5  }
0x35f: {  	[tilespmem:s19+$0x270] =	vst v3  }
0x360: {  	v3 =	vld [tilespmem:s17+$0x140];
	_ =	sdelay $0x3  }
0x361: {  	v50 =	vbroadcast v2, $0xD  }
0x362: {  	v51 =	vshll.u32 v3, $0x10  }
0x363: {  	v3 =	vand.u32 $0xFFFF0000, v3;
	v5 =	vmul.f32 v51, v50  }
0x364: {  	v3 =	vmul.f32 v3, v50  }
0x365: {  	[tilespmem:s19+$0x280] =	vst v5  }
0x366: {  	[tilespmem:s19+$0x290] =	vst v3  }
0x367: {  	v3 =	vld [tilespmem:s17+$0x150];
	_ =	sdelay $0x4  }
0x368: {  	v52 =	vshll.u32 v3, $0x10  }
0x369: {  	v3 =	vand.u32 $0xFFFF0000, v3;
	v5 =	vmul.f32 v52, v50  }
0x36a: {  	v3 =	vmul.f32 v3, v50  }
0x36b: {  	[tilespmem:s19+$0x2A0] =	vst v5  }
0x36c: {  	[tilespmem:s19+$0x2B0] =	vst v3  }
0x36d: {  	v3 =	vld [tilespmem:s17+$0x160];
	_ =	sdelay $0x4  }
0x36e: {  	v53 =	vshll.u32 v3, $0x10  }
0x36f: {  	v3 =	vand.u32 $0xFFFF0000, v3;
	v5 =	vmul.f32 v53, v50  }
0x370: {  	v3 =	vmul.f32 v3, v50  }
0x371: {  	[tilespmem:s19+$0x2C0] =	vst v5  }
0x372: {  	[tilespmem:s19+$0x2D0] =	vst v3  }
0x373: {  	v3 =	vld [tilespmem:s17+$0x170];
	_ =	sdelay $0x4  }
0x374: {  	v54 =	vshll.u32 v3, $0x10  }
0x375: {  	v3 =	vand.u32 $0xFFFF0000, v3;
	v5 =	vmul.f32 v54, v50  }
0x376: {  	v3 =	vmul.f32 v3, v50  }
0x377: {  	[tilespmem:s19+$0x2E0] =	vst v5  }
0x378: {  	[tilespmem:s19+$0x2F0] =	vst v3  }
0x379: {  	v3 =	vld [tilespmem:s17+$0x180];
	_ =	sdelay $0x3  }
0x37a: {  	v55 =	vbroadcast v2, $0xE  }
0x37b: {  	v56 =	vshll.u32 v3, $0x10  }
0x37c: {  	v3 =	vand.u32 $0xFFFF0000, v3;
	v5 =	vmul.f32 v56, v55  }
0x37d: {  	v3 =	vmul.f32 v3, v55  }
0x37e: {  	[tilespmem:s19+$0x300] =	vst v5  }
0x37f: {  	[tilespmem:s19+$0x310] =	vst v3  }
0x380: {  	v3 =	vld [tilespmem:s17+$0x190];
	_ =	sdelay $0x4  }
0x381: {  	v57 =	vshll.u32 v3, $0x10  }
0x382: {  	v3 =	vand.u32 $0xFFFF0000, v3;
	v5 =	vmul.f32 v57, v55  }
0x383: {  	v3 =	vmul.f32 v3, v55  }
0x384: {  	[tilespmem:s19+$0x320] =	vst v5  }
0x385: {  	[tilespmem:s19+$0x330] =	vst v3  }
0x386: {  	v3 =	vld [tilespmem:s17+$0x1A0];
	_ =	sdelay $0x4  }
0x387: {  	v58 =	vshll.u32 v3, $0x10  }
0x388: {  	v3 =	vand.u32 $0xFFFF0000, v3;
	v5 =	vmul.f32 v58, v55  }
0x389: {  	v3 =	vmul.f32 v3, v55  }
0x38a: {  	[tilespmem:s19+$0x340] =	vst v5  }
0x38b: {  	[tilespmem:s19+$0x350] =	vst v3  }
0x38c: {  	v3 =	vld [tilespmem:s17+$0x1B0];
	_ =	sdelay $0x4  }
0x38d: {  	v59 =	vshll.u32 v3, $0x10  }
0x38e: {  	v3 =	vand.u32 $0xFFFF0000, v3;
	v5 =	vmul.f32 v59, v55  }
0x38f: {  	v3 =	vmul.f32 v3, v55  }
0x390: {  	[tilespmem:s19+$0x360] =	vst v5  }
0x391: {  	[tilespmem:s19+$0x370] =	vst v3  }
0x392: {  	v3 =	vld [tilespmem:s17+$0x1C0];
	_ =	sdelay $0x3  }
0x393: {  	v2 =	vbroadcast v2, $0xF  }
0x394: {  	v60 =	vshll.u32 v3, $0x10  }
0x395: {  	v3 =	vand.u32 $0xFFFF0000, v3;
	v4 =	vmul.f32 v60, v2  }
0x396: {  	v3 =	vmul.f32 v3, v2  }
0x397: {  	[tilespmem:s19+$0x380] =	vst v4  }
0x398: {  	[tilespmem:s19+$0x390] =	vst v3  }
0x399: {  	v3 =	vld [tilespmem:s17+$0x1D0];
	_ =	sdelay $0x4  }
0x39a: {  	v61 =	vshll.u32 v3, $0x10  }
0x39b: {  	v3 =	vand.u32 $0xFFFF0000, v3;
	v4 =	vmul.f32 v61, v2  }
0x39c: {  	v3 =	vmul.f32 v3, v2  }
0x39d: {  	[tilespmem:s19+$0x3A0] =	vst v4  }
0x39e: {  	[tilespmem:s19+$0x3B0] =	vst v3  }
0x39f: {  	v3 =	vld [tilespmem:s17+$0x1E0];
	_ =	sdelay $0x4  }
0x3a0: {  	v62 =	vshll.u32 v3, $0x10  }
0x3a1: {  	v3 =	vand.u32 $0xFFFF0000, v3;
	v4 =	vmul.f32 v62, v2  }
0x3a2: {  	v3 =	vmul.f32 v3, v2  }
0x3a3: {  	[tilespmem:s19+$0x3C0] =	vst v4  }
0x3a4: {  	[tilespmem:s19+$0x3D0] =	vst v3  }
0x3a5: {  	v3 =	vld [tilespmem:s17+$0x1F0];
	_ =	sdelay $0x3  }
0x3a6: {  	p2 =	sne.s32 s16, $0x180  }
.Ltmp6:
0x3a7: {  	v63 =	vshll.u32 v3, $0x10;
	(pc) =	sbr.rel @p2 .LBB2_8-.Ltmp6, $4  }
0x3a8: {  	v3 =	vand.u32 $0xFFFF0000, v3;
	v4 =	vmul.f32 v63, v2  }
0x3a9: {  	v2 =	vmul.f32 v3, v2  }
0x3aa: {  	[tilespmem:s19+$0x3E0] =	vst v4  }
0x3ab: {  	s16 =	sadd.s32 $0x40, s16;
	s17 =	sadd.s32 $0x400, s17;
	[tilespmem:s19+$0x3F0] =	vst v2;
	s19 =	sadd.s32 $0x800, s19  }
0x3ac: {  	s15 =	sshra.s32 s15, $0x2  }
.Ltmp7:
0x3ad: {  	s15 =	sadd.s32 $0x460, s15;
	(pc) =	sbr.rel @p1 .LBB2_11-.Ltmp7, $4  }
0x3ae: {  	[spmem:s3] =	stream.indirect.scatter.add.f32 [tilespmem:s22], [sflag:$0x3], $0x80, s15, s28, $0xb8;
	[tilespmem:$0x1B5A0] =	vst v63  }
0x3af: {  	_ =	swait.ge [sflag:s23], $0x3800  }
0x3b0: {  	[sflag:s23] =	ssyncset.done $0x0  }
0x3b1: {  	[sflag:s23] =	ssyncadd.s32 $0xFFFFC800  }
.Ltmp8:
0x3b2: {  	(pc) =	sbr.rel .LBB2_5-.Ltmp8, $4  }
0x3b3: {  	_ = 	snop  }
0x3b4: {  	s14 =	sadd.s32 $0x150, s14  }
0x3b5: {  	s13 =	sadd.s32 $0x1, s13;
	s10 =	sadd.s32 $0xE0, s10;
	s11 =	sadd.s32 $0xE0, s11  }
0x3b6: {  	[tilespmem:s30], [sflag:$0x2] =	stream.indirect.gather [hbm4b:s1+s28], $0x40, s14, s28, $0xb8;
	[tilespmem:$0x1B5A0] =	vst v63  }
.LBB2_13:
0x3b7: {  	_ =	sfence.sel $0x180000  }
0x3b8: {  	[bflag:$0x0] =	sbarrier.arrive $0xFFFF  }
0x3b9: {  	_ =	strace $0x90000047  }
0x3ba: {  	s0 =	stileid.u32;
	[bflag:$0x2] =	sbarrier.arrive $0xFFFF  }
0x3bb: {  	p0 =	sne.s32 s0, $0x0;
	s0 =	rddreg [dreg:$0x3]  }
0x3bc: {  	s0 =	sadd.s32 @!p0 $0x100000, s0  }
0x3bd: {  	[sflag:s0] =	ssyncadd.tile.s32 @!p0 $0x1;
	_ =	shalt  }
.Lfunc_end2:
_tile_overlayer_lowered:
.L_overlay_start_2:
0x3be: {  	(tag) =	ssettag $0x2  }
0x3bf: {  	s0 =	rddreg [dreg:$0x0];
	s2 =	stileid.u32  }
0x3c0: {  	s1 =	rddreg [dreg:$0x1];
	p0 =	sne.s32 s2, $0x0  }
0x3c1: {  	s3 =	rddreg [dreg:$0x2];
	[bflag:$0x3] =	sbarrier.arrive $0xFFFF;
	s2 =	simm.s32 @!p0 $0x1C03  }
0x3c2: {  	[timem:s3], [sflag:s2] =	dma.local @!p0 [hbm:s0], s1  }
0x3c3: {  	s0 =	simm.s32 @!p0 $0x3  }
0x3c4: {  	_ =	swait.ge @!p0 [sflag:s0], s1  }
0x3c5: {  	s1 =	ssub.s32 @!p0 $0x0, s1;
	[sflag:s0] =	ssyncset.done @!p0 $0x0  }
0x3c6: {  	[sflag:s0] =	ssyncadd.s32 @!p0 s1  }
0x3c7: {  	[bflag:$0x3] =	sbarrier.arrive $0xFFFF  }
0x3c8: {  	_ =	shalt  }

</sc_bundles>
